<compile_context>
chip_gen: v7x
topology: tpu7x:2x2x1
jax: 0.10.2.dev20260603
libtpu: 0.0.44.dev20260713+nightly
codegen_flags: <defaults>
</compile_context>

<pallas_src>
import functools

import jax
import jax.numpy as jnp
from jax import lax
from jax.experimental import pallas as pl
from jax.experimental.pallas import tpu as pltpu
from jax.experimental.pallas import tpu_sc as plsc

_VOCAB = 100000
_EMB = 64
_LIN1 = 256
_LIN2 = 64
_PAD = 128

_VOCAB_BLOCK = 10000
_GATHER_WINDOW = 256
_IDX_ROWS = 4


def _fold_body(cb_ref, w1_ref, w2_ref, b1_ref, b2_ref, out_ref):
    w1 = w1_ref[...]
    w2 = w2_ref[...]
    m = lax.dot_general(w2, w1, (((1,), (0,)), ((), ())),
                        preferred_element_type=jnp.float32)
    cb = cb_ref[...]
    acc = lax.dot_general(cb, m, (((1,), (1,)), ((), ())),
                          preferred_element_type=jnp.float32)
    c = lax.dot_general(b1_ref[...], w2, (((1,), (1,)), ((), ())),
                        preferred_element_type=jnp.float32)
    out_ref[:, : _LIN2] = acc + c + b2_ref[...]
    out_ref[:, _LIN2:] = jnp.zeros_like(out_ref[:, _LIN2:])


def _fold_table(codebook, W1, b1, W2, b2):
    return pl.pallas_call(
        _fold_body,
        grid=(_VOCAB // _VOCAB_BLOCK,),
        in_specs=[
            pl.BlockSpec((_VOCAB_BLOCK, _EMB), lambda i: (i, 0)),
            pl.BlockSpec((_LIN1, _EMB), lambda i: (0, 0)),
            pl.BlockSpec((_LIN2, _LIN1), lambda i: (0, 0)),
            pl.BlockSpec((1, _LIN1), lambda i: (0, 0)),
            pl.BlockSpec((1, _LIN2), lambda i: (0, 0)),
        ],
        out_specs=pl.BlockSpec((_VOCAB_BLOCK, _PAD), lambda i: (i, 0)),
        out_shape=jax.ShapeDtypeStruct((_VOCAB, _PAD), jnp.float32),
    )(codebook, W1, W2, b1.reshape(1, _LIN1), b2.reshape(1, _LIN2))


def _make_gather(num_indices):
    mesh = plsc.VectorSubcoreMesh(core_axis_name="c", subcore_axis_name="s")
    idx_cols = num_indices // _IDX_ROWS
    chunks_per_row = idx_cols // _GATHER_WINDOW

    @functools.partial(
        pl.kernel,
        out_type=jax.ShapeDtypeStruct((num_indices, _PAD), jnp.float32),
        mesh=mesh,
        compiler_params=pltpu.CompilerParams(use_tc_tiling_on_sc=True),
    )
    def _gather(table_hbm, idx_hbm, out_hbm):
        def body(i_vmem, o_vmem):
            pltpu.sync_copy(table_hbm.at[i_vmem.at[0]], o_vmem)

        pltpu.emit_pipeline(
            body,
            grid=(_IDX_ROWS, chunks_per_row),
            in_specs=[pl.BlockSpec((1, _GATHER_WINDOW), lambda i, j: (i, j))],
            out_specs=[pl.BlockSpec((_GATHER_WINDOW, _PAD),
                                    lambda i, j: (i * chunks_per_row + j, 0))],
            core_axis_name=("c", "s"),
            dimension_semantics=(pltpu.PARALLEL, pltpu.PARALLEL),
        )(idx_hbm, out_hbm)

    return _gather


def _transpose_first_body(in_ref, out_ref):
    out_ref[...] = in_ref[:, : _LIN2].T


def _transpose_rest_body(alias_ref, in_ref, out_ref):
    del alias_ref
    out_ref[...] = in_ref[:, : _LIN2].T


def _transpose_first(y, B, L, L_total):
    return pl.pallas_call(
        _transpose_first_body,
        grid=(L,),
        in_specs=[pl.BlockSpec((B, _PAD), lambda i: (i, 0))],
        out_specs=pl.BlockSpec((_LIN2, B), lambda i: (i, 0)),
        out_shape=jax.ShapeDtypeStruct((L_total * _LIN2, B), jnp.float32),
    )(y)


def _transpose_rest(acc, y, B, L, l_off):
    return pl.pallas_call(
        _transpose_rest_body,
        grid=(L,),
        in_specs=[
            pl.BlockSpec(memory_space=pl.ANY),
            pl.BlockSpec((B, _PAD), lambda i: (i, 0)),
        ],
        out_specs=pl.BlockSpec((_LIN2, B), lambda i: (i + l_off, 0)),
        out_shape=jax.ShapeDtypeStruct(acc.shape, jnp.float32),
        input_output_aliases={0: 0},
    )(acc, y)


_CHUNK_LENS = (50, 50, 50, 50)


def kernel(x, codebook, W1, b1, W2, b2):
    B, L = x.shape
    idx = x.T.astype(jnp.int32)
    fused = _fold_table(codebook, W1, b1, W2, b2)
    gs = []
    offs = []
    off = 0
    for lc in _CHUNK_LENS:
        gather = _make_gather(lc * B)
        gs.append(gather(
            fused, idx[off:off + lc].reshape(_IDX_ROWS, lc * B // _IDX_ROWS)))
        offs.append(off)
        off += lc
    acc = _transpose_first(gs[0], B, _CHUNK_LENS[0], L)
    for k in range(1, len(_CHUNK_LENS)):
        acc = _transpose_rest(acc, gs[k], B, _CHUNK_LENS[k], offs[k])
    return acc.reshape(L, _LIN2, B).transpose(2, 0, 1)

# --- scband reference (transcript-rebuilt; emitter-appended) ---
"""Pipeline reference for scband-utf8-embedding-42597485642073 (READ-ONLY COPY).

The authoritative reference and input builder live on the scoring server;
editing this copy changes nothing except your own understanding.
"""

import jax, jax.numpy as jnp
import numpy as np

VOCAB = 100000
EMB = 64
LIN1 = 256
LIN2 = 64
B = 4096
L = 200

def setup_inputs(seed: int = 0) -> dict:
    key = jax.random.key(seed)
    k_cb, k_x, k_w1, k_b1, k_w2, k_b2 = jax.random.split(key, 6)
    codebook = jax.random.normal(k_cb, (VOCAB, EMB), dtype=jnp.float32)
    x = jax.random.randint(k_x, (B, L), 0, VOCAB, dtype=jnp.int64)
    # nn.Linear(in, out): weight shape (out, in), bias (out,)
    W1 = jax.random.normal(k_w1, (LIN1, EMB), dtype=jnp.float32) * (1.0 / np.sqrt(EMB))
    b1 = jax.random.normal(k_b1, (LIN1,), dtype=jnp.float32) * 0.01
    W2 = jax.random.normal(k_w2, (LIN2, LIN1), dtype=jnp.float32) * (1.0 / np.sqrt(LIN1))
    b2 = jax.random.normal(k_b2, (LIN2,), dtype=jnp.float32) * 0.01
    return {"x": x, "codebook": codebook, "W1": W1, "b1": b1, "W2": W2, "b2": b2}

def reference(x, codebook, W1, b1, W2, b2):
    # Embedding lookup from the fixed UTF-8 codebook
    emb = jnp.take(codebook, x, axis=0)           # (B, L, EMB)
    # Sequential linear layers (nn.Linear applies x @ W.T + b)
    h = emb @ W1.T + b1                            # (B, L, LIN1)
    out = h @ W2.T + b2                            # (B, L, LIN2)
    # transpose=False -> no transpose of (seq, embedding) dims
    return out

if __name__ == "__main__":
    import jax
    _d = setup_inputs()
    print(jax.jit(kernel)(*tuple(_d.values())))

</pallas_src>

<mosaic_0001>
#map = affine_map<(d0, d1) -> (0, 0)>
module attributes {stable_mosaic.version = 14 : i64} {
  func.func @_gather(%arg0: i32, %arg1: i32, %arg2: memref<100000x128xf32, #tpu.memory_space<hbm>>, %arg3: memref<4x51200xi32, #tpu.memory_space<hbm>>, %arg4: memref<204800x128xf32, #tpu.memory_space<hbm>>) attributes {dimension_semantics = [#tpu.dimension_semantics<core_parallel>, #tpu.dimension_semantics<subcore_parallel>], iteration_bounds = array<i64: 2, 16>, scalar_prefetch = 0 : i64, scratch_operands = 0 : i64, tpu.core_type = #tpu.core_type<sc_vector_subcore>, window_params = [{transform_indices = #map}, {transform_indices = #map}, {transform_indices = #map}]} {
    %mul3A = arith.constant 1 : i32
    %mul3A_0 = arith.muli %arg1, %mul3A : i32
    %add3A = arith.constant 0 : i32
    %add3A_1 = arith.addi %add3A, %mul3A_0 : i32
    %mul3A_2 = arith.constant 16 : i32
    %mul3A_3 = arith.muli %arg0, %mul3A_2 : i32
    %add3A_4 = arith.addi %add3A_1, %mul3A_3 : i32
    %lt3A = arith.constant 8 : i32
    %lt3A_5 = arith.cmpi slt, %add3A_4, %lt3A : i32
    %jit3A = arith.constant 7 : i32
    %jit3A_6 = arith.constant 6 : i32
    %select_n3A = arith.select %lt3A_5, %jit3A, %jit3A_6 : i32
    %lt3A_7 = arith.constant 8 : i32
    %lt3A_8 = arith.cmpi slt, %add3A_4, %lt3A_7 : i32
    %mul3A_9 = arith.muli %add3A_4, %select_n3A : i32
    %mul3A_10 = arith.constant 6 : i32
    %mul3A_11 = arith.muli %add3A_4, %mul3A_10 : i32
    %add3A_12 = arith.constant 8 : i32
    %add3A_13 = arith.addi %mul3A_11, %add3A_12 : i32
    %select_n3A_14 = arith.select %lt3A_8, %mul3A_9, %add3A_13 : i32
    %mul3A_15 = arith.constant 4 : i32
    %mul3A_16 = arith.muli %mul3A_15, %select_n3A : i32
    "tpu.region"() ({
      %run_scoped3A = memref.alloca() : memref<2x1x256xi32, #tpu.memory_space<vmem>>
      %run_scoped3A_17 = tpu.sem_alloc : memref<2x!tpu.dma_semaphore, #tpu.memory_space<semaphore_mem>>
      %run_scoped3A_18 = memref.alloca() : memref<2x256x128xf32, #tpu.memory_space<vmem>>
      %run_scoped3A_19 = tpu.sem_alloc : memref<2x!tpu.dma_semaphore, #tpu.memory_space<semaphore_mem>>
      %gt3A = arith.constant 0 : i32
      %gt3A_20 = arith.cmpi sgt, %mul3A_16, %gt3A : i32
      %convert_element_type3A = arith.extui %gt3A_20 : i1 to i32
      %cond3A = arith.constant 0 : i32
      %cond3A_21 = arith.cmpi ne, %convert_element_type3A, %cond3A : i32
      scf.if %cond3A_21 {
        %mul3A_22 = arith.constant 4 : i32
        %mul3A_23 = arith.muli %mul3A_22, %select_n3A : i32
        %sub3A = arith.constant 1 : i32
        %sub3A_24 = arith.subi %mul3A_23, %sub3A : i32
        %eq3A = arith.constant 0 : i32
        %eq3A_25 = arith.cmpi eq, %sub3A_24, %eq3A : i32
        %add3A_26 = arith.constant 0 : i32
        %add3A_27 = arith.addi %add3A_26, %select_n3A_14 : i32
        %select_n3A_28 = arith.constant true
        %select_n3A_29 = arith.constant 0 : i32
        %select_n3A_30 = arith.constant -1 : i32
        %select_n3A_31 = arith.select %select_n3A_28, %select_n3A_30, %select_n3A_29 : i32
        %eq3A_32 = arith.constant -1 : i32
        %eq3A_33 = arith.cmpi eq, %select_n3A_31, %eq3A_32 : i32
        %sub3A_34 = arith.constant 1 : i32
        %sub3A_35 = arith.subi %select_n3A, %sub3A_34 : i32
        %select_n3A_36 = arith.select %eq3A_33, %sub3A_35, %select_n3A_31 : i32
        %select_n3A_37 = arith.constant 0 : i32
        %select_n3A_38 = arith.constant -1 : i32
        %select_n3A_39 = arith.select %eq3A_33, %select_n3A_38, %select_n3A_37 : i32
        %eq3A_40 = arith.constant -1 : i32
        %eq3A_41 = arith.cmpi eq, %select_n3A_39, %eq3A_40 : i32
        %select_n3A_42 = arith.constant 3 : i32
        %select_n3A_43 = arith.select %eq3A_41, %select_n3A_42, %select_n3A_39 : i32
        %add3A_44 = arith.constant 0 : i32
        %add3A_45 = arith.addi %select_n3A_43, %add3A_44 : i32
        %add3A_46 = arith.addi %select_n3A_36, %select_n3A_14 : i32
        %select_n3A_47 = arith.constant true
        %select_n3A_48 = arith.constant 0 : i32
        %select_n3A_49 = arith.constant 1 : i32
        %select_n3A_50 = arith.select %select_n3A_47, %select_n3A_49, %select_n3A_48 : i32
        %eq3A_51 = arith.cmpi eq, %select_n3A_50, %select_n3A : i32
        %select_n3A_52 = arith.constant 0 : i32
        %select_n3A_53 = arith.select %eq3A_51, %select_n3A_52, %select_n3A_50 : i32
        %select_n3A_54 = arith.constant 0 : i32
        %select_n3A_55 = arith.constant 1 : i32
        %select_n3A_56 = arith.select %eq3A_51, %select_n3A_55, %select_n3A_54 : i32
        %eq3A_57 = arith.constant 4 : i32
        %eq3A_58 = arith.cmpi eq, %select_n3A_56, %eq3A_57 : i32
        %select_n3A_59 = arith.constant 0 : i32
        %select_n3A_60 = arith.select %eq3A_58, %select_n3A_59, %select_n3A_56 : i32
        %add3A_61 = arith.constant 0 : i32
        %add3A_62 = arith.addi %select_n3A_60, %add3A_61 : i32
        %add3A_63 = arith.addi %select_n3A_53, %select_n3A_14 : i32
        %add3A_64 = arith.constant 1 : i32
        %add3A_65 = arith.addi %select_n3A_53, %add3A_64 : i32
        %select_n3A_66 = arith.constant true
        %select_n3A_67 = arith.select %select_n3A_66, %add3A_65, %select_n3A_53 : i32
        %eq3A_68 = arith.cmpi eq, %select_n3A_67, %select_n3A : i32
        %select_n3A_69 = arith.constant 0 : i32
        %select_n3A_70 = arith.select %eq3A_68, %select_n3A_69, %select_n3A_67 : i32
        %add3A_71 = arith.constant 1 : i32
        %add3A_72 = arith.addi %select_n3A_60, %add3A_71 : i32
        %select_n3A_73 = arith.select %eq3A_68, %add3A_72, %select_n3A_60 : i32
        %eq3A_74 = arith.constant 4 : i32
        %eq3A_75 = arith.cmpi eq, %select_n3A_73, %eq3A_74 : i32
        %select_n3A_76 = arith.constant 0 : i32
        %select_n3A_77 = arith.select %eq3A_75, %select_n3A_76, %select_n3A_73 : i32
        %add3A_78 = arith.constant 0 : i32
        %add3A_79 = arith.addi %select_n3A_77, %add3A_78 : i32
        %add3A_80 = arith.addi %select_n3A_70, %select_n3A_14 : i32
        "tpu.trace_start"() <{level = 10 : i32, message = "ep_initialize_0"}> : () -> ()
        %rem3A = arith.constant 0 : i32
        %rem3A_81 = arith.constant 2 : i32
        %rem3A_82 = arith.remui %rem3A, %rem3A_81 : i32
        %mul3A_83 = arith.constant 256 : i32
        %mul3A_84 = arith.muli %mul3A_83, %add3A_27 : i32
        %dma_start3A = arith.constant 0 : i32
        %dma_start3A_85 = arith.constant 0 : i32
        %dma_start3A_86 = tpu.memref_slice %run_scoped3A[%rem3A_82, %dma_start3A, %dma_start3A_85] : memref<2x1x256xi32, #tpu.memory_space<vmem>> -> memref<1x1x256xi32, #tpu.memory_space<vmem>>
        %dma_start3A_87 = tpu.memref_squeeze %dma_start3A_86 : memref<1x1x256xi32, #tpu.memory_space<vmem>> -> memref<1x256xi32, #tpu.memory_space<vmem>>
        %dma_start3A_88 = arith.constant 0 : i32
        %dma_start3A_89 = tpu.memref_slice %arg3[%dma_start3A_88, %mul3A_84] : memref<4x51200xi32, #tpu.memory_space<hbm>> -> memref<1x256xi32, #tpu.memory_space<hbm>>
        %dma_start3A_90 = tpu.memref_slice %run_scoped3A_17[%rem3A_82] : memref<2x!tpu.dma_semaphore, #tpu.memory_space<semaphore_mem>> -> memref<1x!tpu.dma_semaphore, #tpu.memory_space<semaphore_mem>>
        %dma_start3A_91 = tpu.memref_squeeze %dma_start3A_90 : memref<1x!tpu.dma_semaphore, #tpu.memory_space<semaphore_mem>> -> memref<!tpu.dma_semaphore, #tpu.memory_space<semaphore_mem>>
        %dma_start3A_92 = arith.constant 0 : i32
        %dma_start3A_93 = arith.constant 0 : i32
        %dma_start3A_94 = tpu.memref_slice %run_scoped3A[%rem3A_82, %dma_start3A_92, %dma_start3A_93] : memref<2x1x256xi32, #tpu.memory_space<vmem>> -> memref<1x1x256xi32, #tpu.memory_space<vmem>>
        %dma_start3A_95 = tpu.memref_squeeze %dma_start3A_94 : memref<1x1x256xi32, #tpu.memory_space<vmem>> -> memref<1x256xi32, #tpu.memory_space<vmem>>
        %dma_start3A_96 = arith.constant 0 : i32
        %dma_start3A_97 = tpu.memref_slice %arg3[%dma_start3A_96, %mul3A_84] : memref<4x51200xi32, #tpu.memory_space<hbm>> -> memref<1x256xi32, #tpu.memory_space<hbm>>
        tpu.enqueue_dma source(%dma_start3A_97 : memref<1x256xi32, #tpu.memory_space<hbm>>) target(%dma_start3A_95 : memref<1x256xi32, #tpu.memory_space<vmem>>) target_semaphore(%dma_start3A_91 : memref<!tpu.dma_semaphore, #tpu.memory_space<semaphore_mem>>)
        %add3A_98 = arith.constant 0 : i32
        %add3A_99 = arith.constant 1 : i32
        %add3A_100 = arith.addi %add3A_98, %add3A_99 : i32
        %select_n3A_101 = arith.constant true
        %select_n3A_102 = arith.constant 0 : i32
        %select_n3A_103 = arith.select %select_n3A_101, %add3A_100, %select_n3A_102 : i32
        %while3A = arith.constant 0 : i32
        %while3A_104 = arith.constant 0 : i32
        %while3A_105 = arith.constant 0 : i32
        %while3A_106 = arith.constant 0 : i32
        %while3A_107 = arith.constant 0 : i32
        %while3A_108 = arith.constant 0 : i32
        "tpu.trace_stop"() : () -> ()
        %while3A_109 = arith.subi %mul3A_16, %while3A : i32
        %while3A_110 = arith.addi %while3A, %while3A_109 : i32
        %while3A_111 = arith.constant 1 : i32
        %while3A_112 = arith.divsi %while3A_109, %while3A_111 : i32
        %while3A_113 = arith.muli %while3A_112, %while3A_111 : i32
        %while3A_114 = arith.addi %while3A, %while3A_113 : i32
        %while3A_115 = arith.constant 1 : i32
        %while3A_116:6 = scf.for %while3A_206 = %while3A to %while3A_114 step %while3A_115 iter_args(%while3A_207 = %select_n3A_103, %while3A_208 = %while3A_104, %while3A_209 = %while3A_105, %while3A_210 = %while3A_106, %while3A_211 = %while3A_107, %while3A_212 = %while3A_108) -> (i32, i32, i32, i32, i32, i32)  : i32 {
          %mul3A_213 = arith.constant 4 : i32
          %mul3A_214 = arith.muli %mul3A_213, %select_n3A : i32
          %eq3A_215 = arith.constant 0 : i32
          %eq3A_216 = arith.cmpi eq, %while3A_206, %eq3A_215 : i32
          %sub3A_217 = arith.constant 1 : i32
          %sub3A_218 = arith.subi %mul3A_214, %sub3A_217 : i32
          %eq3A_219 = arith.cmpi eq, %while3A_206, %sub3A_218 : i32
          %add3A_220 = arith.constant 0 : i32
          %add3A_221 = arith.addi %while3A_211, %add3A_220 : i32
          %add3A_222 = arith.addi %while3A_212, %select_n3A_14 : i32
          %sub3A_223 = arith.constant 1 : i32
          %sub3A_224 = arith.subi %while3A_212, %sub3A_223 : i32
          %select_n3A_225 = arith.constant true
          %select_n3A_226 = arith.select %select_n3A_225, %sub3A_224, %while3A_212 : i32
          %eq3A_227 = arith.constant -1 : i32
          %eq3A_228 = arith.cmpi eq, %select_n3A_226, %eq3A_227 : i32
          %sub3A_229 = arith.constant 1 : i32
          %sub3A_230 = arith.subi %select_n3A, %sub3A_229 : i32
          %select_n3A_231 = arith.select %eq3A_228, %sub3A_230, %select_n3A_226 : i32
          %sub3A_232 = arith.constant 1 : i32
          %sub3A_233 = arith.subi %while3A_211, %sub3A_232 : i32
          %select_n3A_234 = arith.select %eq3A_228, %sub3A_233, %while3A_211 : i32
          %eq3A_235 = arith.constant -1 : i32
          %eq3A_236 = arith.cmpi eq, %select_n3A_234, %eq3A_235 : i32
          %select_n3A_237 = arith.constant 3 : i32
          %select_n3A_238 = arith.select %eq3A_236, %select_n3A_237, %select_n3A_234 : i32
          %add3A_239 = arith.constant 0 : i32
          %add3A_240 = arith.addi %select_n3A_238, %add3A_239 : i32
          %add3A_241 = arith.addi %select_n3A_231, %select_n3A_14 : i32
          %add3A_242 = arith.constant 1 : i32
          %add3A_243 = arith.addi %while3A_212, %add3A_242 : i32
          %select_n3A_244 = arith.constant true
          %select_n3A_245 = arith.select %select_n3A_244, %add3A_243, %while3A_212 : i32
          %eq3A_246 = arith.cmpi eq, %select_n3A_245, %select_n3A : i32
          %select_n3A_247 = arith.constant 0 : i32
          %select_n3A_248 = arith.select %eq3A_246, %select_n3A_247, %select_n3A_245 : i32
          %add3A_249 = arith.constant 1 : i32
          %add3A_250 = arith.addi %while3A_211, %add3A_249 : i32
          %select_n3A_251 = arith.select %eq3A_246, %add3A_250, %while3A_211 : i32
          %eq3A_252 = arith.constant 4 : i32
          %eq3A_253 = arith.cmpi eq, %select_n3A_251, %eq3A_252 : i32
          %select_n3A_254 = arith.constant 0 : i32
          %select_n3A_255 = arith.select %eq3A_253, %select_n3A_254, %select_n3A_251 : i32
          %add3A_256 = arith.constant 0 : i32
          %add3A_257 = arith.addi %select_n3A_255, %add3A_256 : i32
          %add3A_258 = arith.addi %select_n3A_248, %select_n3A_14 : i32
          %add3A_259 = arith.constant 1 : i32
          %add3A_260 = arith.addi %select_n3A_248, %add3A_259 : i32
          %select_n3A_261 = arith.constant true
          %select_n3A_262 = arith.select %select_n3A_261, %add3A_260, %select_n3A_248 : i32
          %eq3A_263 = arith.cmpi eq, %select_n3A_262, %select_n3A : i32
          %select_n3A_264 = arith.constant 0 : i32
          %select_n3A_265 = arith.select %eq3A_263, %select_n3A_264, %select_n3A_262 : i32
          %add3A_266 = arith.constant 1 : i32
          %add3A_267 = arith.addi %select_n3A_255, %add3A_266 : i32
          %select_n3A_268 = arith.select %eq3A_263, %add3A_267, %select_n3A_255 : i32
          %eq3A_269 = arith.constant 4 : i32
          %eq3A_270 = arith.cmpi eq, %select_n3A_268, %eq3A_269 : i32
          %select_n3A_271 = arith.constant 0 : i32
          %select_n3A_272 = arith.select %eq3A_270, %select_n3A_271, %select_n3A_268 : i32
          %add3A_273 = arith.constant 0 : i32
          %add3A_274 = arith.addi %select_n3A_272, %add3A_273 : i32
          %add3A_275 = arith.addi %select_n3A_265, %select_n3A_14 : i32
          %ne3A = arith.cmpi ne, %add3A_221, %add3A_257 : i32
          %ne3A_276 = arith.cmpi ne, %add3A_222, %add3A_258 : i32
          %or3A = arith.constant false
          %or3A_277 = arith.ori %or3A, %ne3A : i1
          %or3A_278 = arith.ori %or3A_277, %ne3A_276 : i1
          %sub3A_279 = arith.constant 2 : i32
          %sub3A_280 = arith.subi %mul3A_214, %sub3A_279 : i32
          %add3A_281 = arith.constant 1 : i32
          %add3A_282 = arith.addi %sub3A_280, %add3A_281 : i32
          %ge3A = arith.cmpi sge, %while3A_206, %add3A_282 : i32
          %not3A = arith.constant true
          %not3A_283 = arith.xori %ge3A, %not3A : i1
          %and3A = arith.andi %or3A_278, %not3A_283 : i1
          %convert_element_type3A_284 = arith.extui %and3A : i1 to i32
          %cond3A_285 = arith.constant 0 : i32
          %cond3A_286 = arith.cmpi ne, %convert_element_type3A_284, %cond3A_285 : i32
          scf.if %cond3A_286 {
            "tpu.trace_start"() <{level = 10 : i32, message = "ep_copy_in"}> : () -> ()
            %rem3A_429 = arith.constant 2 : i32
            %rem3A_430 = arith.remui %while3A_207, %rem3A_429 : i32
            %mul3A_431 = arith.constant 1 : i32
            %mul3A_432 = arith.muli %mul3A_431, %add3A_257 : i32
            %mul3A_433 = arith.constant 256 : i32
            %mul3A_434 = arith.muli %mul3A_433, %add3A_258 : i32
            %dma_start3A_435 = arith.constant 0 : i32
            %dma_start3A_436 = arith.constant 0 : i32
            %dma_start3A_437 = tpu.memref_slice %run_scoped3A[%rem3A_430, %dma_start3A_435, %dma_start3A_436] : memref<2x1x256xi32, #tpu.memory_space<vmem>> -> memref<1x1x256xi32, #tpu.memory_space<vmem>>
            %dma_start3A_438 = tpu.memref_squeeze %dma_start3A_437 : memref<1x1x256xi32, #tpu.memory_space<vmem>> -> memref<1x256xi32, #tpu.memory_space<vmem>>
            %dma_start3A_439 = tpu.memref_slice %arg3[%mul3A_432, %mul3A_434] : memref<4x51200xi32, #tpu.memory_space<hbm>> -> memref<1x256xi32, #tpu.memory_space<hbm>>
            %dma_start3A_440 = tpu.memref_slice %run_scoped3A_17[%rem3A_430] : memref<2x!tpu.dma_semaphore, #tpu.memory_space<semaphore_mem>> -> memref<1x!tpu.dma_semaphore, #tpu.memory_space<semaphore_mem>>
            %dma_start3A_441 = tpu.memref_squeeze %dma_start3A_440 : memref<1x!tpu.dma_semaphore, #tpu.memory_space<semaphore_mem>> -> memref<!tpu.dma_semaphore, #tpu.memory_space<semaphore_mem>>
            %dma_start3A_442 = arith.constant 0 : i32
            %dma_start3A_443 = arith.constant 0 : i32
            %dma_start3A_444 = tpu.memref_slice %run_scoped3A[%rem3A_430, %dma_start3A_442, %dma_start3A_443] : memref<2x1x256xi32, #tpu.memory_space<vmem>> -> memref<1x1x256xi32, #tpu.memory_space<vmem>>
            %dma_start3A_445 = tpu.memref_squeeze %dma_start3A_444 : memref<1x1x256xi32, #tpu.memory_space<vmem>> -> memref<1x256xi32, #tpu.memory_space<vmem>>
            %dma_start3A_446 = tpu.memref_slice %arg3[%mul3A_432, %mul3A_434] : memref<4x51200xi32, #tpu.memory_space<hbm>> -> memref<1x256xi32, #tpu.memory_space<hbm>>
            tpu.enqueue_dma source(%dma_start3A_446 : memref<1x256xi32, #tpu.memory_space<hbm>>) target(%dma_start3A_445 : memref<1x256xi32, #tpu.memory_space<vmem>>) target_semaphore(%dma_start3A_441 : memref<!tpu.dma_semaphore, #tpu.memory_space<semaphore_mem>>)
            "tpu.trace_stop"() : () -> ()
          } else {
          }
          %and3A_287 = arith.constant true
          %and3A_288 = arith.andi %and3A, %and3A_287 : i1
          %add3A_289 = arith.constant 1 : i32
          %add3A_290 = arith.addi %while3A_207, %add3A_289 : i32
          %select_n3A_291 = arith.select %and3A_288, %add3A_290, %while3A_207 : i32
          %mul3A_292 = arith.constant 200 : i32
          %mul3A_293 = arith.muli %add3A_221, %mul3A_292 : i32
          %add3A_294 = arith.addi %mul3A_293, %add3A_222 : i32
          %mul3A_295 = arith.constant 200 : i32
          %mul3A_296 = arith.muli %add3A_257, %mul3A_295 : i32
          %add3A_297 = arith.addi %mul3A_296, %add3A_258 : i32
          %ne3A_298 = arith.cmpi ne, %add3A_294, %add3A_297 : i32
          %or3A_299 = arith.constant false
          %or3A_300 = arith.ori %or3A_299, %ne3A_298 : i1
          %or3A_301 = arith.constant false
          %or3A_302 = arith.ori %or3A_300, %or3A_301 : i1
          %sub3A_303 = arith.constant 2 : i32
          %sub3A_304 = arith.subi %mul3A_214, %sub3A_303 : i32
          %add3A_305 = arith.constant 1 : i32
          %add3A_306 = arith.addi %sub3A_304, %add3A_305 : i32
          %ge3A_307 = arith.cmpi sge, %while3A_206, %add3A_306 : i32
          %not3A_308 = arith.constant true
          %not3A_309 = arith.xori %ge3A_307, %not3A_308 : i1
          %and3A_310 = arith.andi %or3A_302, %not3A_309 : i1
          %ne3A_311 = arith.cmpi ne, %add3A_221, %add3A_240 : i32
          %ne3A_312 = arith.cmpi ne, %add3A_222, %add3A_241 : i32
          %or3A_313 = arith.constant false
          %or3A_314 = arith.ori %or3A_313, %ne3A_311 : i1
          %or3A_315 = arith.ori %or3A_314, %ne3A_312 : i1
          %or3A_316 = arith.ori %or3A_315, %eq3A_216 : i1
          %convert_element_type3A_317 = arith.extui %or3A_316 : i1 to i32
          %cond3A_318 = arith.constant 0 : i32
          %cond3A_319 = arith.cmpi ne, %convert_element_type3A_317, %cond3A_318 : i32
          scf.if %cond3A_319 {
            "tpu.trace_start"() <{level = 10 : i32, message = "ep_wait_in"}> : () -> ()
            %mul3A_429 = arith.constant 1 : i32
            %mul3A_430 = arith.muli %mul3A_429, %add3A_221 : i32
            %mul3A_431 = arith.constant 256 : i32
            %mul3A_432 = arith.muli %mul3A_431, %add3A_222 : i32
            %rem3A_433 = arith.constant 2 : i32
            %rem3A_434 = arith.remui %while3A_208, %rem3A_433 : i32
            %dma_wait3A = arith.constant 0 : i32
            %dma_wait3A_435 = arith.constant 0 : i32
            %dma_wait3A_436 = tpu.memref_slice %run_scoped3A[%rem3A_434, %dma_wait3A, %dma_wait3A_435] : memref<2x1x256xi32, #tpu.memory_space<vmem>> -> memref<1x1x256xi32, #tpu.memory_space<vmem>>
            %dma_wait3A_437 = tpu.memref_squeeze %dma_wait3A_436 : memref<1x1x256xi32, #tpu.memory_space<vmem>> -> memref<1x256xi32, #tpu.memory_space<vmem>>
            %dma_wait3A_438 = tpu.memref_slice %arg3[%mul3A_430, %mul3A_432] : memref<4x51200xi32, #tpu.memory_space<hbm>> -> memref<1x256xi32, #tpu.memory_space<hbm>>
            %dma_wait3A_439 = tpu.memref_slice %run_scoped3A_17[%rem3A_434] : memref<2x!tpu.dma_semaphore, #tpu.memory_space<semaphore_mem>> -> memref<1x!tpu.dma_semaphore, #tpu.memory_space<semaphore_mem>>
            %dma_wait3A_440 = tpu.memref_squeeze %dma_wait3A_439 : memref<1x!tpu.dma_semaphore, #tpu.memory_space<semaphore_mem>> -> memref<!tpu.dma_semaphore, #tpu.memory_space<semaphore_mem>>
            %dma_wait3A_441 = arith.constant 0 : i32
            %dma_wait3A_442 = arith.constant 0 : i32
            %dma_wait3A_443 = tpu.memref_slice %run_scoped3A[%rem3A_434, %dma_wait3A_441, %dma_wait3A_442] : memref<2x1x256xi32, #tpu.memory_space<vmem>> -> memref<1x1x256xi32, #tpu.memory_space<vmem>>
            %dma_wait3A_444 = tpu.memref_squeeze %dma_wait3A_443 : memref<1x1x256xi32, #tpu.memory_space<vmem>> -> memref<1x256xi32, #tpu.memory_space<vmem>>
            %dma_wait3A_445 = tpu.memref_slice %arg3[%mul3A_430, %mul3A_432] : memref<4x51200xi32, #tpu.memory_space<hbm>> -> memref<1x256xi32, #tpu.memory_space<hbm>>
            tpu.wait_dma2 semaphore(%dma_wait3A_440 : memref<!tpu.dma_semaphore, #tpu.memory_space<semaphore_mem>>) src(%dma_wait3A_445 : memref<1x256xi32, #tpu.memory_space<hbm>>) dst(%dma_wait3A_444 : memref<1x256xi32, #tpu.memory_space<vmem>>)
            "tpu.trace_stop"() : () -> ()
          } else {
          }
          %mul3A_320 = arith.constant 200 : i32
          %mul3A_321 = arith.muli %add3A_221, %mul3A_320 : i32
          %add3A_322 = arith.addi %mul3A_321, %add3A_222 : i32
          %mul3A_323 = arith.constant 200 : i32
          %mul3A_324 = arith.muli %add3A_240, %mul3A_323 : i32
          %add3A_325 = arith.addi %mul3A_324, %add3A_241 : i32
          %ne3A_326 = arith.cmpi ne, %add3A_322, %add3A_325 : i32
          %or3A_327 = arith.constant false
          %or3A_328 = arith.ori %or3A_327, %ne3A_326 : i1
          %or3A_329 = arith.constant false
          %or3A_330 = arith.ori %or3A_328, %or3A_329 : i1
          %or3A_331 = arith.ori %or3A_330, %eq3A_216 : i1
          %convert_element_type3A_332 = arith.extui %or3A_331 : i1 to i32
          %cond3A_333 = arith.constant 0 : i32
          %cond3A_334 = arith.cmpi ne, %convert_element_type3A_332, %cond3A_333 : i32
          scf.if %cond3A_334 {
          } else {
          }
          %rem3A_335 = arith.constant 2 : i32
          %rem3A_336 = arith.remui %while3A_208, %rem3A_335 : i32
          %rem3A_337 = arith.constant 2 : i32
          %rem3A_338 = arith.remui %while3A_209, %rem3A_337 : i32
          %run_scoped3A_339 = arith.constant 0 : i32
          "tpu.trace_start"() <{level = 10 : i32, message = "ep_run_kernel"}> : () -> ()
          "tpu.region"() ({
            %run_scoped3A_429 = tpu.sem_alloc : memref<!tpu.dma_semaphore, #tpu.memory_space<semaphore_mem>>
            %dma_start3A_430 = arith.constant 0 : i32
            %dma_start3A_431 = arith.constant 0 : i32
            %dma_start3A_432 = tpu.memref_slice %run_scoped3A_18[%rem3A_338, %dma_start3A_430, %dma_start3A_431] : memref<2x256x128xf32, #tpu.memory_space<vmem>> -> memref<1x256x128xf32, #tpu.memory_space<vmem>>
            %dma_start3A_433 = tpu.memref_squeeze %dma_start3A_432 : memref<1x256x128xf32, #tpu.memory_space<vmem>> -> memref<256x128xf32, #tpu.memory_space<vmem>>
            %dma_start3A_434 = arith.constant 0 : i32
            %dma_start3A_435 = arith.constant 0 : i32
            %dma_start3A_436 = tpu.memref_slice %run_scoped3A[%rem3A_336, %dma_start3A_434, %dma_start3A_435] : memref<2x1x256xi32, #tpu.memory_space<vmem>> -> memref<1x1x256xi32, #tpu.memory_space<vmem>>
            %dma_start3A_437 = tpu.memref_squeeze %dma_start3A_436 : memref<1x1x256xi32, #tpu.memory_space<vmem>> -> memref<1x256xi32, #tpu.memory_space<vmem>>
            %dma_start3A_438 = arith.constant 0 : i32
            %dma_start3A_439 = tpu.memref_slice %dma_start3A_437[%run_scoped3A_339, %dma_start3A_438] : memref<1x256xi32, #tpu.memory_space<vmem>> -> memref<1x256xi32, #tpu.memory_space<vmem>>
            %dma_start3A_440 = tpu.memref_squeeze %dma_start3A_439 : memref<1x256xi32, #tpu.memory_space<vmem>> -> memref<256xi32, #tpu.memory_space<vmem>>
            %dma_start3A_441 = arith.constant 0 : i32
            %dma_start3A_442 = arith.constant 0 : i32
            %dma_start3A_443 = tpu.memref_slice %arg2[%dma_start3A_441, %dma_start3A_442] : memref<100000x128xf32, #tpu.memory_space<hbm>> -> memref<100000x128xf32, #tpu.memory_space<hbm>>
            tpu.enqueue_indirect_dma source(%dma_start3A_443 : memref<100000x128xf32, #tpu.memory_space<hbm>>) target(%dma_start3A_433 : memref<256x128xf32, #tpu.memory_space<vmem>>) offsets(%dma_start3A_440 : memref<256xi32, #tpu.memory_space<vmem>>) semaphore(%run_scoped3A_429 : memref<!tpu.dma_semaphore, #tpu.memory_space<semaphore_mem>>)
            %dma_wait3A = arith.constant 0 : i32
            %dma_wait3A_444 = arith.constant 0 : i32
            %dma_wait3A_445 = tpu.memref_slice %run_scoped3A_18[%rem3A_338, %dma_wait3A, %dma_wait3A_444] : memref<2x256x128xf32, #tpu.memory_space<vmem>> -> memref<1x256x128xf32, #tpu.memory_space<vmem>>
            %dma_wait3A_446 = tpu.memref_squeeze %dma_wait3A_445 : memref<1x256x128xf32, #tpu.memory_space<vmem>> -> memref<256x128xf32, #tpu.memory_space<vmem>>
            %dma_wait3A_447 = arith.constant 0 : i32
            %dma_wait3A_448 = arith.constant 0 : i32
            %dma_wait3A_449 = tpu.memref_slice %run_scoped3A[%rem3A_336, %dma_wait3A_447, %dma_wait3A_448] : memref<2x1x256xi32, #tpu.memory_space<vmem>> -> memref<1x1x256xi32, #tpu.memory_space<vmem>>
            %dma_wait3A_450 = tpu.memref_squeeze %dma_wait3A_449 : memref<1x1x256xi32, #tpu.memory_space<vmem>> -> memref<1x256xi32, #tpu.memory_space<vmem>>
            %dma_wait3A_451 = arith.constant 0 : i32
            %dma_wait3A_452 = tpu.memref_slice %dma_wait3A_450[%run_scoped3A_339, %dma_wait3A_451] : memref<1x256xi32, #tpu.memory_space<vmem>> -> memref<1x256xi32, #tpu.memory_space<vmem>>
            %dma_wait3A_453 = tpu.memref_squeeze %dma_wait3A_452 : memref<1x256xi32, #tpu.memory_space<vmem>> -> memref<256xi32, #tpu.memory_space<vmem>>
            %dma_wait3A_454 = arith.constant 0 : i32
            %dma_wait3A_455 = arith.constant 0 : i32
            %dma_wait3A_456 = tpu.memref_slice %arg2[%dma_wait3A_454, %dma_wait3A_455] : memref<100000x128xf32, #tpu.memory_space<hbm>> -> memref<100000x128xf32, #tpu.memory_space<hbm>>
            tpu.wait_indirect_dma semaphore(%run_scoped3A_429 : memref<!tpu.dma_semaphore, #tpu.memory_space<semaphore_mem>>) src(%dma_wait3A_456 : memref<100000x128xf32, #tpu.memory_space<hbm>>) dst(%dma_wait3A_446 : memref<256x128xf32, #tpu.memory_space<vmem>>)
            tpu.yield
          }) : () -> ()
          "tpu.trace_stop"() : () -> ()
          %ne3A_340 = arith.cmpi ne, %add3A_221, %add3A_257 : i32
          %ne3A_341 = arith.cmpi ne, %add3A_222, %add3A_258 : i32
          %or3A_342 = arith.constant false
          %or3A_343 = arith.ori %or3A_342, %ne3A_340 : i1
          %or3A_344 = arith.ori %or3A_343, %ne3A_341 : i1
          %or3A_345 = arith.ori %or3A_344, %eq3A_219 : i1
          %convert_element_type3A_346 = arith.extui %or3A_345 : i1 to i32
          %cond3A_347 = arith.constant 0 : i32
          %cond3A_348 = arith.cmpi ne, %convert_element_type3A_346, %cond3A_347 : i32
          scf.if %cond3A_348 {
          } else {
          }
          %and3A_349 = arith.constant false
          %and3A_350 = arith.andi %or3A_345, %and3A_349 : i1
          %mul3A_351 = arith.constant 200 : i32
          %mul3A_352 = arith.muli %add3A_221, %mul3A_351 : i32
          %add3A_353 = arith.addi %mul3A_352, %add3A_222 : i32
          %mul3A_354 = arith.constant 200 : i32
          %mul3A_355 = arith.muli %add3A_257, %mul3A_354 : i32
          %add3A_356 = arith.addi %mul3A_355, %add3A_258 : i32
          %ne3A_357 = arith.cmpi ne, %add3A_353, %add3A_356 : i32
          %or3A_358 = arith.constant false
          %or3A_359 = arith.ori %or3A_358, %ne3A_357 : i1
          %or3A_360 = arith.constant false
          %or3A_361 = arith.ori %or3A_359, %or3A_360 : i1
          %or3A_362 = arith.ori %or3A_361, %eq3A_219 : i1
          %convert_element_type3A_363 = arith.extui %or3A_362 : i1 to i32
          %cond3A_364 = arith.constant 0 : i32
          %cond3A_365 = arith.cmpi ne, %convert_element_type3A_363, %cond3A_364 : i32
          scf.if %cond3A_365 {
            "tpu.trace_start"() <{level = 10 : i32, message = "ep_copy_out"}> : () -> ()
            %rem3A_429 = arith.constant 2 : i32
            %rem3A_430 = arith.remui %while3A_209, %rem3A_429 : i32
            %mul3A_431 = arith.constant 200 : i32
            %mul3A_432 = arith.muli %add3A_221, %mul3A_431 : i32
            %add3A_433 = arith.addi %mul3A_432, %add3A_222 : i32
            %mul3A_434 = arith.constant 256 : i32
            %mul3A_435 = arith.muli %mul3A_434, %add3A_433 : i32
            %dma_start3A_436 = arith.constant 0 : i32
            %dma_start3A_437 = arith.constant 0 : i32
            %dma_start3A_438 = tpu.memref_slice %run_scoped3A_18[%rem3A_430, %dma_start3A_436, %dma_start3A_437] : memref<2x256x128xf32, #tpu.memory_space<vmem>> -> memref<1x256x128xf32, #tpu.memory_space<vmem>>
            %dma_start3A_439 = tpu.memref_squeeze %dma_start3A_438 : memref<1x256x128xf32, #tpu.memory_space<vmem>> -> memref<256x128xf32, #tpu.memory_space<vmem>>
            %dma_start3A_440 = arith.constant 0 : i32
            %dma_start3A_441 = tpu.memref_slice %arg4[%mul3A_435, %dma_start3A_440] : memref<204800x128xf32, #tpu.memory_space<hbm>> -> memref<256x128xf32, #tpu.memory_space<hbm>>
            %dma_start3A_442 = tpu.memref_slice %run_scoped3A_19[%rem3A_430] : memref<2x!tpu.dma_semaphore, #tpu.memory_space<semaphore_mem>> -> memref<1x!tpu.dma_semaphore, #tpu.memory_space<semaphore_mem>>
            %dma_start3A_443 = tpu.memref_squeeze %dma_start3A_442 : memref<1x!tpu.dma_semaphore, #tpu.memory_space<semaphore_mem>> -> memref<!tpu.dma_semaphore, #tpu.memory_space<semaphore_mem>>
            %dma_start3A_444 = arith.constant 0 : i32
            %dma_start3A_445 = tpu.memref_slice %arg4[%mul3A_435, %dma_start3A_444] : memref<204800x128xf32, #tpu.memory_space<hbm>> -> memref<256x128xf32, #tpu.memory_space<hbm>>
            %dma_start3A_446 = arith.constant 0 : i32
            %dma_start3A_447 = arith.constant 0 : i32
            %dma_start3A_448 = tpu.memref_slice %run_scoped3A_18[%rem3A_430, %dma_start3A_446, %dma_start3A_447] : memref<2x256x128xf32, #tpu.memory_space<vmem>> -> memref<1x256x128xf32, #tpu.memory_space<vmem>>
            %dma_start3A_449 = tpu.memref_squeeze %dma_start3A_448 : memref<1x256x128xf32, #tpu.memory_space<vmem>> -> memref<256x128xf32, #tpu.memory_space<vmem>>
            tpu.enqueue_dma source(%dma_start3A_449 : memref<256x128xf32, #tpu.memory_space<vmem>>) target(%dma_start3A_445 : memref<256x128xf32, #tpu.memory_space<hbm>>) target_semaphore(%dma_start3A_443 : memref<!tpu.dma_semaphore, #tpu.memory_space<semaphore_mem>>)
            "tpu.trace_stop"() : () -> ()
          } else {
          }
          %and3A_366 = arith.constant true
          %and3A_367 = arith.andi %or3A_362, %and3A_366 : i1
          %add3A_368 = arith.constant 1 : i32
          %add3A_369 = arith.addi %while3A_209, %add3A_368 : i32
          %select_n3A_370 = arith.select %and3A_367, %add3A_369, %while3A_209 : i32
          %ne3A_371 = arith.cmpi ne, %add3A_221, %add3A_240 : i32
          %ne3A_372 = arith.cmpi ne, %add3A_222, %add3A_241 : i32
          %or3A_373 = arith.constant false
          %or3A_374 = arith.ori %or3A_373, %ne3A_371 : i1
          %or3A_375 = arith.ori %or3A_374, %ne3A_372 : i1
          %not3A_376 = arith.constant true
          %not3A_377 = arith.xori %eq3A_216, %not3A_376 : i1
          %and3A_378 = arith.andi %or3A_375, %not3A_377 : i1
          %convert_element_type3A_379 = arith.extui %and3A_378 : i1 to i32
          %cond3A_380 = arith.constant 0 : i32
          %cond3A_381 = arith.cmpi ne, %convert_element_type3A_379, %cond3A_380 : i32
          scf.if %cond3A_381 {
          } else {
          }
          %and3A_382 = arith.constant false
          %and3A_383 = arith.andi %and3A_378, %and3A_382 : i1
          %mul3A_384 = arith.constant 200 : i32
          %mul3A_385 = arith.muli %add3A_221, %mul3A_384 : i32
          %add3A_386 = arith.addi %mul3A_385, %add3A_222 : i32
          %mul3A_387 = arith.constant 200 : i32
          %mul3A_388 = arith.muli %add3A_240, %mul3A_387 : i32
          %add3A_389 = arith.addi %mul3A_388, %add3A_241 : i32
          %ne3A_390 = arith.cmpi ne, %add3A_386, %add3A_389 : i32
          %or3A_391 = arith.constant false
          %or3A_392 = arith.ori %or3A_391, %ne3A_390 : i1
          %or3A_393 = arith.constant false
          %or3A_394 = arith.ori %or3A_392, %or3A_393 : i1
          %not3A_395 = arith.constant true
          %not3A_396 = arith.xori %eq3A_216, %not3A_395 : i1
          %and3A_397 = arith.andi %or3A_394, %not3A_396 : i1
          %convert_element_type3A_398 = arith.extui %and3A_397 : i1 to i32
          %cond3A_399 = arith.constant 0 : i32
          %cond3A_400 = arith.cmpi ne, %convert_element_type3A_398, %cond3A_399 : i32
          scf.if %cond3A_400 {
            "tpu.trace_start"() <{level = 10 : i32, message = "ep_wait_out"}> : () -> ()
            %rem3A_429 = arith.constant 2 : i32
            %rem3A_430 = arith.remui %while3A_210, %rem3A_429 : i32
            %mul3A_431 = arith.constant 200 : i32
            %mul3A_432 = arith.muli %add3A_240, %mul3A_431 : i32
            %add3A_433 = arith.addi %mul3A_432, %add3A_241 : i32
            %mul3A_434 = arith.constant 256 : i32
            %mul3A_435 = arith.muli %mul3A_434, %add3A_433 : i32
            %dma_wait3A = arith.constant 0 : i32
            %dma_wait3A_436 = arith.constant 0 : i32
            %dma_wait3A_437 = tpu.memref_slice %run_scoped3A_18[%rem3A_430, %dma_wait3A, %dma_wait3A_436] : memref<2x256x128xf32, #tpu.memory_space<vmem>> -> memref<1x256x128xf32, #tpu.memory_space<vmem>>
            %dma_wait3A_438 = tpu.memref_squeeze %dma_wait3A_437 : memref<1x256x128xf32, #tpu.memory_space<vmem>> -> memref<256x128xf32, #tpu.memory_space<vmem>>
            %dma_wait3A_439 = arith.constant 0 : i32
            %dma_wait3A_440 = tpu.memref_slice %arg4[%mul3A_435, %dma_wait3A_439] : memref<204800x128xf32, #tpu.memory_space<hbm>> -> memref<256x128xf32, #tpu.memory_space<hbm>>
            %dma_wait3A_441 = tpu.memref_slice %run_scoped3A_19[%rem3A_430] : memref<2x!tpu.dma_semaphore, #tpu.memory_space<semaphore_mem>> -> memref<1x!tpu.dma_semaphore, #tpu.memory_space<semaphore_mem>>
            %dma_wait3A_442 = tpu.memref_squeeze %dma_wait3A_441 : memref<1x!tpu.dma_semaphore, #tpu.memory_space<semaphore_mem>> -> memref<!tpu.dma_semaphore, #tpu.memory_space<semaphore_mem>>
            %dma_wait3A_443 = arith.constant 0 : i32
            %dma_wait3A_444 = tpu.memref_slice %arg4[%mul3A_435, %dma_wait3A_443] : memref<204800x128xf32, #tpu.memory_space<hbm>> -> memref<256x128xf32, #tpu.memory_space<hbm>>
            %dma_wait3A_445 = arith.constant 0 : i32
            %dma_wait3A_446 = arith.constant 0 : i32
            %dma_wait3A_447 = tpu.memref_slice %run_scoped3A_18[%rem3A_430, %dma_wait3A_445, %dma_wait3A_446] : memref<2x256x128xf32, #tpu.memory_space<vmem>> -> memref<1x256x128xf32, #tpu.memory_space<vmem>>
            %dma_wait3A_448 = tpu.memref_squeeze %dma_wait3A_447 : memref<1x256x128xf32, #tpu.memory_space<vmem>> -> memref<256x128xf32, #tpu.memory_space<vmem>>
            tpu.wait_dma2 semaphore(%dma_wait3A_442 : memref<!tpu.dma_semaphore, #tpu.memory_space<semaphore_mem>>) src(%dma_wait3A_448 : memref<256x128xf32, #tpu.memory_space<vmem>>) dst(%dma_wait3A_444 : memref<256x128xf32, #tpu.memory_space<hbm>>)
            "tpu.trace_stop"() : () -> ()
          } else {
          }
          %and3A_401 = arith.constant true
          %and3A_402 = arith.andi %and3A_397, %and3A_401 : i1
          %add3A_403 = arith.constant 1 : i32
          %add3A_404 = arith.addi %while3A_210, %add3A_403 : i32
          %select_n3A_405 = arith.select %and3A_402, %add3A_404, %while3A_210 : i32
          %ne3A_406 = arith.cmpi ne, %add3A_221, %add3A_257 : i32
          %ne3A_407 = arith.cmpi ne, %add3A_222, %add3A_258 : i32
          %or3A_408 = arith.constant false
          %or3A_409 = arith.ori %or3A_408, %ne3A_406 : i1
          %or3A_410 = arith.ori %or3A_409, %ne3A_407 : i1
          %or3A_411 = arith.ori %or3A_410, %eq3A_219 : i1
          %add3A_412 = arith.constant 1 : i32
          %add3A_413 = arith.addi %while3A_208, %add3A_412 : i32
          %select_n3A_414 = arith.select %or3A_411, %add3A_413, %while3A_208 : i32
          %add3A_415 = arith.constant 1 : i32
          %add3A_416 = arith.addi %while3A_212, %add3A_415 : i32
          %select_n3A_417 = arith.constant true
          %select_n3A_418 = arith.select %select_n3A_417, %add3A_416, %while3A_212 : i32
          %eq3A_419 = arith.cmpi eq, %select_n3A_418, %select_n3A : i32
          %select_n3A_420 = arith.constant 0 : i32
          %select_n3A_421 = arith.select %eq3A_419, %select_n3A_420, %select_n3A_418 : i32
          %add3A_422 = arith.constant 1 : i32
          %add3A_423 = arith.addi %while3A_211, %add3A_422 : i32
          %select_n3A_424 = arith.select %eq3A_419, %add3A_423, %while3A_211 : i32
          %eq3A_425 = arith.constant 4 : i32
          %eq3A_426 = arith.cmpi eq, %select_n3A_424, %eq3A_425 : i32
          %select_n3A_427 = arith.constant 0 : i32
          %select_n3A_428 = arith.select %eq3A_426, %select_n3A_427, %select_n3A_424 : i32
          scf.yield %select_n3A_291, %select_n3A_414, %select_n3A_370, %select_n3A_405, %select_n3A_428, %select_n3A_421 : i32, i32, i32, i32, i32, i32
        }
        %while3A_117 = arith.constant 1 : i32
        %while3A_118:6 = scf.for %while3A_206 = %while3A_114 to %while3A_110 step %while3A_117 iter_args(%while3A_207 = %while3A_116#0, %while3A_208 = %while3A_116#1, %while3A_209 = %while3A_116#2, %while3A_210 = %while3A_116#3, %while3A_211 = %while3A_116#4, %while3A_212 = %while3A_116#5) -> (i32, i32, i32, i32, i32, i32)  : i32 {
          %mul3A_213 = arith.constant 4 : i32
          %mul3A_214 = arith.muli %mul3A_213, %select_n3A : i32
          %eq3A_215 = arith.constant 0 : i32
          %eq3A_216 = arith.cmpi eq, %while3A_206, %eq3A_215 : i32
          %sub3A_217 = arith.constant 1 : i32
          %sub3A_218 = arith.subi %mul3A_214, %sub3A_217 : i32
          %eq3A_219 = arith.cmpi eq, %while3A_206, %sub3A_218 : i32
          %add3A_220 = arith.constant 0 : i32
          %add3A_221 = arith.addi %while3A_211, %add3A_220 : i32
          %add3A_222 = arith.addi %while3A_212, %select_n3A_14 : i32
          %sub3A_223 = arith.constant 1 : i32
          %sub3A_224 = arith.subi %while3A_212, %sub3A_223 : i32
          %select_n3A_225 = arith.constant true
          %select_n3A_226 = arith.select %select_n3A_225, %sub3A_224, %while3A_212 : i32
          %eq3A_227 = arith.constant -1 : i32
          %eq3A_228 = arith.cmpi eq, %select_n3A_226, %eq3A_227 : i32
          %sub3A_229 = arith.constant 1 : i32
          %sub3A_230 = arith.subi %select_n3A, %sub3A_229 : i32
          %select_n3A_231 = arith.select %eq3A_228, %sub3A_230, %select_n3A_226 : i32
          %sub3A_232 = arith.constant 1 : i32
          %sub3A_233 = arith.subi %while3A_211, %sub3A_232 : i32
          %select_n3A_234 = arith.select %eq3A_228, %sub3A_233, %while3A_211 : i32
          %eq3A_235 = arith.constant -1 : i32
          %eq3A_236 = arith.cmpi eq, %select_n3A_234, %eq3A_235 : i32
          %select_n3A_237 = arith.constant 3 : i32
          %select_n3A_238 = arith.select %eq3A_236, %select_n3A_237, %select_n3A_234 : i32
          %add3A_239 = arith.constant 0 : i32
          %add3A_240 = arith.addi %select_n3A_238, %add3A_239 : i32
          %add3A_241 = arith.addi %select_n3A_231, %select_n3A_14 : i32
          %add3A_242 = arith.constant 1 : i32
          %add3A_243 = arith.addi %while3A_212, %add3A_242 : i32
          %select_n3A_244 = arith.constant true
          %select_n3A_245 = arith.select %select_n3A_244, %add3A_243, %while3A_212 : i32
          %eq3A_246 = arith.cmpi eq, %select_n3A_245, %select_n3A : i32
          %select_n3A_247 = arith.constant 0 : i32
          %select_n3A_248 = arith.select %eq3A_246, %select_n3A_247, %select_n3A_245 : i32
          %add3A_249 = arith.constant 1 : i32
          %add3A_250 = arith.addi %while3A_211, %add3A_249 : i32
          %select_n3A_251 = arith.select %eq3A_246, %add3A_250, %while3A_211 : i32
          %eq3A_252 = arith.constant 4 : i32
          %eq3A_253 = arith.cmpi eq, %select_n3A_251, %eq3A_252 : i32
          %select_n3A_254 = arith.constant 0 : i32
          %select_n3A_255 = arith.select %eq3A_253, %select_n3A_254, %select_n3A_251 : i32
          %add3A_256 = arith.constant 0 : i32
          %add3A_257 = arith.addi %select_n3A_255, %add3A_256 : i32
          %add3A_258 = arith.addi %select_n3A_248, %select_n3A_14 : i32
          %add3A_259 = arith.constant 1 : i32
          %add3A_260 = arith.addi %select_n3A_248, %add3A_259 : i32
          %select_n3A_261 = arith.constant true
          %select_n3A_262 = arith.select %select_n3A_261, %add3A_260, %select_n3A_248 : i32
          %eq3A_263 = arith.cmpi eq, %select_n3A_262, %select_n3A : i32
          %select_n3A_264 = arith.constant 0 : i32
          %select_n3A_265 = arith.select %eq3A_263, %select_n3A_264, %select_n3A_262 : i32
          %add3A_266 = arith.constant 1 : i32
          %add3A_267 = arith.addi %select_n3A_255, %add3A_266 : i32
          %select_n3A_268 = arith.select %eq3A_263, %add3A_267, %select_n3A_255 : i32
          %eq3A_269 = arith.constant 4 : i32
          %eq3A_270 = arith.cmpi eq, %select_n3A_268, %eq3A_269 : i32
          %select_n3A_271 = arith.constant 0 : i32
          %select_n3A_272 = arith.select %eq3A_270, %select_n3A_271, %select_n3A_268 : i32
          %add3A_273 = arith.constant 0 : i32
          %add3A_274 = arith.addi %select_n3A_272, %add3A_273 : i32
          %add3A_275 = arith.addi %select_n3A_265, %select_n3A_14 : i32
          %ne3A = arith.cmpi ne, %add3A_221, %add3A_257 : i32
          %ne3A_276 = arith.cmpi ne, %add3A_222, %add3A_258 : i32
          %or3A = arith.constant false
          %or3A_277 = arith.ori %or3A, %ne3A : i1
          %or3A_278 = arith.ori %or3A_277, %ne3A_276 : i1
          %sub3A_279 = arith.constant 2 : i32
          %sub3A_280 = arith.subi %mul3A_214, %sub3A_279 : i32
          %add3A_281 = arith.constant 1 : i32
          %add3A_282 = arith.addi %sub3A_280, %add3A_281 : i32
          %ge3A = arith.cmpi sge, %while3A_206, %add3A_282 : i32
          %not3A = arith.constant true
          %not3A_283 = arith.xori %ge3A, %not3A : i1
          %and3A = arith.andi %or3A_278, %not3A_283 : i1
          %convert_element_type3A_284 = arith.extui %and3A : i1 to i32
          %cond3A_285 = arith.constant 0 : i32
          %cond3A_286 = arith.cmpi ne, %convert_element_type3A_284, %cond3A_285 : i32
          scf.if %cond3A_286 {
            "tpu.trace_start"() <{level = 10 : i32, message = "ep_copy_in"}> : () -> ()
            %rem3A_429 = arith.constant 2 : i32
            %rem3A_430 = arith.remui %while3A_207, %rem3A_429 : i32
            %mul3A_431 = arith.constant 1 : i32
            %mul3A_432 = arith.muli %mul3A_431, %add3A_257 : i32
            %mul3A_433 = arith.constant 256 : i32
            %mul3A_434 = arith.muli %mul3A_433, %add3A_258 : i32
            %dma_start3A_435 = arith.constant 0 : i32
            %dma_start3A_436 = arith.constant 0 : i32
            %dma_start3A_437 = tpu.memref_slice %run_scoped3A[%rem3A_430, %dma_start3A_435, %dma_start3A_436] : memref<2x1x256xi32, #tpu.memory_space<vmem>> -> memref<1x1x256xi32, #tpu.memory_space<vmem>>
            %dma_start3A_438 = tpu.memref_squeeze %dma_start3A_437 : memref<1x1x256xi32, #tpu.memory_space<vmem>> -> memref<1x256xi32, #tpu.memory_space<vmem>>
            %dma_start3A_439 = tpu.memref_slice %arg3[%mul3A_432, %mul3A_434] : memref<4x51200xi32, #tpu.memory_space<hbm>> -> memref<1x256xi32, #tpu.memory_space<hbm>>
            %dma_start3A_440 = tpu.memref_slice %run_scoped3A_17[%rem3A_430] : memref<2x!tpu.dma_semaphore, #tpu.memory_space<semaphore_mem>> -> memref<1x!tpu.dma_semaphore, #tpu.memory_space<semaphore_mem>>
            %dma_start3A_441 = tpu.memref_squeeze %dma_start3A_440 : memref<1x!tpu.dma_semaphore, #tpu.memory_space<semaphore_mem>> -> memref<!tpu.dma_semaphore, #tpu.memory_space<semaphore_mem>>
            %dma_start3A_442 = arith.constant 0 : i32
            %dma_start3A_443 = arith.constant 0 : i32
            %dma_start3A_444 = tpu.memref_slice %run_scoped3A[%rem3A_430, %dma_start3A_442, %dma_start3A_443] : memref<2x1x256xi32, #tpu.memory_space<vmem>> -> memref<1x1x256xi32, #tpu.memory_space<vmem>>
            %dma_start3A_445 = tpu.memref_squeeze %dma_start3A_444 : memref<1x1x256xi32, #tpu.memory_space<vmem>> -> memref<1x256xi32, #tpu.memory_space<vmem>>
            %dma_start3A_446 = tpu.memref_slice %arg3[%mul3A_432, %mul3A_434] : memref<4x51200xi32, #tpu.memory_space<hbm>> -> memref<1x256xi32, #tpu.memory_space<hbm>>
            tpu.enqueue_dma source(%dma_start3A_446 : memref<1x256xi32, #tpu.memory_space<hbm>>) target(%dma_start3A_445 : memref<1x256xi32, #tpu.memory_space<vmem>>) target_semaphore(%dma_start3A_441 : memref<!tpu.dma_semaphore, #tpu.memory_space<semaphore_mem>>)
            "tpu.trace_stop"() : () -> ()
          } else {
          }
          %and3A_287 = arith.constant true
          %and3A_288 = arith.andi %and3A, %and3A_287 : i1
          %add3A_289 = arith.constant 1 : i32
          %add3A_290 = arith.addi %while3A_207, %add3A_289 : i32
          %select_n3A_291 = arith.select %and3A_288, %add3A_290, %while3A_207 : i32
          %mul3A_292 = arith.constant 200 : i32
          %mul3A_293 = arith.muli %add3A_221, %mul3A_292 : i32
          %add3A_294 = arith.addi %mul3A_293, %add3A_222 : i32
          %mul3A_295 = arith.constant 200 : i32
          %mul3A_296 = arith.muli %add3A_257, %mul3A_295 : i32
          %add3A_297 = arith.addi %mul3A_296, %add3A_258 : i32
          %ne3A_298 = arith.cmpi ne, %add3A_294, %add3A_297 : i32
          %or3A_299 = arith.constant false
          %or3A_300 = arith.ori %or3A_299, %ne3A_298 : i1
          %or3A_301 = arith.constant false
          %or3A_302 = arith.ori %or3A_300, %or3A_301 : i1
          %sub3A_303 = arith.constant 2 : i32
          %sub3A_304 = arith.subi %mul3A_214, %sub3A_303 : i32
          %add3A_305 = arith.constant 1 : i32
          %add3A_306 = arith.addi %sub3A_304, %add3A_305 : i32
          %ge3A_307 = arith.cmpi sge, %while3A_206, %add3A_306 : i32
          %not3A_308 = arith.constant true
          %not3A_309 = arith.xori %ge3A_307, %not3A_308 : i1
          %and3A_310 = arith.andi %or3A_302, %not3A_309 : i1
          %ne3A_311 = arith.cmpi ne, %add3A_221, %add3A_240 : i32
          %ne3A_312 = arith.cmpi ne, %add3A_222, %add3A_241 : i32
          %or3A_313 = arith.constant false
          %or3A_314 = arith.ori %or3A_313, %ne3A_311 : i1
          %or3A_315 = arith.ori %or3A_314, %ne3A_312 : i1
          %or3A_316 = arith.ori %or3A_315, %eq3A_216 : i1
          %convert_element_type3A_317 = arith.extui %or3A_316 : i1 to i32
          %cond3A_318 = arith.constant 0 : i32
          %cond3A_319 = arith.cmpi ne, %convert_element_type3A_317, %cond3A_318 : i32
          scf.if %cond3A_319 {
            "tpu.trace_start"() <{level = 10 : i32, message = "ep_wait_in"}> : () -> ()
            %mul3A_429 = arith.constant 1 : i32
            %mul3A_430 = arith.muli %mul3A_429, %add3A_221 : i32
            %mul3A_431 = arith.constant 256 : i32
            %mul3A_432 = arith.muli %mul3A_431, %add3A_222 : i32
            %rem3A_433 = arith.constant 2 : i32
            %rem3A_434 = arith.remui %while3A_208, %rem3A_433 : i32
            %dma_wait3A = arith.constant 0 : i32
            %dma_wait3A_435 = arith.constant 0 : i32
            %dma_wait3A_436 = tpu.memref_slice %run_scoped3A[%rem3A_434, %dma_wait3A, %dma_wait3A_435] : memref<2x1x256xi32, #tpu.memory_space<vmem>> -> memref<1x1x256xi32, #tpu.memory_space<vmem>>
            %dma_wait3A_437 = tpu.memref_squeeze %dma_wait3A_436 : memref<1x1x256xi32, #tpu.memory_space<vmem>> -> memref<1x256xi32, #tpu.memory_space<vmem>>
            %dma_wait3A_438 = tpu.memref_slice %arg3[%mul3A_430, %mul3A_432] : memref<4x51200xi32, #tpu.memory_space<hbm>> -> memref<1x256xi32, #tpu.memory_space<hbm>>
            %dma_wait3A_439 = tpu.memref_slice %run_scoped3A_17[%rem3A_434] : memref<2x!tpu.dma_semaphore, #tpu.memory_space<semaphore_mem>> -> memref<1x!tpu.dma_semaphore, #tpu.memory_space<semaphore_mem>>
            %dma_wait3A_440 = tpu.memref_squeeze %dma_wait3A_439 : memref<1x!tpu.dma_semaphore, #tpu.memory_space<semaphore_mem>> -> memref<!tpu.dma_semaphore, #tpu.memory_space<semaphore_mem>>
            %dma_wait3A_441 = arith.constant 0 : i32
            %dma_wait3A_442 = arith.constant 0 : i32
            %dma_wait3A_443 = tpu.memref_slice %run_scoped3A[%rem3A_434, %dma_wait3A_441, %dma_wait3A_442] : memref<2x1x256xi32, #tpu.memory_space<vmem>> -> memref<1x1x256xi32, #tpu.memory_space<vmem>>
            %dma_wait3A_444 = tpu.memref_squeeze %dma_wait3A_443 : memref<1x1x256xi32, #tpu.memory_space<vmem>> -> memref<1x256xi32, #tpu.memory_space<vmem>>
            %dma_wait3A_445 = tpu.memref_slice %arg3[%mul3A_430, %mul3A_432] : memref<4x51200xi32, #tpu.memory_space<hbm>> -> memref<1x256xi32, #tpu.memory_space<hbm>>
            tpu.wait_dma2 semaphore(%dma_wait3A_440 : memref<!tpu.dma_semaphore, #tpu.memory_space<semaphore_mem>>) src(%dma_wait3A_445 : memref<1x256xi32, #tpu.memory_space<hbm>>) dst(%dma_wait3A_444 : memref<1x256xi32, #tpu.memory_space<vmem>>)
            "tpu.trace_stop"() : () -> ()
          } else {
          }
          %mul3A_320 = arith.constant 200 : i32
          %mul3A_321 = arith.muli %add3A_221, %mul3A_320 : i32
          %add3A_322 = arith.addi %mul3A_321, %add3A_222 : i32
          %mul3A_323 = arith.constant 200 : i32
          %mul3A_324 = arith.muli %add3A_240, %mul3A_323 : i32
          %add3A_325 = arith.addi %mul3A_324, %add3A_241 : i32
          %ne3A_326 = arith.cmpi ne, %add3A_322, %add3A_325 : i32
          %or3A_327 = arith.constant false
          %or3A_328 = arith.ori %or3A_327, %ne3A_326 : i1
          %or3A_329 = arith.constant false
          %or3A_330 = arith.ori %or3A_328, %or3A_329 : i1
          %or3A_331 = arith.ori %or3A_330, %eq3A_216 : i1
          %convert_element_type3A_332 = arith.extui %or3A_331 : i1 to i32
          %cond3A_333 = arith.constant 0 : i32
          %cond3A_334 = arith.cmpi ne, %convert_element_type3A_332, %cond3A_333 : i32
          scf.if %cond3A_334 {
          } else {
          }
          %rem3A_335 = arith.constant 2 : i32
          %rem3A_336 = arith.remui %while3A_208, %rem3A_335 : i32
          %rem3A_337 = arith.constant 2 : i32
          %rem3A_338 = arith.remui %while3A_209, %rem3A_337 : i32
          %run_scoped3A_339 = arith.constant 0 : i32
          "tpu.trace_start"() <{level = 10 : i32, message = "ep_run_kernel"}> : () -> ()
          "tpu.region"() ({
            %run_scoped3A_429 = tpu.sem_alloc : memref<!tpu.dma_semaphore, #tpu.memory_space<semaphore_mem>>
            %dma_start3A_430 = arith.constant 0 : i32
            %dma_start3A_431 = arith.constant 0 : i32
            %dma_start3A_432 = tpu.memref_slice %run_scoped3A_18[%rem3A_338, %dma_start3A_430, %dma_start3A_431] : memref<2x256x128xf32, #tpu.memory_space<vmem>> -> memref<1x256x128xf32, #tpu.memory_space<vmem>>
            %dma_start3A_433 = tpu.memref_squeeze %dma_start3A_432 : memref<1x256x128xf32, #tpu.memory_space<vmem>> -> memref<256x128xf32, #tpu.memory_space<vmem>>
            %dma_start3A_434 = arith.constant 0 : i32
            %dma_start3A_435 = arith.constant 0 : i32
            %dma_start3A_436 = tpu.memref_slice %run_scoped3A[%rem3A_336, %dma_start3A_434, %dma_start3A_435] : memref<2x1x256xi32, #tpu.memory_space<vmem>> -> memref<1x1x256xi32, #tpu.memory_space<vmem>>
            %dma_start3A_437 = tpu.memref_squeeze %dma_start3A_436 : memref<1x1x256xi32, #tpu.memory_space<vmem>> -> memref<1x256xi32, #tpu.memory_space<vmem>>
            %dma_start3A_438 = arith.constant 0 : i32
            %dma_start3A_439 = tpu.memref_slice %dma_start3A_437[%run_scoped3A_339, %dma_start3A_438] : memref<1x256xi32, #tpu.memory_space<vmem>> -> memref<1x256xi32, #tpu.memory_space<vmem>>
            %dma_start3A_440 = tpu.memref_squeeze %dma_start3A_439 : memref<1x256xi32, #tpu.memory_space<vmem>> -> memref<256xi32, #tpu.memory_space<vmem>>
            %dma_start3A_441 = arith.constant 0 : i32
            %dma_start3A_442 = arith.constant 0 : i32
            %dma_start3A_443 = tpu.memref_slice %arg2[%dma_start3A_441, %dma_start3A_442] : memref<100000x128xf32, #tpu.memory_space<hbm>> -> memref<100000x128xf32, #tpu.memory_space<hbm>>
            tpu.enqueue_indirect_dma source(%dma_start3A_443 : memref<100000x128xf32, #tpu.memory_space<hbm>>) target(%dma_start3A_433 : memref<256x128xf32, #tpu.memory_space<vmem>>) offsets(%dma_start3A_440 : memref<256xi32, #tpu.memory_space<vmem>>) semaphore(%run_scoped3A_429 : memref<!tpu.dma_semaphore, #tpu.memory_space<semaphore_mem>>)
            %dma_wait3A = arith.constant 0 : i32
            %dma_wait3A_444 = arith.constant 0 : i32
            %dma_wait3A_445 = tpu.memref_slice %run_scoped3A_18[%rem3A_338, %dma_wait3A, %dma_wait3A_444] : memref<2x256x128xf32, #tpu.memory_space<vmem>> -> memref<1x256x128xf32, #tpu.memory_space<vmem>>
            %dma_wait3A_446 = tpu.memref_squeeze %dma_wait3A_445 : memref<1x256x128xf32, #tpu.memory_space<vmem>> -> memref<256x128xf32, #tpu.memory_space<vmem>>
            %dma_wait3A_447 = arith.constant 0 : i32
            %dma_wait3A_448 = arith.constant 0 : i32
            %dma_wait3A_449 = tpu.memref_slice %run_scoped3A[%rem3A_336, %dma_wait3A_447, %dma_wait3A_448] : memref<2x1x256xi32, #tpu.memory_space<vmem>> -> memref<1x1x256xi32, #tpu.memory_space<vmem>>
            %dma_wait3A_450 = tpu.memref_squeeze %dma_wait3A_449 : memref<1x1x256xi32, #tpu.memory_space<vmem>> -> memref<1x256xi32, #tpu.memory_space<vmem>>
            %dma_wait3A_451 = arith.constant 0 : i32
            %dma_wait3A_452 = tpu.memref_slice %dma_wait3A_450[%run_scoped3A_339, %dma_wait3A_451] : memref<1x256xi32, #tpu.memory_space<vmem>> -> memref<1x256xi32, #tpu.memory_space<vmem>>
            %dma_wait3A_453 = tpu.memref_squeeze %dma_wait3A_452 : memref<1x256xi32, #tpu.memory_space<vmem>> -> memref<256xi32, #tpu.memory_space<vmem>>
            %dma_wait3A_454 = arith.constant 0 : i32
            %dma_wait3A_455 = arith.constant 0 : i32
            %dma_wait3A_456 = tpu.memref_slice %arg2[%dma_wait3A_454, %dma_wait3A_455] : memref<100000x128xf32, #tpu.memory_space<hbm>> -> memref<100000x128xf32, #tpu.memory_space<hbm>>
            tpu.wait_indirect_dma semaphore(%run_scoped3A_429 : memref<!tpu.dma_semaphore, #tpu.memory_space<semaphore_mem>>) src(%dma_wait3A_456 : memref<100000x128xf32, #tpu.memory_space<hbm>>) dst(%dma_wait3A_446 : memref<256x128xf32, #tpu.memory_space<vmem>>)
            tpu.yield
          }) : () -> ()
          "tpu.trace_stop"() : () -> ()
          %ne3A_340 = arith.cmpi ne, %add3A_221, %add3A_257 : i32
          %ne3A_341 = arith.cmpi ne, %add3A_222, %add3A_258 : i32
          %or3A_342 = arith.constant false
          %or3A_343 = arith.ori %or3A_342, %ne3A_340 : i1
          %or3A_344 = arith.ori %or3A_343, %ne3A_341 : i1
          %or3A_345 = arith.ori %or3A_344, %eq3A_219 : i1
          %convert_element_type3A_346 = arith.extui %or3A_345 : i1 to i32
          %cond3A_347 = arith.constant 0 : i32
          %cond3A_348 = arith.cmpi ne, %convert_element_type3A_346, %cond3A_347 : i32
          scf.if %cond3A_348 {
          } else {
          }
          %and3A_349 = arith.constant false
          %and3A_350 = arith.andi %or3A_345, %and3A_349 : i1
          %mul3A_351 = arith.constant 200 : i32
          %mul3A_352 = arith.muli %add3A_221, %mul3A_351 : i32
          %add3A_353 = arith.addi %mul3A_352, %add3A_222 : i32
          %mul3A_354 = arith.constant 200 : i32
          %mul3A_355 = arith.muli %add3A_257, %mul3A_354 : i32
          %add3A_356 = arith.addi %mul3A_355, %add3A_258 : i32
          %ne3A_357 = arith.cmpi ne, %add3A_353, %add3A_356 : i32
          %or3A_358 = arith.constant false
          %or3A_359 = arith.ori %or3A_358, %ne3A_357 : i1
          %or3A_360 = arith.constant false
          %or3A_361 = arith.ori %or3A_359, %or3A_360 : i1
          %or3A_362 = arith.ori %or3A_361, %eq3A_219 : i1
          %convert_element_type3A_363 = arith.extui %or3A_362 : i1 to i32
          %cond3A_364 = arith.constant 0 : i32
          %cond3A_365 = arith.cmpi ne, %convert_element_type3A_363, %cond3A_364 : i32
          scf.if %cond3A_365 {
            "tpu.trace_start"() <{level = 10 : i32, message = "ep_copy_out"}> : () -> ()
            %rem3A_429 = arith.constant 2 : i32
            %rem3A_430 = arith.remui %while3A_209, %rem3A_429 : i32
            %mul3A_431 = arith.constant 200 : i32
            %mul3A_432 = arith.muli %add3A_221, %mul3A_431 : i32
            %add3A_433 = arith.addi %mul3A_432, %add3A_222 : i32
            %mul3A_434 = arith.constant 256 : i32
            %mul3A_435 = arith.muli %mul3A_434, %add3A_433 : i32
            %dma_start3A_436 = arith.constant 0 : i32
            %dma_start3A_437 = arith.constant 0 : i32
            %dma_start3A_438 = tpu.memref_slice %run_scoped3A_18[%rem3A_430, %dma_start3A_436, %dma_start3A_437] : memref<2x256x128xf32, #tpu.memory_space<vmem>> -> memref<1x256x128xf32, #tpu.memory_space<vmem>>
            %dma_start3A_439 = tpu.memref_squeeze %dma_start3A_438 : memref<1x256x128xf32, #tpu.memory_space<vmem>> -> memref<256x128xf32, #tpu.memory_space<vmem>>
            %dma_start3A_440 = arith.constant 0 : i32
            %dma_start3A_441 = tpu.memref_slice %arg4[%mul3A_435, %dma_start3A_440] : memref<204800x128xf32, #tpu.memory_space<hbm>> -> memref<256x128xf32, #tpu.memory_space<hbm>>
            %dma_start3A_442 = tpu.memref_slice %run_scoped3A_19[%rem3A_430] : memref<2x!tpu.dma_semaphore, #tpu.memory_space<semaphore_mem>> -> memref<1x!tpu.dma_semaphore, #tpu.memory_space<semaphore_mem>>
            %dma_start3A_443 = tpu.memref_squeeze %dma_start3A_442 : memref<1x!tpu.dma_semaphore, #tpu.memory_space<semaphore_mem>> -> memref<!tpu.dma_semaphore, #tpu.memory_space<semaphore_mem>>
            %dma_start3A_444 = arith.constant 0 : i32
            %dma_start3A_445 = tpu.memref_slice %arg4[%mul3A_435, %dma_start3A_444] : memref<204800x128xf32, #tpu.memory_space<hbm>> -> memref<256x128xf32, #tpu.memory_space<hbm>>
            %dma_start3A_446 = arith.constant 0 : i32
            %dma_start3A_447 = arith.constant 0 : i32
            %dma_start3A_448 = tpu.memref_slice %run_scoped3A_18[%rem3A_430, %dma_start3A_446, %dma_start3A_447] : memref<2x256x128xf32, #tpu.memory_space<vmem>> -> memref<1x256x128xf32, #tpu.memory_space<vmem>>
            %dma_start3A_449 = tpu.memref_squeeze %dma_start3A_448 : memref<1x256x128xf32, #tpu.memory_space<vmem>> -> memref<256x128xf32, #tpu.memory_space<vmem>>
            tpu.enqueue_dma source(%dma_start3A_449 : memref<256x128xf32, #tpu.memory_space<vmem>>) target(%dma_start3A_445 : memref<256x128xf32, #tpu.memory_space<hbm>>) target_semaphore(%dma_start3A_443 : memref<!tpu.dma_semaphore, #tpu.memory_space<semaphore_mem>>)
            "tpu.trace_stop"() : () -> ()
          } else {
          }
          %and3A_366 = arith.constant true
          %and3A_367 = arith.andi %or3A_362, %and3A_366 : i1
          %add3A_368 = arith.constant 1 : i32
          %add3A_369 = arith.addi %while3A_209, %add3A_368 : i32
          %select_n3A_370 = arith.select %and3A_367, %add3A_369, %while3A_209 : i32
          %ne3A_371 = arith.cmpi ne, %add3A_221, %add3A_240 : i32
          %ne3A_372 = arith.cmpi ne, %add3A_222, %add3A_241 : i32
          %or3A_373 = arith.constant false
          %or3A_374 = arith.ori %or3A_373, %ne3A_371 : i1
          %or3A_375 = arith.ori %or3A_374, %ne3A_372 : i1
          %not3A_376 = arith.constant true
          %not3A_377 = arith.xori %eq3A_216, %not3A_376 : i1
          %and3A_378 = arith.andi %or3A_375, %not3A_377 : i1
          %convert_element_type3A_379 = arith.extui %and3A_378 : i1 to i32
          %cond3A_380 = arith.constant 0 : i32
          %cond3A_381 = arith.cmpi ne, %convert_element_type3A_379, %cond3A_380 : i32
          scf.if %cond3A_381 {
          } else {
          }
          %and3A_382 = arith.constant false
          %and3A_383 = arith.andi %and3A_378, %and3A_382 : i1
          %mul3A_384 = arith.constant 200 : i32
          %mul3A_385 = arith.muli %add3A_221, %mul3A_384 : i32
          %add3A_386 = arith.addi %mul3A_385, %add3A_222 : i32
          %mul3A_387 = arith.constant 200 : i32
          %mul3A_388 = arith.muli %add3A_240, %mul3A_387 : i32
          %add3A_389 = arith.addi %mul3A_388, %add3A_241 : i32
          %ne3A_390 = arith.cmpi ne, %add3A_386, %add3A_389 : i32
          %or3A_391 = arith.constant false
          %or3A_392 = arith.ori %or3A_391, %ne3A_390 : i1
          %or3A_393 = arith.constant false
          %or3A_394 = arith.ori %or3A_392, %or3A_393 : i1
          %not3A_395 = arith.constant true
          %not3A_396 = arith.xori %eq3A_216, %not3A_395 : i1
          %and3A_397 = arith.andi %or3A_394, %not3A_396 : i1
          %convert_element_type3A_398 = arith.extui %and3A_397 : i1 to i32
          %cond3A_399 = arith.constant 0 : i32
          %cond3A_400 = arith.cmpi ne, %convert_element_type3A_398, %cond3A_399 : i32
          scf.if %cond3A_400 {
            "tpu.trace_start"() <{level = 10 : i32, message = "ep_wait_out"}> : () -> ()
            %rem3A_429 = arith.constant 2 : i32
            %rem3A_430 = arith.remui %while3A_210, %rem3A_429 : i32
            %mul3A_431 = arith.constant 200 : i32
            %mul3A_432 = arith.muli %add3A_240, %mul3A_431 : i32
            %add3A_433 = arith.addi %mul3A_432, %add3A_241 : i32
            %mul3A_434 = arith.constant 256 : i32
            %mul3A_435 = arith.muli %mul3A_434, %add3A_433 : i32
            %dma_wait3A = arith.constant 0 : i32
            %dma_wait3A_436 = arith.constant 0 : i32
            %dma_wait3A_437 = tpu.memref_slice %run_scoped3A_18[%rem3A_430, %dma_wait3A, %dma_wait3A_436] : memref<2x256x128xf32, #tpu.memory_space<vmem>> -> memref<1x256x128xf32, #tpu.memory_space<vmem>>
            %dma_wait3A_438 = tpu.memref_squeeze %dma_wait3A_437 : memref<1x256x128xf32, #tpu.memory_space<vmem>> -> memref<256x128xf32, #tpu.memory_space<vmem>>
            %dma_wait3A_439 = arith.constant 0 : i32
            %dma_wait3A_440 = tpu.memref_slice %arg4[%mul3A_435, %dma_wait3A_439] : memref<204800x128xf32, #tpu.memory_space<hbm>> -> memref<256x128xf32, #tpu.memory_space<hbm>>
            %dma_wait3A_441 = tpu.memref_slice %run_scoped3A_19[%rem3A_430] : memref<2x!tpu.dma_semaphore, #tpu.memory_space<semaphore_mem>> -> memref<1x!tpu.dma_semaphore, #tpu.memory_space<semaphore_mem>>
            %dma_wait3A_442 = tpu.memref_squeeze %dma_wait3A_441 : memref<1x!tpu.dma_semaphore, #tpu.memory_space<semaphore_mem>> -> memref<!tpu.dma_semaphore, #tpu.memory_space<semaphore_mem>>
            %dma_wait3A_443 = arith.constant 0 : i32
            %dma_wait3A_444 = tpu.memref_slice %arg4[%mul3A_435, %dma_wait3A_443] : memref<204800x128xf32, #tpu.memory_space<hbm>> -> memref<256x128xf32, #tpu.memory_space<hbm>>
            %dma_wait3A_445 = arith.constant 0 : i32
            %dma_wait3A_446 = arith.constant 0 : i32
            %dma_wait3A_447 = tpu.memref_slice %run_scoped3A_18[%rem3A_430, %dma_wait3A_445, %dma_wait3A_446] : memref<2x256x128xf32, #tpu.memory_space<vmem>> -> memref<1x256x128xf32, #tpu.memory_space<vmem>>
            %dma_wait3A_448 = tpu.memref_squeeze %dma_wait3A_447 : memref<1x256x128xf32, #tpu.memory_space<vmem>> -> memref<256x128xf32, #tpu.memory_space<vmem>>
            tpu.wait_dma2 semaphore(%dma_wait3A_442 : memref<!tpu.dma_semaphore, #tpu.memory_space<semaphore_mem>>) src(%dma_wait3A_448 : memref<256x128xf32, #tpu.memory_space<vmem>>) dst(%dma_wait3A_444 : memref<256x128xf32, #tpu.memory_space<hbm>>)
            "tpu.trace_stop"() : () -> ()
          } else {
          }
          %and3A_401 = arith.constant true
          %and3A_402 = arith.andi %and3A_397, %and3A_401 : i1
          %add3A_403 = arith.constant 1 : i32
          %add3A_404 = arith.addi %while3A_210, %add3A_403 : i32
          %select_n3A_405 = arith.select %and3A_402, %add3A_404, %while3A_210 : i32
          %ne3A_406 = arith.cmpi ne, %add3A_221, %add3A_257 : i32
          %ne3A_407 = arith.cmpi ne, %add3A_222, %add3A_258 : i32
          %or3A_408 = arith.constant false
          %or3A_409 = arith.ori %or3A_408, %ne3A_406 : i1
          %or3A_410 = arith.ori %or3A_409, %ne3A_407 : i1
          %or3A_411 = arith.ori %or3A_410, %eq3A_219 : i1
          %add3A_412 = arith.constant 1 : i32
          %add3A_413 = arith.addi %while3A_208, %add3A_412 : i32
          %select_n3A_414 = arith.select %or3A_411, %add3A_413, %while3A_208 : i32
          %add3A_415 = arith.constant 1 : i32
          %add3A_416 = arith.addi %while3A_212, %add3A_415 : i32
          %select_n3A_417 = arith.constant true
          %select_n3A_418 = arith.select %select_n3A_417, %add3A_416, %while3A_212 : i32
          %eq3A_419 = arith.cmpi eq, %select_n3A_418, %select_n3A : i32
          %select_n3A_420 = arith.constant 0 : i32
          %select_n3A_421 = arith.select %eq3A_419, %select_n3A_420, %select_n3A_418 : i32
          %add3A_422 = arith.constant 1 : i32
          %add3A_423 = arith.addi %while3A_211, %add3A_422 : i32
          %select_n3A_424 = arith.select %eq3A_419, %add3A_423, %while3A_211 : i32
          %eq3A_425 = arith.constant 4 : i32
          %eq3A_426 = arith.cmpi eq, %select_n3A_424, %eq3A_425 : i32
          %select_n3A_427 = arith.constant 0 : i32
          %select_n3A_428 = arith.select %eq3A_426, %select_n3A_427, %select_n3A_424 : i32
          scf.yield %select_n3A_291, %select_n3A_414, %select_n3A_370, %select_n3A_405, %select_n3A_428, %select_n3A_421 : i32, i32, i32, i32, i32, i32
        }
        %sub3A_119 = arith.constant 1 : i32
        %sub3A_120 = arith.subi %while3A_118#5, %sub3A_119 : i32
        %select_n3A_121 = arith.constant true
        %select_n3A_122 = arith.select %select_n3A_121, %sub3A_120, %while3A_118#5 : i32
        %eq3A_123 = arith.constant -1 : i32
        %eq3A_124 = arith.cmpi eq, %select_n3A_122, %eq3A_123 : i32
        %sub3A_125 = arith.constant 1 : i32
        %sub3A_126 = arith.subi %select_n3A, %sub3A_125 : i32
        %select_n3A_127 = arith.select %eq3A_124, %sub3A_126, %select_n3A_122 : i32
        %sub3A_128 = arith.constant 1 : i32
        %sub3A_129 = arith.subi %while3A_118#4, %sub3A_128 : i32
        %select_n3A_130 = arith.select %eq3A_124, %sub3A_129, %while3A_118#4 : i32
        %eq3A_131 = arith.constant -1 : i32
        %eq3A_132 = arith.cmpi eq, %select_n3A_130, %eq3A_131 : i32
        %select_n3A_133 = arith.constant 3 : i32
        %select_n3A_134 = arith.select %eq3A_132, %select_n3A_133, %select_n3A_130 : i32
        %sub3A_135 = arith.constant 1 : i32
        %sub3A_136 = arith.subi %mul3A_16, %sub3A_135 : i32
        %mul3A_137 = arith.constant 4 : i32
        %mul3A_138 = arith.muli %mul3A_137, %select_n3A : i32
        %eq3A_139 = arith.constant 0 : i32
        %eq3A_140 = arith.cmpi eq, %sub3A_136, %eq3A_139 : i32
        %sub3A_141 = arith.constant 1 : i32
        %sub3A_142 = arith.subi %mul3A_138, %sub3A_141 : i32
        %eq3A_143 = arith.cmpi eq, %sub3A_136, %sub3A_142 : i32
        %add3A_144 = arith.constant 0 : i32
        %add3A_145 = arith.addi %select_n3A_134, %add3A_144 : i32
        %add3A_146 = arith.addi %select_n3A_127, %select_n3A_14 : i32
        %sub3A_147 = arith.constant 1 : i32
        %sub3A_148 = arith.subi %select_n3A_127, %sub3A_147 : i32
        %select_n3A_149 = arith.constant true
        %select_n3A_150 = arith.select %select_n3A_149, %sub3A_148, %select_n3A_127 : i32
        %eq3A_151 = arith.constant -1 : i32
        %eq3A_152 = arith.cmpi eq, %select_n3A_150, %eq3A_151 : i32
        %sub3A_153 = arith.constant 1 : i32
        %sub3A_154 = arith.subi %select_n3A, %sub3A_153 : i32
        %select_n3A_155 = arith.select %eq3A_152, %sub3A_154, %select_n3A_150 : i32
        %sub3A_156 = arith.constant 1 : i32
        %sub3A_157 = arith.subi %select_n3A_134, %sub3A_156 : i32
        %select_n3A_158 = arith.select %eq3A_152, %sub3A_157, %select_n3A_134 : i32
        %eq3A_159 = arith.constant -1 : i32
        %eq3A_160 = arith.cmpi eq, %select_n3A_158, %eq3A_159 : i32
        %select_n3A_161 = arith.constant 3 : i32
        %select_n3A_162 = arith.select %eq3A_160, %select_n3A_161, %select_n3A_158 : i32
        %add3A_163 = arith.constant 0 : i32
        %add3A_164 = arith.addi %select_n3A_162, %add3A_163 : i32
        %add3A_165 = arith.addi %select_n3A_155, %select_n3A_14 : i32
        %add3A_166 = arith.constant 1 : i32
        %add3A_167 = arith.addi %select_n3A_127, %add3A_166 : i32
        %select_n3A_168 = arith.constant true
        %select_n3A_169 = arith.select %select_n3A_168, %add3A_167, %select_n3A_127 : i32
        %eq3A_170 = arith.cmpi eq, %select_n3A_169, %select_n3A : i32
        %select_n3A_171 = arith.constant 0 : i32
        %select_n3A_172 = arith.select %eq3A_170, %select_n3A_171, %select_n3A_169 : i32
        %add3A_173 = arith.constant 1 : i32
        %add3A_174 = arith.addi %select_n3A_134, %add3A_173 : i32
        %select_n3A_175 = arith.select %eq3A_170, %add3A_174, %select_n3A_134 : i32
        %eq3A_176 = arith.constant 4 : i32
        %eq3A_177 = arith.cmpi eq, %select_n3A_175, %eq3A_176 : i32
        %select_n3A_178 = arith.constant 0 : i32
        %select_n3A_179 = arith.select %eq3A_177, %select_n3A_178, %select_n3A_175 : i32
        %add3A_180 = arith.constant 0 : i32
        %add3A_181 = arith.addi %select_n3A_179, %add3A_180 : i32
        %add3A_182 = arith.addi %select_n3A_172, %select_n3A_14 : i32
        %add3A_183 = arith.constant 1 : i32
        %add3A_184 = arith.addi %select_n3A_172, %add3A_183 : i32
        %select_n3A_185 = arith.constant true
        %select_n3A_186 = arith.select %select_n3A_185, %add3A_184, %select_n3A_172 : i32
        %eq3A_187 = arith.cmpi eq, %select_n3A_186, %select_n3A : i32
        %select_n3A_188 = arith.constant 0 : i32
        %select_n3A_189 = arith.select %eq3A_187, %select_n3A_188, %select_n3A_186 : i32
        %add3A_190 = arith.constant 1 : i32
        %add3A_191 = arith.addi %select_n3A_179, %add3A_190 : i32
        %select_n3A_192 = arith.select %eq3A_187, %add3A_191, %select_n3A_179 : i32
        %eq3A_193 = arith.constant 4 : i32
        %eq3A_194 = arith.cmpi eq, %select_n3A_192, %eq3A_193 : i32
        %select_n3A_195 = arith.constant 0 : i32
        %select_n3A_196 = arith.select %eq3A_194, %select_n3A_195, %select_n3A_192 : i32
        %add3A_197 = arith.constant 0 : i32
        %add3A_198 = arith.addi %select_n3A_196, %add3A_197 : i32
        %add3A_199 = arith.addi %select_n3A_189, %select_n3A_14 : i32
        %convert_element_type3A_200 = arith.extui %eq3A_143 : i1 to i32
        %cond3A_201 = arith.constant 0 : i32
        %cond3A_202 = arith.cmpi ne, %convert_element_type3A_200, %cond3A_201 : i32
        scf.if %cond3A_202 {
        } else {
        }
        %convert_element_type3A_203 = arith.extui %eq3A_143 : i1 to i32
        %cond3A_204 = arith.constant 0 : i32
        %cond3A_205 = arith.cmpi ne, %convert_element_type3A_203, %cond3A_204 : i32
        scf.if %cond3A_205 {
          "tpu.trace_start"() <{level = 10 : i32, message = "ep_finalize"}> : () -> ()
          %rem3A_206 = arith.constant 2 : i32
          %rem3A_207 = arith.remui %while3A_118#3, %rem3A_206 : i32
          %mul3A_208 = arith.constant 200 : i32
          %mul3A_209 = arith.muli %add3A_145, %mul3A_208 : i32
          %add3A_210 = arith.addi %mul3A_209, %add3A_146 : i32
          %mul3A_211 = arith.constant 256 : i32
          %mul3A_212 = arith.muli %mul3A_211, %add3A_210 : i32
          %dma_wait3A = arith.constant 0 : i32
          %dma_wait3A_213 = arith.constant 0 : i32
          %dma_wait3A_214 = tpu.memref_slice %run_scoped3A_18[%rem3A_207, %dma_wait3A, %dma_wait3A_213] : memref<2x256x128xf32, #tpu.memory_space<vmem>> -> memref<1x256x128xf32, #tpu.memory_space<vmem>>
          %dma_wait3A_215 = tpu.memref_squeeze %dma_wait3A_214 : memref<1x256x128xf32, #tpu.memory_space<vmem>> -> memref<256x128xf32, #tpu.memory_space<vmem>>
          %dma_wait3A_216 = arith.constant 0 : i32
          %dma_wait3A_217 = tpu.memref_slice %arg4[%mul3A_212, %dma_wait3A_216] : memref<204800x128xf32, #tpu.memory_space<hbm>> -> memref<256x128xf32, #tpu.memory_space<hbm>>
          %dma_wait3A_218 = tpu.memref_slice %run_scoped3A_19[%rem3A_207] : memref<2x!tpu.dma_semaphore, #tpu.memory_space<semaphore_mem>> -> memref<1x!tpu.dma_semaphore, #tpu.memory_space<semaphore_mem>>
          %dma_wait3A_219 = tpu.memref_squeeze %dma_wait3A_218 : memref<1x!tpu.dma_semaphore, #tpu.memory_space<semaphore_mem>> -> memref<!tpu.dma_semaphore, #tpu.memory_space<semaphore_mem>>
          %dma_wait3A_220 = arith.constant 0 : i32
          %dma_wait3A_221 = tpu.memref_slice %arg4[%mul3A_212, %dma_wait3A_220] : memref<204800x128xf32, #tpu.memory_space<hbm>> -> memref<256x128xf32, #tpu.memory_space<hbm>>
          %dma_wait3A_222 = arith.constant 0 : i32
          %dma_wait3A_223 = arith.constant 0 : i32
          %dma_wait3A_224 = tpu.memref_slice %run_scoped3A_18[%rem3A_207, %dma_wait3A_222, %dma_wait3A_223] : memref<2x256x128xf32, #tpu.memory_space<vmem>> -> memref<1x256x128xf32, #tpu.memory_space<vmem>>
          %dma_wait3A_225 = tpu.memref_squeeze %dma_wait3A_224 : memref<1x256x128xf32, #tpu.memory_space<vmem>> -> memref<256x128xf32, #tpu.memory_space<vmem>>
          tpu.wait_dma2 semaphore(%dma_wait3A_219 : memref<!tpu.dma_semaphore, #tpu.memory_space<semaphore_mem>>) src(%dma_wait3A_225 : memref<256x128xf32, #tpu.memory_space<vmem>>) dst(%dma_wait3A_221 : memref<256x128xf32, #tpu.memory_space<hbm>>)
          "tpu.trace_stop"() : () -> ()
        } else {
        }
      } else {
      }
      tpu.yield
    }) : () -> ()
    return
  }
}

#map = affine_map<(d0, d1) -> (0, 0)>
module attributes {stable_mosaic.version = 14 : i64} {
  func.func @_gather(%arg0: i32, %arg1: i32, %arg2: memref<100000x128xf32, #tpu.memory_space<hbm>>, %arg3: memref<4x51200xi32, #tpu.memory_space<hbm>>, %arg4: memref<204800x128xf32, #tpu.memory_space<hbm>>) attributes {dimension_semantics = [#tpu.dimension_semantics<core_parallel>, #tpu.dimension_semantics<subcore_parallel>], iteration_bounds = array<i64: 2, 16>, scalar_prefetch = 0 : i64, scratch_operands = 0 : i64, tpu.core_type = #tpu.core_type<sc_vector_subcore>, window_params = [{transform_indices = #map}, {transform_indices = #map}, {transform_indices = #map}]} {
    %mul3A = arith.constant 1 : i32
    %mul3A_0 = arith.muli %arg1, %mul3A : i32
    %add3A = arith.constant 0 : i32
    %add3A_1 = arith.addi %add3A, %mul3A_0 : i32
    %mul3A_2 = arith.constant 16 : i32
    %mul3A_3 = arith.muli %arg0, %mul3A_2 : i32
    %add3A_4 = arith.addi %add3A_1, %mul3A_3 : i32
    %lt3A = arith.constant 8 : i32
    %lt3A_5 = arith.cmpi slt, %add3A_4, %lt3A : i32
    %jit3A = arith.constant 7 : i32
    %jit3A_6 = arith.constant 6 : i32
    %select_n3A = arith.select %lt3A_5, %jit3A, %jit3A_6 : i32
    %lt3A_7 = arith.constant 8 : i32
    %lt3A_8 = arith.cmpi slt, %add3A_4, %lt3A_7 : i32
    %mul3A_9 = arith.muli %add3A_4, %select_n3A : i32
    %mul3A_10 = arith.constant 6 : i32
    %mul3A_11 = arith.muli %add3A_4, %mul3A_10 : i32
    %add3A_12 = arith.constant 8 : i32
    %add3A_13 = arith.addi %mul3A_11, %add3A_12 : i32
    %select_n3A_14 = arith.select %lt3A_8, %mul3A_9, %add3A_13 : i32
    %mul3A_15 = arith.constant 4 : i32
    %mul3A_16 = arith.muli %mul3A_15, %select_n3A : i32
    "tpu.region"() ({
      %run_scoped3A = memref.alloca() : memref<2x1x256xi32, #tpu.memory_space<vmem>>
      %run_scoped3A_17 = tpu.sem_alloc : memref<2x!tpu.dma_semaphore, #tpu.memory_space<semaphore_mem>>
      %run_scoped3A_18 = memref.alloca() : memref<2x256x128xf32, #tpu.memory_space<vmem>>
      %run_scoped3A_19 = tpu.sem_alloc : memref<2x!tpu.dma_semaphore, #tpu.memory_space<semaphore_mem>>
      %gt3A = arith.constant 0 : i32
      %gt3A_20 = arith.cmpi sgt, %mul3A_16, %gt3A : i32
      %convert_element_type3A = arith.extui %gt3A_20 : i1 to i32
      %cond3A = arith.constant 0 : i32
      %cond3A_21 = arith.cmpi ne, %convert_element_type3A, %cond3A : i32
      scf.if %cond3A_21 {
        %mul3A_22 = arith.constant 4 : i32
        %mul3A_23 = arith.muli %mul3A_22, %select_n3A : i32
        %sub3A = arith.constant 1 : i32
        %sub3A_24 = arith.subi %mul3A_23, %sub3A : i32
        %eq3A = arith.constant 0 : i32
        %eq3A_25 = arith.cmpi eq, %sub3A_24, %eq3A : i32
        %add3A_26 = arith.constant 0 : i32
        %add3A_27 = arith.addi %add3A_26, %select_n3A_14 : i32
        %select_n3A_28 = arith.constant true
        %select_n3A_29 = arith.constant 0 : i32
        %select_n3A_30 = arith.constant -1 : i32
        %select_n3A_31 = arith.select %select_n3A_28, %select_n3A_30, %select_n3A_29 : i32
        %eq3A_32 = arith.constant -1 : i32
        %eq3A_33 = arith.cmpi eq, %select_n3A_31, %eq3A_32 : i32
        %sub3A_34 = arith.constant 1 : i32
        %sub3A_35 = arith.subi %select_n3A, %sub3A_34 : i32
        %select_n3A_36 = arith.select %eq3A_33, %sub3A_35, %select_n3A_31 : i32
        %select_n3A_37 = arith.constant 0 : i32
        %select_n3A_38 = arith.constant -1 : i32
        %select_n3A_39 = arith.select %eq3A_33, %select_n3A_38, %select_n3A_37 : i32
        %eq3A_40 = arith.constant -1 : i32
        %eq3A_41 = arith.cmpi eq, %select_n3A_39, %eq3A_40 : i32
        %select_n3A_42 = arith.constant 3 : i32
        %select_n3A_43 = arith.select %eq3A_41, %select_n3A_42, %select_n3A_39 : i32
        %add3A_44 = arith.constant 0 : i32
        %add3A_45 = arith.addi %select_n3A_43, %add3A_44 : i32
        %add3A_46 = arith.addi %select_n3A_36, %select_n3A_14 : i32
        %select_n3A_47 = arith.constant true
        %select_n3A_48 = arith.constant 0 : i32
        %select_n3A_49 = arith.constant 1 : i32
        %select_n3A_50 = arith.select %select_n3A_47, %select_n3A_49, %select_n3A_48 : i32
        %eq3A_51 = arith.cmpi eq, %select_n3A_50, %select_n3A : i32
        %select_n3A_52 = arith.constant 0 : i32
        %select_n3A_53 = arith.select %eq3A_51, %select_n3A_52, %select_n3A_50 : i32
        %select_n3A_54 = arith.constant 0 : i32
        %select_n3A_55 = arith.constant 1 : i32
        %select_n3A_56 = arith.select %eq3A_51, %select_n3A_55, %select_n3A_54 : i32
        %eq3A_57 = arith.constant 4 : i32
        %eq3A_58 = arith.cmpi eq, %select_n3A_56, %eq3A_57 : i32
        %select_n3A_59 = arith.constant 0 : i32
        %select_n3A_60 = arith.select %eq3A_58, %select_n3A_59, %select_n3A_56 : i32
        %add3A_61 = arith.constant 0 : i32
        %add3A_62 = arith.addi %select_n3A_60, %add3A_61 : i32
        %add3A_63 = arith.addi %select_n3A_53, %select_n3A_14 : i32
        %add3A_64 = arith.constant 1 : i32
        %add3A_65 = arith.addi %select_n3A_53, %add3A_64 : i32
        %select_n3A_66 = arith.constant true
        %select_n3A_67 = arith.select %select_n3A_66, %add3A_65, %select_n3A_53 : i32
        %eq3A_68 = arith.cmpi eq, %select_n3A_67, %select_n3A : i32
        %select_n3A_69 = arith.constant 0 : i32
        %select_n3A_70 = arith.select %eq3A_68, %select_n3A_69, %select_n3A_67 : i32
        %add3A_71 = arith.constant 1 : i32
        %add3A_72 = arith.addi %select_n3A_60, %add3A_71 : i32
        %select_n3A_73 = arith.select %eq3A_68, %add3A_72, %select_n3A_60 : i32
        %eq3A_74 = arith.constant 4 : i32
        %eq3A_75 = arith.cmpi eq, %select_n3A_73, %eq3A_74 : i32
        %select_n3A_76 = arith.constant 0 : i32
        %select_n3A_77 = arith.select %eq3A_75, %select_n3A_76, %select_n3A_73 : i32
        %add3A_78 = arith.constant 0 : i32
        %add3A_79 = arith.addi %select_n3A_77, %add3A_78 : i32
        %add3A_80 = arith.addi %select_n3A_70, %select_n3A_14 : i32
        "tpu.trace_start"() <{level = 10 : i32, message = "ep_initialize_0"}> : () -> ()
        %rem3A = arith.constant 0 : i32
        %rem3A_81 = arith.constant 2 : i32
        %rem3A_82 = arith.remui %rem3A, %rem3A_81 : i32
        %mul3A_83 = arith.constant 256 : i32
        %mul3A_84 = arith.muli %mul3A_83, %add3A_27 : i32
        %dma_start3A = arith.constant 0 : i32
        %dma_start3A_85 = arith.constant 0 : i32
        %dma_start3A_86 = tpu.memref_slice %run_scoped3A[%rem3A_82, %dma_start3A, %dma_start3A_85] : memref<2x1x256xi32, #tpu.memory_space<vmem>> -> memref<1x1x256xi32, #tpu.memory_space<vmem>>
        %dma_start3A_87 = tpu.memref_squeeze %dma_start3A_86 : memref<1x1x256xi32, #tpu.memory_space<vmem>> -> memref<1x256xi32, #tpu.memory_space<vmem>>
        %dma_start3A_88 = arith.constant 0 : i32
        %dma_start3A_89 = tpu.memref_slice %arg3[%dma_start3A_88, %mul3A_84] : memref<4x51200xi32, #tpu.memory_space<hbm>> -> memref<1x256xi32, #tpu.memory_space<hbm>>
        %dma_start3A_90 = tpu.memref_slice %run_scoped3A_17[%rem3A_82] : memref<2x!tpu.dma_semaphore, #tpu.memory_space<semaphore_mem>> -> memref<1x!tpu.dma_semaphore, #tpu.memory_space<semaphore_mem>>
        %dma_start3A_91 = tpu.memref_squeeze %dma_start3A_90 : memref<1x!tpu.dma_semaphore, #tpu.memory_space<semaphore_mem>> -> memref<!tpu.dma_semaphore, #tpu.memory_space<semaphore_mem>>
        %dma_start3A_92 = arith.constant 0 : i32
        %dma_start3A_93 = arith.constant 0 : i32
        %dma_start3A_94 = tpu.memref_slice %run_scoped3A[%rem3A_82, %dma_start3A_92, %dma_start3A_93] : memref<2x1x256xi32, #tpu.memory_space<vmem>> -> memref<1x1x256xi32, #tpu.memory_space<vmem>>
        %dma_start3A_95 = tpu.memref_squeeze %dma_start3A_94 : memref<1x1x256xi32, #tpu.memory_space<vmem>> -> memref<1x256xi32, #tpu.memory_space<vmem>>
        %dma_start3A_96 = arith.constant 0 : i32
        %dma_start3A_97 = tpu.memref_slice %arg3[%dma_start3A_96, %mul3A_84] : memref<4x51200xi32, #tpu.memory_space<hbm>> -> memref<1x256xi32, #tpu.memory_space<hbm>>
        tpu.enqueue_dma source(%dma_start3A_97 : memref<1x256xi32, #tpu.memory_space<hbm>>) target(%dma_start3A_95 : memref<1x256xi32, #tpu.memory_space<vmem>>) target_semaphore(%dma_start3A_91 : memref<!tpu.dma_semaphore, #tpu.memory_space<semaphore_mem>>)
        %add3A_98 = arith.constant 0 : i32
        %add3A_99 = arith.constant 1 : i32
        %add3A_100 = arith.addi %add3A_98, %add3A_99 : i32
        %select_n3A_101 = arith.constant true
        %select_n3A_102 = arith.constant 0 : i32
        %select_n3A_103 = arith.select %select_n3A_101, %add3A_100, %select_n3A_102 : i32
        %while3A = arith.constant 0 : i32
        %while3A_104 = arith.constant 0 : i32
        %while3A_105 = arith.constant 0 : i32
        %while3A_106 = arith.constant 0 : i32
        %while3A_107 = arith.constant 0 : i32
        %while3A_108 = arith.constant 0 : i32
        "tpu.trace_stop"() : () -> ()
        %while3A_109 = arith.subi %mul3A_16, %while3A : i32
        %while3A_110 = arith.addi %while3A, %while3A_109 : i32
        %while3A_111 = arith.constant 1 : i32
        %while3A_112 = arith.divsi %while3A_109, %while3A_111 : i32
        %while3A_113 = arith.muli %while3A_112, %while3A_111 : i32
        %while3A_114 = arith.addi %while3A, %while3A_113 : i32
        %while3A_115 = arith.constant 1 : i32
        %while3A_116:6 = scf.for %while3A_206 = %while3A to %while3A_114 step %while3A_115 iter_args(%while3A_207 = %select_n3A_103, %while3A_208 = %while3A_104, %while3A_209 = %while3A_105, %while3A_210 = %while3A_106, %while3A_211 = %while3A_107, %while3A_212 = %while3A_108) -> (i32, i32, i32, i32, i32, i32)  : i32 {
          %mul3A_213 = arith.constant 4 : i32
          %mul3A_214 = arith.muli %mul3A_213, %select_n3A : i32
          %eq3A_215 = arith.constant 0 : i32
          %eq3A_216 = arith.cmpi eq, %while3A_206, %eq3A_215 : i32
          %sub3A_217 = arith.constant 1 : i32
          %sub3A_218 = arith.subi %mul3A_214, %sub3A_217 : i32
          %eq3A_219 = arith.cmpi eq, %while3A_206, %sub3A_218 : i32
          %add3A_220 = arith.constant 0 : i32
          %add3A_221 = arith.addi %while3A_211, %add3A_220 : i32
          %add3A_222 = arith.addi %while3A_212, %select_n3A_14 : i32
          %sub3A_223 = arith.constant 1 : i32
          %sub3A_224 = arith.subi %while3A_212, %sub3A_223 : i32
          %select_n3A_225 = arith.constant true
          %select_n3A_226 = arith.select %select_n3A_225, %sub3A_224, %while3A_212 : i32
          %eq3A_227 = arith.constant -1 : i32
          %eq3A_228 = arith.cmpi eq, %select_n3A_226, %eq3A_227 : i32
          %sub3A_229 = arith.constant 1 : i32
          %sub3A_230 = arith.subi %select_n3A, %sub3A_229 : i32
          %select_n3A_231 = arith.select %eq3A_228, %sub3A_230, %select_n3A_226 : i32
          %sub3A_232 = arith.constant 1 : i32
          %sub3A_233 = arith.subi %while3A_211, %sub3A_232 : i32
          %select_n3A_234 = arith.select %eq3A_228, %sub3A_233, %while3A_211 : i32
          %eq3A_235 = arith.constant -1 : i32
          %eq3A_236 = arith.cmpi eq, %select_n3A_234, %eq3A_235 : i32
          %select_n3A_237 = arith.constant 3 : i32
          %select_n3A_238 = arith.select %eq3A_236, %select_n3A_237, %select_n3A_234 : i32
          %add3A_239 = arith.constant 0 : i32
          %add3A_240 = arith.addi %select_n3A_238, %add3A_239 : i32
          %add3A_241 = arith.addi %select_n3A_231, %select_n3A_14 : i32
          %add3A_242 = arith.constant 1 : i32
          %add3A_243 = arith.addi %while3A_212, %add3A_242 : i32
          %select_n3A_244 = arith.constant true
          %select_n3A_245 = arith.select %select_n3A_244, %add3A_243, %while3A_212 : i32
          %eq3A_246 = arith.cmpi eq, %select_n3A_245, %select_n3A : i32
          %select_n3A_247 = arith.constant 0 : i32
          %select_n3A_248 = arith.select %eq3A_246, %select_n3A_247, %select_n3A_245 : i32
          %add3A_249 = arith.constant 1 : i32
          %add3A_250 = arith.addi %while3A_211, %add3A_249 : i32
          %select_n3A_251 = arith.select %eq3A_246, %add3A_250, %while3A_211 : i32
          %eq3A_252 = arith.constant 4 : i32
          %eq3A_253 = arith.cmpi eq, %select_n3A_251, %eq3A_252 : i32
          %select_n3A_254 = arith.constant 0 : i32
          %select_n3A_255 = arith.select %eq3A_253, %select_n3A_254, %select_n3A_251 : i32
          %add3A_256 = arith.constant 0 : i32
          %add3A_257 = arith.addi %select_n3A_255, %add3A_256 : i32
          %add3A_258 = arith.addi %select_n3A_248, %select_n3A_14 : i32
          %add3A_259 = arith.constant 1 : i32
          %add3A_260 = arith.addi %select_n3A_248, %add3A_259 : i32
          %select_n3A_261 = arith.constant true
          %select_n3A_262 = arith.select %select_n3A_261, %add3A_260, %select_n3A_248 : i32
          %eq3A_263 = arith.cmpi eq, %select_n3A_262, %select_n3A : i32
          %select_n3A_264 = arith.constant 0 : i32
          %select_n3A_265 = arith.select %eq3A_263, %select_n3A_264, %select_n3A_262 : i32
          %add3A_266 = arith.constant 1 : i32
          %add3A_267 = arith.addi %select_n3A_255, %add3A_266 : i32
          %select_n3A_268 = arith.select %eq3A_263, %add3A_267, %select_n3A_255 : i32
          %eq3A_269 = arith.constant 4 : i32
          %eq3A_270 = arith.cmpi eq, %select_n3A_268, %eq3A_269 : i32
          %select_n3A_271 = arith.constant 0 : i32
          %select_n3A_272 = arith.select %eq3A_270, %select_n3A_271, %select_n3A_268 : i32
          %add3A_273 = arith.constant 0 : i32
          %add3A_274 = arith.addi %select_n3A_272, %add3A_273 : i32
          %add3A_275 = arith.addi %select_n3A_265, %select_n3A_14 : i32
          %ne3A = arith.cmpi ne, %add3A_221, %add3A_257 : i32
          %ne3A_276 = arith.cmpi ne, %add3A_222, %add3A_258 : i32
          %or3A = arith.constant false
          %or3A_277 = arith.ori %or3A, %ne3A : i1
          %or3A_278 = arith.ori %or3A_277, %ne3A_276 : i1
          %sub3A_279 = arith.constant 2 : i32
          %sub3A_280 = arith.subi %mul3A_214, %sub3A_279 : i32
          %add3A_281 = arith.constant 1 : i32
          %add3A_282 = arith.addi %sub3A_280, %add3A_281 : i32
          %ge3A = arith.cmpi sge, %while3A_206, %add3A_282 : i32
          %not3A = arith.constant true
          %not3A_283 = arith.xori %ge3A, %not3A : i1
          %and3A = arith.andi %or3A_278, %not3A_283 : i1
          %convert_element_type3A_284 = arith.extui %and3A : i1 to i32
          %cond3A_285 = arith.constant 0 : i32
          %cond3A_286 = arith.cmpi ne, %convert_element_type3A_284, %cond3A_285 : i32
          scf.if %cond3A_286 {
            "tpu.trace_start"() <{level = 10 : i32, message = "ep_copy_in"}> : () -> ()
            %rem3A_429 = arith.constant 2 : i32
            %rem3A_430 = arith.remui %while3A_207, %rem3A_429 : i32
            %mul3A_431 = arith.constant 1 : i32
            %mul3A_432 = arith.muli %mul3A_431, %add3A_257 : i32
            %mul3A_433 = arith.constant 256 : i32
            %mul3A_434 = arith.muli %mul3A_433, %add3A_258 : i32
            %dma_start3A_435 = arith.constant 0 : i32
            %dma_start3A_436 = arith.constant 0 : i32
            %dma_start3A_437 = tpu.memref_slice %run_scoped3A[%rem3A_430, %dma_start3A_435, %dma_start3A_436] : memref<2x1x256xi32, #tpu.memory_space<vmem>> -> memref<1x1x256xi32, #tpu.memory_space<vmem>>
            %dma_start3A_438 = tpu.memref_squeeze %dma_start3A_437 : memref<1x1x256xi32, #tpu.memory_space<vmem>> -> memref<1x256xi32, #tpu.memory_space<vmem>>
            %dma_start3A_439 = tpu.memref_slice %arg3[%mul3A_432, %mul3A_434] : memref<4x51200xi32, #tpu.memory_space<hbm>> -> memref<1x256xi32, #tpu.memory_space<hbm>>
            %dma_start3A_440 = tpu.memref_slice %run_scoped3A_17[%rem3A_430] : memref<2x!tpu.dma_semaphore, #tpu.memory_space<semaphore_mem>> -> memref<1x!tpu.dma_semaphore, #tpu.memory_space<semaphore_mem>>
            %dma_start3A_441 = tpu.memref_squeeze %dma_start3A_440 : memref<1x!tpu.dma_semaphore, #tpu.memory_space<semaphore_mem>> -> memref<!tpu.dma_semaphore, #tpu.memory_space<semaphore_mem>>
            %dma_start3A_442 = arith.constant 0 : i32
            %dma_start3A_443 = arith.constant 0 : i32
            %dma_start3A_444 = tpu.memref_slice %run_scoped3A[%rem3A_430, %dma_start3A_442, %dma_start3A_443] : memref<2x1x256xi32, #tpu.memory_space<vmem>> -> memref<1x1x256xi32, #tpu.memory_space<vmem>>
            %dma_start3A_445 = tpu.memref_squeeze %dma_start3A_444 : memref<1x1x256xi32, #tpu.memory_space<vmem>> -> memref<1x256xi32, #tpu.memory_space<vmem>>
            %dma_start3A_446 = tpu.memref_slice %arg3[%mul3A_432, %mul3A_434] : memref<4x51200xi32, #tpu.memory_space<hbm>> -> memref<1x256xi32, #tpu.memory_space<hbm>>
            tpu.enqueue_dma source(%dma_start3A_446 : memref<1x256xi32, #tpu.memory_space<hbm>>) target(%dma_start3A_445 : memref<1x256xi32, #tpu.memory_space<vmem>>) target_semaphore(%dma_start3A_441 : memref<!tpu.dma_semaphore, #tpu.memory_space<semaphore_mem>>)
            "tpu.trace_stop"() : () -> ()
          } else {
          }
          %and3A_287 = arith.constant true
          %and3A_288 = arith.andi %and3A, %and3A_287 : i1
          %add3A_289 = arith.constant 1 : i32
          %add3A_290 = arith.addi %while3A_207, %add3A_289 : i32
          %select_n3A_291 = arith.select %and3A_288, %add3A_290, %while3A_207 : i32
          %mul3A_292 = arith.constant 200 : i32
          %mul3A_293 = arith.muli %add3A_221, %mul3A_292 : i32
          %add3A_294 = arith.addi %mul3A_293, %add3A_222 : i32
          %mul3A_295 = arith.constant 200 : i32
          %mul3A_296 = arith.muli %add3A_257, %mul3A_295 : i32
          %add3A_297 = arith.addi %mul3A_296, %add3A_258 : i32
          %ne3A_298 = arith.cmpi ne, %add3A_294, %add3A_297 : i32
          %or3A_299 = arith.constant false
          %or3A_300 = arith.ori %or3A_299, %ne3A_298 : i1
          %or3A_301 = arith.constant false
          %or3A_302 = arith.ori %or3A_300, %or3A_301 : i1
          %sub3A_303 = arith.constant 2 : i32
          %sub3A_304 = arith.subi %mul3A_214, %sub3A_303 : i32
          %add3A_305 = arith.constant 1 : i32
          %add3A_306 = arith.addi %sub3A_304, %add3A_305 : i32
          %ge3A_307 = arith.cmpi sge, %while3A_206, %add3A_306 : i32
          %not3A_308 = arith.constant true
          %not3A_309 = arith.xori %ge3A_307, %not3A_308 : i1
          %and3A_310 = arith.andi %or3A_302, %not3A_309 : i1
          %ne3A_311 = arith.cmpi ne, %add3A_221, %add3A_240 : i32
          %ne3A_312 = arith.cmpi ne, %add3A_222, %add3A_241 : i32
          %or3A_313 = arith.constant false
          %or3A_314 = arith.ori %or3A_313, %ne3A_311 : i1
          %or3A_315 = arith.ori %or3A_314, %ne3A_312 : i1
          %or3A_316 = arith.ori %or3A_315, %eq3A_216 : i1
          %convert_element_type3A_317 = arith.extui %or3A_316 : i1 to i32
          %cond3A_318 = arith.constant 0 : i32
          %cond3A_319 = arith.cmpi ne, %convert_element_type3A_317, %cond3A_318 : i32
          scf.if %cond3A_319 {
            "tpu.trace_start"() <{level = 10 : i32, message = "ep_wait_in"}> : () -> ()
            %mul3A_429 = arith.constant 1 : i32
            %mul3A_430 = arith.muli %mul3A_429, %add3A_221 : i32
            %mul3A_431 = arith.constant 256 : i32
            %mul3A_432 = arith.muli %mul3A_431, %add3A_222 : i32
            %rem3A_433 = arith.constant 2 : i32
            %rem3A_434 = arith.remui %while3A_208, %rem3A_433 : i32
            %dma_wait3A = arith.constant 0 : i32
            %dma_wait3A_435 = arith.constant 0 : i32
            %dma_wait3A_436 = tpu.memref_slice %run_scoped3A[%rem3A_434, %dma_wait3A, %dma_wait3A_435] : memref<2x1x256xi32, #tpu.memory_space<vmem>> -> memref<1x1x256xi32, #tpu.memory_space<vmem>>
            %dma_wait3A_437 = tpu.memref_squeeze %dma_wait3A_436 : memref<1x1x256xi32, #tpu.memory_space<vmem>> -> memref<1x256xi32, #tpu.memory_space<vmem>>
            %dma_wait3A_438 = tpu.memref_slice %arg3[%mul3A_430, %mul3A_432] : memref<4x51200xi32, #tpu.memory_space<hbm>> -> memref<1x256xi32, #tpu.memory_space<hbm>>
            %dma_wait3A_439 = tpu.memref_slice %run_scoped3A_17[%rem3A_434] : memref<2x!tpu.dma_semaphore, #tpu.memory_space<semaphore_mem>> -> memref<1x!tpu.dma_semaphore, #tpu.memory_space<semaphore_mem>>
            %dma_wait3A_440 = tpu.memref_squeeze %dma_wait3A_439 : memref<1x!tpu.dma_semaphore, #tpu.memory_space<semaphore_mem>> -> memref<!tpu.dma_semaphore, #tpu.memory_space<semaphore_mem>>
            %dma_wait3A_441 = arith.constant 0 : i32
            %dma_wait3A_442 = arith.constant 0 : i32
            %dma_wait3A_443 = tpu.memref_slice %run_scoped3A[%rem3A_434, %dma_wait3A_441, %dma_wait3A_442] : memref<2x1x256xi32, #tpu.memory_space<vmem>> -> memref<1x1x256xi32, #tpu.memory_space<vmem>>
            %dma_wait3A_444 = tpu.memref_squeeze %dma_wait3A_443 : memref<1x1x256xi32, #tpu.memory_space<vmem>> -> memref<1x256xi32, #tpu.memory_space<vmem>>
            %dma_wait3A_445 = tpu.memref_slice %arg3[%mul3A_430, %mul3A_432] : memref<4x51200xi32, #tpu.memory_space<hbm>> -> memref<1x256xi32, #tpu.memory_space<hbm>>
            tpu.wait_dma2 semaphore(%dma_wait3A_440 : memref<!tpu.dma_semaphore, #tpu.memory_space<semaphore_mem>>) src(%dma_wait3A_445 : memref<1x256xi32, #tpu.memory_space<hbm>>) dst(%dma_wait3A_444 : memref<1x256xi32, #tpu.memory_space<vmem>>)
            "tpu.trace_stop"() : () -> ()
          } else {
          }
          %mul3A_320 = arith.constant 200 : i32
          %mul3A_321 = arith.muli %add3A_221, %mul3A_320 : i32
          %add3A_322 = arith.addi %mul3A_321, %add3A_222 : i32
          %mul3A_323 = arith.constant 200 : i32
          %mul3A_324 = arith.muli %add3A_240, %mul3A_323 : i32
          %add3A_325 = arith.addi %mul3A_324, %add3A_241 : i32
          %ne3A_326 = arith.cmpi ne, %add3A_322, %add3A_325 : i32
          %or3A_327 = arith.constant false
          %or3A_328 = arith.ori %or3A_327, %ne3A_326 : i1
          %or3A_329 = arith.constant false
          %or3A_330 = arith.ori %or3A_328, %or3A_329 : i1
          %or3A_331 = arith.ori %or3A_330, %eq3A_216 : i1
          %convert_element_type3A_332 = arith.extui %or3A_331 : i1 to i32
          %cond3A_333 = arith.constant 0 : i32
          %cond3A_334 = arith.cmpi ne, %convert_element_type3A_332, %cond3A_333 : i32
          scf.if %cond3A_334 {
          } else {
          }
          %rem3A_335 = arith.constant 2 : i32
          %rem3A_336 = arith.remui %while3A_208, %rem3A_335 : i32
          %rem3A_337 = arith.constant 2 : i32
          %rem3A_338 = arith.remui %while3A_209, %rem3A_337 : i32
          %run_scoped3A_339 = arith.constant 0 : i32
          "tpu.trace_start"() <{level = 10 : i32, message = "ep_run_kernel"}> : () -> ()
          "tpu.region"() ({
            %run_scoped3A_429 = tpu.sem_alloc : memref<!tpu.dma_semaphore, #tpu.memory_space<semaphore_mem>>
            %dma_start3A_430 = arith.constant 0 : i32
            %dma_start3A_431 = arith.constant 0 : i32
            %dma_start3A_432 = tpu.memref_slice %run_scoped3A_18[%rem3A_338, %dma_start3A_430, %dma_start3A_431] : memref<2x256x128xf32, #tpu.memory_space<vmem>> -> memref<1x256x128xf32, #tpu.memory_space<vmem>>
            %dma_start3A_433 = tpu.memref_squeeze %dma_start3A_432 : memref<1x256x128xf32, #tpu.memory_space<vmem>> -> memref<256x128xf32, #tpu.memory_space<vmem>>
            %dma_start3A_434 = arith.constant 0 : i32
            %dma_start3A_435 = arith.constant 0 : i32
            %dma_start3A_436 = tpu.memref_slice %run_scoped3A[%rem3A_336, %dma_start3A_434, %dma_start3A_435] : memref<2x1x256xi32, #tpu.memory_space<vmem>> -> memref<1x1x256xi32, #tpu.memory_space<vmem>>
            %dma_start3A_437 = tpu.memref_squeeze %dma_start3A_436 : memref<1x1x256xi32, #tpu.memory_space<vmem>> -> memref<1x256xi32, #tpu.memory_space<vmem>>
            %dma_start3A_438 = arith.constant 0 : i32
            %dma_start3A_439 = tpu.memref_slice %dma_start3A_437[%run_scoped3A_339, %dma_start3A_438] : memref<1x256xi32, #tpu.memory_space<vmem>> -> memref<1x256xi32, #tpu.memory_space<vmem>>
            %dma_start3A_440 = tpu.memref_squeeze %dma_start3A_439 : memref<1x256xi32, #tpu.memory_space<vmem>> -> memref<256xi32, #tpu.memory_space<vmem>>
            %dma_start3A_441 = arith.constant 0 : i32
            %dma_start3A_442 = arith.constant 0 : i32
            %dma_start3A_443 = tpu.memref_slice %arg2[%dma_start3A_441, %dma_start3A_442] : memref<100000x128xf32, #tpu.memory_space<hbm>> -> memref<100000x128xf32, #tpu.memory_space<hbm>>
            tpu.enqueue_indirect_dma source(%dma_start3A_443 : memref<100000x128xf32, #tpu.memory_space<hbm>>) target(%dma_start3A_433 : memref<256x128xf32, #tpu.memory_space<vmem>>) offsets(%dma_start3A_440 : memref<256xi32, #tpu.memory_space<vmem>>) semaphore(%run_scoped3A_429 : memref<!tpu.dma_semaphore, #tpu.memory_space<semaphore_mem>>)
            %dma_wait3A = arith.constant 0 : i32
            %dma_wait3A_444 = arith.constant 0 : i32
            %dma_wait3A_445 = tpu.memref_slice %run_scoped3A_18[%rem3A_338, %dma_wait3A, %dma_wait3A_444] : memref<2x256x128xf32, #tpu.memory_space<vmem>> -> memref<1x256x128xf32, #tpu.memory_space<vmem>>
            %dma_wait3A_446 = tpu.memref_squeeze %dma_wait3A_445 : memref<1x256x128xf32, #tpu.memory_space<vmem>> -> memref<256x128xf32, #tpu.memory_space<vmem>>
            %dma_wait3A_447 = arith.constant 0 : i32
            %dma_wait3A_448 = arith.constant 0 : i32
            %dma_wait3A_449 = tpu.memref_slice %run_scoped3A[%rem3A_336, %dma_wait3A_447, %dma_wait3A_448] : memref<2x1x256xi32, #tpu.memory_space<vmem>> -> memref<1x1x256xi32, #tpu.memory_space<vmem>>
            %dma_wait3A_450 = tpu.memref_squeeze %dma_wait3A_449 : memref<1x1x256xi32, #tpu.memory_space<vmem>> -> memref<1x256xi32, #tpu.memory_space<vmem>>
            %dma_wait3A_451 = arith.constant 0 : i32
            %dma_wait3A_452 = tpu.memref_slice %dma_wait3A_450[%run_scoped3A_339, %dma_wait3A_451] : memref<1x256xi32, #tpu.memory_space<vmem>> -> memref<1x256xi32, #tpu.memory_space<vmem>>
            %dma_wait3A_453 = tpu.memref_squeeze %dma_wait3A_452 : memref<1x256xi32, #tpu.memory_space<vmem>> -> memref<256xi32, #tpu.memory_space<vmem>>
            %dma_wait3A_454 = arith.constant 0 : i32
            %dma_wait3A_455 = arith.constant 0 : i32
            %dma_wait3A_456 = tpu.memref_slice %arg2[%dma_wait3A_454, %dma_wait3A_455] : memref<100000x128xf32, #tpu.memory_space<hbm>> -> memref<100000x128xf32, #tpu.memory_space<hbm>>
            tpu.wait_indirect_dma semaphore(%run_scoped3A_429 : memref<!tpu.dma_semaphore, #tpu.memory_space<semaphore_mem>>) src(%dma_wait3A_456 : memref<100000x128xf32, #tpu.memory_space<hbm>>) dst(%dma_wait3A_446 : memref<256x128xf32, #tpu.memory_space<vmem>>)
            tpu.yield
          }) : () -> ()
          "tpu.trace_stop"() : () -> ()
          %ne3A_340 = arith.cmpi ne, %add3A_221, %add3A_257 : i32
          %ne3A_341 = arith.cmpi ne, %add3A_222, %add3A_258 : i32
          %or3A_342 = arith.constant false
          %or3A_343 = arith.ori %or3A_342, %ne3A_340 : i1
          %or3A_344 = arith.ori %or3A_343, %ne3A_341 : i1
          %or3A_345 = arith.ori %or3A_344, %eq3A_219 : i1
          %convert_element_type3A_346 = arith.extui %or3A_345 : i1 to i32
          %cond3A_347 = arith.constant 0 : i32
          %cond3A_348 = arith.cmpi ne, %convert_element_type3A_346, %cond3A_347 : i32
          scf.if %cond3A_348 {
          } else {
          }
          %and3A_349 = arith.constant false
          %and3A_350 = arith.andi %or3A_345, %and3A_349 : i1
          %mul3A_351 = arith.constant 200 : i32
          %mul3A_352 = arith.muli %add3A_221, %mul3A_351 : i32
          %add3A_353 = arith.addi %mul3A_352, %add3A_222 : i32
          %mul3A_354 = arith.constant 200 : i32
          %mul3A_355 = arith.muli %add3A_257, %mul3A_354 : i32
          %add3A_356 = arith.addi %mul3A_355, %add3A_258 : i32
          %ne3A_357 = arith.cmpi ne, %add3A_353, %add3A_356 : i32
          %or3A_358 = arith.constant false
          %or3A_359 = arith.ori %or3A_358, %ne3A_357 : i1
          %or3A_360 = arith.constant false
          %or3A_361 = arith.ori %or3A_359, %or3A_360 : i1
          %or3A_362 = arith.ori %or3A_361, %eq3A_219 : i1
          %convert_element_type3A_363 = arith.extui %or3A_362 : i1 to i32
          %cond3A_364 = arith.constant 0 : i32
          %cond3A_365 = arith.cmpi ne, %convert_element_type3A_363, %cond3A_364 : i32
          scf.if %cond3A_365 {
            "tpu.trace_start"() <{level = 10 : i32, message = "ep_copy_out"}> : () -> ()
            %rem3A_429 = arith.constant 2 : i32
            %rem3A_430 = arith.remui %while3A_209, %rem3A_429 : i32
            %mul3A_431 = arith.constant 200 : i32
            %mul3A_432 = arith.muli %add3A_221, %mul3A_431 : i32
            %add3A_433 = arith.addi %mul3A_432, %add3A_222 : i32
            %mul3A_434 = arith.constant 256 : i32
            %mul3A_435 = arith.muli %mul3A_434, %add3A_433 : i32
            %dma_start3A_436 = arith.constant 0 : i32
            %dma_start3A_437 = arith.constant 0 : i32
            %dma_start3A_438 = tpu.memref_slice %run_scoped3A_18[%rem3A_430, %dma_start3A_436, %dma_start3A_437] : memref<2x256x128xf32, #tpu.memory_space<vmem>> -> memref<1x256x128xf32, #tpu.memory_space<vmem>>
            %dma_start3A_439 = tpu.memref_squeeze %dma_start3A_438 : memref<1x256x128xf32, #tpu.memory_space<vmem>> -> memref<256x128xf32, #tpu.memory_space<vmem>>
            %dma_start3A_440 = arith.constant 0 : i32
            %dma_start3A_441 = tpu.memref_slice %arg4[%mul3A_435, %dma_start3A_440] : memref<204800x128xf32, #tpu.memory_space<hbm>> -> memref<256x128xf32, #tpu.memory_space<hbm>>
            %dma_start3A_442 = tpu.memref_slice %run_scoped3A_19[%rem3A_430] : memref<2x!tpu.dma_semaphore, #tpu.memory_space<semaphore_mem>> -> memref<1x!tpu.dma_semaphore, #tpu.memory_space<semaphore_mem>>
            %dma_start3A_443 = tpu.memref_squeeze %dma_start3A_442 : memref<1x!tpu.dma_semaphore, #tpu.memory_space<semaphore_mem>> -> memref<!tpu.dma_semaphore, #tpu.memory_space<semaphore_mem>>
            %dma_start3A_444 = arith.constant 0 : i32
            %dma_start3A_445 = tpu.memref_slice %arg4[%mul3A_435, %dma_start3A_444] : memref<204800x128xf32, #tpu.memory_space<hbm>> -> memref<256x128xf32, #tpu.memory_space<hbm>>
            %dma_start3A_446 = arith.constant 0 : i32
            %dma_start3A_447 = arith.constant 0 : i32
            %dma_start3A_448 = tpu.memref_slice %run_scoped3A_18[%rem3A_430, %dma_start3A_446, %dma_start3A_447] : memref<2x256x128xf32, #tpu.memory_space<vmem>> -> memref<1x256x128xf32, #tpu.memory_space<vmem>>
            %dma_start3A_449 = tpu.memref_squeeze %dma_start3A_448 : memref<1x256x128xf32, #tpu.memory_space<vmem>> -> memref<256x128xf32, #tpu.memory_space<vmem>>
            tpu.enqueue_dma source(%dma_start3A_449 : memref<256x128xf32, #tpu.memory_space<vmem>>) target(%dma_start3A_445 : memref<256x128xf32, #tpu.memory_space<hbm>>) target_semaphore(%dma_start3A_443 : memref<!tpu.dma_semaphore, #tpu.memory_space<semaphore_mem>>)
            "tpu.trace_stop"() : () -> ()
          } else {
          }
          %and3A_366 = arith.constant true
          %and3A_367 = arith.andi %or3A_362, %and3A_366 : i1
          %add3A_368 = arith.constant 1 : i32
          %add3A_369 = arith.addi %while3A_209, %add3A_368 : i32
          %select_n3A_370 = arith.select %and3A_367, %add3A_369, %while3A_209 : i32
          %ne3A_371 = arith.cmpi ne, %add3A_221, %add3A_240 : i32
          %ne3A_372 = arith.cmpi ne, %add3A_222, %add3A_241 : i32
          %or3A_373 = arith.constant false
          %or3A_374 = arith.ori %or3A_373, %ne3A_371 : i1
          %or3A_375 = arith.ori %or3A_374, %ne3A_372 : i1
          %not3A_376 = arith.constant true
          %not3A_377 = arith.xori %eq3A_216, %not3A_376 : i1
          %and3A_378 = arith.andi %or3A_375, %not3A_377 : i1
          %convert_element_type3A_379 = arith.extui %and3A_378 : i1 to i32
          %cond3A_380 = arith.constant 0 : i32
          %cond3A_381 = arith.cmpi ne, %convert_element_type3A_379, %cond3A_380 : i32
          scf.if %cond3A_381 {
          } else {
          }
          %and3A_382 = arith.constant false
          %and3A_383 = arith.andi %and3A_378, %and3A_382 : i1
          %mul3A_384 = arith.constant 200 : i32
          %mul3A_385 = arith.muli %add3A_221, %mul3A_384 : i32
          %add3A_386 = arith.addi %mul3A_385, %add3A_222 : i32
          %mul3A_387 = arith.constant 200 : i32
          %mul3A_388 = arith.muli %add3A_240, %mul3A_387 : i32
          %add3A_389 = arith.addi %mul3A_388, %add3A_241 : i32
          %ne3A_390 = arith.cmpi ne, %add3A_386, %add3A_389 : i32
          %or3A_391 = arith.constant false
          %or3A_392 = arith.ori %or3A_391, %ne3A_390 : i1
          %or3A_393 = arith.constant false
          %or3A_394 = arith.ori %or3A_392, %or3A_393 : i1
          %not3A_395 = arith.constant true
          %not3A_396 = arith.xori %eq3A_216, %not3A_395 : i1
          %and3A_397 = arith.andi %or3A_394, %not3A_396 : i1
          %convert_element_type3A_398 = arith.extui %and3A_397 : i1 to i32
          %cond3A_399 = arith.constant 0 : i32
          %cond3A_400 = arith.cmpi ne, %convert_element_type3A_398, %cond3A_399 : i32
          scf.if %cond3A_400 {
            "tpu.trace_start"() <{level = 10 : i32, message = "ep_wait_out"}> : () -> ()
            %rem3A_429 = arith.constant 2 : i32
            %rem3A_430 = arith.remui %while3A_210, %rem3A_429 : i32
            %mul3A_431 = arith.constant 200 : i32
            %mul3A_432 = arith.muli %add3A_240, %mul3A_431 : i32
            %add3A_433 = arith.addi %mul3A_432, %add3A_241 : i32
            %mul3A_434 = arith.constant 256 : i32
            %mul3A_435 = arith.muli %mul3A_434, %add3A_433 : i32
            %dma_wait3A = arith.constant 0 : i32
            %dma_wait3A_436 = arith.constant 0 : i32
            %dma_wait3A_437 = tpu.memref_slice %run_scoped3A_18[%rem3A_430, %dma_wait3A, %dma_wait3A_436] : memref<2x256x128xf32, #tpu.memory_space<vmem>> -> memref<1x256x128xf32, #tpu.memory_space<vmem>>
            %dma_wait3A_438 = tpu.memref_squeeze %dma_wait3A_437 : memref<1x256x128xf32, #tpu.memory_space<vmem>> -> memref<256x128xf32, #tpu.memory_space<vmem>>
            %dma_wait3A_439 = arith.constant 0 : i32
            %dma_wait3A_440 = tpu.memref_slice %arg4[%mul3A_435, %dma_wait3A_439] : memref<204800x128xf32, #tpu.memory_space<hbm>> -> memref<256x128xf32, #tpu.memory_space<hbm>>
            %dma_wait3A_441 = tpu.memref_slice %run_scoped3A_19[%rem3A_430] : memref<2x!tpu.dma_semaphore, #tpu.memory_space<semaphore_mem>> -> memref<1x!tpu.dma_semaphore, #tpu.memory_space<semaphore_mem>>
            %dma_wait3A_442 = tpu.memref_squeeze %dma_wait3A_441 : memref<1x!tpu.dma_semaphore, #tpu.memory_space<semaphore_mem>> -> memref<!tpu.dma_semaphore, #tpu.memory_space<semaphore_mem>>
            %dma_wait3A_443 = arith.constant 0 : i32
            %dma_wait3A_444 = tpu.memref_slice %arg4[%mul3A_435, %dma_wait3A_443] : memref<204800x128xf32, #tpu.memory_space<hbm>> -> memref<256x128xf32, #tpu.memory_space<hbm>>
            %dma_wait3A_445 = arith.constant 0 : i32
            %dma_wait3A_446 = arith.constant 0 : i32
            %dma_wait3A_447 = tpu.memref_slice %run_scoped3A_18[%rem3A_430, %dma_wait3A_445, %dma_wait3A_446] : memref<2x256x128xf32, #tpu.memory_space<vmem>> -> memref<1x256x128xf32, #tpu.memory_space<vmem>>
            %dma_wait3A_448 = tpu.memref_squeeze %dma_wait3A_447 : memref<1x256x128xf32, #tpu.memory_space<vmem>> -> memref<256x128xf32, #tpu.memory_space<vmem>>
            tpu.wait_dma2 semaphore(%dma_wait3A_442 : memref<!tpu.dma_semaphore, #tpu.memory_space<semaphore_mem>>) src(%dma_wait3A_448 : memref<256x128xf32, #tpu.memory_space<vmem>>) dst(%dma_wait3A_444 : memref<256x128xf32, #tpu.memory_space<hbm>>)
            "tpu.trace_stop"() : () -> ()
          } else {
          }
          %and3A_401 = arith.constant true
          %and3A_402 = arith.andi %and3A_397, %and3A_401 : i1
          %add3A_403 = arith.constant 1 : i32
          %add3A_404 = arith.addi %while3A_210, %add3A_403 : i32
          %select_n3A_405 = arith.select %and3A_402, %add3A_404, %while3A_210 : i32
          %ne3A_406 = arith.cmpi ne, %add3A_221, %add3A_257 : i32
          %ne3A_407 = arith.cmpi ne, %add3A_222, %add3A_258 : i32
          %or3A_408 = arith.constant false
          %or3A_409 = arith.ori %or3A_408, %ne3A_406 : i1
          %or3A_410 = arith.ori %or3A_409, %ne3A_407 : i1
          %or3A_411 = arith.ori %or3A_410, %eq3A_219 : i1
          %add3A_412 = arith.constant 1 : i32
          %add3A_413 = arith.addi %while3A_208, %add3A_412 : i32
          %select_n3A_414 = arith.select %or3A_411, %add3A_413, %while3A_208 : i32
          %add3A_415 = arith.constant 1 : i32
          %add3A_416 = arith.addi %while3A_212, %add3A_415 : i32
          %select_n3A_417 = arith.constant true
          %select_n3A_418 = arith.select %select_n3A_417, %add3A_416, %while3A_212 : i32
          %eq3A_419 = arith.cmpi eq, %select_n3A_418, %select_n3A : i32
          %select_n3A_420 = arith.constant 0 : i32
          %select_n3A_421 = arith.select %eq3A_419, %select_n3A_420, %select_n3A_418 : i32
          %add3A_422 = arith.constant 1 : i32
          %add3A_423 = arith.addi %while3A_211, %add3A_422 : i32
          %select_n3A_424 = arith.select %eq3A_419, %add3A_423, %while3A_211 : i32
          %eq3A_425 = arith.constant 4 : i32
          %eq3A_426 = arith.cmpi eq, %select_n3A_424, %eq3A_425 : i32
          %select_n3A_427 = arith.constant 0 : i32
          %select_n3A_428 = arith.select %eq3A_426, %select_n3A_427, %select_n3A_424 : i32
          scf.yield %select_n3A_291, %select_n3A_414, %select_n3A_370, %select_n3A_405, %select_n3A_428, %select_n3A_421 : i32, i32, i32, i32, i32, i32
        }
        %while3A_117 = arith.constant 1 : i32
        %while3A_118:6 = scf.for %while3A_206 = %while3A_114 to %while3A_110 step %while3A_117 iter_args(%while3A_207 = %while3A_116#0, %while3A_208 = %while3A_116#1, %while3A_209 = %while3A_116#2, %while3A_210 = %while3A_116#3, %while3A_211 = %while3A_116#4, %while3A_212 = %while3A_116#5) -> (i32, i32, i32, i32, i32, i32)  : i32 {
          %mul3A_213 = arith.constant 4 : i32
          %mul3A_214 = arith.muli %mul3A_213, %select_n3A : i32
          %eq3A_215 = arith.constant 0 : i32
          %eq3A_216 = arith.cmpi eq, %while3A_206, %eq3A_215 : i32
          %sub3A_217 = arith.constant 1 : i32
          %sub3A_218 = arith.subi %mul3A_214, %sub3A_217 : i32
          %eq3A_219 = arith.cmpi eq, %while3A_206, %sub3A_218 : i32
          %add3A_220 = arith.constant 0 : i32
          %add3A_221 = arith.addi %while3A_211, %add3A_220 : i32
          %add3A_222 = arith.addi %while3A_212, %select_n3A_14 : i32
          %sub3A_223 = arith.constant 1 : i32
          %sub3A_224 = arith.subi %while3A_212, %sub3A_223 : i32
          %select_n3A_225 = arith.constant true
          %select_n3A_226 = arith.select %select_n3A_225, %sub3A_224, %while3A_212 : i32
          %eq3A_227 = arith.constant -1 : i32
          %eq3A_228 = arith.cmpi eq, %select_n3A_226, %eq3A_227 : i32
          %sub3A_229 = arith.constant 1 : i32
          %sub3A_230 = arith.subi %select_n3A, %sub3A_229 : i32
          %select_n3A_231 = arith.select %eq3A_228, %sub3A_230, %select_n3A_226 : i32
          %sub3A_232 = arith.constant 1 : i32
          %sub3A_233 = arith.subi %while3A_211, %sub3A_232 : i32
          %select_n3A_234 = arith.select %eq3A_228, %sub3A_233, %while3A_211 : i32
          %eq3A_235 = arith.constant -1 : i32
          %eq3A_236 = arith.cmpi eq, %select_n3A_234, %eq3A_235 : i32
          %select_n3A_237 = arith.constant 3 : i32
          %select_n3A_238 = arith.select %eq3A_236, %select_n3A_237, %select_n3A_234 : i32
          %add3A_239 = arith.constant 0 : i32
          %add3A_240 = arith.addi %select_n3A_238, %add3A_239 : i32
          %add3A_241 = arith.addi %select_n3A_231, %select_n3A_14 : i32
          %add3A_242 = arith.constant 1 : i32
          %add3A_243 = arith.addi %while3A_212, %add3A_242 : i32
          %select_n3A_244 = arith.constant true
          %select_n3A_245 = arith.select %select_n3A_244, %add3A_243, %while3A_212 : i32
          %eq3A_246 = arith.cmpi eq, %select_n3A_245, %select_n3A : i32
          %select_n3A_247 = arith.constant 0 : i32
          %select_n3A_248 = arith.select %eq3A_246, %select_n3A_247, %select_n3A_245 : i32
          %add3A_249 = arith.constant 1 : i32
          %add3A_250 = arith.addi %while3A_211, %add3A_249 : i32
          %select_n3A_251 = arith.select %eq3A_246, %add3A_250, %while3A_211 : i32
          %eq3A_252 = arith.constant 4 : i32
          %eq3A_253 = arith.cmpi eq, %select_n3A_251, %eq3A_252 : i32
          %select_n3A_254 = arith.constant 0 : i32
          %select_n3A_255 = arith.select %eq3A_253, %select_n3A_254, %select_n3A_251 : i32
          %add3A_256 = arith.constant 0 : i32
          %add3A_257 = arith.addi %select_n3A_255, %add3A_256 : i32
          %add3A_258 = arith.addi %select_n3A_248, %select_n3A_14 : i32
          %add3A_259 = arith.constant 1 : i32
          %add3A_260 = arith.addi %select_n3A_248, %add3A_259 : i32
          %select_n3A_261 = arith.constant true
          %select_n3A_262 = arith.select %select_n3A_261, %add3A_260, %select_n3A_248 : i32
          %eq3A_263 = arith.cmpi eq, %select_n3A_262, %select_n3A : i32
          %select_n3A_264 = arith.constant 0 : i32
          %select_n3A_265 = arith.select %eq3A_263, %select_n3A_264, %select_n3A_262 : i32
          %add3A_266 = arith.constant 1 : i32
          %add3A_267 = arith.addi %select_n3A_255, %add3A_266 : i32
          %select_n3A_268 = arith.select %eq3A_263, %add3A_267, %select_n3A_255 : i32
          %eq3A_269 = arith.constant 4 : i32
          %eq3A_270 = arith.cmpi eq, %select_n3A_268, %eq3A_269 : i32
          %select_n3A_271 = arith.constant 0 : i32
          %select_n3A_272 = arith.select %eq3A_270, %select_n3A_271, %select_n3A_268 : i32
          %add3A_273 = arith.constant 0 : i32
          %add3A_274 = arith.addi %select_n3A_272, %add3A_273 : i32
          %add3A_275 = arith.addi %select_n3A_265, %select_n3A_14 : i32
          %ne3A = arith.cmpi ne, %add3A_221, %add3A_257 : i32
          %ne3A_276 = arith.cmpi ne, %add3A_222, %add3A_258 : i32
          %or3A = arith.constant false
          %or3A_277 = arith.ori %or3A, %ne3A : i1
          %or3A_278 = arith.ori %or3A_277, %ne3A_276 : i1
          %sub3A_279 = arith.constant 2 : i32
          %sub3A_280 = arith.subi %mul3A_214, %sub3A_279 : i32
          %add3A_281 = arith.constant 1 : i32
          %add3A_282 = arith.addi %sub3A_280, %add3A_281 : i32
          %ge3A = arith.cmpi sge, %while3A_206, %add3A_282 : i32
          %not3A = arith.constant true
          %not3A_283 = arith.xori %ge3A, %not3A : i1
          %and3A = arith.andi %or3A_278, %not3A_283 : i1
          %convert_element_type3A_284 = arith.extui %and3A : i1 to i32
          %cond3A_285 = arith.constant 0 : i32
          %cond3A_286 = arith.cmpi ne, %convert_element_type3A_284, %cond3A_285 : i32
          scf.if %cond3A_286 {
            "tpu.trace_start"() <{level = 10 : i32, message = "ep_copy_in"}> : () -> ()
            %rem3A_429 = arith.constant 2 : i32
            %rem3A_430 = arith.remui %while3A_207, %rem3A_429 : i32
            %mul3A_431 = arith.constant 1 : i32
            %mul3A_432 = arith.muli %mul3A_431, %add3A_257 : i32
            %mul3A_433 = arith.constant 256 : i32
            %mul3A_434 = arith.muli %mul3A_433, %add3A_258 : i32
            %dma_start3A_435 = arith.constant 0 : i32
            %dma_start3A_436 = arith.constant 0 : i32
            %dma_start3A_437 = tpu.memref_slice %run_scoped3A[%rem3A_430, %dma_start3A_435, %dma_start3A_436] : memref<2x1x256xi32, #tpu.memory_space<vmem>> -> memref<1x1x256xi32, #tpu.memory_space<vmem>>
            %dma_start3A_438 = tpu.memref_squeeze %dma_start3A_437 : memref<1x1x256xi32, #tpu.memory_space<vmem>> -> memref<1x256xi32, #tpu.memory_space<vmem>>
            %dma_start3A_439 = tpu.memref_slice %arg3[%mul3A_432, %mul3A_434] : memref<4x51200xi32, #tpu.memory_space<hbm>> -> memref<1x256xi32, #tpu.memory_space<hbm>>
            %dma_start3A_440 = tpu.memref_slice %run_scoped3A_17[%rem3A_430] : memref<2x!tpu.dma_semaphore, #tpu.memory_space<semaphore_mem>> -> memref<1x!tpu.dma_semaphore, #tpu.memory_space<semaphore_mem>>
            %dma_start3A_441 = tpu.memref_squeeze %dma_start3A_440 : memref<1x!tpu.dma_semaphore, #tpu.memory_space<semaphore_mem>> -> memref<!tpu.dma_semaphore, #tpu.memory_space<semaphore_mem>>
            %dma_start3A_442 = arith.constant 0 : i32
            %dma_start3A_443 = arith.constant 0 : i32
            %dma_start3A_444 = tpu.memref_slice %run_scoped3A[%rem3A_430, %dma_start3A_442, %dma_start3A_443] : memref<2x1x256xi32, #tpu.memory_space<vmem>> -> memref<1x1x256xi32, #tpu.memory_space<vmem>>
            %dma_start3A_445 = tpu.memref_squeeze %dma_start3A_444 : memref<1x1x256xi32, #tpu.memory_space<vmem>> -> memref<1x256xi32, #tpu.memory_space<vmem>>
            %dma_start3A_446 = tpu.memref_slice %arg3[%mul3A_432, %mul3A_434] : memref<4x51200xi32, #tpu.memory_space<hbm>> -> memref<1x256xi32, #tpu.memory_space<hbm>>
            tpu.enqueue_dma source(%dma_start3A_446 : memref<1x256xi32, #tpu.memory_space<hbm>>) target(%dma_start3A_445 : memref<1x256xi32, #tpu.memory_space<vmem>>) target_semaphore(%dma_start3A_441 : memref<!tpu.dma_semaphore, #tpu.memory_space<semaphore_mem>>)
            "tpu.trace_stop"() : () -> ()
          } else {
          }
          %and3A_287 = arith.constant true
          %and3A_288 = arith.andi %and3A, %and3A_287 : i1
          %add3A_289 = arith.constant 1 : i32
          %add3A_290 = arith.addi %while3A_207, %add3A_289 : i32
          %select_n3A_291 = arith.select %and3A_288, %add3A_290, %while3A_207 : i32
          %mul3A_292 = arith.constant 200 : i32
          %mul3A_293 = arith.muli %add3A_221, %mul3A_292 : i32
          %add3A_294 = arith.addi %mul3A_293, %add3A_222 : i32
          %mul3A_295 = arith.constant 200 : i32
          %mul3A_296 = arith.muli %add3A_257, %mul3A_295 : i32
          %add3A_297 = arith.addi %mul3A_296, %add3A_258 : i32
          %ne3A_298 = arith.cmpi ne, %add3A_294, %add3A_297 : i32
          %or3A_299 = arith.constant false
          %or3A_300 = arith.ori %or3A_299, %ne3A_298 : i1
          %or3A_301 = arith.constant false
          %or3A_302 = arith.ori %or3A_300, %or3A_301 : i1
          %sub3A_303 = arith.constant 2 : i32
          %sub3A_304 = arith.subi %mul3A_214, %sub3A_303 : i32
          %add3A_305 = arith.constant 1 : i32
          %add3A_306 = arith.addi %sub3A_304, %add3A_305 : i32
          %ge3A_307 = arith.cmpi sge, %while3A_206, %add3A_306 : i32
          %not3A_308 = arith.constant true
          %not3A_309 = arith.xori %ge3A_307, %not3A_308 : i1
          %and3A_310 = arith.andi %or3A_302, %not3A_309 : i1
          %ne3A_311 = arith.cmpi ne, %add3A_221, %add3A_240 : i32
          %ne3A_312 = arith.cmpi ne, %add3A_222, %add3A_241 : i32
          %or3A_313 = arith.constant false
          %or3A_314 = arith.ori %or3A_313, %ne3A_311 : i1
          %or3A_315 = arith.ori %or3A_314, %ne3A_312 : i1
          %or3A_316 = arith.ori %or3A_315, %eq3A_216 : i1
          %convert_element_type3A_317 = arith.extui %or3A_316 : i1 to i32
          %cond3A_318 = arith.constant 0 : i32
          %cond3A_319 = arith.cmpi ne, %convert_element_type3A_317, %cond3A_318 : i32
          scf.if %cond3A_319 {
            "tpu.trace_start"() <{level = 10 : i32, message = "ep_wait_in"}> : () -> ()
            %mul3A_429 = arith.constant 1 : i32
            %mul3A_430 = arith.muli %mul3A_429, %add3A_221 : i32
            %mul3A_431 = arith.constant 256 : i32
            %mul3A_432 = arith.muli %mul3A_431, %add3A_222 : i32
            %rem3A_433 = arith.constant 2 : i32
            %rem3A_434 = arith.remui %while3A_208, %rem3A_433 : i32
            %dma_wait3A = arith.constant 0 : i32
            %dma_wait3A_435 = arith.constant 0 : i32
            %dma_wait3A_436 = tpu.memref_slice %run_scoped3A[%rem3A_434, %dma_wait3A, %dma_wait3A_435] : memref<2x1x256xi32, #tpu.memory_space<vmem>> -> memref<1x1x256xi32, #tpu.memory_space<vmem>>
            %dma_wait3A_437 = tpu.memref_squeeze %dma_wait3A_436 : memref<1x1x256xi32, #tpu.memory_space<vmem>> -> memref<1x256xi32, #tpu.memory_space<vmem>>
            %dma_wait3A_438 = tpu.memref_slice %arg3[%mul3A_430, %mul3A_432] : memref<4x51200xi32, #tpu.memory_space<hbm>> -> memref<1x256xi32, #tpu.memory_space<hbm>>
            %dma_wait3A_439 = tpu.memref_slice %run_scoped3A_17[%rem3A_434] : memref<2x!tpu.dma_semaphore, #tpu.memory_space<semaphore_mem>> -> memref<1x!tpu.dma_semaphore, #tpu.memory_space<semaphore_mem>>
            %dma_wait3A_440 = tpu.memref_squeeze %dma_wait3A_439 : memref<1x!tpu.dma_semaphore, #tpu.memory_space<semaphore_mem>> -> memref<!tpu.dma_semaphore, #tpu.memory_space<semaphore_mem>>
            %dma_wait3A_441 = arith.constant 0 : i32
            %dma_wait3A_442 = arith.constant 0 : i32
            %dma_wait3A_443 = tpu.memref_slice %run_scoped3A[%rem3A_434, %dma_wait3A_441, %dma_wait3A_442] : memref<2x1x256xi32, #tpu.memory_space<vmem>> -> memref<1x1x256xi32, #tpu.memory_space<vmem>>
            %dma_wait3A_444 = tpu.memref_squeeze %dma_wait3A_443 : memref<1x1x256xi32, #tpu.memory_space<vmem>> -> memref<1x256xi32, #tpu.memory_space<vmem>>
            %dma_wait3A_445 = tpu.memref_slice %arg3[%mul3A_430, %mul3A_432] : memref<4x51200xi32, #tpu.memory_space<hbm>> -> memref<1x256xi32, #tpu.memory_space<hbm>>
            tpu.wait_dma2 semaphore(%dma_wait3A_440 : memref<!tpu.dma_semaphore, #tpu.memory_space<semaphore_mem>>) src(%dma_wait3A_445 : memref<1x256xi32, #tpu.memory_space<hbm>>) dst(%dma_wait3A_444 : memref<1x256xi32, #tpu.memory_space<vmem>>)
            "tpu.trace_stop"() : () -> ()
          } else {
          }
          %mul3A_320 = arith.constant 200 : i32
          %mul3A_321 = arith.muli %add3A_221, %mul3A_320 : i32
          %add3A_322 = arith.addi %mul3A_321, %add3A_222 : i32
          %mul3A_323 = arith.constant 200 : i32
          %mul3A_324 = arith.muli %add3A_240, %mul3A_323 : i32
          %add3A_325 = arith.addi %mul3A_324, %add3A_241 : i32
          %ne3A_326 = arith.cmpi ne, %add3A_322, %add3A_325 : i32
          %or3A_327 = arith.constant false
          %or3A_328 = arith.ori %or3A_327, %ne3A_326 : i1
          %or3A_329 = arith.constant false
          %or3A_330 = arith.ori %or3A_328, %or3A_329 : i1
          %or3A_331 = arith.ori %or3A_330, %eq3A_216 : i1
          %convert_element_type3A_332 = arith.extui %or3A_331 : i1 to i32
          %cond3A_333 = arith.constant 0 : i32
          %cond3A_334 = arith.cmpi ne, %convert_element_type3A_332, %cond3A_333 : i32
          scf.if %cond3A_334 {
          } else {
          }
          %rem3A_335 = arith.constant 2 : i32
          %rem3A_336 = arith.remui %while3A_208, %rem3A_335 : i32
          %rem3A_337 = arith.constant 2 : i32
          %rem3A_338 = arith.remui %while3A_209, %rem3A_337 : i32
          %run_scoped3A_339 = arith.constant 0 : i32
          "tpu.trace_start"() <{level = 10 : i32, message = "ep_run_kernel"}> : () -> ()
          "tpu.region"() ({
            %run_scoped3A_429 = tpu.sem_alloc : memref<!tpu.dma_semaphore, #tpu.memory_space<semaphore_mem>>
            %dma_start3A_430 = arith.constant 0 : i32
            %dma_start3A_431 = arith.constant 0 : i32
            %dma_start3A_432 = tpu.memref_slice %run_scoped3A_18[%rem3A_338, %dma_start3A_430, %dma_start3A_431] : memref<2x256x128xf32, #tpu.memory_space<vmem>> -> memref<1x256x128xf32, #tpu.memory_space<vmem>>
            %dma_start3A_433 = tpu.memref_squeeze %dma_start3A_432 : memref<1x256x128xf32, #tpu.memory_space<vmem>> -> memref<256x128xf32, #tpu.memory_space<vmem>>
            %dma_start3A_434 = arith.constant 0 : i32
            %dma_start3A_435 = arith.constant 0 : i32
            %dma_start3A_436 = tpu.memref_slice %run_scoped3A[%rem3A_336, %dma_start3A_434, %dma_start3A_435] : memref<2x1x256xi32, #tpu.memory_space<vmem>> -> memref<1x1x256xi32, #tpu.memory_space<vmem>>
            %dma_start3A_437 = tpu.memref_squeeze %dma_start3A_436 : memref<1x1x256xi32, #tpu.memory_space<vmem>> -> memref<1x256xi32, #tpu.memory_space<vmem>>
            %dma_start3A_438 = arith.constant 0 : i32
            %dma_start3A_439 = tpu.memref_slice %dma_start3A_437[%run_scoped3A_339, %dma_start3A_438] : memref<1x256xi32, #tpu.memory_space<vmem>> -> memref<1x256xi32, #tpu.memory_space<vmem>>
            %dma_start3A_440 = tpu.memref_squeeze %dma_start3A_439 : memref<1x256xi32, #tpu.memory_space<vmem>> -> memref<256xi32, #tpu.memory_space<vmem>>
            %dma_start3A_441 = arith.constant 0 : i32
            %dma_start3A_442 = arith.constant 0 : i32
            %dma_start3A_443 = tpu.memref_slice %arg2[%dma_start3A_441, %dma_start3A_442] : memref<100000x128xf32, #tpu.memory_space<hbm>> -> memref<100000x128xf32, #tpu.memory_space<hbm>>
            tpu.enqueue_indirect_dma source(%dma_start3A_443 : memref<100000x128xf32, #tpu.memory_space<hbm>>) target(%dma_start3A_433 : memref<256x128xf32, #tpu.memory_space<vmem>>) offsets(%dma_start3A_440 : memref<256xi32, #tpu.memory_space<vmem>>) semaphore(%run_scoped3A_429 : memref<!tpu.dma_semaphore, #tpu.memory_space<semaphore_mem>>)
            %dma_wait3A = arith.constant 0 : i32
            %dma_wait3A_444 = arith.constant 0 : i32
            %dma_wait3A_445 = tpu.memref_slice %run_scoped3A_18[%rem3A_338, %dma_wait3A, %dma_wait3A_444] : memref<2x256x128xf32, #tpu.memory_space<vmem>> -> memref<1x256x128xf32, #tpu.memory_space<vmem>>
            %dma_wait3A_446 = tpu.memref_squeeze %dma_wait3A_445 : memref<1x256x128xf32, #tpu.memory_space<vmem>> -> memref<256x128xf32, #tpu.memory_space<vmem>>
            %dma_wait3A_447 = arith.constant 0 : i32
            %dma_wait3A_448 = arith.constant 0 : i32
            %dma_wait3A_449 = tpu.memref_slice %run_scoped3A[%rem3A_336, %dma_wait3A_447, %dma_wait3A_448] : memref<2x1x256xi32, #tpu.memory_space<vmem>> -> memref<1x1x256xi32, #tpu.memory_space<vmem>>
            %dma_wait3A_450 = tpu.memref_squeeze %dma_wait3A_449 : memref<1x1x256xi32, #tpu.memory_space<vmem>> -> memref<1x256xi32, #tpu.memory_space<vmem>>
            %dma_wait3A_451 = arith.constant 0 : i32
            %dma_wait3A_452 = tpu.memref_slice %dma_wait3A_450[%run_scoped3A_339, %dma_wait3A_451] : memref<1x256xi32, #tpu.memory_space<vmem>> -> memref<1x256xi32, #tpu.memory_space<vmem>>
            %dma_wait3A_453 = tpu.memref_squeeze %dma_wait3A_452 : memref<1x256xi32, #tpu.memory_space<vmem>> -> memref<256xi32, #tpu.memory_space<vmem>>
            %dma_wait3A_454 = arith.constant 0 : i32
            %dma_wait3A_455 = arith.constant 0 : i32
            %dma_wait3A_456 = tpu.memref_slice %arg2[%dma_wait3A_454, %dma_wait3A_455] : memref<100000x128xf32, #tpu.memory_space<hbm>> -> memref<100000x128xf32, #tpu.memory_space<hbm>>
            tpu.wait_indirect_dma semaphore(%run_scoped3A_429 : memref<!tpu.dma_semaphore, #tpu.memory_space<semaphore_mem>>) src(%dma_wait3A_456 : memref<100000x128xf32, #tpu.memory_space<hbm>>) dst(%dma_wait3A_446 : memref<256x128xf32, #tpu.memory_space<vmem>>)
            tpu.yield
          }) : () -> ()
          "tpu.trace_stop"() : () -> ()
          %ne3A_340 = arith.cmpi ne, %add3A_221, %add3A_257 : i32
          %ne3A_341 = arith.cmpi ne, %add3A_222, %add3A_258 : i32
          %or3A_342 = arith.constant false
          %or3A_343 = arith.ori %or3A_342, %ne3A_340 : i1
          %or3A_344 = arith.ori %or3A_343, %ne3A_341 : i1
          %or3A_345 = arith.ori %or3A_344, %eq3A_219 : i1
          %convert_element_type3A_346 = arith.extui %or3A_345 : i1 to i32
          %cond3A_347 = arith.constant 0 : i32
          %cond3A_348 = arith.cmpi ne, %convert_element_type3A_346, %cond3A_347 : i32
          scf.if %cond3A_348 {
          } else {
          }
          %and3A_349 = arith.constant false
          %and3A_350 = arith.andi %or3A_345, %and3A_349 : i1
          %mul3A_351 = arith.constant 200 : i32
          %mul3A_352 = arith.muli %add3A_221, %mul3A_351 : i32
          %add3A_353 = arith.addi %mul3A_352, %add3A_222 : i32
          %mul3A_354 = arith.constant 200 : i32
          %mul3A_355 = arith.muli %add3A_257, %mul3A_354 : i32
          %add3A_356 = arith.addi %mul3A_355, %add3A_258 : i32
          %ne3A_357 = arith.cmpi ne, %add3A_353, %add3A_356 : i32
          %or3A_358 = arith.constant false
          %or3A_359 = arith.ori %or3A_358, %ne3A_357 : i1
          %or3A_360 = arith.constant false
          %or3A_361 = arith.ori %or3A_359, %or3A_360 : i1
          %or3A_362 = arith.ori %or3A_361, %eq3A_219 : i1
          %convert_element_type3A_363 = arith.extui %or3A_362 : i1 to i32
          %cond3A_364 = arith.constant 0 : i32
          %cond3A_365 = arith.cmpi ne, %convert_element_type3A_363, %cond3A_364 : i32
          scf.if %cond3A_365 {
            "tpu.trace_start"() <{level = 10 : i32, message = "ep_copy_out"}> : () -> ()
            %rem3A_429 = arith.constant 2 : i32
            %rem3A_430 = arith.remui %while3A_209, %rem3A_429 : i32
            %mul3A_431 = arith.constant 200 : i32
            %mul3A_432 = arith.muli %add3A_221, %mul3A_431 : i32
            %add3A_433 = arith.addi %mul3A_432, %add3A_222 : i32
            %mul3A_434 = arith.constant 256 : i32
            %mul3A_435 = arith.muli %mul3A_434, %add3A_433 : i32
            %dma_start3A_436 = arith.constant 0 : i32
            %dma_start3A_437 = arith.constant 0 : i32
            %dma_start3A_438 = tpu.memref_slice %run_scoped3A_18[%rem3A_430, %dma_start3A_436, %dma_start3A_437] : memref<2x256x128xf32, #tpu.memory_space<vmem>> -> memref<1x256x128xf32, #tpu.memory_space<vmem>>
            %dma_start3A_439 = tpu.memref_squeeze %dma_start3A_438 : memref<1x256x128xf32, #tpu.memory_space<vmem>> -> memref<256x128xf32, #tpu.memory_space<vmem>>
            %dma_start3A_440 = arith.constant 0 : i32
            %dma_start3A_441 = tpu.memref_slice %arg4[%mul3A_435, %dma_start3A_440] : memref<204800x128xf32, #tpu.memory_space<hbm>> -> memref<256x128xf32, #tpu.memory_space<hbm>>
            %dma_start3A_442 = tpu.memref_slice %run_scoped3A_19[%rem3A_430] : memref<2x!tpu.dma_semaphore, #tpu.memory_space<semaphore_mem>> -> memref<1x!tpu.dma_semaphore, #tpu.memory_space<semaphore_mem>>
            %dma_start3A_443 = tpu.memref_squeeze %dma_start3A_442 : memref<1x!tpu.dma_semaphore, #tpu.memory_space<semaphore_mem>> -> memref<!tpu.dma_semaphore, #tpu.memory_space<semaphore_mem>>
            %dma_start3A_444 = arith.constant 0 : i32
            %dma_start3A_445 = tpu.memref_slice %arg4[%mul3A_435, %dma_start3A_444] : memref<204800x128xf32, #tpu.memory_space<hbm>> -> memref<256x128xf32, #tpu.memory_space<hbm>>
            %dma_start3A_446 = arith.constant 0 : i32
            %dma_start3A_447 = arith.constant 0 : i32
            %dma_start3A_448 = tpu.memref_slice %run_scoped3A_18[%rem3A_430, %dma_start3A_446, %dma_start3A_447] : memref<2x256x128xf32, #tpu.memory_space<vmem>> -> memref<1x256x128xf32, #tpu.memory_space<vmem>>
            %dma_start3A_449 = tpu.memref_squeeze %dma_start3A_448 : memref<1x256x128xf32, #tpu.memory_space<vmem>> -> memref<256x128xf32, #tpu.memory_space<vmem>>
            tpu.enqueue_dma source(%dma_start3A_449 : memref<256x128xf32, #tpu.memory_space<vmem>>) target(%dma_start3A_445 : memref<256x128xf32, #tpu.memory_space<hbm>>) target_semaphore(%dma_start3A_443 : memref<!tpu.dma_semaphore, #tpu.memory_space<semaphore_mem>>)
            "tpu.trace_stop"() : () -> ()
          } else {
          }
          %and3A_366 = arith.constant true
          %and3A_367 = arith.andi %or3A_362, %and3A_366 : i1
          %add3A_368 = arith.constant 1 : i32
          %add3A_369 = arith.addi %while3A_209, %add3A_368 : i32
          %select_n3A_370 = arith.select %and3A_367, %add3A_369, %while3A_209 : i32
          %ne3A_371 = arith.cmpi ne, %add3A_221, %add3A_240 : i32
          %ne3A_372 = arith.cmpi ne, %add3A_222, %add3A_241 : i32
          %or3A_373 = arith.constant false
          %or3A_374 = arith.ori %or3A_373, %ne3A_371 : i1
          %or3A_375 = arith.ori %or3A_374, %ne3A_372 : i1
          %not3A_376 = arith.constant true
          %not3A_377 = arith.xori %eq3A_216, %not3A_376 : i1
          %and3A_378 = arith.andi %or3A_375, %not3A_377 : i1
          %convert_element_type3A_379 = arith.extui %and3A_378 : i1 to i32
          %cond3A_380 = arith.constant 0 : i32
          %cond3A_381 = arith.cmpi ne, %convert_element_type3A_379, %cond3A_380 : i32
          scf.if %cond3A_381 {
          } else {
          }
          %and3A_382 = arith.constant false
          %and3A_383 = arith.andi %and3A_378, %and3A_382 : i1
          %mul3A_384 = arith.constant 200 : i32
          %mul3A_385 = arith.muli %add3A_221, %mul3A_384 : i32
          %add3A_386 = arith.addi %mul3A_385, %add3A_222 : i32
          %mul3A_387 = arith.constant 200 : i32
          %mul3A_388 = arith.muli %add3A_240, %mul3A_387 : i32
          %add3A_389 = arith.addi %mul3A_388, %add3A_241 : i32
          %ne3A_390 = arith.cmpi ne, %add3A_386, %add3A_389 : i32
          %or3A_391 = arith.constant false
          %or3A_392 = arith.ori %or3A_391, %ne3A_390 : i1
          %or3A_393 = arith.constant false
          %or3A_394 = arith.ori %or3A_392, %or3A_393 : i1
          %not3A_395 = arith.constant true
          %not3A_396 = arith.xori %eq3A_216, %not3A_395 : i1
          %and3A_397 = arith.andi %or3A_394, %not3A_396 : i1
          %convert_element_type3A_398 = arith.extui %and3A_397 : i1 to i32
          %cond3A_399 = arith.constant 0 : i32
          %cond3A_400 = arith.cmpi ne, %convert_element_type3A_398, %cond3A_399 : i32
          scf.if %cond3A_400 {
            "tpu.trace_start"() <{level = 10 : i32, message = "ep_wait_out"}> : () -> ()
            %rem3A_429 = arith.constant 2 : i32
            %rem3A_430 = arith.remui %while3A_210, %rem3A_429 : i32
            %mul3A_431 = arith.constant 200 : i32
            %mul3A_432 = arith.muli %add3A_240, %mul3A_431 : i32
            %add3A_433 = arith.addi %mul3A_432, %add3A_241 : i32
            %mul3A_434 = arith.constant 256 : i32
            %mul3A_435 = arith.muli %mul3A_434, %add3A_433 : i32
            %dma_wait3A = arith.constant 0 : i32
            %dma_wait3A_436 = arith.constant 0 : i32
            %dma_wait3A_437 = tpu.memref_slice %run_scoped3A_18[%rem3A_430, %dma_wait3A, %dma_wait3A_436] : memref<2x256x128xf32, #tpu.memory_space<vmem>> -> memref<1x256x128xf32, #tpu.memory_space<vmem>>
            %dma_wait3A_438 = tpu.memref_squeeze %dma_wait3A_437 : memref<1x256x128xf32, #tpu.memory_space<vmem>> -> memref<256x128xf32, #tpu.memory_space<vmem>>
            %dma_wait3A_439 = arith.constant 0 : i32
            %dma_wait3A_440 = tpu.memref_slice %arg4[%mul3A_435, %dma_wait3A_439] : memref<204800x128xf32, #tpu.memory_space<hbm>> -> memref<256x128xf32, #tpu.memory_space<hbm>>
            %dma_wait3A_441 = tpu.memref_slice %run_scoped3A_19[%rem3A_430] : memref<2x!tpu.dma_semaphore, #tpu.memory_space<semaphore_mem>> -> memref<1x!tpu.dma_semaphore, #tpu.memory_space<semaphore_mem>>
            %dma_wait3A_442 = tpu.memref_squeeze %dma_wait3A_441 : memref<1x!tpu.dma_semaphore, #tpu.memory_space<semaphore_mem>> -> memref<!tpu.dma_semaphore, #tpu.memory_space<semaphore_mem>>
            %dma_wait3A_443 = arith.constant 0 : i32
            %dma_wait3A_444 = tpu.memref_slice %arg4[%mul3A_435, %dma_wait3A_443] : memref<204800x128xf32, #tpu.memory_space<hbm>> -> memref<256x128xf32, #tpu.memory_space<hbm>>
            %dma_wait3A_445 = arith.constant 0 : i32
            %dma_wait3A_446 = arith.constant 0 : i32
            %dma_wait3A_447 = tpu.memref_slice %run_scoped3A_18[%rem3A_430, %dma_wait3A_445, %dma_wait3A_446] : memref<2x256x128xf32, #tpu.memory_space<vmem>> -> memref<1x256x128xf32, #tpu.memory_space<vmem>>
            %dma_wait3A_448 = tpu.memref_squeeze %dma_wait3A_447 : memref<1x256x128xf32, #tpu.memory_space<vmem>> -> memref<256x128xf32, #tpu.memory_space<vmem>>
            tpu.wait_dma2 semaphore(%dma_wait3A_442 : memref<!tpu.dma_semaphore, #tpu.memory_space<semaphore_mem>>) src(%dma_wait3A_448 : memref<256x128xf32, #tpu.memory_space<vmem>>) dst(%dma_wait3A_444 : memref<256x128xf32, #tpu.memory_space<hbm>>)
            "tpu.trace_stop"() : () -> ()
          } else {
          }
          %and3A_401 = arith.constant true
          %and3A_402 = arith.andi %and3A_397, %and3A_401 : i1
          %add3A_403 = arith.constant 1 : i32
          %add3A_404 = arith.addi %while3A_210, %add3A_403 : i32
          %select_n3A_405 = arith.select %and3A_402, %add3A_404, %while3A_210 : i32
          %ne3A_406 = arith.cmpi ne, %add3A_221, %add3A_257 : i32
          %ne3A_407 = arith.cmpi ne, %add3A_222, %add3A_258 : i32
          %or3A_408 = arith.constant false
          %or3A_409 = arith.ori %or3A_408, %ne3A_406 : i1
          %or3A_410 = arith.ori %or3A_409, %ne3A_407 : i1
          %or3A_411 = arith.ori %or3A_410, %eq3A_219 : i1
          %add3A_412 = arith.constant 1 : i32
          %add3A_413 = arith.addi %while3A_208, %add3A_412 : i32
          %select_n3A_414 = arith.select %or3A_411, %add3A_413, %while3A_208 : i32
          %add3A_415 = arith.constant 1 : i32
          %add3A_416 = arith.addi %while3A_212, %add3A_415 : i32
          %select_n3A_417 = arith.constant true
          %select_n3A_418 = arith.select %select_n3A_417, %add3A_416, %while3A_212 : i32
          %eq3A_419 = arith.cmpi eq, %select_n3A_418, %select_n3A : i32
          %select_n3A_420 = arith.constant 0 : i32
          %select_n3A_421 = arith.select %eq3A_419, %select_n3A_420, %select_n3A_418 : i32
          %add3A_422 = arith.constant 1 : i32
          %add3A_423 = arith.addi %while3A_211, %add3A_422 : i32
          %select_n3A_424 = arith.select %eq3A_419, %add3A_423, %while3A_211 : i32
          %eq3A_425 = arith.constant 4 : i32
          %eq3A_426 = arith.cmpi eq, %select_n3A_424, %eq3A_425 : i32
          %select_n3A_427 = arith.constant 0 : i32
          %select_n3A_428 = arith.select %eq3A_426, %select_n3A_427, %select_n3A_424 : i32
          scf.yield %select_n3A_291, %select_n3A_414, %select_n3A_370, %select_n3A_405, %select_n3A_428, %select_n3A_421 : i32, i32, i32, i32, i32, i32
        }
        %sub3A_119 = arith.constant 1 : i32
        %sub3A_120 = arith.subi %while3A_118#5, %sub3A_119 : i32
        %select_n3A_121 = arith.constant true
        %select_n3A_122 = arith.select %select_n3A_121, %sub3A_120, %while3A_118#5 : i32
        %eq3A_123 = arith.constant -1 : i32
        %eq3A_124 = arith.cmpi eq, %select_n3A_122, %eq3A_123 : i32
        %sub3A_125 = arith.constant 1 : i32
        %sub3A_126 = arith.subi %select_n3A, %sub3A_125 : i32
        %select_n3A_127 = arith.select %eq3A_124, %sub3A_126, %select_n3A_122 : i32
        %sub3A_128 = arith.constant 1 : i32
        %sub3A_129 = arith.subi %while3A_118#4, %sub3A_128 : i32
        %select_n3A_130 = arith.select %eq3A_124, %sub3A_129, %while3A_118#4 : i32
        %eq3A_131 = arith.constant -1 : i32
        %eq3A_132 = arith.cmpi eq, %select_n3A_130, %eq3A_131 : i32
        %select_n3A_133 = arith.constant 3 : i32
        %select_n3A_134 = arith.select %eq3A_132, %select_n3A_133, %select_n3A_130 : i32
        %sub3A_135 = arith.constant 1 : i32
        %sub3A_136 = arith.subi %mul3A_16, %sub3A_135 : i32
        %mul3A_137 = arith.constant 4 : i32
        %mul3A_138 = arith.muli %mul3A_137, %select_n3A : i32
        %eq3A_139 = arith.constant 0 : i32
        %eq3A_140 = arith.cmpi eq, %sub3A_136, %eq3A_139 : i32
        %sub3A_141 = arith.constant 1 : i32
        %sub3A_142 = arith.subi %mul3A_138, %sub3A_141 : i32
        %eq3A_143 = arith.cmpi eq, %sub3A_136, %sub3A_142 : i32
        %add3A_144 = arith.constant 0 : i32
        %add3A_145 = arith.addi %select_n3A_134, %add3A_144 : i32
        %add3A_146 = arith.addi %select_n3A_127, %select_n3A_14 : i32
        %sub3A_147 = arith.constant 1 : i32
        %sub3A_148 = arith.subi %select_n3A_127, %sub3A_147 : i32
        %select_n3A_149 = arith.constant true
        %select_n3A_150 = arith.select %select_n3A_149, %sub3A_148, %select_n3A_127 : i32
        %eq3A_151 = arith.constant -1 : i32
        %eq3A_152 = arith.cmpi eq, %select_n3A_150, %eq3A_151 : i32
        %sub3A_153 = arith.constant 1 : i32
        %sub3A_154 = arith.subi %select_n3A, %sub3A_153 : i32
        %select_n3A_155 = arith.select %eq3A_152, %sub3A_154, %select_n3A_150 : i32
        %sub3A_156 = arith.constant 1 : i32
        %sub3A_157 = arith.subi %select_n3A_134, %sub3A_156 : i32
        %select_n3A_158 = arith.select %eq3A_152, %sub3A_157, %select_n3A_134 : i32
        %eq3A_159 = arith.constant -1 : i32
        %eq3A_160 = arith.cmpi eq, %select_n3A_158, %eq3A_159 : i32
        %select_n3A_161 = arith.constant 3 : i32
        %select_n3A_162 = arith.select %eq3A_160, %select_n3A_161, %select_n3A_158 : i32
        %add3A_163 = arith.constant 0 : i32
        %add3A_164 = arith.addi %select_n3A_162, %add3A_163 : i32
        %add3A_165 = arith.addi %select_n3A_155, %select_n3A_14 : i32
        %add3A_166 = arith.constant 1 : i32
        %add3A_167 = arith.addi %select_n3A_127, %add3A_166 : i32
        %select_n3A_168 = arith.constant true
        %select_n3A_169 = arith.select %select_n3A_168, %add3A_167, %select_n3A_127 : i32
        %eq3A_170 = arith.cmpi eq, %select_n3A_169, %select_n3A : i32
        %select_n3A_171 = arith.constant 0 : i32
        %select_n3A_172 = arith.select %eq3A_170, %select_n3A_171, %select_n3A_169 : i32
        %add3A_173 = arith.constant 1 : i32
        %add3A_174 = arith.addi %select_n3A_134, %add3A_173 : i32
        %select_n3A_175 = arith.select %eq3A_170, %add3A_174, %select_n3A_134 : i32
        %eq3A_176 = arith.constant 4 : i32
        %eq3A_177 = arith.cmpi eq, %select_n3A_175, %eq3A_176 : i32
        %select_n3A_178 = arith.constant 0 : i32
        %select_n3A_179 = arith.select %eq3A_177, %select_n3A_178, %select_n3A_175 : i32
        %add3A_180 = arith.constant 0 : i32
        %add3A_181 = arith.addi %select_n3A_179, %add3A_180 : i32
        %add3A_182 = arith.addi %select_n3A_172, %select_n3A_14 : i32
        %add3A_183 = arith.constant 1 : i32
        %add3A_184 = arith.addi %select_n3A_172, %add3A_183 : i32
        %select_n3A_185 = arith.constant true
        %select_n3A_186 = arith.select %select_n3A_185, %add3A_184, %select_n3A_172 : i32
        %eq3A_187 = arith.cmpi eq, %select_n3A_186, %select_n3A : i32
        %select_n3A_188 = arith.constant 0 : i32
        %select_n3A_189 = arith.select %eq3A_187, %select_n3A_188, %select_n3A_186 : i32
        %add3A_190 = arith.constant 1 : i32
        %add3A_191 = arith.addi %select_n3A_179, %add3A_190 : i32
        %select_n3A_192 = arith.select %eq3A_187, %add3A_191, %select_n3A_179 : i32
        %eq3A_193 = arith.constant 4 : i32
        %eq3A_194 = arith.cmpi eq, %select_n3A_192, %eq3A_193 : i32
        %select_n3A_195 = arith.constant 0 : i32
        %select_n3A_196 = arith.select %eq3A_194, %select_n3A_195, %select_n3A_192 : i32
        %add3A_197 = arith.constant 0 : i32
        %add3A_198 = arith.addi %select_n3A_196, %add3A_197 : i32
        %add3A_199 = arith.addi %select_n3A_189, %select_n3A_14 : i32
        %convert_element_type3A_200 = arith.extui %eq3A_143 : i1 to i32
        %cond3A_201 = arith.constant 0 : i32
        %cond3A_202 = arith.cmpi ne, %convert_element_type3A_200, %cond3A_201 : i32
        scf.if %cond3A_202 {
        } else {
        }
        %convert_element_type3A_203 = arith.extui %eq3A_143 : i1 to i32
        %cond3A_204 = arith.constant 0 : i32
        %cond3A_205 = arith.cmpi ne, %convert_element_type3A_203, %cond3A_204 : i32
        scf.if %cond3A_205 {
          "tpu.trace_start"() <{level = 10 : i32, message = "ep_finalize"}> : () -> ()
          %rem3A_206 = arith.constant 2 : i32
          %rem3A_207 = arith.remui %while3A_118#3, %rem3A_206 : i32
          %mul3A_208 = arith.constant 200 : i32
          %mul3A_209 = arith.muli %add3A_145, %mul3A_208 : i32
          %add3A_210 = arith.addi %mul3A_209, %add3A_146 : i32
          %mul3A_211 = arith.constant 256 : i32
          %mul3A_212 = arith.muli %mul3A_211, %add3A_210 : i32
          %dma_wait3A = arith.constant 0 : i32
          %dma_wait3A_213 = arith.constant 0 : i32
          %dma_wait3A_214 = tpu.memref_slice %run_scoped3A_18[%rem3A_207, %dma_wait3A, %dma_wait3A_213] : memref<2x256x128xf32, #tpu.memory_space<vmem>> -> memref<1x256x128xf32, #tpu.memory_space<vmem>>
          %dma_wait3A_215 = tpu.memref_squeeze %dma_wait3A_214 : memref<1x256x128xf32, #tpu.memory_space<vmem>> -> memref<256x128xf32, #tpu.memory_space<vmem>>
          %dma_wait3A_216 = arith.constant 0 : i32
          %dma_wait3A_217 = tpu.memref_slice %arg4[%mul3A_212, %dma_wait3A_216] : memref<204800x128xf32, #tpu.memory_space<hbm>> -> memref<256x128xf32, #tpu.memory_space<hbm>>
          %dma_wait3A_218 = tpu.memref_slice %run_scoped3A_19[%rem3A_207] : memref<2x!tpu.dma_semaphore, #tpu.memory_space<semaphore_mem>> -> memref<1x!tpu.dma_semaphore, #tpu.memory_space<semaphore_mem>>
          %dma_wait3A_219 = tpu.memref_squeeze %dma_wait3A_218 : memref<1x!tpu.dma_semaphore, #tpu.memory_space<semaphore_mem>> -> memref<!tpu.dma_semaphore, #tpu.memory_space<semaphore_mem>>
          %dma_wait3A_220 = arith.constant 0 : i32
          %dma_wait3A_221 = tpu.memref_slice %arg4[%mul3A_212, %dma_wait3A_220] : memref<204800x128xf32, #tpu.memory_space<hbm>> -> memref<256x128xf32, #tpu.memory_space<hbm>>
          %dma_wait3A_222 = arith.constant 0 : i32
          %dma_wait3A_223 = arith.constant 0 : i32
          %dma_wait3A_224 = tpu.memref_slice %run_scoped3A_18[%rem3A_207, %dma_wait3A_222, %dma_wait3A_223] : memref<2x256x128xf32, #tpu.memory_space<vmem>> -> memref<1x256x128xf32, #tpu.memory_space<vmem>>
          %dma_wait3A_225 = tpu.memref_squeeze %dma_wait3A_224 : memref<1x256x128xf32, #tpu.memory_space<vmem>> -> memref<256x128xf32, #tpu.memory_space<vmem>>
          tpu.wait_dma2 semaphore(%dma_wait3A_219 : memref<!tpu.dma_semaphore, #tpu.memory_space<semaphore_mem>>) src(%dma_wait3A_225 : memref<256x128xf32, #tpu.memory_space<vmem>>) dst(%dma_wait3A_221 : memref<256x128xf32, #tpu.memory_space<hbm>>)
          "tpu.trace_stop"() : () -> ()
        } else {
        }
      } else {
      }
      tpu.yield
    }) : () -> ()
    return
  }
}

#map = affine_map<(d0, d1) -> (0, 0)>
module attributes {stable_mosaic.version = 14 : i64} {
  func.func @_gather(%arg0: i32, %arg1: i32, %arg2: memref<100000x128xf32, #tpu.memory_space<hbm>>, %arg3: memref<4x51200xi32, #tpu.memory_space<hbm>>, %arg4: memref<204800x128xf32, #tpu.memory_space<hbm>>) attributes {dimension_semantics = [#tpu.dimension_semantics<core_parallel>, #tpu.dimension_semantics<subcore_parallel>], iteration_bounds = array<i64: 2, 16>, scalar_prefetch = 0 : i64, scratch_operands = 0 : i64, tpu.core_type = #tpu.core_type<sc_vector_subcore>, window_params = [{transform_indices = #map}, {transform_indices = #map}, {transform_indices = #map}]} {
    %mul3A = arith.constant 1 : i32
    %mul3A_0 = arith.muli %arg1, %mul3A : i32
    %add3A = arith.constant 0 : i32
    %add3A_1 = arith.addi %add3A, %mul3A_0 : i32
    %mul3A_2 = arith.constant 16 : i32
    %mul3A_3 = arith.muli %arg0, %mul3A_2 : i32
    %add3A_4 = arith.addi %add3A_1, %mul3A_3 : i32
    %lt3A = arith.constant 8 : i32
    %lt3A_5 = arith.cmpi slt, %add3A_4, %lt3A : i32
    %jit3A = arith.constant 7 : i32
    %jit3A_6 = arith.constant 6 : i32
    %select_n3A = arith.select %lt3A_5, %jit3A, %jit3A_6 : i32
    %lt3A_7 = arith.constant 8 : i32
    %lt3A_8 = arith.cmpi slt, %add3A_4, %lt3A_7 : i32
    %mul3A_9 = arith.muli %add3A_4, %select_n3A : i32
    %mul3A_10 = arith.constant 6 : i32
    %mul3A_11 = arith.muli %add3A_4, %mul3A_10 : i32
    %add3A_12 = arith.constant 8 : i32
    %add3A_13 = arith.addi %mul3A_11, %add3A_12 : i32
    %select_n3A_14 = arith.select %lt3A_8, %mul3A_9, %add3A_13 : i32
    %mul3A_15 = arith.constant 4 : i32
    %mul3A_16 = arith.muli %mul3A_15, %select_n3A : i32
    "tpu.region"() ({
      %run_scoped3A = memref.alloca() : memref<2x1x256xi32, #tpu.memory_space<vmem>>
      %run_scoped3A_17 = tpu.sem_alloc : memref<2x!tpu.dma_semaphore, #tpu.memory_space<semaphore_mem>>
      %run_scoped3A_18 = memref.alloca() : memref<2x256x128xf32, #tpu.memory_space<vmem>>
      %run_scoped3A_19 = tpu.sem_alloc : memref<2x!tpu.dma_semaphore, #tpu.memory_space<semaphore_mem>>
      %gt3A = arith.constant 0 : i32
      %gt3A_20 = arith.cmpi sgt, %mul3A_16, %gt3A : i32
      %convert_element_type3A = arith.extui %gt3A_20 : i1 to i32
      %cond3A = arith.constant 0 : i32
      %cond3A_21 = arith.cmpi ne, %convert_element_type3A, %cond3A : i32
      scf.if %cond3A_21 {
        %mul3A_22 = arith.constant 4 : i32
        %mul3A_23 = arith.muli %mul3A_22, %select_n3A : i32
        %sub3A = arith.constant 1 : i32
        %sub3A_24 = arith.subi %mul3A_23, %sub3A : i32
        %eq3A = arith.constant 0 : i32
        %eq3A_25 = arith.cmpi eq, %sub3A_24, %eq3A : i32
        %add3A_26 = arith.constant 0 : i32
        %add3A_27 = arith.addi %add3A_26, %select_n3A_14 : i32
        %select_n3A_28 = arith.constant true
        %select_n3A_29 = arith.constant 0 : i32
        %select_n3A_30 = arith.constant -1 : i32
        %select_n3A_31 = arith.select %select_n3A_28, %select_n3A_30, %select_n3A_29 : i32
        %eq3A_32 = arith.constant -1 : i32
        %eq3A_33 = arith.cmpi eq, %select_n3A_31, %eq3A_32 : i32
        %sub3A_34 = arith.constant 1 : i32
        %sub3A_35 = arith.subi %select_n3A, %sub3A_34 : i32
        %select_n3A_36 = arith.select %eq3A_33, %sub3A_35, %select_n3A_31 : i32
        %select_n3A_37 = arith.constant 0 : i32
        %select_n3A_38 = arith.constant -1 : i32
        %select_n3A_39 = arith.select %eq3A_33, %select_n3A_38, %select_n3A_37 : i32
        %eq3A_40 = arith.constant -1 : i32
        %eq3A_41 = arith.cmpi eq, %select_n3A_39, %eq3A_40 : i32
        %select_n3A_42 = arith.constant 3 : i32
        %select_n3A_43 = arith.select %eq3A_41, %select_n3A_42, %select_n3A_39 : i32
        %add3A_44 = arith.constant 0 : i32
        %add3A_45 = arith.addi %select_n3A_43, %add3A_44 : i32
        %add3A_46 = arith.addi %select_n3A_36, %select_n3A_14 : i32
        %select_n3A_47 = arith.constant true
        %select_n3A_48 = arith.constant 0 : i32
        %select_n3A_49 = arith.constant 1 : i32
        %select_n3A_50 = arith.select %select_n3A_47, %select_n3A_49, %select_n3A_48 : i32
        %eq3A_51 = arith.cmpi eq, %select_n3A_50, %select_n3A : i32
        %select_n3A_52 = arith.constant 0 : i32
        %select_n3A_53 = arith.select %eq3A_51, %select_n3A_52, %select_n3A_50 : i32
        %select_n3A_54 = arith.constant 0 : i32
        %select_n3A_55 = arith.constant 1 : i32
        %select_n3A_56 = arith.select %eq3A_51, %select_n3A_55, %select_n3A_54 : i32
        %eq3A_57 = arith.constant 4 : i32
        %eq3A_58 = arith.cmpi eq, %select_n3A_56, %eq3A_57 : i32
        %select_n3A_59 = arith.constant 0 : i32
        %select_n3A_60 = arith.select %eq3A_58, %select_n3A_59, %select_n3A_56 : i32
        %add3A_61 = arith.constant 0 : i32
        %add3A_62 = arith.addi %select_n3A_60, %add3A_61 : i32
        %add3A_63 = arith.addi %select_n3A_53, %select_n3A_14 : i32
        %add3A_64 = arith.constant 1 : i32
        %add3A_65 = arith.addi %select_n3A_53, %add3A_64 : i32
        %select_n3A_66 = arith.constant true
        %select_n3A_67 = arith.select %select_n3A_66, %add3A_65, %select_n3A_53 : i32
        %eq3A_68 = arith.cmpi eq, %select_n3A_67, %select_n3A : i32
        %select_n3A_69 = arith.constant 0 : i32
        %select_n3A_70 = arith.select %eq3A_68, %select_n3A_69, %select_n3A_67 : i32
        %add3A_71 = arith.constant 1 : i32
        %add3A_72 = arith.addi %select_n3A_60, %add3A_71 : i32
        %select_n3A_73 = arith.select %eq3A_68, %add3A_72, %select_n3A_60 : i32
        %eq3A_74 = arith.constant 4 : i32
        %eq3A_75 = arith.cmpi eq, %select_n3A_73, %eq3A_74 : i32
        %select_n3A_76 = arith.constant 0 : i32
        %select_n3A_77 = arith.select %eq3A_75, %select_n3A_76, %select_n3A_73 : i32
        %add3A_78 = arith.constant 0 : i32
        %add3A_79 = arith.addi %select_n3A_77, %add3A_78 : i32
        %add3A_80 = arith.addi %select_n3A_70, %select_n3A_14 : i32
        "tpu.trace_start"() <{level = 10 : i32, message = "ep_initialize_0"}> : () -> ()
        %rem3A = arith.constant 0 : i32
        %rem3A_81 = arith.constant 2 : i32
        %rem3A_82 = arith.remui %rem3A, %rem3A_81 : i32
        %mul3A_83 = arith.constant 256 : i32
        %mul3A_84 = arith.muli %mul3A_83, %add3A_27 : i32
        %dma_start3A = arith.constant 0 : i32
        %dma_start3A_85 = arith.constant 0 : i32
        %dma_start3A_86 = tpu.memref_slice %run_scoped3A[%rem3A_82, %dma_start3A, %dma_start3A_85] : memref<2x1x256xi32, #tpu.memory_space<vmem>> -> memref<1x1x256xi32, #tpu.memory_space<vmem>>
        %dma_start3A_87 = tpu.memref_squeeze %dma_start3A_86 : memref<1x1x256xi32, #tpu.memory_space<vmem>> -> memref<1x256xi32, #tpu.memory_space<vmem>>
        %dma_start3A_88 = arith.constant 0 : i32
        %dma_start3A_89 = tpu.memref_slice %arg3[%dma_start3A_88, %mul3A_84] : memref<4x51200xi32, #tpu.memory_space<hbm>> -> memref<1x256xi32, #tpu.memory_space<hbm>>
        %dma_start3A_90 = tpu.memref_slice %run_scoped3A_17[%rem3A_82] : memref<2x!tpu.dma_semaphore, #tpu.memory_space<semaphore_mem>> -> memref<1x!tpu.dma_semaphore, #tpu.memory_space<semaphore_mem>>
        %dma_start3A_91 = tpu.memref_squeeze %dma_start3A_90 : memref<1x!tpu.dma_semaphore, #tpu.memory_space<semaphore_mem>> -> memref<!tpu.dma_semaphore, #tpu.memory_space<semaphore_mem>>
        %dma_start3A_92 = arith.constant 0 : i32
        %dma_start3A_93 = arith.constant 0 : i32
        %dma_start3A_94 = tpu.memref_slice %run_scoped3A[%rem3A_82, %dma_start3A_92, %dma_start3A_93] : memref<2x1x256xi32, #tpu.memory_space<vmem>> -> memref<1x1x256xi32, #tpu.memory_space<vmem>>
        %dma_start3A_95 = tpu.memref_squeeze %dma_start3A_94 : memref<1x1x256xi32, #tpu.memory_space<vmem>> -> memref<1x256xi32, #tpu.memory_space<vmem>>
        %dma_start3A_96 = arith.constant 0 : i32
        %dma_start3A_97 = tpu.memref_slice %arg3[%dma_start3A_96, %mul3A_84] : memref<4x51200xi32, #tpu.memory_space<hbm>> -> memref<1x256xi32, #tpu.memory_space<hbm>>
        tpu.enqueue_dma source(%dma_start3A_97 : memref<1x256xi32, #tpu.memory_space<hbm>>) target(%dma_start3A_95 : memref<1x256xi32, #tpu.memory_space<vmem>>) target_semaphore(%dma_start3A_91 : memref<!tpu.dma_semaphore, #tpu.memory_space<semaphore_mem>>)
        %add3A_98 = arith.constant 0 : i32
        %add3A_99 = arith.constant 1 : i32
        %add3A_100 = arith.addi %add3A_98, %add3A_99 : i32
        %select_n3A_101 = arith.constant true
        %select_n3A_102 = arith.constant 0 : i32
        %select_n3A_103 = arith.select %select_n3A_101, %add3A_100, %select_n3A_102 : i32
        %while3A = arith.constant 0 : i32
        %while3A_104 = arith.constant 0 : i32
        %while3A_105 = arith.constant 0 : i32
        %while3A_106 = arith.constant 0 : i32
        %while3A_107 = arith.constant 0 : i32
        %while3A_108 = arith.constant 0 : i32
        "tpu.trace_stop"() : () -> ()
        %while3A_109 = arith.subi %mul3A_16, %while3A : i32
        %while3A_110 = arith.addi %while3A, %while3A_109 : i32
        %while3A_111 = arith.constant 1 : i32
        %while3A_112 = arith.divsi %while3A_109, %while3A_111 : i32
        %while3A_113 = arith.muli %while3A_112, %while3A_111 : i32
        %while3A_114 = arith.addi %while3A, %while3A_113 : i32
        %while3A_115 = arith.constant 1 : i32
        %while3A_116:6 = scf.for %while3A_206 = %while3A to %while3A_114 step %while3A_115 iter_args(%while3A_207 = %select_n3A_103, %while3A_208 = %while3A_104, %while3A_209 = %while3A_105, %while3A_210 = %while3A_106, %while3A_211 = %while3A_107, %while3A_212 = %while3A_108) -> (i32, i32, i32, i32, i32, i32)  : i32 {
          %mul3A_213 = arith.constant 4 : i32
          %mul3A_214 = arith.muli %mul3A_213, %select_n3A : i32
          %eq3A_215 = arith.constant 0 : i32
          %eq3A_216 = arith.cmpi eq, %while3A_206, %eq3A_215 : i32
          %sub3A_217 = arith.constant 1 : i32
          %sub3A_218 = arith.subi %mul3A_214, %sub3A_217 : i32
          %eq3A_219 = arith.cmpi eq, %while3A_206, %sub3A_218 : i32
          %add3A_220 = arith.constant 0 : i32
          %add3A_221 = arith.addi %while3A_211, %add3A_220 : i32
          %add3A_222 = arith.addi %while3A_212, %select_n3A_14 : i32
          %sub3A_223 = arith.constant 1 : i32
          %sub3A_224 = arith.subi %while3A_212, %sub3A_223 : i32
          %select_n3A_225 = arith.constant true
          %select_n3A_226 = arith.select %select_n3A_225, %sub3A_224, %while3A_212 : i32
          %eq3A_227 = arith.constant -1 : i32
          %eq3A_228 = arith.cmpi eq, %select_n3A_226, %eq3A_227 : i32
          %sub3A_229 = arith.constant 1 : i32
          %sub3A_230 = arith.subi %select_n3A, %sub3A_229 : i32
          %select_n3A_231 = arith.select %eq3A_228, %sub3A_230, %select_n3A_226 : i32
          %sub3A_232 = arith.constant 1 : i32
          %sub3A_233 = arith.subi %while3A_211, %sub3A_232 : i32
          %select_n3A_234 = arith.select %eq3A_228, %sub3A_233, %while3A_211 : i32
          %eq3A_235 = arith.constant -1 : i32
          %eq3A_236 = arith.cmpi eq, %select_n3A_234, %eq3A_235 : i32
          %select_n3A_237 = arith.constant 3 : i32
          %select_n3A_238 = arith.select %eq3A_236, %select_n3A_237, %select_n3A_234 : i32
          %add3A_239 = arith.constant 0 : i32
          %add3A_240 = arith.addi %select_n3A_238, %add3A_239 : i32
          %add3A_241 = arith.addi %select_n3A_231, %select_n3A_14 : i32
          %add3A_242 = arith.constant 1 : i32
          %add3A_243 = arith.addi %while3A_212, %add3A_242 : i32
          %select_n3A_244 = arith.constant true
          %select_n3A_245 = arith.select %select_n3A_244, %add3A_243, %while3A_212 : i32
          %eq3A_246 = arith.cmpi eq, %select_n3A_245, %select_n3A : i32
          %select_n3A_247 = arith.constant 0 : i32
          %select_n3A_248 = arith.select %eq3A_246, %select_n3A_247, %select_n3A_245 : i32
          %add3A_249 = arith.constant 1 : i32
          %add3A_250 = arith.addi %while3A_211, %add3A_249 : i32
          %select_n3A_251 = arith.select %eq3A_246, %add3A_250, %while3A_211 : i32
          %eq3A_252 = arith.constant 4 : i32
          %eq3A_253 = arith.cmpi eq, %select_n3A_251, %eq3A_252 : i32
          %select_n3A_254 = arith.constant 0 : i32
          %select_n3A_255 = arith.select %eq3A_253, %select_n3A_254, %select_n3A_251 : i32
          %add3A_256 = arith.constant 0 : i32
          %add3A_257 = arith.addi %select_n3A_255, %add3A_256 : i32
          %add3A_258 = arith.addi %select_n3A_248, %select_n3A_14 : i32
          %add3A_259 = arith.constant 1 : i32
          %add3A_260 = arith.addi %select_n3A_248, %add3A_259 : i32
          %select_n3A_261 = arith.constant true
          %select_n3A_262 = arith.select %select_n3A_261, %add3A_260, %select_n3A_248 : i32
          %eq3A_263 = arith.cmpi eq, %select_n3A_262, %select_n3A : i32
          %select_n3A_264 = arith.constant 0 : i32
          %select_n3A_265 = arith.select %eq3A_263, %select_n3A_264, %select_n3A_262 : i32
          %add3A_266 = arith.constant 1 : i32
          %add3A_267 = arith.addi %select_n3A_255, %add3A_266 : i32
          %select_n3A_268 = arith.select %eq3A_263, %add3A_267, %select_n3A_255 : i32
          %eq3A_269 = arith.constant 4 : i32
          %eq3A_270 = arith.cmpi eq, %select_n3A_268, %eq3A_269 : i32
          %select_n3A_271 = arith.constant 0 : i32
          %select_n3A_272 = arith.select %eq3A_270, %select_n3A_271, %select_n3A_268 : i32
          %add3A_273 = arith.constant 0 : i32
          %add3A_274 = arith.addi %select_n3A_272, %add3A_273 : i32
          %add3A_275 = arith.addi %select_n3A_265, %select_n3A_14 : i32
          %ne3A = arith.cmpi ne, %add3A_221, %add3A_257 : i32
          %ne3A_276 = arith.cmpi ne, %add3A_222, %add3A_258 : i32
          %or3A = arith.constant false
          %or3A_277 = arith.ori %or3A, %ne3A : i1
          %or3A_278 = arith.ori %or3A_277, %ne3A_276 : i1
          %sub3A_279 = arith.constant 2 : i32
          %sub3A_280 = arith.subi %mul3A_214, %sub3A_279 : i32
          %add3A_281 = arith.constant 1 : i32
          %add3A_282 = arith.addi %sub3A_280, %add3A_281 : i32
          %ge3A = arith.cmpi sge, %while3A_206, %add3A_282 : i32
          %not3A = arith.constant true
          %not3A_283 = arith.xori %ge3A, %not3A : i1
          %and3A = arith.andi %or3A_278, %not3A_283 : i1
          %convert_element_type3A_284 = arith.extui %and3A : i1 to i32
          %cond3A_285 = arith.constant 0 : i32
          %cond3A_286 = arith.cmpi ne, %convert_element_type3A_284, %cond3A_285 : i32
          scf.if %cond3A_286 {
            "tpu.trace_start"() <{level = 10 : i32, message = "ep_copy_in"}> : () -> ()
            %rem3A_429 = arith.constant 2 : i32
            %rem3A_430 = arith.remui %while3A_207, %rem3A_429 : i32
            %mul3A_431 = arith.constant 1 : i32
            %mul3A_432 = arith.muli %mul3A_431, %add3A_257 : i32
            %mul3A_433 = arith.constant 256 : i32
            %mul3A_434 = arith.muli %mul3A_433, %add3A_258 : i32
            %dma_start3A_435 = arith.constant 0 : i32
            %dma_start3A_436 = arith.constant 0 : i32
            %dma_start3A_437 = tpu.memref_slice %run_scoped3A[%rem3A_430, %dma_start3A_435, %dma_start3A_436] : memref<2x1x256xi32, #tpu.memory_space<vmem>> -> memref<1x1x256xi32, #tpu.memory_space<vmem>>
            %dma_start3A_438 = tpu.memref_squeeze %dma_start3A_437 : memref<1x1x256xi32, #tpu.memory_space<vmem>> -> memref<1x256xi32, #tpu.memory_space<vmem>>
            %dma_start3A_439 = tpu.memref_slice %arg3[%mul3A_432, %mul3A_434] : memref<4x51200xi32, #tpu.memory_space<hbm>> -> memref<1x256xi32, #tpu.memory_space<hbm>>
            %dma_start3A_440 = tpu.memref_slice %run_scoped3A_17[%rem3A_430] : memref<2x!tpu.dma_semaphore, #tpu.memory_space<semaphore_mem>> -> memref<1x!tpu.dma_semaphore, #tpu.memory_space<semaphore_mem>>
            %dma_start3A_441 = tpu.memref_squeeze %dma_start3A_440 : memref<1x!tpu.dma_semaphore, #tpu.memory_space<semaphore_mem>> -> memref<!tpu.dma_semaphore, #tpu.memory_space<semaphore_mem>>
            %dma_start3A_442 = arith.constant 0 : i32
            %dma_start3A_443 = arith.constant 0 : i32
            %dma_start3A_444 = tpu.memref_slice %run_scoped3A[%rem3A_430, %dma_start3A_442, %dma_start3A_443] : memref<2x1x256xi32, #tpu.memory_space<vmem>> -> memref<1x1x256xi32, #tpu.memory_space<vmem>>
            %dma_start3A_445 = tpu.memref_squeeze %dma_start3A_444 : memref<1x1x256xi32, #tpu.memory_space<vmem>> -> memref<1x256xi32, #tpu.memory_space<vmem>>
            %dma_start3A_446 = tpu.memref_slice %arg3[%mul3A_432, %mul3A_434] : memref<4x51200xi32, #tpu.memory_space<hbm>> -> memref<1x256xi32, #tpu.memory_space<hbm>>
            tpu.enqueue_dma source(%dma_start3A_446 : memref<1x256xi32, #tpu.memory_space<hbm>>) target(%dma_start3A_445 : memref<1x256xi32, #tpu.memory_space<vmem>>) target_semaphore(%dma_start3A_441 : memref<!tpu.dma_semaphore, #tpu.memory_space<semaphore_mem>>)
            "tpu.trace_stop"() : () -> ()
          } else {
          }
          %and3A_287 = arith.constant true
          %and3A_288 = arith.andi %and3A, %and3A_287 : i1
          %add3A_289 = arith.constant 1 : i32
          %add3A_290 = arith.addi %while3A_207, %add3A_289 : i32
          %select_n3A_291 = arith.select %and3A_288, %add3A_290, %while3A_207 : i32
          %mul3A_292 = arith.constant 200 : i32
          %mul3A_293 = arith.muli %add3A_221, %mul3A_292 : i32
          %add3A_294 = arith.addi %mul3A_293, %add3A_222 : i32
          %mul3A_295 = arith.constant 200 : i32
          %mul3A_296 = arith.muli %add3A_257, %mul3A_295 : i32
          %add3A_297 = arith.addi %mul3A_296, %add3A_258 : i32
          %ne3A_298 = arith.cmpi ne, %add3A_294, %add3A_297 : i32
          %or3A_299 = arith.constant false
          %or3A_300 = arith.ori %or3A_299, %ne3A_298 : i1
          %or3A_301 = arith.constant false
          %or3A_302 = arith.ori %or3A_300, %or3A_301 : i1
          %sub3A_303 = arith.constant 2 : i32
          %sub3A_304 = arith.subi %mul3A_214, %sub3A_303 : i32
          %add3A_305 = arith.constant 1 : i32
          %add3A_306 = arith.addi %sub3A_304, %add3A_305 : i32
          %ge3A_307 = arith.cmpi sge, %while3A_206, %add3A_306 : i32
          %not3A_308 = arith.constant true
          %not3A_309 = arith.xori %ge3A_307, %not3A_308 : i1
          %and3A_310 = arith.andi %or3A_302, %not3A_309 : i1
          %ne3A_311 = arith.cmpi ne, %add3A_221, %add3A_240 : i32
          %ne3A_312 = arith.cmpi ne, %add3A_222, %add3A_241 : i32
          %or3A_313 = arith.constant false
          %or3A_314 = arith.ori %or3A_313, %ne3A_311 : i1
          %or3A_315 = arith.ori %or3A_314, %ne3A_312 : i1
          %or3A_316 = arith.ori %or3A_315, %eq3A_216 : i1
          %convert_element_type3A_317 = arith.extui %or3A_316 : i1 to i32
          %cond3A_318 = arith.constant 0 : i32
          %cond3A_319 = arith.cmpi ne, %convert_element_type3A_317, %cond3A_318 : i32
          scf.if %cond3A_319 {
            "tpu.trace_start"() <{level = 10 : i32, message = "ep_wait_in"}> : () -> ()
            %mul3A_429 = arith.constant 1 : i32
            %mul3A_430 = arith.muli %mul3A_429, %add3A_221 : i32
            %mul3A_431 = arith.constant 256 : i32
            %mul3A_432 = arith.muli %mul3A_431, %add3A_222 : i32
            %rem3A_433 = arith.constant 2 : i32
            %rem3A_434 = arith.remui %while3A_208, %rem3A_433 : i32
            %dma_wait3A = arith.constant 0 : i32
            %dma_wait3A_435 = arith.constant 0 : i32
            %dma_wait3A_436 = tpu.memref_slice %run_scoped3A[%rem3A_434, %dma_wait3A, %dma_wait3A_435] : memref<2x1x256xi32, #tpu.memory_space<vmem>> -> memref<1x1x256xi32, #tpu.memory_space<vmem>>
            %dma_wait3A_437 = tpu.memref_squeeze %dma_wait3A_436 : memref<1x1x256xi32, #tpu.memory_space<vmem>> -> memref<1x256xi32, #tpu.memory_space<vmem>>
            %dma_wait3A_438 = tpu.memref_slice %arg3[%mul3A_430, %mul3A_432] : memref<4x51200xi32, #tpu.memory_space<hbm>> -> memref<1x256xi32, #tpu.memory_space<hbm>>
            %dma_wait3A_439 = tpu.memref_slice %run_scoped3A_17[%rem3A_434] : memref<2x!tpu.dma_semaphore, #tpu.memory_space<semaphore_mem>> -> memref<1x!tpu.dma_semaphore, #tpu.memory_space<semaphore_mem>>
            %dma_wait3A_440 = tpu.memref_squeeze %dma_wait3A_439 : memref<1x!tpu.dma_semaphore, #tpu.memory_space<semaphore_mem>> -> memref<!tpu.dma_semaphore, #tpu.memory_space<semaphore_mem>>
            %dma_wait3A_441 = arith.constant 0 : i32
            %dma_wait3A_442 = arith.constant 0 : i32
            %dma_wait3A_443 = tpu.memref_slice %run_scoped3A[%rem3A_434, %dma_wait3A_441, %dma_wait3A_442] : memref<2x1x256xi32, #tpu.memory_space<vmem>> -> memref<1x1x256xi32, #tpu.memory_space<vmem>>
            %dma_wait3A_444 = tpu.memref_squeeze %dma_wait3A_443 : memref<1x1x256xi32, #tpu.memory_space<vmem>> -> memref<1x256xi32, #tpu.memory_space<vmem>>
            %dma_wait3A_445 = tpu.memref_slice %arg3[%mul3A_430, %mul3A_432] : memref<4x51200xi32, #tpu.memory_space<hbm>> -> memref<1x256xi32, #tpu.memory_space<hbm>>
            tpu.wait_dma2 semaphore(%dma_wait3A_440 : memref<!tpu.dma_semaphore, #tpu.memory_space<semaphore_mem>>) src(%dma_wait3A_445 : memref<1x256xi32, #tpu.memory_space<hbm>>) dst(%dma_wait3A_444 : memref<1x256xi32, #tpu.memory_space<vmem>>)
            "tpu.trace_stop"() : () -> ()
          } else {
          }
          %mul3A_320 = arith.constant 200 : i32
          %mul3A_321 = arith.muli %add3A_221, %mul3A_320 : i32
          %add3A_322 = arith.addi %mul3A_321, %add3A_222 : i32
          %mul3A_323 = arith.constant 200 : i32
          %mul3A_324 = arith.muli %add3A_240, %mul3A_323 : i32
          %add3A_325 = arith.addi %mul3A_324, %add3A_241 : i32
          %ne3A_326 = arith.cmpi ne, %add3A_322, %add3A_325 : i32
          %or3A_327 = arith.constant false
          %or3A_328 = arith.ori %or3A_327, %ne3A_326 : i1
          %or3A_329 = arith.constant false
          %or3A_330 = arith.ori %or3A_328, %or3A_329 : i1
          %or3A_331 = arith.ori %or3A_330, %eq3A_216 : i1
          %convert_element_type3A_332 = arith.extui %or3A_331 : i1 to i32
          %cond3A_333 = arith.constant 0 : i32
          %cond3A_334 = arith.cmpi ne, %convert_element_type3A_332, %cond3A_333 : i32
          scf.if %cond3A_334 {
          } else {
          }
          %rem3A_335 = arith.constant 2 : i32
          %rem3A_336 = arith.remui %while3A_208, %rem3A_335 : i32
          %rem3A_337 = arith.constant 2 : i32
          %rem3A_338 = arith.remui %while3A_209, %rem3A_337 : i32
          %run_scoped3A_339 = arith.constant 0 : i32
          "tpu.trace_start"() <{level = 10 : i32, message = "ep_run_kernel"}> : () -> ()
          "tpu.region"() ({
            %run_scoped3A_429 = tpu.sem_alloc : memref<!tpu.dma_semaphore, #tpu.memory_space<semaphore_mem>>
            %dma_start3A_430 = arith.constant 0 : i32
            %dma_start3A_431 = arith.constant 0 : i32
            %dma_start3A_432 = tpu.memref_slice %run_scoped3A_18[%rem3A_338, %dma_start3A_430, %dma_start3A_431] : memref<2x256x128xf32, #tpu.memory_space<vmem>> -> memref<1x256x128xf32, #tpu.memory_space<vmem>>
            %dma_start3A_433 = tpu.memref_squeeze %dma_start3A_432 : memref<1x256x128xf32, #tpu.memory_space<vmem>> -> memref<256x128xf32, #tpu.memory_space<vmem>>
            %dma_start3A_434 = arith.constant 0 : i32
            %dma_start3A_435 = arith.constant 0 : i32
            %dma_start3A_436 = tpu.memref_slice %run_scoped3A[%rem3A_336, %dma_start3A_434, %dma_start3A_435] : memref<2x1x256xi32, #tpu.memory_space<vmem>> -> memref<1x1x256xi32, #tpu.memory_space<vmem>>
            %dma_start3A_437 = tpu.memref_squeeze %dma_start3A_436 : memref<1x1x256xi32, #tpu.memory_space<vmem>> -> memref<1x256xi32, #tpu.memory_space<vmem>>
            %dma_start3A_438 = arith.constant 0 : i32
            %dma_start3A_439 = tpu.memref_slice %dma_start3A_437[%run_scoped3A_339, %dma_start3A_438] : memref<1x256xi32, #tpu.memory_space<vmem>> -> memref<1x256xi32, #tpu.memory_space<vmem>>
            %dma_start3A_440 = tpu.memref_squeeze %dma_start3A_439 : memref<1x256xi32, #tpu.memory_space<vmem>> -> memref<256xi32, #tpu.memory_space<vmem>>
            %dma_start3A_441 = arith.constant 0 : i32
            %dma_start3A_442 = arith.constant 0 : i32
            %dma_start3A_443 = tpu.memref_slice %arg2[%dma_start3A_441, %dma_start3A_442] : memref<100000x128xf32, #tpu.memory_space<hbm>> -> memref<100000x128xf32, #tpu.memory_space<hbm>>
            tpu.enqueue_indirect_dma source(%dma_start3A_443 : memref<100000x128xf32, #tpu.memory_space<hbm>>) target(%dma_start3A_433 : memref<256x128xf32, #tpu.memory_space<vmem>>) offsets(%dma_start3A_440 : memref<256xi32, #tpu.memory_space<vmem>>) semaphore(%run_scoped3A_429 : memref<!tpu.dma_semaphore, #tpu.memory_space<semaphore_mem>>)
            %dma_wait3A = arith.constant 0 : i32
            %dma_wait3A_444 = arith.constant 0 : i32
            %dma_wait3A_445 = tpu.memref_slice %run_scoped3A_18[%rem3A_338, %dma_wait3A, %dma_wait3A_444] : memref<2x256x128xf32, #tpu.memory_space<vmem>> -> memref<1x256x128xf32, #tpu.memory_space<vmem>>
            %dma_wait3A_446 = tpu.memref_squeeze %dma_wait3A_445 : memref<1x256x128xf32, #tpu.memory_space<vmem>> -> memref<256x128xf32, #tpu.memory_space<vmem>>
            %dma_wait3A_447 = arith.constant 0 : i32
            %dma_wait3A_448 = arith.constant 0 : i32
            %dma_wait3A_449 = tpu.memref_slice %run_scoped3A[%rem3A_336, %dma_wait3A_447, %dma_wait3A_448] : memref<2x1x256xi32, #tpu.memory_space<vmem>> -> memref<1x1x256xi32, #tpu.memory_space<vmem>>
            %dma_wait3A_450 = tpu.memref_squeeze %dma_wait3A_449 : memref<1x1x256xi32, #tpu.memory_space<vmem>> -> memref<1x256xi32, #tpu.memory_space<vmem>>
            %dma_wait3A_451 = arith.constant 0 : i32
            %dma_wait3A_452 = tpu.memref_slice %dma_wait3A_450[%run_scoped3A_339, %dma_wait3A_451] : memref<1x256xi32, #tpu.memory_space<vmem>> -> memref<1x256xi32, #tpu.memory_space<vmem>>
            %dma_wait3A_453 = tpu.memref_squeeze %dma_wait3A_452 : memref<1x256xi32, #tpu.memory_space<vmem>> -> memref<256xi32, #tpu.memory_space<vmem>>
            %dma_wait3A_454 = arith.constant 0 : i32
            %dma_wait3A_455 = arith.constant 0 : i32
            %dma_wait3A_456 = tpu.memref_slice %arg2[%dma_wait3A_454, %dma_wait3A_455] : memref<100000x128xf32, #tpu.memory_space<hbm>> -> memref<100000x128xf32, #tpu.memory_space<hbm>>
            tpu.wait_indirect_dma semaphore(%run_scoped3A_429 : memref<!tpu.dma_semaphore, #tpu.memory_space<semaphore_mem>>) src(%dma_wait3A_456 : memref<100000x128xf32, #tpu.memory_space<hbm>>) dst(%dma_wait3A_446 : memref<256x128xf32, #tpu.memory_space<vmem>>)
            tpu.yield
          }) : () -> ()
          "tpu.trace_stop"() : () -> ()
          %ne3A_340 = arith.cmpi ne, %add3A_221, %add3A_257 : i32
          %ne3A_341 = arith.cmpi ne, %add3A_222, %add3A_258 : i32
          %or3A_342 = arith.constant false
          %or3A_343 = arith.ori %or3A_342, %ne3A_340 : i1
          %or3A_344 = arith.ori %or3A_343, %ne3A_341 : i1
          %or3A_345 = arith.ori %or3A_344, %eq3A_219 : i1
          %convert_element_type3A_346 = arith.extui %or3A_345 : i1 to i32
          %cond3A_347 = arith.constant 0 : i32
          %cond3A_348 = arith.cmpi ne, %convert_element_type3A_346, %cond3A_347 : i32
          scf.if %cond3A_348 {
          } else {
          }
          %and3A_349 = arith.constant false
          %and3A_350 = arith.andi %or3A_345, %and3A_349 : i1
          %mul3A_351 = arith.constant 200 : i32
          %mul3A_352 = arith.muli %add3A_221, %mul3A_351 : i32
          %add3A_353 = arith.addi %mul3A_352, %add3A_222 : i32
          %mul3A_354 = arith.constant 200 : i32
          %mul3A_355 = arith.muli %add3A_257, %mul3A_354 : i32
          %add3A_356 = arith.addi %mul3A_355, %add3A_258 : i32
          %ne3A_357 = arith.cmpi ne, %add3A_353, %add3A_356 : i32
          %or3A_358 = arith.constant false
          %or3A_359 = arith.ori %or3A_358, %ne3A_357 : i1
          %or3A_360 = arith.constant false
          %or3A_361 = arith.ori %or3A_359, %or3A_360 : i1
          %or3A_362 = arith.ori %or3A_361, %eq3A_219 : i1
          %convert_element_type3A_363 = arith.extui %or3A_362 : i1 to i32
          %cond3A_364 = arith.constant 0 : i32
          %cond3A_365 = arith.cmpi ne, %convert_element_type3A_363, %cond3A_364 : i32
          scf.if %cond3A_365 {
            "tpu.trace_start"() <{level = 10 : i32, message = "ep_copy_out"}> : () -> ()
            %rem3A_429 = arith.constant 2 : i32
            %rem3A_430 = arith.remui %while3A_209, %rem3A_429 : i32
            %mul3A_431 = arith.constant 200 : i32
            %mul3A_432 = arith.muli %add3A_221, %mul3A_431 : i32
            %add3A_433 = arith.addi %mul3A_432, %add3A_222 : i32
            %mul3A_434 = arith.constant 256 : i32
            %mul3A_435 = arith.muli %mul3A_434, %add3A_433 : i32
            %dma_start3A_436 = arith.constant 0 : i32
            %dma_start3A_437 = arith.constant 0 : i32
            %dma_start3A_438 = tpu.memref_slice %run_scoped3A_18[%rem3A_430, %dma_start3A_436, %dma_start3A_437] : memref<2x256x128xf32, #tpu.memory_space<vmem>> -> memref<1x256x128xf32, #tpu.memory_space<vmem>>
            %dma_start3A_439 = tpu.memref_squeeze %dma_start3A_438 : memref<1x256x128xf32, #tpu.memory_space<vmem>> -> memref<256x128xf32, #tpu.memory_space<vmem>>
            %dma_start3A_440 = arith.constant 0 : i32
            %dma_start3A_441 = tpu.memref_slice %arg4[%mul3A_435, %dma_start3A_440] : memref<204800x128xf32, #tpu.memory_space<hbm>> -> memref<256x128xf32, #tpu.memory_space<hbm>>
            %dma_start3A_442 = tpu.memref_slice %run_scoped3A_19[%rem3A_430] : memref<2x!tpu.dma_semaphore, #tpu.memory_space<semaphore_mem>> -> memref<1x!tpu.dma_semaphore, #tpu.memory_space<semaphore_mem>>
            %dma_start3A_443 = tpu.memref_squeeze %dma_start3A_442 : memref<1x!tpu.dma_semaphore, #tpu.memory_space<semaphore_mem>> -> memref<!tpu.dma_semaphore, #tpu.memory_space<semaphore_mem>>
            %dma_start3A_444 = arith.constant 0 : i32
            %dma_start3A_445 = tpu.memref_slice %arg4[%mul3A_435, %dma_start3A_444] : memref<204800x128xf32, #tpu.memory_space<hbm>> -> memref<256x128xf32, #tpu.memory_space<hbm>>
            %dma_start3A_446 = arith.constant 0 : i32
            %dma_start3A_447 = arith.constant 0 : i32
            %dma_start3A_448 = tpu.memref_slice %run_scoped3A_18[%rem3A_430, %dma_start3A_446, %dma_start3A_447] : memref<2x256x128xf32, #tpu.memory_space<vmem>> -> memref<1x256x128xf32, #tpu.memory_space<vmem>>
            %dma_start3A_449 = tpu.memref_squeeze %dma_start3A_448 : memref<1x256x128xf32, #tpu.memory_space<vmem>> -> memref<256x128xf32, #tpu.memory_space<vmem>>
            tpu.enqueue_dma source(%dma_start3A_449 : memref<256x128xf32, #tpu.memory_space<vmem>>) target(%dma_start3A_445 : memref<256x128xf32, #tpu.memory_space<hbm>>) target_semaphore(%dma_start3A_443 : memref<!tpu.dma_semaphore, #tpu.memory_space<semaphore_mem>>)
            "tpu.trace_stop"() : () -> ()
          } else {
          }
          %and3A_366 = arith.constant true
          %and3A_367 = arith.andi %or3A_362, %and3A_366 : i1
          %add3A_368 = arith.constant 1 : i32
          %add3A_369 = arith.addi %while3A_209, %add3A_368 : i32
          %select_n3A_370 = arith.select %and3A_367, %add3A_369, %while3A_209 : i32
          %ne3A_371 = arith.cmpi ne, %add3A_221, %add3A_240 : i32
          %ne3A_372 = arith.cmpi ne, %add3A_222, %add3A_241 : i32
          %or3A_373 = arith.constant false
          %or3A_374 = arith.ori %or3A_373, %ne3A_371 : i1
          %or3A_375 = arith.ori %or3A_374, %ne3A_372 : i1
          %not3A_376 = arith.constant true
          %not3A_377 = arith.xori %eq3A_216, %not3A_376 : i1
          %and3A_378 = arith.andi %or3A_375, %not3A_377 : i1
          %convert_element_type3A_379 = arith.extui %and3A_378 : i1 to i32
          %cond3A_380 = arith.constant 0 : i32
          %cond3A_381 = arith.cmpi ne, %convert_element_type3A_379, %cond3A_380 : i32
          scf.if %cond3A_381 {
          } else {
          }
          %and3A_382 = arith.constant false
          %and3A_383 = arith.andi %and3A_378, %and3A_382 : i1
          %mul3A_384 = arith.constant 200 : i32
          %mul3A_385 = arith.muli %add3A_221, %mul3A_384 : i32
          %add3A_386 = arith.addi %mul3A_385, %add3A_222 : i32
          %mul3A_387 = arith.constant 200 : i32
          %mul3A_388 = arith.muli %add3A_240, %mul3A_387 : i32
          %add3A_389 = arith.addi %mul3A_388, %add3A_241 : i32
          %ne3A_390 = arith.cmpi ne, %add3A_386, %add3A_389 : i32
          %or3A_391 = arith.constant false
          %or3A_392 = arith.ori %or3A_391, %ne3A_390 : i1
          %or3A_393 = arith.constant false
          %or3A_394 = arith.ori %or3A_392, %or3A_393 : i1
          %not3A_395 = arith.constant true
          %not3A_396 = arith.xori %eq3A_216, %not3A_395 : i1
          %and3A_397 = arith.andi %or3A_394, %not3A_396 : i1
          %convert_element_type3A_398 = arith.extui %and3A_397 : i1 to i32
          %cond3A_399 = arith.constant 0 : i32
          %cond3A_400 = arith.cmpi ne, %convert_element_type3A_398, %cond3A_399 : i32
          scf.if %cond3A_400 {
            "tpu.trace_start"() <{level = 10 : i32, message = "ep_wait_out"}> : () -> ()
            %rem3A_429 = arith.constant 2 : i32
            %rem3A_430 = arith.remui %while3A_210, %rem3A_429 : i32
            %mul3A_431 = arith.constant 200 : i32
            %mul3A_432 = arith.muli %add3A_240, %mul3A_431 : i32
            %add3A_433 = arith.addi %mul3A_432, %add3A_241 : i32
            %mul3A_434 = arith.constant 256 : i32
            %mul3A_435 = arith.muli %mul3A_434, %add3A_433 : i32
            %dma_wait3A = arith.constant 0 : i32
            %dma_wait3A_436 = arith.constant 0 : i32
            %dma_wait3A_437 = tpu.memref_slice %run_scoped3A_18[%rem3A_430, %dma_wait3A, %dma_wait3A_436] : memref<2x256x128xf32, #tpu.memory_space<vmem>> -> memref<1x256x128xf32, #tpu.memory_space<vmem>>
            %dma_wait3A_438 = tpu.memref_squeeze %dma_wait3A_437 : memref<1x256x128xf32, #tpu.memory_space<vmem>> -> memref<256x128xf32, #tpu.memory_space<vmem>>
            %dma_wait3A_439 = arith.constant 0 : i32
            %dma_wait3A_440 = tpu.memref_slice %arg4[%mul3A_435, %dma_wait3A_439] : memref<204800x128xf32, #tpu.memory_space<hbm>> -> memref<256x128xf32, #tpu.memory_space<hbm>>
            %dma_wait3A_441 = tpu.memref_slice %run_scoped3A_19[%rem3A_430] : memref<2x!tpu.dma_semaphore, #tpu.memory_space<semaphore_mem>> -> memref<1x!tpu.dma_semaphore, #tpu.memory_space<semaphore_mem>>
            %dma_wait3A_442 = tpu.memref_squeeze %dma_wait3A_441 : memref<1x!tpu.dma_semaphore, #tpu.memory_space<semaphore_mem>> -> memref<!tpu.dma_semaphore, #tpu.memory_space<semaphore_mem>>
            %dma_wait3A_443 = arith.constant 0 : i32
            %dma_wait3A_444 = tpu.memref_slice %arg4[%mul3A_435, %dma_wait3A_443] : memref<204800x128xf32, #tpu.memory_space<hbm>> -> memref<256x128xf32, #tpu.memory_space<hbm>>
            %dma_wait3A_445 = arith.constant 0 : i32
            %dma_wait3A_446 = arith.constant 0 : i32
            %dma_wait3A_447 = tpu.memref_slice %run_scoped3A_18[%rem3A_430, %dma_wait3A_445, %dma_wait3A_446] : memref<2x256x128xf32, #tpu.memory_space<vmem>> -> memref<1x256x128xf32, #tpu.memory_space<vmem>>
            %dma_wait3A_448 = tpu.memref_squeeze %dma_wait3A_447 : memref<1x256x128xf32, #tpu.memory_space<vmem>> -> memref<256x128xf32, #tpu.memory_space<vmem>>
            tpu.wait_dma2 semaphore(%dma_wait3A_442 : memref<!tpu.dma_semaphore, #tpu.memory_space<semaphore_mem>>) src(%dma_wait3A_448 : memref<256x128xf32, #tpu.memory_space<vmem>>) dst(%dma_wait3A_444 : memref<256x128xf32, #tpu.memory_space<hbm>>)
            "tpu.trace_stop"() : () -> ()
          } else {
          }
          %and3A_401 = arith.constant true
          %and3A_402 = arith.andi %and3A_397, %and3A_401 : i1
          %add3A_403 = arith.constant 1 : i32
          %add3A_404 = arith.addi %while3A_210, %add3A_403 : i32
          %select_n3A_405 = arith.select %and3A_402, %add3A_404, %while3A_210 : i32
          %ne3A_406 = arith.cmpi ne, %add3A_221, %add3A_257 : i32
          %ne3A_407 = arith.cmpi ne, %add3A_222, %add3A_258 : i32
          %or3A_408 = arith.constant false
          %or3A_409 = arith.ori %or3A_408, %ne3A_406 : i1
          %or3A_410 = arith.ori %or3A_409, %ne3A_407 : i1
          %or3A_411 = arith.ori %or3A_410, %eq3A_219 : i1
          %add3A_412 = arith.constant 1 : i32
          %add3A_413 = arith.addi %while3A_208, %add3A_412 : i32
          %select_n3A_414 = arith.select %or3A_411, %add3A_413, %while3A_208 : i32
          %add3A_415 = arith.constant 1 : i32
          %add3A_416 = arith.addi %while3A_212, %add3A_415 : i32
          %select_n3A_417 = arith.constant true
          %select_n3A_418 = arith.select %select_n3A_417, %add3A_416, %while3A_212 : i32
          %eq3A_419 = arith.cmpi eq, %select_n3A_418, %select_n3A : i32
          %select_n3A_420 = arith.constant 0 : i32
          %select_n3A_421 = arith.select %eq3A_419, %select_n3A_420, %select_n3A_418 : i32
          %add3A_422 = arith.constant 1 : i32
          %add3A_423 = arith.addi %while3A_211, %add3A_422 : i32
          %select_n3A_424 = arith.select %eq3A_419, %add3A_423, %while3A_211 : i32
          %eq3A_425 = arith.constant 4 : i32
          %eq3A_426 = arith.cmpi eq, %select_n3A_424, %eq3A_425 : i32
          %select_n3A_427 = arith.constant 0 : i32
          %select_n3A_428 = arith.select %eq3A_426, %select_n3A_427, %select_n3A_424 : i32
          scf.yield %select_n3A_291, %select_n3A_414, %select_n3A_370, %select_n3A_405, %select_n3A_428, %select_n3A_421 : i32, i32, i32, i32, i32, i32
        }
        %while3A_117 = arith.constant 1 : i32
        %while3A_118:6 = scf.for %while3A_206 = %while3A_114 to %while3A_110 step %while3A_117 iter_args(%while3A_207 = %while3A_116#0, %while3A_208 = %while3A_116#1, %while3A_209 = %while3A_116#2, %while3A_210 = %while3A_116#3, %while3A_211 = %while3A_116#4, %while3A_212 = %while3A_116#5) -> (i32, i32, i32, i32, i32, i32)  : i32 {
          %mul3A_213 = arith.constant 4 : i32
          %mul3A_214 = arith.muli %mul3A_213, %select_n3A : i32
          %eq3A_215 = arith.constant 0 : i32
          %eq3A_216 = arith.cmpi eq, %while3A_206, %eq3A_215 : i32
          %sub3A_217 = arith.constant 1 : i32
          %sub3A_218 = arith.subi %mul3A_214, %sub3A_217 : i32
          %eq3A_219 = arith.cmpi eq, %while3A_206, %sub3A_218 : i32
          %add3A_220 = arith.constant 0 : i32
          %add3A_221 = arith.addi %while3A_211, %add3A_220 : i32
          %add3A_222 = arith.addi %while3A_212, %select_n3A_14 : i32
          %sub3A_223 = arith.constant 1 : i32
          %sub3A_224 = arith.subi %while3A_212, %sub3A_223 : i32
          %select_n3A_225 = arith.constant true
          %select_n3A_226 = arith.select %select_n3A_225, %sub3A_224, %while3A_212 : i32
          %eq3A_227 = arith.constant -1 : i32
          %eq3A_228 = arith.cmpi eq, %select_n3A_226, %eq3A_227 : i32
          %sub3A_229 = arith.constant 1 : i32
          %sub3A_230 = arith.subi %select_n3A, %sub3A_229 : i32
          %select_n3A_231 = arith.select %eq3A_228, %sub3A_230, %select_n3A_226 : i32
          %sub3A_232 = arith.constant 1 : i32
          %sub3A_233 = arith.subi %while3A_211, %sub3A_232 : i32
          %select_n3A_234 = arith.select %eq3A_228, %sub3A_233, %while3A_211 : i32
          %eq3A_235 = arith.constant -1 : i32
          %eq3A_236 = arith.cmpi eq, %select_n3A_234, %eq3A_235 : i32
          %select_n3A_237 = arith.constant 3 : i32
          %select_n3A_238 = arith.select %eq3A_236, %select_n3A_237, %select_n3A_234 : i32
          %add3A_239 = arith.constant 0 : i32
          %add3A_240 = arith.addi %select_n3A_238, %add3A_239 : i32
          %add3A_241 = arith.addi %select_n3A_231, %select_n3A_14 : i32
          %add3A_242 = arith.constant 1 : i32
          %add3A_243 = arith.addi %while3A_212, %add3A_242 : i32
          %select_n3A_244 = arith.constant true
          %select_n3A_245 = arith.select %select_n3A_244, %add3A_243, %while3A_212 : i32
          %eq3A_246 = arith.cmpi eq, %select_n3A_245, %select_n3A : i32
          %select_n3A_247 = arith.constant 0 : i32
          %select_n3A_248 = arith.select %eq3A_246, %select_n3A_247, %select_n3A_245 : i32
          %add3A_249 = arith.constant 1 : i32
          %add3A_250 = arith.addi %while3A_211, %add3A_249 : i32
          %select_n3A_251 = arith.select %eq3A_246, %add3A_250, %while3A_211 : i32
          %eq3A_252 = arith.constant 4 : i32
          %eq3A_253 = arith.cmpi eq, %select_n3A_251, %eq3A_252 : i32
          %select_n3A_254 = arith.constant 0 : i32
          %select_n3A_255 = arith.select %eq3A_253, %select_n3A_254, %select_n3A_251 : i32
          %add3A_256 = arith.constant 0 : i32
          %add3A_257 = arith.addi %select_n3A_255, %add3A_256 : i32
          %add3A_258 = arith.addi %select_n3A_248, %select_n3A_14 : i32
          %add3A_259 = arith.constant 1 : i32
          %add3A_260 = arith.addi %select_n3A_248, %add3A_259 : i32
          %select_n3A_261 = arith.constant true
          %select_n3A_262 = arith.select %select_n3A_261, %add3A_260, %select_n3A_248 : i32
          %eq3A_263 = arith.cmpi eq, %select_n3A_262, %select_n3A : i32
          %select_n3A_264 = arith.constant 0 : i32
          %select_n3A_265 = arith.select %eq3A_263, %select_n3A_264, %select_n3A_262 : i32
          %add3A_266 = arith.constant 1 : i32
          %add3A_267 = arith.addi %select_n3A_255, %add3A_266 : i32
          %select_n3A_268 = arith.select %eq3A_263, %add3A_267, %select_n3A_255 : i32
          %eq3A_269 = arith.constant 4 : i32
          %eq3A_270 = arith.cmpi eq, %select_n3A_268, %eq3A_269 : i32
          %select_n3A_271 = arith.constant 0 : i32
          %select_n3A_272 = arith.select %eq3A_270, %select_n3A_271, %select_n3A_268 : i32
          %add3A_273 = arith.constant 0 : i32
          %add3A_274 = arith.addi %select_n3A_272, %add3A_273 : i32
          %add3A_275 = arith.addi %select_n3A_265, %select_n3A_14 : i32
          %ne3A = arith.cmpi ne, %add3A_221, %add3A_257 : i32
          %ne3A_276 = arith.cmpi ne, %add3A_222, %add3A_258 : i32
          %or3A = arith.constant false
          %or3A_277 = arith.ori %or3A, %ne3A : i1
          %or3A_278 = arith.ori %or3A_277, %ne3A_276 : i1
          %sub3A_279 = arith.constant 2 : i32
          %sub3A_280 = arith.subi %mul3A_214, %sub3A_279 : i32
          %add3A_281 = arith.constant 1 : i32
          %add3A_282 = arith.addi %sub3A_280, %add3A_281 : i32
          %ge3A = arith.cmpi sge, %while3A_206, %add3A_282 : i32
          %not3A = arith.constant true
          %not3A_283 = arith.xori %ge3A, %not3A : i1
          %and3A = arith.andi %or3A_278, %not3A_283 : i1
          %convert_element_type3A_284 = arith.extui %and3A : i1 to i32
          %cond3A_285 = arith.constant 0 : i32
          %cond3A_286 = arith.cmpi ne, %convert_element_type3A_284, %cond3A_285 : i32
          scf.if %cond3A_286 {
            "tpu.trace_start"() <{level = 10 : i32, message = "ep_copy_in"}> : () -> ()
            %rem3A_429 = arith.constant 2 : i32
            %rem3A_430 = arith.remui %while3A_207, %rem3A_429 : i32
            %mul3A_431 = arith.constant 1 : i32
            %mul3A_432 = arith.muli %mul3A_431, %add3A_257 : i32
            %mul3A_433 = arith.constant 256 : i32
            %mul3A_434 = arith.muli %mul3A_433, %add3A_258 : i32
            %dma_start3A_435 = arith.constant 0 : i32
            %dma_start3A_436 = arith.constant 0 : i32
            %dma_start3A_437 = tpu.memref_slice %run_scoped3A[%rem3A_430, %dma_start3A_435, %dma_start3A_436] : memref<2x1x256xi32, #tpu.memory_space<vmem>> -> memref<1x1x256xi32, #tpu.memory_space<vmem>>
            %dma_start3A_438 = tpu.memref_squeeze %dma_start3A_437 : memref<1x1x256xi32, #tpu.memory_space<vmem>> -> memref<1x256xi32, #tpu.memory_space<vmem>>
            %dma_start3A_439 = tpu.memref_slice %arg3[%mul3A_432, %mul3A_434] : memref<4x51200xi32, #tpu.memory_space<hbm>> -> memref<1x256xi32, #tpu.memory_space<hbm>>
            %dma_start3A_440 = tpu.memref_slice %run_scoped3A_17[%rem3A_430] : memref<2x!tpu.dma_semaphore, #tpu.memory_space<semaphore_mem>> -> memref<1x!tpu.dma_semaphore, #tpu.memory_space<semaphore_mem>>
            %dma_start3A_441 = tpu.memref_squeeze %dma_start3A_440 : memref<1x!tpu.dma_semaphore, #tpu.memory_space<semaphore_mem>> -> memref<!tpu.dma_semaphore, #tpu.memory_space<semaphore_mem>>
            %dma_start3A_442 = arith.constant 0 : i32
            %dma_start3A_443 = arith.constant 0 : i32
            %dma_start3A_444 = tpu.memref_slice %run_scoped3A[%rem3A_430, %dma_start3A_442, %dma_start3A_443] : memref<2x1x256xi32, #tpu.memory_space<vmem>> -> memref<1x1x256xi32, #tpu.memory_space<vmem>>
            %dma_start3A_445 = tpu.memref_squeeze %dma_start3A_444 : memref<1x1x256xi32, #tpu.memory_space<vmem>> -> memref<1x256xi32, #tpu.memory_space<vmem>>
            %dma_start3A_446 = tpu.memref_slice %arg3[%mul3A_432, %mul3A_434] : memref<4x51200xi32, #tpu.memory_space<hbm>> -> memref<1x256xi32, #tpu.memory_space<hbm>>
            tpu.enqueue_dma source(%dma_start3A_446 : memref<1x256xi32, #tpu.memory_space<hbm>>) target(%dma_start3A_445 : memref<1x256xi32, #tpu.memory_space<vmem>>) target_semaphore(%dma_start3A_441 : memref<!tpu.dma_semaphore, #tpu.memory_space<semaphore_mem>>)
            "tpu.trace_stop"() : () -> ()
          } else {
          }
          %and3A_287 = arith.constant true
          %and3A_288 = arith.andi %and3A, %and3A_287 : i1
          %add3A_289 = arith.constant 1 : i32
          %add3A_290 = arith.addi %while3A_207, %add3A_289 : i32
          %select_n3A_291 = arith.select %and3A_288, %add3A_290, %while3A_207 : i32
          %mul3A_292 = arith.constant 200 : i32
          %mul3A_293 = arith.muli %add3A_221, %mul3A_292 : i32
          %add3A_294 = arith.addi %mul3A_293, %add3A_222 : i32
          %mul3A_295 = arith.constant 200 : i32
          %mul3A_296 = arith.muli %add3A_257, %mul3A_295 : i32
          %add3A_297 = arith.addi %mul3A_296, %add3A_258 : i32
          %ne3A_298 = arith.cmpi ne, %add3A_294, %add3A_297 : i32
          %or3A_299 = arith.constant false
          %or3A_300 = arith.ori %or3A_299, %ne3A_298 : i1
          %or3A_301 = arith.constant false
          %or3A_302 = arith.ori %or3A_300, %or3A_301 : i1
          %sub3A_303 = arith.constant 2 : i32
          %sub3A_304 = arith.subi %mul3A_214, %sub3A_303 : i32
          %add3A_305 = arith.constant 1 : i32
          %add3A_306 = arith.addi %sub3A_304, %add3A_305 : i32
          %ge3A_307 = arith.cmpi sge, %while3A_206, %add3A_306 : i32
          %not3A_308 = arith.constant true
          %not3A_309 = arith.xori %ge3A_307, %not3A_308 : i1
          %and3A_310 = arith.andi %or3A_302, %not3A_309 : i1
          %ne3A_311 = arith.cmpi ne, %add3A_221, %add3A_240 : i32
          %ne3A_312 = arith.cmpi ne, %add3A_222, %add3A_241 : i32
          %or3A_313 = arith.constant false
          %or3A_314 = arith.ori %or3A_313, %ne3A_311 : i1
          %or3A_315 = arith.ori %or3A_314, %ne3A_312 : i1
          %or3A_316 = arith.ori %or3A_315, %eq3A_216 : i1
          %convert_element_type3A_317 = arith.extui %or3A_316 : i1 to i32
          %cond3A_318 = arith.constant 0 : i32
          %cond3A_319 = arith.cmpi ne, %convert_element_type3A_317, %cond3A_318 : i32
          scf.if %cond3A_319 {
            "tpu.trace_start"() <{level = 10 : i32, message = "ep_wait_in"}> : () -> ()
            %mul3A_429 = arith.constant 1 : i32
            %mul3A_430 = arith.muli %mul3A_429, %add3A_221 : i32
            %mul3A_431 = arith.constant 256 : i32
            %mul3A_432 = arith.muli %mul3A_431, %add3A_222 : i32
            %rem3A_433 = arith.constant 2 : i32
            %rem3A_434 = arith.remui %while3A_208, %rem3A_433 : i32
            %dma_wait3A = arith.constant 0 : i32
            %dma_wait3A_435 = arith.constant 0 : i32
            %dma_wait3A_436 = tpu.memref_slice %run_scoped3A[%rem3A_434, %dma_wait3A, %dma_wait3A_435] : memref<2x1x256xi32, #tpu.memory_space<vmem>> -> memref<1x1x256xi32, #tpu.memory_space<vmem>>
            %dma_wait3A_437 = tpu.memref_squeeze %dma_wait3A_436 : memref<1x1x256xi32, #tpu.memory_space<vmem>> -> memref<1x256xi32, #tpu.memory_space<vmem>>
            %dma_wait3A_438 = tpu.memref_slice %arg3[%mul3A_430, %mul3A_432] : memref<4x51200xi32, #tpu.memory_space<hbm>> -> memref<1x256xi32, #tpu.memory_space<hbm>>
            %dma_wait3A_439 = tpu.memref_slice %run_scoped3A_17[%rem3A_434] : memref<2x!tpu.dma_semaphore, #tpu.memory_space<semaphore_mem>> -> memref<1x!tpu.dma_semaphore, #tpu.memory_space<semaphore_mem>>
            %dma_wait3A_440 = tpu.memref_squeeze %dma_wait3A_439 : memref<1x!tpu.dma_semaphore, #tpu.memory_space<semaphore_mem>> -> memref<!tpu.dma_semaphore, #tpu.memory_space<semaphore_mem>>
            %dma_wait3A_441 = arith.constant 0 : i32
            %dma_wait3A_442 = arith.constant 0 : i32
            %dma_wait3A_443 = tpu.memref_slice %run_scoped3A[%rem3A_434, %dma_wait3A_441, %dma_wait3A_442] : memref<2x1x256xi32, #tpu.memory_space<vmem>> -> memref<1x1x256xi32, #tpu.memory_space<vmem>>
            %dma_wait3A_444 = tpu.memref_squeeze %dma_wait3A_443 : memref<1x1x256xi32, #tpu.memory_space<vmem>> -> memref<1x256xi32, #tpu.memory_space<vmem>>
            %dma_wait3A_445 = tpu.memref_slice %arg3[%mul3A_430, %mul3A_432] : memref<4x51200xi32, #tpu.memory_space<hbm>> -> memref<1x256xi32, #tpu.memory_space<hbm>>
            tpu.wait_dma2 semaphore(%dma_wait3A_440 : memref<!tpu.dma_semaphore, #tpu.memory_space<semaphore_mem>>) src(%dma_wait3A_445 : memref<1x256xi32, #tpu.memory_space<hbm>>) dst(%dma_wait3A_444 : memref<1x256xi32, #tpu.memory_space<vmem>>)
            "tpu.trace_stop"() : () -> ()
          } else {
          }
          %mul3A_320 = arith.constant 200 : i32
          %mul3A_321 = arith.muli %add3A_221, %mul3A_320 : i32
          %add3A_322 = arith.addi %mul3A_321, %add3A_222 : i32
          %mul3A_323 = arith.constant 200 : i32
          %mul3A_324 = arith.muli %add3A_240, %mul3A_323 : i32
          %add3A_325 = arith.addi %mul3A_324, %add3A_241 : i32
          %ne3A_326 = arith.cmpi ne, %add3A_322, %add3A_325 : i32
          %or3A_327 = arith.constant false
          %or3A_328 = arith.ori %or3A_327, %ne3A_326 : i1
          %or3A_329 = arith.constant false
          %or3A_330 = arith.ori %or3A_328, %or3A_329 : i1
          %or3A_331 = arith.ori %or3A_330, %eq3A_216 : i1
          %convert_element_type3A_332 = arith.extui %or3A_331 : i1 to i32
          %cond3A_333 = arith.constant 0 : i32
          %cond3A_334 = arith.cmpi ne, %convert_element_type3A_332, %cond3A_333 : i32
          scf.if %cond3A_334 {
          } else {
          }
          %rem3A_335 = arith.constant 2 : i32
          %rem3A_336 = arith.remui %while3A_208, %rem3A_335 : i32
          %rem3A_337 = arith.constant 2 : i32
          %rem3A_338 = arith.remui %while3A_209, %rem3A_337 : i32
          %run_scoped3A_339 = arith.constant 0 : i32
          "tpu.trace_start"() <{level = 10 : i32, message = "ep_run_kernel"}> : () -> ()
          "tpu.region"() ({
            %run_scoped3A_429 = tpu.sem_alloc : memref<!tpu.dma_semaphore, #tpu.memory_space<semaphore_mem>>
            %dma_start3A_430 = arith.constant 0 : i32
            %dma_start3A_431 = arith.constant 0 : i32
            %dma_start3A_432 = tpu.memref_slice %run_scoped3A_18[%rem3A_338, %dma_start3A_430, %dma_start3A_431] : memref<2x256x128xf32, #tpu.memory_space<vmem>> -> memref<1x256x128xf32, #tpu.memory_space<vmem>>
            %dma_start3A_433 = tpu.memref_squeeze %dma_start3A_432 : memref<1x256x128xf32, #tpu.memory_space<vmem>> -> memref<256x128xf32, #tpu.memory_space<vmem>>
            %dma_start3A_434 = arith.constant 0 : i32
            %dma_start3A_435 = arith.constant 0 : i32
            %dma_start3A_436 = tpu.memref_slice %run_scoped3A[%rem3A_336, %dma_start3A_434, %dma_start3A_435] : memref<2x1x256xi32, #tpu.memory_space<vmem>> -> memref<1x1x256xi32, #tpu.memory_space<vmem>>
            %dma_start3A_437 = tpu.memref_squeeze %dma_start3A_436 : memref<1x1x256xi32, #tpu.memory_space<vmem>> -> memref<1x256xi32, #tpu.memory_space<vmem>>
            %dma_start3A_438 = arith.constant 0 : i32
            %dma_start3A_439 = tpu.memref_slice %dma_start3A_437[%run_scoped3A_339, %dma_start3A_438] : memref<1x256xi32, #tpu.memory_space<vmem>> -> memref<1x256xi32, #tpu.memory_space<vmem>>
            %dma_start3A_440 = tpu.memref_squeeze %dma_start3A_439 : memref<1x256xi32, #tpu.memory_space<vmem>> -> memref<256xi32, #tpu.memory_space<vmem>>
            %dma_start3A_441 = arith.constant 0 : i32
            %dma_start3A_442 = arith.constant 0 : i32
            %dma_start3A_443 = tpu.memref_slice %arg2[%dma_start3A_441, %dma_start3A_442] : memref<100000x128xf32, #tpu.memory_space<hbm>> -> memref<100000x128xf32, #tpu.memory_space<hbm>>
            tpu.enqueue_indirect_dma source(%dma_start3A_443 : memref<100000x128xf32, #tpu.memory_space<hbm>>) target(%dma_start3A_433 : memref<256x128xf32, #tpu.memory_space<vmem>>) offsets(%dma_start3A_440 : memref<256xi32, #tpu.memory_space<vmem>>) semaphore(%run_scoped3A_429 : memref<!tpu.dma_semaphore, #tpu.memory_space<semaphore_mem>>)
            %dma_wait3A = arith.constant 0 : i32
            %dma_wait3A_444 = arith.constant 0 : i32
            %dma_wait3A_445 = tpu.memref_slice %run_scoped3A_18[%rem3A_338, %dma_wait3A, %dma_wait3A_444] : memref<2x256x128xf32, #tpu.memory_space<vmem>> -> memref<1x256x128xf32, #tpu.memory_space<vmem>>
            %dma_wait3A_446 = tpu.memref_squeeze %dma_wait3A_445 : memref<1x256x128xf32, #tpu.memory_space<vmem>> -> memref<256x128xf32, #tpu.memory_space<vmem>>
            %dma_wait3A_447 = arith.constant 0 : i32
            %dma_wait3A_448 = arith.constant 0 : i32
            %dma_wait3A_449 = tpu.memref_slice %run_scoped3A[%rem3A_336, %dma_wait3A_447, %dma_wait3A_448] : memref<2x1x256xi32, #tpu.memory_space<vmem>> -> memref<1x1x256xi32, #tpu.memory_space<vmem>>
            %dma_wait3A_450 = tpu.memref_squeeze %dma_wait3A_449 : memref<1x1x256xi32, #tpu.memory_space<vmem>> -> memref<1x256xi32, #tpu.memory_space<vmem>>
            %dma_wait3A_451 = arith.constant 0 : i32
            %dma_wait3A_452 = tpu.memref_slice %dma_wait3A_450[%run_scoped3A_339, %dma_wait3A_451] : memref<1x256xi32, #tpu.memory_space<vmem>> -> memref<1x256xi32, #tpu.memory_space<vmem>>
            %dma_wait3A_453 = tpu.memref_squeeze %dma_wait3A_452 : memref<1x256xi32, #tpu.memory_space<vmem>> -> memref<256xi32, #tpu.memory_space<vmem>>
            %dma_wait3A_454 = arith.constant 0 : i32
            %dma_wait3A_455 = arith.constant 0 : i32
            %dma_wait3A_456 = tpu.memref_slice %arg2[%dma_wait3A_454, %dma_wait3A_455] : memref<100000x128xf32, #tpu.memory_space<hbm>> -> memref<100000x128xf32, #tpu.memory_space<hbm>>
            tpu.wait_indirect_dma semaphore(%run_scoped3A_429 : memref<!tpu.dma_semaphore, #tpu.memory_space<semaphore_mem>>) src(%dma_wait3A_456 : memref<100000x128xf32, #tpu.memory_space<hbm>>) dst(%dma_wait3A_446 : memref<256x128xf32, #tpu.memory_space<vmem>>)
            tpu.yield
          }) : () -> ()
          "tpu.trace_stop"() : () -> ()
          %ne3A_340 = arith.cmpi ne, %add3A_221, %add3A_257 : i32
          %ne3A_341 = arith.cmpi ne, %add3A_222, %add3A_258 : i32
          %or3A_342 = arith.constant false
          %or3A_343 = arith.ori %or3A_342, %ne3A_340 : i1
          %or3A_344 = arith.ori %or3A_343, %ne3A_341 : i1
          %or3A_345 = arith.ori %or3A_344, %eq3A_219 : i1
          %convert_element_type3A_346 = arith.extui %or3A_345 : i1 to i32
          %cond3A_347 = arith.constant 0 : i32
          %cond3A_348 = arith.cmpi ne, %convert_element_type3A_346, %cond3A_347 : i32
          scf.if %cond3A_348 {
          } else {
          }
          %and3A_349 = arith.constant false
          %and3A_350 = arith.andi %or3A_345, %and3A_349 : i1
          %mul3A_351 = arith.constant 200 : i32
          %mul3A_352 = arith.muli %add3A_221, %mul3A_351 : i32
          %add3A_353 = arith.addi %mul3A_352, %add3A_222 : i32
          %mul3A_354 = arith.constant 200 : i32
          %mul3A_355 = arith.muli %add3A_257, %mul3A_354 : i32
          %add3A_356 = arith.addi %mul3A_355, %add3A_258 : i32
          %ne3A_357 = arith.cmpi ne, %add3A_353, %add3A_356 : i32
          %or3A_358 = arith.constant false
          %or3A_359 = arith.ori %or3A_358, %ne3A_357 : i1
          %or3A_360 = arith.constant false
          %or3A_361 = arith.ori %or3A_359, %or3A_360 : i1
          %or3A_362 = arith.ori %or3A_361, %eq3A_219 : i1
          %convert_element_type3A_363 = arith.extui %or3A_362 : i1 to i32
          %cond3A_364 = arith.constant 0 : i32
          %cond3A_365 = arith.cmpi ne, %convert_element_type3A_363, %cond3A_364 : i32
          scf.if %cond3A_365 {
            "tpu.trace_start"() <{level = 10 : i32, message = "ep_copy_out"}> : () -> ()
            %rem3A_429 = arith.constant 2 : i32
            %rem3A_430 = arith.remui %while3A_209, %rem3A_429 : i32
            %mul3A_431 = arith.constant 200 : i32
            %mul3A_432 = arith.muli %add3A_221, %mul3A_431 : i32
            %add3A_433 = arith.addi %mul3A_432, %add3A_222 : i32
            %mul3A_434 = arith.constant 256 : i32
            %mul3A_435 = arith.muli %mul3A_434, %add3A_433 : i32
            %dma_start3A_436 = arith.constant 0 : i32
            %dma_start3A_437 = arith.constant 0 : i32
            %dma_start3A_438 = tpu.memref_slice %run_scoped3A_18[%rem3A_430, %dma_start3A_436, %dma_start3A_437] : memref<2x256x128xf32, #tpu.memory_space<vmem>> -> memref<1x256x128xf32, #tpu.memory_space<vmem>>
            %dma_start3A_439 = tpu.memref_squeeze %dma_start3A_438 : memref<1x256x128xf32, #tpu.memory_space<vmem>> -> memref<256x128xf32, #tpu.memory_space<vmem>>
            %dma_start3A_440 = arith.constant 0 : i32
            %dma_start3A_441 = tpu.memref_slice %arg4[%mul3A_435, %dma_start3A_440] : memref<204800x128xf32, #tpu.memory_space<hbm>> -> memref<256x128xf32, #tpu.memory_space<hbm>>
            %dma_start3A_442 = tpu.memref_slice %run_scoped3A_19[%rem3A_430] : memref<2x!tpu.dma_semaphore, #tpu.memory_space<semaphore_mem>> -> memref<1x!tpu.dma_semaphore, #tpu.memory_space<semaphore_mem>>
            %dma_start3A_443 = tpu.memref_squeeze %dma_start3A_442 : memref<1x!tpu.dma_semaphore, #tpu.memory_space<semaphore_mem>> -> memref<!tpu.dma_semaphore, #tpu.memory_space<semaphore_mem>>
            %dma_start3A_444 = arith.constant 0 : i32
            %dma_start3A_445 = tpu.memref_slice %arg4[%mul3A_435, %dma_start3A_444] : memref<204800x128xf32, #tpu.memory_space<hbm>> -> memref<256x128xf32, #tpu.memory_space<hbm>>
            %dma_start3A_446 = arith.constant 0 : i32
            %dma_start3A_447 = arith.constant 0 : i32
            %dma_start3A_448 = tpu.memref_slice %run_scoped3A_18[%rem3A_430, %dma_start3A_446, %dma_start3A_447] : memref<2x256x128xf32, #tpu.memory_space<vmem>> -> memref<1x256x128xf32, #tpu.memory_space<vmem>>
            %dma_start3A_449 = tpu.memref_squeeze %dma_start3A_448 : memref<1x256x128xf32, #tpu.memory_space<vmem>> -> memref<256x128xf32, #tpu.memory_space<vmem>>
            tpu.enqueue_dma source(%dma_start3A_449 : memref<256x128xf32, #tpu.memory_space<vmem>>) target(%dma_start3A_445 : memref<256x128xf32, #tpu.memory_space<hbm>>) target_semaphore(%dma_start3A_443 : memref<!tpu.dma_semaphore, #tpu.memory_space<semaphore_mem>>)
            "tpu.trace_stop"() : () -> ()
          } else {
          }
          %and3A_366 = arith.constant true
          %and3A_367 = arith.andi %or3A_362, %and3A_366 : i1
          %add3A_368 = arith.constant 1 : i32
          %add3A_369 = arith.addi %while3A_209, %add3A_368 : i32
          %select_n3A_370 = arith.select %and3A_367, %add3A_369, %while3A_209 : i32
          %ne3A_371 = arith.cmpi ne, %add3A_221, %add3A_240 : i32
          %ne3A_372 = arith.cmpi ne, %add3A_222, %add3A_241 : i32
          %or3A_373 = arith.constant false
          %or3A_374 = arith.ori %or3A_373, %ne3A_371 : i1
          %or3A_375 = arith.ori %or3A_374, %ne3A_372 : i1
          %not3A_376 = arith.constant true
          %not3A_377 = arith.xori %eq3A_216, %not3A_376 : i1
          %and3A_378 = arith.andi %or3A_375, %not3A_377 : i1
          %convert_element_type3A_379 = arith.extui %and3A_378 : i1 to i32
          %cond3A_380 = arith.constant 0 : i32
          %cond3A_381 = arith.cmpi ne, %convert_element_type3A_379, %cond3A_380 : i32
          scf.if %cond3A_381 {
          } else {
          }
          %and3A_382 = arith.constant false
          %and3A_383 = arith.andi %and3A_378, %and3A_382 : i1
          %mul3A_384 = arith.constant 200 : i32
          %mul3A_385 = arith.muli %add3A_221, %mul3A_384 : i32
          %add3A_386 = arith.addi %mul3A_385, %add3A_222 : i32
          %mul3A_387 = arith.constant 200 : i32
          %mul3A_388 = arith.muli %add3A_240, %mul3A_387 : i32
          %add3A_389 = arith.addi %mul3A_388, %add3A_241 : i32
          %ne3A_390 = arith.cmpi ne, %add3A_386, %add3A_389 : i32
          %or3A_391 = arith.constant false
          %or3A_392 = arith.ori %or3A_391, %ne3A_390 : i1
          %or3A_393 = arith.constant false
          %or3A_394 = arith.ori %or3A_392, %or3A_393 : i1
          %not3A_395 = arith.constant true
          %not3A_396 = arith.xori %eq3A_216, %not3A_395 : i1
          %and3A_397 = arith.andi %or3A_394, %not3A_396 : i1
          %convert_element_type3A_398 = arith.extui %and3A_397 : i1 to i32
          %cond3A_399 = arith.constant 0 : i32
          %cond3A_400 = arith.cmpi ne, %convert_element_type3A_398, %cond3A_399 : i32
          scf.if %cond3A_400 {
            "tpu.trace_start"() <{level = 10 : i32, message = "ep_wait_out"}> : () -> ()
            %rem3A_429 = arith.constant 2 : i32
            %rem3A_430 = arith.remui %while3A_210, %rem3A_429 : i32
            %mul3A_431 = arith.constant 200 : i32
            %mul3A_432 = arith.muli %add3A_240, %mul3A_431 : i32
            %add3A_433 = arith.addi %mul3A_432, %add3A_241 : i32
            %mul3A_434 = arith.constant 256 : i32
            %mul3A_435 = arith.muli %mul3A_434, %add3A_433 : i32
            %dma_wait3A = arith.constant 0 : i32
            %dma_wait3A_436 = arith.constant 0 : i32
            %dma_wait3A_437 = tpu.memref_slice %run_scoped3A_18[%rem3A_430, %dma_wait3A, %dma_wait3A_436] : memref<2x256x128xf32, #tpu.memory_space<vmem>> -> memref<1x256x128xf32, #tpu.memory_space<vmem>>
            %dma_wait3A_438 = tpu.memref_squeeze %dma_wait3A_437 : memref<1x256x128xf32, #tpu.memory_space<vmem>> -> memref<256x128xf32, #tpu.memory_space<vmem>>
            %dma_wait3A_439 = arith.constant 0 : i32
            %dma_wait3A_440 = tpu.memref_slice %arg4[%mul3A_435, %dma_wait3A_439] : memref<204800x128xf32, #tpu.memory_space<hbm>> -> memref<256x128xf32, #tpu.memory_space<hbm>>
            %dma_wait3A_441 = tpu.memref_slice %run_scoped3A_19[%rem3A_430] : memref<2x!tpu.dma_semaphore, #tpu.memory_space<semaphore_mem>> -> memref<1x!tpu.dma_semaphore, #tpu.memory_space<semaphore_mem>>
            %dma_wait3A_442 = tpu.memref_squeeze %dma_wait3A_441 : memref<1x!tpu.dma_semaphore, #tpu.memory_space<semaphore_mem>> -> memref<!tpu.dma_semaphore, #tpu.memory_space<semaphore_mem>>
            %dma_wait3A_443 = arith.constant 0 : i32
            %dma_wait3A_444 = tpu.memref_slice %arg4[%mul3A_435, %dma_wait3A_443] : memref<204800x128xf32, #tpu.memory_space<hbm>> -> memref<256x128xf32, #tpu.memory_space<hbm>>
            %dma_wait3A_445 = arith.constant 0 : i32
            %dma_wait3A_446 = arith.constant 0 : i32
            %dma_wait3A_447 = tpu.memref_slice %run_scoped3A_18[%rem3A_430, %dma_wait3A_445, %dma_wait3A_446] : memref<2x256x128xf32, #tpu.memory_space<vmem>> -> memref<1x256x128xf32, #tpu.memory_space<vmem>>
            %dma_wait3A_448 = tpu.memref_squeeze %dma_wait3A_447 : memref<1x256x128xf32, #tpu.memory_space<vmem>> -> memref<256x128xf32, #tpu.memory_space<vmem>>
            tpu.wait_dma2 semaphore(%dma_wait3A_442 : memref<!tpu.dma_semaphore, #tpu.memory_space<semaphore_mem>>) src(%dma_wait3A_448 : memref<256x128xf32, #tpu.memory_space<vmem>>) dst(%dma_wait3A_444 : memref<256x128xf32, #tpu.memory_space<hbm>>)
            "tpu.trace_stop"() : () -> ()
          } else {
          }
          %and3A_401 = arith.constant true
          %and3A_402 = arith.andi %and3A_397, %and3A_401 : i1
          %add3A_403 = arith.constant 1 : i32
          %add3A_404 = arith.addi %while3A_210, %add3A_403 : i32
          %select_n3A_405 = arith.select %and3A_402, %add3A_404, %while3A_210 : i32
          %ne3A_406 = arith.cmpi ne, %add3A_221, %add3A_257 : i32
          %ne3A_407 = arith.cmpi ne, %add3A_222, %add3A_258 : i32
          %or3A_408 = arith.constant false
          %or3A_409 = arith.ori %or3A_408, %ne3A_406 : i1
          %or3A_410 = arith.ori %or3A_409, %ne3A_407 : i1
          %or3A_411 = arith.ori %or3A_410, %eq3A_219 : i1
          %add3A_412 = arith.constant 1 : i32
          %add3A_413 = arith.addi %while3A_208, %add3A_412 : i32
          %select_n3A_414 = arith.select %or3A_411, %add3A_413, %while3A_208 : i32
          %add3A_415 = arith.constant 1 : i32
          %add3A_416 = arith.addi %while3A_212, %add3A_415 : i32
          %select_n3A_417 = arith.constant true
          %select_n3A_418 = arith.select %select_n3A_417, %add3A_416, %while3A_212 : i32
          %eq3A_419 = arith.cmpi eq, %select_n3A_418, %select_n3A : i32
          %select_n3A_420 = arith.constant 0 : i32
          %select_n3A_421 = arith.select %eq3A_419, %select_n3A_420, %select_n3A_418 : i32
          %add3A_422 = arith.constant 1 : i32
          %add3A_423 = arith.addi %while3A_211, %add3A_422 : i32
          %select_n3A_424 = arith.select %eq3A_419, %add3A_423, %while3A_211 : i32
          %eq3A_425 = arith.constant 4 : i32
          %eq3A_426 = arith.cmpi eq, %select_n3A_424, %eq3A_425 : i32
          %select_n3A_427 = arith.constant 0 : i32
          %select_n3A_428 = arith.select %eq3A_426, %select_n3A_427, %select_n3A_424 : i32
          scf.yield %select_n3A_291, %select_n3A_414, %select_n3A_370, %select_n3A_405, %select_n3A_428, %select_n3A_421 : i32, i32, i32, i32, i32, i32
        }
        %sub3A_119 = arith.constant 1 : i32
        %sub3A_120 = arith.subi %while3A_118#5, %sub3A_119 : i32
        %select_n3A_121 = arith.constant true
        %select_n3A_122 = arith.select %select_n3A_121, %sub3A_120, %while3A_118#5 : i32
        %eq3A_123 = arith.constant -1 : i32
        %eq3A_124 = arith.cmpi eq, %select_n3A_122, %eq3A_123 : i32
        %sub3A_125 = arith.constant 1 : i32
        %sub3A_126 = arith.subi %select_n3A, %sub3A_125 : i32
        %select_n3A_127 = arith.select %eq3A_124, %sub3A_126, %select_n3A_122 : i32
        %sub3A_128 = arith.constant 1 : i32
        %sub3A_129 = arith.subi %while3A_118#4, %sub3A_128 : i32
        %select_n3A_130 = arith.select %eq3A_124, %sub3A_129, %while3A_118#4 : i32
        %eq3A_131 = arith.constant -1 : i32
        %eq3A_132 = arith.cmpi eq, %select_n3A_130, %eq3A_131 : i32
        %select_n3A_133 = arith.constant 3 : i32
        %select_n3A_134 = arith.select %eq3A_132, %select_n3A_133, %select_n3A_130 : i32
        %sub3A_135 = arith.constant 1 : i32
        %sub3A_136 = arith.subi %mul3A_16, %sub3A_135 : i32
        %mul3A_137 = arith.constant 4 : i32
        %mul3A_138 = arith.muli %mul3A_137, %select_n3A : i32
        %eq3A_139 = arith.constant 0 : i32
        %eq3A_140 = arith.cmpi eq, %sub3A_136, %eq3A_139 : i32
        %sub3A_141 = arith.constant 1 : i32
        %sub3A_142 = arith.subi %mul3A_138, %sub3A_141 : i32
        %eq3A_143 = arith.cmpi eq, %sub3A_136, %sub3A_142 : i32
        %add3A_144 = arith.constant 0 : i32
        %add3A_145 = arith.addi %select_n3A_134, %add3A_144 : i32
        %add3A_146 = arith.addi %select_n3A_127, %select_n3A_14 : i32
        %sub3A_147 = arith.constant 1 : i32
        %sub3A_148 = arith.subi %select_n3A_127, %sub3A_147 : i32
        %select_n3A_149 = arith.constant true
        %select_n3A_150 = arith.select %select_n3A_149, %sub3A_148, %select_n3A_127 : i32
        %eq3A_151 = arith.constant -1 : i32
        %eq3A_152 = arith.cmpi eq, %select_n3A_150, %eq3A_151 : i32
        %sub3A_153 = arith.constant 1 : i32
        %sub3A_154 = arith.subi %select_n3A, %sub3A_153 : i32
        %select_n3A_155 = arith.select %eq3A_152, %sub3A_154, %select_n3A_150 : i32
        %sub3A_156 = arith.constant 1 : i32
        %sub3A_157 = arith.subi %select_n3A_134, %sub3A_156 : i32
        %select_n3A_158 = arith.select %eq3A_152, %sub3A_157, %select_n3A_134 : i32
        %eq3A_159 = arith.constant -1 : i32
        %eq3A_160 = arith.cmpi eq, %select_n3A_158, %eq3A_159 : i32
        %select_n3A_161 = arith.constant 3 : i32
        %select_n3A_162 = arith.select %eq3A_160, %select_n3A_161, %select_n3A_158 : i32
        %add3A_163 = arith.constant 0 : i32
        %add3A_164 = arith.addi %select_n3A_162, %add3A_163 : i32
        %add3A_165 = arith.addi %select_n3A_155, %select_n3A_14 : i32
        %add3A_166 = arith.constant 1 : i32
        %add3A_167 = arith.addi %select_n3A_127, %add3A_166 : i32
        %select_n3A_168 = arith.constant true
        %select_n3A_169 = arith.select %select_n3A_168, %add3A_167, %select_n3A_127 : i32
        %eq3A_170 = arith.cmpi eq, %select_n3A_169, %select_n3A : i32
        %select_n3A_171 = arith.constant 0 : i32
        %select_n3A_172 = arith.select %eq3A_170, %select_n3A_171, %select_n3A_169 : i32
        %add3A_173 = arith.constant 1 : i32
        %add3A_174 = arith.addi %select_n3A_134, %add3A_173 : i32
        %select_n3A_175 = arith.select %eq3A_170, %add3A_174, %select_n3A_134 : i32
        %eq3A_176 = arith.constant 4 : i32
        %eq3A_177 = arith.cmpi eq, %select_n3A_175, %eq3A_176 : i32
        %select_n3A_178 = arith.constant 0 : i32
        %select_n3A_179 = arith.select %eq3A_177, %select_n3A_178, %select_n3A_175 : i32
        %add3A_180 = arith.constant 0 : i32
        %add3A_181 = arith.addi %select_n3A_179, %add3A_180 : i32
        %add3A_182 = arith.addi %select_n3A_172, %select_n3A_14 : i32
        %add3A_183 = arith.constant 1 : i32
        %add3A_184 = arith.addi %select_n3A_172, %add3A_183 : i32
        %select_n3A_185 = arith.constant true
        %select_n3A_186 = arith.select %select_n3A_185, %add3A_184, %select_n3A_172 : i32
        %eq3A_187 = arith.cmpi eq, %select_n3A_186, %select_n3A : i32
        %select_n3A_188 = arith.constant 0 : i32
        %select_n3A_189 = arith.select %eq3A_187, %select_n3A_188, %select_n3A_186 : i32
        %add3A_190 = arith.constant 1 : i32
        %add3A_191 = arith.addi %select_n3A_179, %add3A_190 : i32
        %select_n3A_192 = arith.select %eq3A_187, %add3A_191, %select_n3A_179 : i32
        %eq3A_193 = arith.constant 4 : i32
        %eq3A_194 = arith.cmpi eq, %select_n3A_192, %eq3A_193 : i32
        %select_n3A_195 = arith.constant 0 : i32
        %select_n3A_196 = arith.select %eq3A_194, %select_n3A_195, %select_n3A_192 : i32
        %add3A_197 = arith.constant 0 : i32
        %add3A_198 = arith.addi %select_n3A_196, %add3A_197 : i32
        %add3A_199 = arith.addi %select_n3A_189, %select_n3A_14 : i32
        %convert_element_type3A_200 = arith.extui %eq3A_143 : i1 to i32
        %cond3A_201 = arith.constant 0 : i32
        %cond3A_202 = arith.cmpi ne, %convert_element_type3A_200, %cond3A_201 : i32
        scf.if %cond3A_202 {
        } else {
        }
        %convert_element_type3A_203 = arith.extui %eq3A_143 : i1 to i32
        %cond3A_204 = arith.constant 0 : i32
        %cond3A_205 = arith.cmpi ne, %convert_element_type3A_203, %cond3A_204 : i32
        scf.if %cond3A_205 {
          "tpu.trace_start"() <{level = 10 : i32, message = "ep_finalize"}> : () -> ()
          %rem3A_206 = arith.constant 2 : i32
          %rem3A_207 = arith.remui %while3A_118#3, %rem3A_206 : i32
          %mul3A_208 = arith.constant 200 : i32
          %mul3A_209 = arith.muli %add3A_145, %mul3A_208 : i32
          %add3A_210 = arith.addi %mul3A_209, %add3A_146 : i32
          %mul3A_211 = arith.constant 256 : i32
          %mul3A_212 = arith.muli %mul3A_211, %add3A_210 : i32
          %dma_wait3A = arith.constant 0 : i32
          %dma_wait3A_213 = arith.constant 0 : i32
          %dma_wait3A_214 = tpu.memref_slice %run_scoped3A_18[%rem3A_207, %dma_wait3A, %dma_wait3A_213] : memref<2x256x128xf32, #tpu.memory_space<vmem>> -> memref<1x256x128xf32, #tpu.memory_space<vmem>>
          %dma_wait3A_215 = tpu.memref_squeeze %dma_wait3A_214 : memref<1x256x128xf32, #tpu.memory_space<vmem>> -> memref<256x128xf32, #tpu.memory_space<vmem>>
          %dma_wait3A_216 = arith.constant 0 : i32
          %dma_wait3A_217 = tpu.memref_slice %arg4[%mul3A_212, %dma_wait3A_216] : memref<204800x128xf32, #tpu.memory_space<hbm>> -> memref<256x128xf32, #tpu.memory_space<hbm>>
          %dma_wait3A_218 = tpu.memref_slice %run_scoped3A_19[%rem3A_207] : memref<2x!tpu.dma_semaphore, #tpu.memory_space<semaphore_mem>> -> memref<1x!tpu.dma_semaphore, #tpu.memory_space<semaphore_mem>>
          %dma_wait3A_219 = tpu.memref_squeeze %dma_wait3A_218 : memref<1x!tpu.dma_semaphore, #tpu.memory_space<semaphore_mem>> -> memref<!tpu.dma_semaphore, #tpu.memory_space<semaphore_mem>>
          %dma_wait3A_220 = arith.constant 0 : i32
          %dma_wait3A_221 = tpu.memref_slice %arg4[%mul3A_212, %dma_wait3A_220] : memref<204800x128xf32, #tpu.memory_space<hbm>> -> memref<256x128xf32, #tpu.memory_space<hbm>>
          %dma_wait3A_222 = arith.constant 0 : i32
          %dma_wait3A_223 = arith.constant 0 : i32
          %dma_wait3A_224 = tpu.memref_slice %run_scoped3A_18[%rem3A_207, %dma_wait3A_222, %dma_wait3A_223] : memref<2x256x128xf32, #tpu.memory_space<vmem>> -> memref<1x256x128xf32, #tpu.memory_space<vmem>>
          %dma_wait3A_225 = tpu.memref_squeeze %dma_wait3A_224 : memref<1x256x128xf32, #tpu.memory_space<vmem>> -> memref<256x128xf32, #tpu.memory_space<vmem>>
          tpu.wait_dma2 semaphore(%dma_wait3A_219 : memref<!tpu.dma_semaphore, #tpu.memory_space<semaphore_mem>>) src(%dma_wait3A_225 : memref<256x128xf32, #tpu.memory_space<vmem>>) dst(%dma_wait3A_221 : memref<256x128xf32, #tpu.memory_space<hbm>>)
          "tpu.trace_stop"() : () -> ()
        } else {
        }
      } else {
      }
      tpu.yield
    }) : () -> ()
    return
  }
}

#map = affine_map<(d0, d1) -> (0, 0)>
module attributes {stable_mosaic.version = 14 : i64} {
  func.func @_gather(%arg0: i32, %arg1: i32, %arg2: memref<100000x128xf32, #tpu.memory_space<hbm>>, %arg3: memref<4x51200xi32, #tpu.memory_space<hbm>>, %arg4: memref<204800x128xf32, #tpu.memory_space<hbm>>) attributes {dimension_semantics = [#tpu.dimension_semantics<core_parallel>, #tpu.dimension_semantics<subcore_parallel>], iteration_bounds = array<i64: 2, 16>, scalar_prefetch = 0 : i64, scratch_operands = 0 : i64, tpu.core_type = #tpu.core_type<sc_vector_subcore>, window_params = [{transform_indices = #map}, {transform_indices = #map}, {transform_indices = #map}]} {
    %mul3A = arith.constant 1 : i32
    %mul3A_0 = arith.muli %arg1, %mul3A : i32
    %add3A = arith.constant 0 : i32
    %add3A_1 = arith.addi %add3A, %mul3A_0 : i32
    %mul3A_2 = arith.constant 16 : i32
    %mul3A_3 = arith.muli %arg0, %mul3A_2 : i32
    %add3A_4 = arith.addi %add3A_1, %mul3A_3 : i32
    %lt3A = arith.constant 8 : i32
    %lt3A_5 = arith.cmpi slt, %add3A_4, %lt3A : i32
    %jit3A = arith.constant 7 : i32
    %jit3A_6 = arith.constant 6 : i32
    %select_n3A = arith.select %lt3A_5, %jit3A, %jit3A_6 : i32
    %lt3A_7 = arith.constant 8 : i32
    %lt3A_8 = arith.cmpi slt, %add3A_4, %lt3A_7 : i32
    %mul3A_9 = arith.muli %add3A_4, %select_n3A : i32
    %mul3A_10 = arith.constant 6 : i32
    %mul3A_11 = arith.muli %add3A_4, %mul3A_10 : i32
    %add3A_12 = arith.constant 8 : i32
    %add3A_13 = arith.addi %mul3A_11, %add3A_12 : i32
    %select_n3A_14 = arith.select %lt3A_8, %mul3A_9, %add3A_13 : i32
    %mul3A_15 = arith.constant 4 : i32
    %mul3A_16 = arith.muli %mul3A_15, %select_n3A : i32
    "tpu.region"() ({
      %run_scoped3A = memref.alloca() : memref<2x1x256xi32, #tpu.memory_space<vmem>>
      %run_scoped3A_17 = tpu.sem_alloc : memref<2x!tpu.dma_semaphore, #tpu.memory_space<semaphore_mem>>
      %run_scoped3A_18 = memref.alloca() : memref<2x256x128xf32, #tpu.memory_space<vmem>>
      %run_scoped3A_19 = tpu.sem_alloc : memref<2x!tpu.dma_semaphore, #tpu.memory_space<semaphore_mem>>
      %gt3A = arith.constant 0 : i32
      %gt3A_20 = arith.cmpi sgt, %mul3A_16, %gt3A : i32
      %convert_element_type3A = arith.extui %gt3A_20 : i1 to i32
      %cond3A = arith.constant 0 : i32
      %cond3A_21 = arith.cmpi ne, %convert_element_type3A, %cond3A : i32
      scf.if %cond3A_21 {
        %mul3A_22 = arith.constant 4 : i32
        %mul3A_23 = arith.muli %mul3A_22, %select_n3A : i32
        %sub3A = arith.constant 1 : i32
        %sub3A_24 = arith.subi %mul3A_23, %sub3A : i32
        %eq3A = arith.constant 0 : i32
        %eq3A_25 = arith.cmpi eq, %sub3A_24, %eq3A : i32
        %add3A_26 = arith.constant 0 : i32
        %add3A_27 = arith.addi %add3A_26, %select_n3A_14 : i32
        %select_n3A_28 = arith.constant true
        %select_n3A_29 = arith.constant 0 : i32
        %select_n3A_30 = arith.constant -1 : i32
        %select_n3A_31 = arith.select %select_n3A_28, %select_n3A_30, %select_n3A_29 : i32
        %eq3A_32 = arith.constant -1 : i32
        %eq3A_33 = arith.cmpi eq, %select_n3A_31, %eq3A_32 : i32
        %sub3A_34 = arith.constant 1 : i32
        %sub3A_35 = arith.subi %select_n3A, %sub3A_34 : i32
        %select_n3A_36 = arith.select %eq3A_33, %sub3A_35, %select_n3A_31 : i32
        %select_n3A_37 = arith.constant 0 : i32
        %select_n3A_38 = arith.constant -1 : i32
        %select_n3A_39 = arith.select %eq3A_33, %select_n3A_38, %select_n3A_37 : i32
        %eq3A_40 = arith.constant -1 : i32
        %eq3A_41 = arith.cmpi eq, %select_n3A_39, %eq3A_40 : i32
        %select_n3A_42 = arith.constant 3 : i32
        %select_n3A_43 = arith.select %eq3A_41, %select_n3A_42, %select_n3A_39 : i32
        %add3A_44 = arith.constant 0 : i32
        %add3A_45 = arith.addi %select_n3A_43, %add3A_44 : i32
        %add3A_46 = arith.addi %select_n3A_36, %select_n3A_14 : i32
        %select_n3A_47 = arith.constant true
        %select_n3A_48 = arith.constant 0 : i32
        %select_n3A_49 = arith.constant 1 : i32
        %select_n3A_50 = arith.select %select_n3A_47, %select_n3A_49, %select_n3A_48 : i32
        %eq3A_51 = arith.cmpi eq, %select_n3A_50, %select_n3A : i32
        %select_n3A_52 = arith.constant 0 : i32
        %select_n3A_53 = arith.select %eq3A_51, %select_n3A_52, %select_n3A_50 : i32
        %select_n3A_54 = arith.constant 0 : i32
        %select_n3A_55 = arith.constant 1 : i32
        %select_n3A_56 = arith.select %eq3A_51, %select_n3A_55, %select_n3A_54 : i32
        %eq3A_57 = arith.constant 4 : i32
        %eq3A_58 = arith.cmpi eq, %select_n3A_56, %eq3A_57 : i32
        %select_n3A_59 = arith.constant 0 : i32
        %select_n3A_60 = arith.select %eq3A_58, %select_n3A_59, %select_n3A_56 : i32
        %add3A_61 = arith.constant 0 : i32
        %add3A_62 = arith.addi %select_n3A_60, %add3A_61 : i32
        %add3A_63 = arith.addi %select_n3A_53, %select_n3A_14 : i32
        %add3A_64 = arith.constant 1 : i32
        %add3A_65 = arith.addi %select_n3A_53, %add3A_64 : i32
        %select_n3A_66 = arith.constant true
        %select_n3A_67 = arith.select %select_n3A_66, %add3A_65, %select_n3A_53 : i32
        %eq3A_68 = arith.cmpi eq, %select_n3A_67, %select_n3A : i32
        %select_n3A_69 = arith.constant 0 : i32
        %select_n3A_70 = arith.select %eq3A_68, %select_n3A_69, %select_n3A_67 : i32
        %add3A_71 = arith.constant 1 : i32
        %add3A_72 = arith.addi %select_n3A_60, %add3A_71 : i32
        %select_n3A_73 = arith.select %eq3A_68, %add3A_72, %select_n3A_60 : i32
        %eq3A_74 = arith.constant 4 : i32
        %eq3A_75 = arith.cmpi eq, %select_n3A_73, %eq3A_74 : i32
        %select_n3A_76 = arith.constant 0 : i32
        %select_n3A_77 = arith.select %eq3A_75, %select_n3A_76, %select_n3A_73 : i32
        %add3A_78 = arith.constant 0 : i32
        %add3A_79 = arith.addi %select_n3A_77, %add3A_78 : i32
        %add3A_80 = arith.addi %select_n3A_70, %select_n3A_14 : i32
        "tpu.trace_start"() <{level = 10 : i32, message = "ep_initialize_0"}> : () -> ()
        %rem3A = arith.constant 0 : i32
        %rem3A_81 = arith.constant 2 : i32
        %rem3A_82 = arith.remui %rem3A, %rem3A_81 : i32
        %mul3A_83 = arith.constant 256 : i32
        %mul3A_84 = arith.muli %mul3A_83, %add3A_27 : i32
        %dma_start3A = arith.constant 0 : i32
        %dma_start3A_85 = arith.constant 0 : i32
        %dma_start3A_86 = tpu.memref_slice %run_scoped3A[%rem3A_82, %dma_start3A, %dma_start3A_85] : memref<2x1x256xi32, #tpu.memory_space<vmem>> -> memref<1x1x256xi32, #tpu.memory_space<vmem>>
        %dma_start3A_87 = tpu.memref_squeeze %dma_start3A_86 : memref<1x1x256xi32, #tpu.memory_space<vmem>> -> memref<1x256xi32, #tpu.memory_space<vmem>>
        %dma_start3A_88 = arith.constant 0 : i32
        %dma_start3A_89 = tpu.memref_slice %arg3[%dma_start3A_88, %mul3A_84] : memref<4x51200xi32, #tpu.memory_space<hbm>> -> memref<1x256xi32, #tpu.memory_space<hbm>>
        %dma_start3A_90 = tpu.memref_slice %run_scoped3A_17[%rem3A_82] : memref<2x!tpu.dma_semaphore, #tpu.memory_space<semaphore_mem>> -> memref<1x!tpu.dma_semaphore, #tpu.memory_space<semaphore_mem>>
        %dma_start3A_91 = tpu.memref_squeeze %dma_start3A_90 : memref<1x!tpu.dma_semaphore, #tpu.memory_space<semaphore_mem>> -> memref<!tpu.dma_semaphore, #tpu.memory_space<semaphore_mem>>
        %dma_start3A_92 = arith.constant 0 : i32
        %dma_start3A_93 = arith.constant 0 : i32
        %dma_start3A_94 = tpu.memref_slice %run_scoped3A[%rem3A_82, %dma_start3A_92, %dma_start3A_93] : memref<2x1x256xi32, #tpu.memory_space<vmem>> -> memref<1x1x256xi32, #tpu.memory_space<vmem>>
        %dma_start3A_95 = tpu.memref_squeeze %dma_start3A_94 : memref<1x1x256xi32, #tpu.memory_space<vmem>> -> memref<1x256xi32, #tpu.memory_space<vmem>>
        %dma_start3A_96 = arith.constant 0 : i32
        %dma_start3A_97 = tpu.memref_slice %arg3[%dma_start3A_96, %mul3A_84] : memref<4x51200xi32, #tpu.memory_space<hbm>> -> memref<1x256xi32, #tpu.memory_space<hbm>>
        tpu.enqueue_dma source(%dma_start3A_97 : memref<1x256xi32, #tpu.memory_space<hbm>>) target(%dma_start3A_95 : memref<1x256xi32, #tpu.memory_space<vmem>>) target_semaphore(%dma_start3A_91 : memref<!tpu.dma_semaphore, #tpu.memory_space<semaphore_mem>>)
        %add3A_98 = arith.constant 0 : i32
        %add3A_99 = arith.constant 1 : i32
        %add3A_100 = arith.addi %add3A_98, %add3A_99 : i32
        %select_n3A_101 = arith.constant true
        %select_n3A_102 = arith.constant 0 : i32
        %select_n3A_103 = arith.select %select_n3A_101, %add3A_100, %select_n3A_102 : i32
        %while3A = arith.constant 0 : i32
        %while3A_104 = arith.constant 0 : i32
        %while3A_105 = arith.constant 0 : i32
        %while3A_106 = arith.constant 0 : i32
        %while3A_107 = arith.constant 0 : i32
        %while3A_108 = arith.constant 0 : i32
        "tpu.trace_stop"() : () -> ()
        %while3A_109 = arith.subi %mul3A_16, %while3A : i32
        %while3A_110 = arith.addi %while3A, %while3A_109 : i32
        %while3A_111 = arith.constant 1 : i32
        %while3A_112 = arith.divsi %while3A_109, %while3A_111 : i32
        %while3A_113 = arith.muli %while3A_112, %while3A_111 : i32
        %while3A_114 = arith.addi %while3A, %while3A_113 : i32
        %while3A_115 = arith.constant 1 : i32
        %while3A_116:6 = scf.for %while3A_206 = %while3A to %while3A_114 step %while3A_115 iter_args(%while3A_207 = %select_n3A_103, %while3A_208 = %while3A_104, %while3A_209 = %while3A_105, %while3A_210 = %while3A_106, %while3A_211 = %while3A_107, %while3A_212 = %while3A_108) -> (i32, i32, i32, i32, i32, i32)  : i32 {
          %mul3A_213 = arith.constant 4 : i32
          %mul3A_214 = arith.muli %mul3A_213, %select_n3A : i32
          %eq3A_215 = arith.constant 0 : i32
          %eq3A_216 = arith.cmpi eq, %while3A_206, %eq3A_215 : i32
          %sub3A_217 = arith.constant 1 : i32
          %sub3A_218 = arith.subi %mul3A_214, %sub3A_217 : i32
          %eq3A_219 = arith.cmpi eq, %while3A_206, %sub3A_218 : i32
          %add3A_220 = arith.constant 0 : i32
          %add3A_221 = arith.addi %while3A_211, %add3A_220 : i32
          %add3A_222 = arith.addi %while3A_212, %select_n3A_14 : i32
          %sub3A_223 = arith.constant 1 : i32
          %sub3A_224 = arith.subi %while3A_212, %sub3A_223 : i32
          %select_n3A_225 = arith.constant true
          %select_n3A_226 = arith.select %select_n3A_225, %sub3A_224, %while3A_212 : i32
          %eq3A_227 = arith.constant -1 : i32
          %eq3A_228 = arith.cmpi eq, %select_n3A_226, %eq3A_227 : i32
          %sub3A_229 = arith.constant 1 : i32
          %sub3A_230 = arith.subi %select_n3A, %sub3A_229 : i32
          %select_n3A_231 = arith.select %eq3A_228, %sub3A_230, %select_n3A_226 : i32
          %sub3A_232 = arith.constant 1 : i32
          %sub3A_233 = arith.subi %while3A_211, %sub3A_232 : i32
          %select_n3A_234 = arith.select %eq3A_228, %sub3A_233, %while3A_211 : i32
          %eq3A_235 = arith.constant -1 : i32
          %eq3A_236 = arith.cmpi eq, %select_n3A_234, %eq3A_235 : i32
          %select_n3A_237 = arith.constant 3 : i32
          %select_n3A_238 = arith.select %eq3A_236, %select_n3A_237, %select_n3A_234 : i32
          %add3A_239 = arith.constant 0 : i32
          %add3A_240 = arith.addi %select_n3A_238, %add3A_239 : i32
          %add3A_241 = arith.addi %select_n3A_231, %select_n3A_14 : i32
          %add3A_242 = arith.constant 1 : i32
          %add3A_243 = arith.addi %while3A_212, %add3A_242 : i32
          %select_n3A_244 = arith.constant true
          %select_n3A_245 = arith.select %select_n3A_244, %add3A_243, %while3A_212 : i32
          %eq3A_246 = arith.cmpi eq, %select_n3A_245, %select_n3A : i32
          %select_n3A_247 = arith.constant 0 : i32
          %select_n3A_248 = arith.select %eq3A_246, %select_n3A_247, %select_n3A_245 : i32
          %add3A_249 = arith.constant 1 : i32
          %add3A_250 = arith.addi %while3A_211, %add3A_249 : i32
          %select_n3A_251 = arith.select %eq3A_246, %add3A_250, %while3A_211 : i32
          %eq3A_252 = arith.constant 4 : i32
          %eq3A_253 = arith.cmpi eq, %select_n3A_251, %eq3A_252 : i32
          %select_n3A_254 = arith.constant 0 : i32
          %select_n3A_255 = arith.select %eq3A_253, %select_n3A_254, %select_n3A_251 : i32
          %add3A_256 = arith.constant 0 : i32
          %add3A_257 = arith.addi %select_n3A_255, %add3A_256 : i32
          %add3A_258 = arith.addi %select_n3A_248, %select_n3A_14 : i32
          %add3A_259 = arith.constant 1 : i32
          %add3A_260 = arith.addi %select_n3A_248, %add3A_259 : i32
          %select_n3A_261 = arith.constant true
          %select_n3A_262 = arith.select %select_n3A_261, %add3A_260, %select_n3A_248 : i32
          %eq3A_263 = arith.cmpi eq, %select_n3A_262, %select_n3A : i32
          %select_n3A_264 = arith.constant 0 : i32
          %select_n3A_265 = arith.select %eq3A_263, %select_n3A_264, %select_n3A_262 : i32
          %add3A_266 = arith.constant 1 : i32
          %add3A_267 = arith.addi %select_n3A_255, %add3A_266 : i32
          %select_n3A_268 = arith.select %eq3A_263, %add3A_267, %select_n3A_255 : i32
          %eq3A_269 = arith.constant 4 : i32
          %eq3A_270 = arith.cmpi eq, %select_n3A_268, %eq3A_269 : i32
          %select_n3A_271 = arith.constant 0 : i32
          %select_n3A_272 = arith.select %eq3A_270, %select_n3A_271, %select_n3A_268 : i32
          %add3A_273 = arith.constant 0 : i32
          %add3A_274 = arith.addi %select_n3A_272, %add3A_273 : i32
          %add3A_275 = arith.addi %select_n3A_265, %select_n3A_14 : i32
          %ne3A = arith.cmpi ne, %add3A_221, %add3A_257 : i32
          %ne3A_276 = arith.cmpi ne, %add3A_222, %add3A_258 : i32
          %or3A = arith.constant false
          %or3A_277 = arith.ori %or3A, %ne3A : i1
          %or3A_278 = arith.ori %or3A_277, %ne3A_276 : i1
          %sub3A_279 = arith.constant 2 : i32
          %sub3A_280 = arith.subi %mul3A_214, %sub3A_279 : i32
          %add3A_281 = arith.constant 1 : i32
          %add3A_282 = arith.addi %sub3A_280, %add3A_281 : i32
          %ge3A = arith.cmpi sge, %while3A_206, %add3A_282 : i32
          %not3A = arith.constant true
          %not3A_283 = arith.xori %ge3A, %not3A : i1
          %and3A = arith.andi %or3A_278, %not3A_283 : i1
          %convert_element_type3A_284 = arith.extui %and3A : i1 to i32
          %cond3A_285 = arith.constant 0 : i32
          %cond3A_286 = arith.cmpi ne, %convert_element_type3A_284, %cond3A_285 : i32
          scf.if %cond3A_286 {
            "tpu.trace_start"() <{level = 10 : i32, message = "ep_copy_in"}> : () -> ()
            %rem3A_429 = arith.constant 2 : i32
            %rem3A_430 = arith.remui %while3A_207, %rem3A_429 : i32
            %mul3A_431 = arith.constant 1 : i32
            %mul3A_432 = arith.muli %mul3A_431, %add3A_257 : i32
            %mul3A_433 = arith.constant 256 : i32
            %mul3A_434 = arith.muli %mul3A_433, %add3A_258 : i32
            %dma_start3A_435 = arith.constant 0 : i32
            %dma_start3A_436 = arith.constant 0 : i32
            %dma_start3A_437 = tpu.memref_slice %run_scoped3A[%rem3A_430, %dma_start3A_435, %dma_start3A_436] : memref<2x1x256xi32, #tpu.memory_space<vmem>> -> memref<1x1x256xi32, #tpu.memory_space<vmem>>
            %dma_start3A_438 = tpu.memref_squeeze %dma_start3A_437 : memref<1x1x256xi32, #tpu.memory_space<vmem>> -> memref<1x256xi32, #tpu.memory_space<vmem>>
            %dma_start3A_439 = tpu.memref_slice %arg3[%mul3A_432, %mul3A_434] : memref<4x51200xi32, #tpu.memory_space<hbm>> -> memref<1x256xi32, #tpu.memory_space<hbm>>
            %dma_start3A_440 = tpu.memref_slice %run_scoped3A_17[%rem3A_430] : memref<2x!tpu.dma_semaphore, #tpu.memory_space<semaphore_mem>> -> memref<1x!tpu.dma_semaphore, #tpu.memory_space<semaphore_mem>>
            %dma_start3A_441 = tpu.memref_squeeze %dma_start3A_440 : memref<1x!tpu.dma_semaphore, #tpu.memory_space<semaphore_mem>> -> memref<!tpu.dma_semaphore, #tpu.memory_space<semaphore_mem>>
            %dma_start3A_442 = arith.constant 0 : i32
            %dma_start3A_443 = arith.constant 0 : i32
            %dma_start3A_444 = tpu.memref_slice %run_scoped3A[%rem3A_430, %dma_start3A_442, %dma_start3A_443] : memref<2x1x256xi32, #tpu.memory_space<vmem>> -> memref<1x1x256xi32, #tpu.memory_space<vmem>>
            %dma_start3A_445 = tpu.memref_squeeze %dma_start3A_444 : memref<1x1x256xi32, #tpu.memory_space<vmem>> -> memref<1x256xi32, #tpu.memory_space<vmem>>
            %dma_start3A_446 = tpu.memref_slice %arg3[%mul3A_432, %mul3A_434] : memref<4x51200xi32, #tpu.memory_space<hbm>> -> memref<1x256xi32, #tpu.memory_space<hbm>>
            tpu.enqueue_dma source(%dma_start3A_446 : memref<1x256xi32, #tpu.memory_space<hbm>>) target(%dma_start3A_445 : memref<1x256xi32, #tpu.memory_space<vmem>>) target_semaphore(%dma_start3A_441 : memref<!tpu.dma_semaphore, #tpu.memory_space<semaphore_mem>>)
            "tpu.trace_stop"() : () -> ()
          } else {
          }
          %and3A_287 = arith.constant true
          %and3A_288 = arith.andi %and3A, %and3A_287 : i1
          %add3A_289 = arith.constant 1 : i32
          %add3A_290 = arith.addi %while3A_207, %add3A_289 : i32
          %select_n3A_291 = arith.select %and3A_288, %add3A_290, %while3A_207 : i32
          %mul3A_292 = arith.constant 200 : i32
          %mul3A_293 = arith.muli %add3A_221, %mul3A_292 : i32
          %add3A_294 = arith.addi %mul3A_293, %add3A_222 : i32
          %mul3A_295 = arith.constant 200 : i32
          %mul3A_296 = arith.muli %add3A_257, %mul3A_295 : i32
          %add3A_297 = arith.addi %mul3A_296, %add3A_258 : i32
          %ne3A_298 = arith.cmpi ne, %add3A_294, %add3A_297 : i32
          %or3A_299 = arith.constant false
          %or3A_300 = arith.ori %or3A_299, %ne3A_298 : i1
          %or3A_301 = arith.constant false
          %or3A_302 = arith.ori %or3A_300, %or3A_301 : i1
          %sub3A_303 = arith.constant 2 : i32
          %sub3A_304 = arith.subi %mul3A_214, %sub3A_303 : i32
          %add3A_305 = arith.constant 1 : i32
          %add3A_306 = arith.addi %sub3A_304, %add3A_305 : i32
          %ge3A_307 = arith.cmpi sge, %while3A_206, %add3A_306 : i32
          %not3A_308 = arith.constant true
          %not3A_309 = arith.xori %ge3A_307, %not3A_308 : i1
          %and3A_310 = arith.andi %or3A_302, %not3A_309 : i1
          %ne3A_311 = arith.cmpi ne, %add3A_221, %add3A_240 : i32
          %ne3A_312 = arith.cmpi ne, %add3A_222, %add3A_241 : i32
          %or3A_313 = arith.constant false
          %or3A_314 = arith.ori %or3A_313, %ne3A_311 : i1
          %or3A_315 = arith.ori %or3A_314, %ne3A_312 : i1
          %or3A_316 = arith.ori %or3A_315, %eq3A_216 : i1
          %convert_element_type3A_317 = arith.extui %or3A_316 : i1 to i32
          %cond3A_318 = arith.constant 0 : i32
          %cond3A_319 = arith.cmpi ne, %convert_element_type3A_317, %cond3A_318 : i32
          scf.if %cond3A_319 {
            "tpu.trace_start"() <{level = 10 : i32, message = "ep_wait_in"}> : () -> ()
            %mul3A_429 = arith.constant 1 : i32
            %mul3A_430 = arith.muli %mul3A_429, %add3A_221 : i32
            %mul3A_431 = arith.constant 256 : i32
            %mul3A_432 = arith.muli %mul3A_431, %add3A_222 : i32
            %rem3A_433 = arith.constant 2 : i32
            %rem3A_434 = arith.remui %while3A_208, %rem3A_433 : i32
            %dma_wait3A = arith.constant 0 : i32
            %dma_wait3A_435 = arith.constant 0 : i32
            %dma_wait3A_436 = tpu.memref_slice %run_scoped3A[%rem3A_434, %dma_wait3A, %dma_wait3A_435] : memref<2x1x256xi32, #tpu.memory_space<vmem>> -> memref<1x1x256xi32, #tpu.memory_space<vmem>>
            %dma_wait3A_437 = tpu.memref_squeeze %dma_wait3A_436 : memref<1x1x256xi32, #tpu.memory_space<vmem>> -> memref<1x256xi32, #tpu.memory_space<vmem>>
            %dma_wait3A_438 = tpu.memref_slice %arg3[%mul3A_430, %mul3A_432] : memref<4x51200xi32, #tpu.memory_space<hbm>> -> memref<1x256xi32, #tpu.memory_space<hbm>>
            %dma_wait3A_439 = tpu.memref_slice %run_scoped3A_17[%rem3A_434] : memref<2x!tpu.dma_semaphore, #tpu.memory_space<semaphore_mem>> -> memref<1x!tpu.dma_semaphore, #tpu.memory_space<semaphore_mem>>
            %dma_wait3A_440 = tpu.memref_squeeze %dma_wait3A_439 : memref<1x!tpu.dma_semaphore, #tpu.memory_space<semaphore_mem>> -> memref<!tpu.dma_semaphore, #tpu.memory_space<semaphore_mem>>
            %dma_wait3A_441 = arith.constant 0 : i32
            %dma_wait3A_442 = arith.constant 0 : i32
            %dma_wait3A_443 = tpu.memref_slice %run_scoped3A[%rem3A_434, %dma_wait3A_441, %dma_wait3A_442] : memref<2x1x256xi32, #tpu.memory_space<vmem>> -> memref<1x1x256xi32, #tpu.memory_space<vmem>>
            %dma_wait3A_444 = tpu.memref_squeeze %dma_wait3A_443 : memref<1x1x256xi32, #tpu.memory_space<vmem>> -> memref<1x256xi32, #tpu.memory_space<vmem>>
            %dma_wait3A_445 = tpu.memref_slice %arg3[%mul3A_430, %mul3A_432] : memref<4x51200xi32, #tpu.memory_space<hbm>> -> memref<1x256xi32, #tpu.memory_space<hbm>>
            tpu.wait_dma2 semaphore(%dma_wait3A_440 : memref<!tpu.dma_semaphore, #tpu.memory_space<semaphore_mem>>) src(%dma_wait3A_445 : memref<1x256xi32, #tpu.memory_space<hbm>>) dst(%dma_wait3A_444 : memref<1x256xi32, #tpu.memory_space<vmem>>)
            "tpu.trace_stop"() : () -> ()
          } else {
          }
          %mul3A_320 = arith.constant 200 : i32
          %mul3A_321 = arith.muli %add3A_221, %mul3A_320 : i32
          %add3A_322 = arith.addi %mul3A_321, %add3A_222 : i32
          %mul3A_323 = arith.constant 200 : i32
          %mul3A_324 = arith.muli %add3A_240, %mul3A_323 : i32
          %add3A_325 = arith.addi %mul3A_324, %add3A_241 : i32
          %ne3A_326 = arith.cmpi ne, %add3A_322, %add3A_325 : i32
          %or3A_327 = arith.constant false
          %or3A_328 = arith.ori %or3A_327, %ne3A_326 : i1
          %or3A_329 = arith.constant false
          %or3A_330 = arith.ori %or3A_328, %or3A_329 : i1
          %or3A_331 = arith.ori %or3A_330, %eq3A_216 : i1
          %convert_element_type3A_332 = arith.extui %or3A_331 : i1 to i32
          %cond3A_333 = arith.constant 0 : i32
          %cond3A_334 = arith.cmpi ne, %convert_element_type3A_332, %cond3A_333 : i32
          scf.if %cond3A_334 {
          } else {
          }
          %rem3A_335 = arith.constant 2 : i32
          %rem3A_336 = arith.remui %while3A_208, %rem3A_335 : i32
          %rem3A_337 = arith.constant 2 : i32
          %rem3A_338 = arith.remui %while3A_209, %rem3A_337 : i32
          %run_scoped3A_339 = arith.constant 0 : i32
          "tpu.trace_start"() <{level = 10 : i32, message = "ep_run_kernel"}> : () -> ()
          "tpu.region"() ({
            %run_scoped3A_429 = tpu.sem_alloc : memref<!tpu.dma_semaphore, #tpu.memory_space<semaphore_mem>>
            %dma_start3A_430 = arith.constant 0 : i32
            %dma_start3A_431 = arith.constant 0 : i32
            %dma_start3A_432 = tpu.memref_slice %run_scoped3A_18[%rem3A_338, %dma_start3A_430, %dma_start3A_431] : memref<2x256x128xf32, #tpu.memory_space<vmem>> -> memref<1x256x128xf32, #tpu.memory_space<vmem>>
            %dma_start3A_433 = tpu.memref_squeeze %dma_start3A_432 : memref<1x256x128xf32, #tpu.memory_space<vmem>> -> memref<256x128xf32, #tpu.memory_space<vmem>>
            %dma_start3A_434 = arith.constant 0 : i32
            %dma_start3A_435 = arith.constant 0 : i32
            %dma_start3A_436 = tpu.memref_slice %run_scoped3A[%rem3A_336, %dma_start3A_434, %dma_start3A_435] : memref<2x1x256xi32, #tpu.memory_space<vmem>> -> memref<1x1x256xi32, #tpu.memory_space<vmem>>
            %dma_start3A_437 = tpu.memref_squeeze %dma_start3A_436 : memref<1x1x256xi32, #tpu.memory_space<vmem>> -> memref<1x256xi32, #tpu.memory_space<vmem>>
            %dma_start3A_438 = arith.constant 0 : i32
            %dma_start3A_439 = tpu.memref_slice %dma_start3A_437[%run_scoped3A_339, %dma_start3A_438] : memref<1x256xi32, #tpu.memory_space<vmem>> -> memref<1x256xi32, #tpu.memory_space<vmem>>
            %dma_start3A_440 = tpu.memref_squeeze %dma_start3A_439 : memref<1x256xi32, #tpu.memory_space<vmem>> -> memref<256xi32, #tpu.memory_space<vmem>>
            %dma_start3A_441 = arith.constant 0 : i32
            %dma_start3A_442 = arith.constant 0 : i32
            %dma_start3A_443 = tpu.memref_slice %arg2[%dma_start3A_441, %dma_start3A_442] : memref<100000x128xf32, #tpu.memory_space<hbm>> -> memref<100000x128xf32, #tpu.memory_space<hbm>>
            tpu.enqueue_indirect_dma source(%dma_start3A_443 : memref<100000x128xf32, #tpu.memory_space<hbm>>) target(%dma_start3A_433 : memref<256x128xf32, #tpu.memory_space<vmem>>) offsets(%dma_start3A_440 : memref<256xi32, #tpu.memory_space<vmem>>) semaphore(%run_scoped3A_429 : memref<!tpu.dma_semaphore, #tpu.memory_space<semaphore_mem>>)
            %dma_wait3A = arith.constant 0 : i32
            %dma_wait3A_444 = arith.constant 0 : i32
            %dma_wait3A_445 = tpu.memref_slice %run_scoped3A_18[%rem3A_338, %dma_wait3A, %dma_wait3A_444] : memref<2x256x128xf32, #tpu.memory_space<vmem>> -> memref<1x256x128xf32, #tpu.memory_space<vmem>>
            %dma_wait3A_446 = tpu.memref_squeeze %dma_wait3A_445 : memref<1x256x128xf32, #tpu.memory_space<vmem>> -> memref<256x128xf32, #tpu.memory_space<vmem>>
            %dma_wait3A_447 = arith.constant 0 : i32
            %dma_wait3A_448 = arith.constant 0 : i32
            %dma_wait3A_449 = tpu.memref_slice %run_scoped3A[%rem3A_336, %dma_wait3A_447, %dma_wait3A_448] : memref<2x1x256xi32, #tpu.memory_space<vmem>> -> memref<1x1x256xi32, #tpu.memory_space<vmem>>
            %dma_wait3A_450 = tpu.memref_squeeze %dma_wait3A_449 : memref<1x1x256xi32, #tpu.memory_space<vmem>> -> memref<1x256xi32, #tpu.memory_space<vmem>>
            %dma_wait3A_451 = arith.constant 0 : i32
            %dma_wait3A_452 = tpu.memref_slice %dma_wait3A_450[%run_scoped3A_339, %dma_wait3A_451] : memref<1x256xi32, #tpu.memory_space<vmem>> -> memref<1x256xi32, #tpu.memory_space<vmem>>
            %dma_wait3A_453 = tpu.memref_squeeze %dma_wait3A_452 : memref<1x256xi32, #tpu.memory_space<vmem>> -> memref<256xi32, #tpu.memory_space<vmem>>
            %dma_wait3A_454 = arith.constant 0 : i32
            %dma_wait3A_455 = arith.constant 0 : i32
            %dma_wait3A_456 = tpu.memref_slice %arg2[%dma_wait3A_454, %dma_wait3A_455] : memref<100000x128xf32, #tpu.memory_space<hbm>> -> memref<100000x128xf32, #tpu.memory_space<hbm>>
            tpu.wait_indirect_dma semaphore(%run_scoped3A_429 : memref<!tpu.dma_semaphore, #tpu.memory_space<semaphore_mem>>) src(%dma_wait3A_456 : memref<100000x128xf32, #tpu.memory_space<hbm>>) dst(%dma_wait3A_446 : memref<256x128xf32, #tpu.memory_space<vmem>>)
            tpu.yield
          }) : () -> ()
          "tpu.trace_stop"() : () -> ()
          %ne3A_340 = arith.cmpi ne, %add3A_221, %add3A_257 : i32
          %ne3A_341 = arith.cmpi ne, %add3A_222, %add3A_258 : i32
          %or3A_342 = arith.constant false
          %or3A_343 = arith.ori %or3A_342, %ne3A_340 : i1
          %or3A_344 = arith.ori %or3A_343, %ne3A_341 : i1
          %or3A_345 = arith.ori %or3A_344, %eq3A_219 : i1
          %convert_element_type3A_346 = arith.extui %or3A_345 : i1 to i32
          %cond3A_347 = arith.constant 0 : i32
          %cond3A_348 = arith.cmpi ne, %convert_element_type3A_346, %cond3A_347 : i32
          scf.if %cond3A_348 {
          } else {
          }
          %and3A_349 = arith.constant false
          %and3A_350 = arith.andi %or3A_345, %and3A_349 : i1
          %mul3A_351 = arith.constant 200 : i32
          %mul3A_352 = arith.muli %add3A_221, %mul3A_351 : i32
          %add3A_353 = arith.addi %mul3A_352, %add3A_222 : i32
          %mul3A_354 = arith.constant 200 : i32
          %mul3A_355 = arith.muli %add3A_257, %mul3A_354 : i32
          %add3A_356 = arith.addi %mul3A_355, %add3A_258 : i32
          %ne3A_357 = arith.cmpi ne, %add3A_353, %add3A_356 : i32
          %or3A_358 = arith.constant false
          %or3A_359 = arith.ori %or3A_358, %ne3A_357 : i1
          %or3A_360 = arith.constant false
          %or3A_361 = arith.ori %or3A_359, %or3A_360 : i1
          %or3A_362 = arith.ori %or3A_361, %eq3A_219 : i1
          %convert_element_type3A_363 = arith.extui %or3A_362 : i1 to i32
          %cond3A_364 = arith.constant 0 : i32
          %cond3A_365 = arith.cmpi ne, %convert_element_type3A_363, %cond3A_364 : i32
          scf.if %cond3A_365 {
            "tpu.trace_start"() <{level = 10 : i32, message = "ep_copy_out"}> : () -> ()
            %rem3A_429 = arith.constant 2 : i32
            %rem3A_430 = arith.remui %while3A_209, %rem3A_429 : i32
            %mul3A_431 = arith.constant 200 : i32
            %mul3A_432 = arith.muli %add3A_221, %mul3A_431 : i32
            %add3A_433 = arith.addi %mul3A_432, %add3A_222 : i32
            %mul3A_434 = arith.constant 256 : i32
            %mul3A_435 = arith.muli %mul3A_434, %add3A_433 : i32
            %dma_start3A_436 = arith.constant 0 : i32
            %dma_start3A_437 = arith.constant 0 : i32
            %dma_start3A_438 = tpu.memref_slice %run_scoped3A_18[%rem3A_430, %dma_start3A_436, %dma_start3A_437] : memref<2x256x128xf32, #tpu.memory_space<vmem>> -> memref<1x256x128xf32, #tpu.memory_space<vmem>>
            %dma_start3A_439 = tpu.memref_squeeze %dma_start3A_438 : memref<1x256x128xf32, #tpu.memory_space<vmem>> -> memref<256x128xf32, #tpu.memory_space<vmem>>
            %dma_start3A_440 = arith.constant 0 : i32
            %dma_start3A_441 = tpu.memref_slice %arg4[%mul3A_435, %dma_start3A_440] : memref<204800x128xf32, #tpu.memory_space<hbm>> -> memref<256x128xf32, #tpu.memory_space<hbm>>
            %dma_start3A_442 = tpu.memref_slice %run_scoped3A_19[%rem3A_430] : memref<2x!tpu.dma_semaphore, #tpu.memory_space<semaphore_mem>> -> memref<1x!tpu.dma_semaphore, #tpu.memory_space<semaphore_mem>>
            %dma_start3A_443 = tpu.memref_squeeze %dma_start3A_442 : memref<1x!tpu.dma_semaphore, #tpu.memory_space<semaphore_mem>> -> memref<!tpu.dma_semaphore, #tpu.memory_space<semaphore_mem>>
            %dma_start3A_444 = arith.constant 0 : i32
            %dma_start3A_445 = tpu.memref_slice %arg4[%mul3A_435, %dma_start3A_444] : memref<204800x128xf32, #tpu.memory_space<hbm>> -> memref<256x128xf32, #tpu.memory_space<hbm>>
            %dma_start3A_446 = arith.constant 0 : i32
            %dma_start3A_447 = arith.constant 0 : i32
            %dma_start3A_448 = tpu.memref_slice %run_scoped3A_18[%rem3A_430, %dma_start3A_446, %dma_start3A_447] : memref<2x256x128xf32, #tpu.memory_space<vmem>> -> memref<1x256x128xf32, #tpu.memory_space<vmem>>
            %dma_start3A_449 = tpu.memref_squeeze %dma_start3A_448 : memref<1x256x128xf32, #tpu.memory_space<vmem>> -> memref<256x128xf32, #tpu.memory_space<vmem>>
            tpu.enqueue_dma source(%dma_start3A_449 : memref<256x128xf32, #tpu.memory_space<vmem>>) target(%dma_start3A_445 : memref<256x128xf32, #tpu.memory_space<hbm>>) target_semaphore(%dma_start3A_443 : memref<!tpu.dma_semaphore, #tpu.memory_space<semaphore_mem>>)
            "tpu.trace_stop"() : () -> ()
          } else {
          }
          %and3A_366 = arith.constant true
          %and3A_367 = arith.andi %or3A_362, %and3A_366 : i1
          %add3A_368 = arith.constant 1 : i32
          %add3A_369 = arith.addi %while3A_209, %add3A_368 : i32
          %select_n3A_370 = arith.select %and3A_367, %add3A_369, %while3A_209 : i32
          %ne3A_371 = arith.cmpi ne, %add3A_221, %add3A_240 : i32
          %ne3A_372 = arith.cmpi ne, %add3A_222, %add3A_241 : i32
          %or3A_373 = arith.constant false
          %or3A_374 = arith.ori %or3A_373, %ne3A_371 : i1
          %or3A_375 = arith.ori %or3A_374, %ne3A_372 : i1
          %not3A_376 = arith.constant true
          %not3A_377 = arith.xori %eq3A_216, %not3A_376 : i1
          %and3A_378 = arith.andi %or3A_375, %not3A_377 : i1
          %convert_element_type3A_379 = arith.extui %and3A_378 : i1 to i32
          %cond3A_380 = arith.constant 0 : i32
          %cond3A_381 = arith.cmpi ne, %convert_element_type3A_379, %cond3A_380 : i32
          scf.if %cond3A_381 {
          } else {
          }
          %and3A_382 = arith.constant false
          %and3A_383 = arith.andi %and3A_378, %and3A_382 : i1
          %mul3A_384 = arith.constant 200 : i32
          %mul3A_385 = arith.muli %add3A_221, %mul3A_384 : i32
          %add3A_386 = arith.addi %mul3A_385, %add3A_222 : i32
          %mul3A_387 = arith.constant 200 : i32
          %mul3A_388 = arith.muli %add3A_240, %mul3A_387 : i32
          %add3A_389 = arith.addi %mul3A_388, %add3A_241 : i32
          %ne3A_390 = arith.cmpi ne, %add3A_386, %add3A_389 : i32
          %or3A_391 = arith.constant false
          %or3A_392 = arith.ori %or3A_391, %ne3A_390 : i1
          %or3A_393 = arith.constant false
          %or3A_394 = arith.ori %or3A_392, %or3A_393 : i1
          %not3A_395 = arith.constant true
          %not3A_396 = arith.xori %eq3A_216, %not3A_395 : i1
          %and3A_397 = arith.andi %or3A_394, %not3A_396 : i1
          %convert_element_type3A_398 = arith.extui %and3A_397 : i1 to i32
          %cond3A_399 = arith.constant 0 : i32
          %cond3A_400 = arith.cmpi ne, %convert_element_type3A_398, %cond3A_399 : i32
          scf.if %cond3A_400 {
            "tpu.trace_start"() <{level = 10 : i32, message = "ep_wait_out"}> : () -> ()
            %rem3A_429 = arith.constant 2 : i32
            %rem3A_430 = arith.remui %while3A_210, %rem3A_429 : i32
            %mul3A_431 = arith.constant 200 : i32
            %mul3A_432 = arith.muli %add3A_240, %mul3A_431 : i32
            %add3A_433 = arith.addi %mul3A_432, %add3A_241 : i32
            %mul3A_434 = arith.constant 256 : i32
            %mul3A_435 = arith.muli %mul3A_434, %add3A_433 : i32
            %dma_wait3A = arith.constant 0 : i32
            %dma_wait3A_436 = arith.constant 0 : i32
            %dma_wait3A_437 = tpu.memref_slice %run_scoped3A_18[%rem3A_430, %dma_wait3A, %dma_wait3A_436] : memref<2x256x128xf32, #tpu.memory_space<vmem>> -> memref<1x256x128xf32, #tpu.memory_space<vmem>>
            %dma_wait3A_438 = tpu.memref_squeeze %dma_wait3A_437 : memref<1x256x128xf32, #tpu.memory_space<vmem>> -> memref<256x128xf32, #tpu.memory_space<vmem>>
            %dma_wait3A_439 = arith.constant 0 : i32
            %dma_wait3A_440 = tpu.memref_slice %arg4[%mul3A_435, %dma_wait3A_439] : memref<204800x128xf32, #tpu.memory_space<hbm>> -> memref<256x128xf32, #tpu.memory_space<hbm>>
            %dma_wait3A_441 = tpu.memref_slice %run_scoped3A_19[%rem3A_430] : memref<2x!tpu.dma_semaphore, #tpu.memory_space<semaphore_mem>> -> memref<1x!tpu.dma_semaphore, #tpu.memory_space<semaphore_mem>>
            %dma_wait3A_442 = tpu.memref_squeeze %dma_wait3A_441 : memref<1x!tpu.dma_semaphore, #tpu.memory_space<semaphore_mem>> -> memref<!tpu.dma_semaphore, #tpu.memory_space<semaphore_mem>>
            %dma_wait3A_443 = arith.constant 0 : i32
            %dma_wait3A_444 = tpu.memref_slice %arg4[%mul3A_435, %dma_wait3A_443] : memref<204800x128xf32, #tpu.memory_space<hbm>> -> memref<256x128xf32, #tpu.memory_space<hbm>>
            %dma_wait3A_445 = arith.constant 0 : i32
            %dma_wait3A_446 = arith.constant 0 : i32
            %dma_wait3A_447 = tpu.memref_slice %run_scoped3A_18[%rem3A_430, %dma_wait3A_445, %dma_wait3A_446] : memref<2x256x128xf32, #tpu.memory_space<vmem>> -> memref<1x256x128xf32, #tpu.memory_space<vmem>>
            %dma_wait3A_448 = tpu.memref_squeeze %dma_wait3A_447 : memref<1x256x128xf32, #tpu.memory_space<vmem>> -> memref<256x128xf32, #tpu.memory_space<vmem>>
            tpu.wait_dma2 semaphore(%dma_wait3A_442 : memref<!tpu.dma_semaphore, #tpu.memory_space<semaphore_mem>>) src(%dma_wait3A_448 : memref<256x128xf32, #tpu.memory_space<vmem>>) dst(%dma_wait3A_444 : memref<256x128xf32, #tpu.memory_space<hbm>>)
            "tpu.trace_stop"() : () -> ()
          } else {
          }
          %and3A_401 = arith.constant true
          %and3A_402 = arith.andi %and3A_397, %and3A_401 : i1
          %add3A_403 = arith.constant 1 : i32
          %add3A_404 = arith.addi %while3A_210, %add3A_403 : i32
          %select_n3A_405 = arith.select %and3A_402, %add3A_404, %while3A_210 : i32
          %ne3A_406 = arith.cmpi ne, %add3A_221, %add3A_257 : i32
          %ne3A_407 = arith.cmpi ne, %add3A_222, %add3A_258 : i32
          %or3A_408 = arith.constant false
          %or3A_409 = arith.ori %or3A_408, %ne3A_406 : i1
          %or3A_410 = arith.ori %or3A_409, %ne3A_407 : i1
          %or3A_411 = arith.ori %or3A_410, %eq3A_219 : i1
          %add3A_412 = arith.constant 1 : i32
          %add3A_413 = arith.addi %while3A_208, %add3A_412 : i32
          %select_n3A_414 = arith.select %or3A_411, %add3A_413, %while3A_208 : i32
          %add3A_415 = arith.constant 1 : i32
          %add3A_416 = arith.addi %while3A_212, %add3A_415 : i32
          %select_n3A_417 = arith.constant true
          %select_n3A_418 = arith.select %select_n3A_417, %add3A_416, %while3A_212 : i32
          %eq3A_419 = arith.cmpi eq, %select_n3A_418, %select_n3A : i32
          %select_n3A_420 = arith.constant 0 : i32
          %select_n3A_421 = arith.select %eq3A_419, %select_n3A_420, %select_n3A_418 : i32
          %add3A_422 = arith.constant 1 : i32
          %add3A_423 = arith.addi %while3A_211, %add3A_422 : i32
          %select_n3A_424 = arith.select %eq3A_419, %add3A_423, %while3A_211 : i32
          %eq3A_425 = arith.constant 4 : i32
          %eq3A_426 = arith.cmpi eq, %select_n3A_424, %eq3A_425 : i32
          %select_n3A_427 = arith.constant 0 : i32
          %select_n3A_428 = arith.select %eq3A_426, %select_n3A_427, %select_n3A_424 : i32
          scf.yield %select_n3A_291, %select_n3A_414, %select_n3A_370, %select_n3A_405, %select_n3A_428, %select_n3A_421 : i32, i32, i32, i32, i32, i32
        }
        %while3A_117 = arith.constant 1 : i32
        %while3A_118:6 = scf.for %while3A_206 = %while3A_114 to %while3A_110 step %while3A_117 iter_args(%while3A_207 = %while3A_116#0, %while3A_208 = %while3A_116#1, %while3A_209 = %while3A_116#2, %while3A_210 = %while3A_116#3, %while3A_211 = %while3A_116#4, %while3A_212 = %while3A_116#5) -> (i32, i32, i32, i32, i32, i32)  : i32 {
          %mul3A_213 = arith.constant 4 : i32
          %mul3A_214 = arith.muli %mul3A_213, %select_n3A : i32
          %eq3A_215 = arith.constant 0 : i32
          %eq3A_216 = arith.cmpi eq, %while3A_206, %eq3A_215 : i32
          %sub3A_217 = arith.constant 1 : i32
          %sub3A_218 = arith.subi %mul3A_214, %sub3A_217 : i32
          %eq3A_219 = arith.cmpi eq, %while3A_206, %sub3A_218 : i32
          %add3A_220 = arith.constant 0 : i32
          %add3A_221 = arith.addi %while3A_211, %add3A_220 : i32
          %add3A_222 = arith.addi %while3A_212, %select_n3A_14 : i32
          %sub3A_223 = arith.constant 1 : i32
          %sub3A_224 = arith.subi %while3A_212, %sub3A_223 : i32
          %select_n3A_225 = arith.constant true
          %select_n3A_226 = arith.select %select_n3A_225, %sub3A_224, %while3A_212 : i32
          %eq3A_227 = arith.constant -1 : i32
          %eq3A_228 = arith.cmpi eq, %select_n3A_226, %eq3A_227 : i32
          %sub3A_229 = arith.constant 1 : i32
          %sub3A_230 = arith.subi %select_n3A, %sub3A_229 : i32
          %select_n3A_231 = arith.select %eq3A_228, %sub3A_230, %select_n3A_226 : i32
          %sub3A_232 = arith.constant 1 : i32
          %sub3A_233 = arith.subi %while3A_211, %sub3A_232 : i32
          %select_n3A_234 = arith.select %eq3A_228, %sub3A_233, %while3A_211 : i32
          %eq3A_235 = arith.constant -1 : i32
          %eq3A_236 = arith.cmpi eq, %select_n3A_234, %eq3A_235 : i32
          %select_n3A_237 = arith.constant 3 : i32
          %select_n3A_238 = arith.select %eq3A_236, %select_n3A_237, %select_n3A_234 : i32
          %add3A_239 = arith.constant 0 : i32
          %add3A_240 = arith.addi %select_n3A_238, %add3A_239 : i32
          %add3A_241 = arith.addi %select_n3A_231, %select_n3A_14 : i32
          %add3A_242 = arith.constant 1 : i32
          %add3A_243 = arith.addi %while3A_212, %add3A_242 : i32
          %select_n3A_244 = arith.constant true
          %select_n3A_245 = arith.select %select_n3A_244, %add3A_243, %while3A_212 : i32
          %eq3A_246 = arith.cmpi eq, %select_n3A_245, %select_n3A : i32
          %select_n3A_247 = arith.constant 0 : i32
          %select_n3A_248 = arith.select %eq3A_246, %select_n3A_247, %select_n3A_245 : i32
          %add3A_249 = arith.constant 1 : i32
          %add3A_250 = arith.addi %while3A_211, %add3A_249 : i32
          %select_n3A_251 = arith.select %eq3A_246, %add3A_250, %while3A_211 : i32
          %eq3A_252 = arith.constant 4 : i32
          %eq3A_253 = arith.cmpi eq, %select_n3A_251, %eq3A_252 : i32
          %select_n3A_254 = arith.constant 0 : i32
          %select_n3A_255 = arith.select %eq3A_253, %select_n3A_254, %select_n3A_251 : i32
          %add3A_256 = arith.constant 0 : i32
          %add3A_257 = arith.addi %select_n3A_255, %add3A_256 : i32
          %add3A_258 = arith.addi %select_n3A_248, %select_n3A_14 : i32
          %add3A_259 = arith.constant 1 : i32
          %add3A_260 = arith.addi %select_n3A_248, %add3A_259 : i32
          %select_n3A_261 = arith.constant true
          %select_n3A_262 = arith.select %select_n3A_261, %add3A_260, %select_n3A_248 : i32
          %eq3A_263 = arith.cmpi eq, %select_n3A_262, %select_n3A : i32
          %select_n3A_264 = arith.constant 0 : i32
          %select_n3A_265 = arith.select %eq3A_263, %select_n3A_264, %select_n3A_262 : i32
          %add3A_266 = arith.constant 1 : i32
          %add3A_267 = arith.addi %select_n3A_255, %add3A_266 : i32
          %select_n3A_268 = arith.select %eq3A_263, %add3A_267, %select_n3A_255 : i32
          %eq3A_269 = arith.constant 4 : i32
          %eq3A_270 = arith.cmpi eq, %select_n3A_268, %eq3A_269 : i32
          %select_n3A_271 = arith.constant 0 : i32
          %select_n3A_272 = arith.select %eq3A_270, %select_n3A_271, %select_n3A_268 : i32
          %add3A_273 = arith.constant 0 : i32
          %add3A_274 = arith.addi %select_n3A_272, %add3A_273 : i32
          %add3A_275 = arith.addi %select_n3A_265, %select_n3A_14 : i32
          %ne3A = arith.cmpi ne, %add3A_221, %add3A_257 : i32
          %ne3A_276 = arith.cmpi ne, %add3A_222, %add3A_258 : i32
          %or3A = arith.constant false
          %or3A_277 = arith.ori %or3A, %ne3A : i1
          %or3A_278 = arith.ori %or3A_277, %ne3A_276 : i1
          %sub3A_279 = arith.constant 2 : i32
          %sub3A_280 = arith.subi %mul3A_214, %sub3A_279 : i32
          %add3A_281 = arith.constant 1 : i32
          %add3A_282 = arith.addi %sub3A_280, %add3A_281 : i32
          %ge3A = arith.cmpi sge, %while3A_206, %add3A_282 : i32
          %not3A = arith.constant true
          %not3A_283 = arith.xori %ge3A, %not3A : i1
          %and3A = arith.andi %or3A_278, %not3A_283 : i1
          %convert_element_type3A_284 = arith.extui %and3A : i1 to i32
          %cond3A_285 = arith.constant 0 : i32
          %cond3A_286 = arith.cmpi ne, %convert_element_type3A_284, %cond3A_285 : i32
          scf.if %cond3A_286 {
            "tpu.trace_start"() <{level = 10 : i32, message = "ep_copy_in"}> : () -> ()
            %rem3A_429 = arith.constant 2 : i32
            %rem3A_430 = arith.remui %while3A_207, %rem3A_429 : i32
            %mul3A_431 = arith.constant 1 : i32
            %mul3A_432 = arith.muli %mul3A_431, %add3A_257 : i32
            %mul3A_433 = arith.constant 256 : i32
            %mul3A_434 = arith.muli %mul3A_433, %add3A_258 : i32
            %dma_start3A_435 = arith.constant 0 : i32
            %dma_start3A_436 = arith.constant 0 : i32
            %dma_start3A_437 = tpu.memref_slice %run_scoped3A[%rem3A_430, %dma_start3A_435, %dma_start3A_436] : memref<2x1x256xi32, #tpu.memory_space<vmem>> -> memref<1x1x256xi32, #tpu.memory_space<vmem>>
            %dma_start3A_438 = tpu.memref_squeeze %dma_start3A_437 : memref<1x1x256xi32, #tpu.memory_space<vmem>> -> memref<1x256xi32, #tpu.memory_space<vmem>>
            %dma_start3A_439 = tpu.memref_slice %arg3[%mul3A_432, %mul3A_434] : memref<4x51200xi32, #tpu.memory_space<hbm>> -> memref<1x256xi32, #tpu.memory_space<hbm>>
            %dma_start3A_440 = tpu.memref_slice %run_scoped3A_17[%rem3A_430] : memref<2x!tpu.dma_semaphore, #tpu.memory_space<semaphore_mem>> -> memref<1x!tpu.dma_semaphore, #tpu.memory_space<semaphore_mem>>
            %dma_start3A_441 = tpu.memref_squeeze %dma_start3A_440 : memref<1x!tpu.dma_semaphore, #tpu.memory_space<semaphore_mem>> -> memref<!tpu.dma_semaphore, #tpu.memory_space<semaphore_mem>>
            %dma_start3A_442 = arith.constant 0 : i32
            %dma_start3A_443 = arith.constant 0 : i32
            %dma_start3A_444 = tpu.memref_slice %run_scoped3A[%rem3A_430, %dma_start3A_442, %dma_start3A_443] : memref<2x1x256xi32, #tpu.memory_space<vmem>> -> memref<1x1x256xi32, #tpu.memory_space<vmem>>
            %dma_start3A_445 = tpu.memref_squeeze %dma_start3A_444 : memref<1x1x256xi32, #tpu.memory_space<vmem>> -> memref<1x256xi32, #tpu.memory_space<vmem>>
            %dma_start3A_446 = tpu.memref_slice %arg3[%mul3A_432, %mul3A_434] : memref<4x51200xi32, #tpu.memory_space<hbm>> -> memref<1x256xi32, #tpu.memory_space<hbm>>
            tpu.enqueue_dma source(%dma_start3A_446 : memref<1x256xi32, #tpu.memory_space<hbm>>) target(%dma_start3A_445 : memref<1x256xi32, #tpu.memory_space<vmem>>) target_semaphore(%dma_start3A_441 : memref<!tpu.dma_semaphore, #tpu.memory_space<semaphore_mem>>)
            "tpu.trace_stop"() : () -> ()
          } else {
          }
          %and3A_287 = arith.constant true
          %and3A_288 = arith.andi %and3A, %and3A_287 : i1
          %add3A_289 = arith.constant 1 : i32
          %add3A_290 = arith.addi %while3A_207, %add3A_289 : i32
          %select_n3A_291 = arith.select %and3A_288, %add3A_290, %while3A_207 : i32
          %mul3A_292 = arith.constant 200 : i32
          %mul3A_293 = arith.muli %add3A_221, %mul3A_292 : i32
          %add3A_294 = arith.addi %mul3A_293, %add3A_222 : i32
          %mul3A_295 = arith.constant 200 : i32
          %mul3A_296 = arith.muli %add3A_257, %mul3A_295 : i32
          %add3A_297 = arith.addi %mul3A_296, %add3A_258 : i32
          %ne3A_298 = arith.cmpi ne, %add3A_294, %add3A_297 : i32
          %or3A_299 = arith.constant false
          %or3A_300 = arith.ori %or3A_299, %ne3A_298 : i1
          %or3A_301 = arith.constant false
          %or3A_302 = arith.ori %or3A_300, %or3A_301 : i1
          %sub3A_303 = arith.constant 2 : i32
          %sub3A_304 = arith.subi %mul3A_214, %sub3A_303 : i32
          %add3A_305 = arith.constant 1 : i32
          %add3A_306 = arith.addi %sub3A_304, %add3A_305 : i32
          %ge3A_307 = arith.cmpi sge, %while3A_206, %add3A_306 : i32
          %not3A_308 = arith.constant true
          %not3A_309 = arith.xori %ge3A_307, %not3A_308 : i1
          %and3A_310 = arith.andi %or3A_302, %not3A_309 : i1
          %ne3A_311 = arith.cmpi ne, %add3A_221, %add3A_240 : i32
          %ne3A_312 = arith.cmpi ne, %add3A_222, %add3A_241 : i32
          %or3A_313 = arith.constant false
          %or3A_314 = arith.ori %or3A_313, %ne3A_311 : i1
          %or3A_315 = arith.ori %or3A_314, %ne3A_312 : i1
          %or3A_316 = arith.ori %or3A_315, %eq3A_216 : i1
          %convert_element_type3A_317 = arith.extui %or3A_316 : i1 to i32
          %cond3A_318 = arith.constant 0 : i32
          %cond3A_319 = arith.cmpi ne, %convert_element_type3A_317, %cond3A_318 : i32
          scf.if %cond3A_319 {
            "tpu.trace_start"() <{level = 10 : i32, message = "ep_wait_in"}> : () -> ()
            %mul3A_429 = arith.constant 1 : i32
            %mul3A_430 = arith.muli %mul3A_429, %add3A_221 : i32
            %mul3A_431 = arith.constant 256 : i32
            %mul3A_432 = arith.muli %mul3A_431, %add3A_222 : i32
            %rem3A_433 = arith.constant 2 : i32
            %rem3A_434 = arith.remui %while3A_208, %rem3A_433 : i32
            %dma_wait3A = arith.constant 0 : i32
            %dma_wait3A_435 = arith.constant 0 : i32
            %dma_wait3A_436 = tpu.memref_slice %run_scoped3A[%rem3A_434, %dma_wait3A, %dma_wait3A_435] : memref<2x1x256xi32, #tpu.memory_space<vmem>> -> memref<1x1x256xi32, #tpu.memory_space<vmem>>
            %dma_wait3A_437 = tpu.memref_squeeze %dma_wait3A_436 : memref<1x1x256xi32, #tpu.memory_space<vmem>> -> memref<1x256xi32, #tpu.memory_space<vmem>>
            %dma_wait3A_438 = tpu.memref_slice %arg3[%mul3A_430, %mul3A_432] : memref<4x51200xi32, #tpu.memory_space<hbm>> -> memref<1x256xi32, #tpu.memory_space<hbm>>
            %dma_wait3A_439 = tpu.memref_slice %run_scoped3A_17[%rem3A_434] : memref<2x!tpu.dma_semaphore, #tpu.memory_space<semaphore_mem>> -> memref<1x!tpu.dma_semaphore, #tpu.memory_space<semaphore_mem>>
            %dma_wait3A_440 = tpu.memref_squeeze %dma_wait3A_439 : memref<1x!tpu.dma_semaphore, #tpu.memory_space<semaphore_mem>> -> memref<!tpu.dma_semaphore, #tpu.memory_space<semaphore_mem>>
            %dma_wait3A_441 = arith.constant 0 : i32
            %dma_wait3A_442 = arith.constant 0 : i32
            %dma_wait3A_443 = tpu.memref_slice %run_scoped3A[%rem3A_434, %dma_wait3A_441, %dma_wait3A_442] : memref<2x1x256xi32, #tpu.memory_space<vmem>> -> memref<1x1x256xi32, #tpu.memory_space<vmem>>
            %dma_wait3A_444 = tpu.memref_squeeze %dma_wait3A_443 : memref<1x1x256xi32, #tpu.memory_space<vmem>> -> memref<1x256xi32, #tpu.memory_space<vmem>>
            %dma_wait3A_445 = tpu.memref_slice %arg3[%mul3A_430, %mul3A_432] : memref<4x51200xi32, #tpu.memory_space<hbm>> -> memref<1x256xi32, #tpu.memory_space<hbm>>
            tpu.wait_dma2 semaphore(%dma_wait3A_440 : memref<!tpu.dma_semaphore, #tpu.memory_space<semaphore_mem>>) src(%dma_wait3A_445 : memref<1x256xi32, #tpu.memory_space<hbm>>) dst(%dma_wait3A_444 : memref<1x256xi32, #tpu.memory_space<vmem>>)
            "tpu.trace_stop"() : () -> ()
          } else {
          }
          %mul3A_320 = arith.constant 200 : i32
          %mul3A_321 = arith.muli %add3A_221, %mul3A_320 : i32
          %add3A_322 = arith.addi %mul3A_321, %add3A_222 : i32
          %mul3A_323 = arith.constant 200 : i32
          %mul3A_324 = arith.muli %add3A_240, %mul3A_323 : i32
          %add3A_325 = arith.addi %mul3A_324, %add3A_241 : i32
          %ne3A_326 = arith.cmpi ne, %add3A_322, %add3A_325 : i32
          %or3A_327 = arith.constant false
          %or3A_328 = arith.ori %or3A_327, %ne3A_326 : i1
          %or3A_329 = arith.constant false
          %or3A_330 = arith.ori %or3A_328, %or3A_329 : i1
          %or3A_331 = arith.ori %or3A_330, %eq3A_216 : i1
          %convert_element_type3A_332 = arith.extui %or3A_331 : i1 to i32
          %cond3A_333 = arith.constant 0 : i32
          %cond3A_334 = arith.cmpi ne, %convert_element_type3A_332, %cond3A_333 : i32
          scf.if %cond3A_334 {
          } else {
          }
          %rem3A_335 = arith.constant 2 : i32
          %rem3A_336 = arith.remui %while3A_208, %rem3A_335 : i32
          %rem3A_337 = arith.constant 2 : i32
          %rem3A_338 = arith.remui %while3A_209, %rem3A_337 : i32
          %run_scoped3A_339 = arith.constant 0 : i32
          "tpu.trace_start"() <{level = 10 : i32, message = "ep_run_kernel"}> : () -> ()
          "tpu.region"() ({
            %run_scoped3A_429 = tpu.sem_alloc : memref<!tpu.dma_semaphore, #tpu.memory_space<semaphore_mem>>
            %dma_start3A_430 = arith.constant 0 : i32
            %dma_start3A_431 = arith.constant 0 : i32
            %dma_start3A_432 = tpu.memref_slice %run_scoped3A_18[%rem3A_338, %dma_start3A_430, %dma_start3A_431] : memref<2x256x128xf32, #tpu.memory_space<vmem>> -> memref<1x256x128xf32, #tpu.memory_space<vmem>>
            %dma_start3A_433 = tpu.memref_squeeze %dma_start3A_432 : memref<1x256x128xf32, #tpu.memory_space<vmem>> -> memref<256x128xf32, #tpu.memory_space<vmem>>
            %dma_start3A_434 = arith.constant 0 : i32
            %dma_start3A_435 = arith.constant 0 : i32
            %dma_start3A_436 = tpu.memref_slice %run_scoped3A[%rem3A_336, %dma_start3A_434, %dma_start3A_435] : memref<2x1x256xi32, #tpu.memory_space<vmem>> -> memref<1x1x256xi32, #tpu.memory_space<vmem>>
            %dma_start3A_437 = tpu.memref_squeeze %dma_start3A_436 : memref<1x1x256xi32, #tpu.memory_space<vmem>> -> memref<1x256xi32, #tpu.memory_space<vmem>>
            %dma_start3A_438 = arith.constant 0 : i32
            %dma_start3A_439 = tpu.memref_slice %dma_start3A_437[%run_scoped3A_339, %dma_start3A_438] : memref<1x256xi32, #tpu.memory_space<vmem>> -> memref<1x256xi32, #tpu.memory_space<vmem>>
            %dma_start3A_440 = tpu.memref_squeeze %dma_start3A_439 : memref<1x256xi32, #tpu.memory_space<vmem>> -> memref<256xi32, #tpu.memory_space<vmem>>
            %dma_start3A_441 = arith.constant 0 : i32
            %dma_start3A_442 = arith.constant 0 : i32
            %dma_start3A_443 = tpu.memref_slice %arg2[%dma_start3A_441, %dma_start3A_442] : memref<100000x128xf32, #tpu.memory_space<hbm>> -> memref<100000x128xf32, #tpu.memory_space<hbm>>
            tpu.enqueue_indirect_dma source(%dma_start3A_443 : memref<100000x128xf32, #tpu.memory_space<hbm>>) target(%dma_start3A_433 : memref<256x128xf32, #tpu.memory_space<vmem>>) offsets(%dma_start3A_440 : memref<256xi32, #tpu.memory_space<vmem>>) semaphore(%run_scoped3A_429 : memref<!tpu.dma_semaphore, #tpu.memory_space<semaphore_mem>>)
            %dma_wait3A = arith.constant 0 : i32
            %dma_wait3A_444 = arith.constant 0 : i32
            %dma_wait3A_445 = tpu.memref_slice %run_scoped3A_18[%rem3A_338, %dma_wait3A, %dma_wait3A_444] : memref<2x256x128xf32, #tpu.memory_space<vmem>> -> memref<1x256x128xf32, #tpu.memory_space<vmem>>
            %dma_wait3A_446 = tpu.memref_squeeze %dma_wait3A_445 : memref<1x256x128xf32, #tpu.memory_space<vmem>> -> memref<256x128xf32, #tpu.memory_space<vmem>>
            %dma_wait3A_447 = arith.constant 0 : i32
            %dma_wait3A_448 = arith.constant 0 : i32
            %dma_wait3A_449 = tpu.memref_slice %run_scoped3A[%rem3A_336, %dma_wait3A_447, %dma_wait3A_448] : memref<2x1x256xi32, #tpu.memory_space<vmem>> -> memref<1x1x256xi32, #tpu.memory_space<vmem>>
            %dma_wait3A_450 = tpu.memref_squeeze %dma_wait3A_449 : memref<1x1x256xi32, #tpu.memory_space<vmem>> -> memref<1x256xi32, #tpu.memory_space<vmem>>
            %dma_wait3A_451 = arith.constant 0 : i32
            %dma_wait3A_452 = tpu.memref_slice %dma_wait3A_450[%run_scoped3A_339, %dma_wait3A_451] : memref<1x256xi32, #tpu.memory_space<vmem>> -> memref<1x256xi32, #tpu.memory_space<vmem>>
            %dma_wait3A_453 = tpu.memref_squeeze %dma_wait3A_452 : memref<1x256xi32, #tpu.memory_space<vmem>> -> memref<256xi32, #tpu.memory_space<vmem>>
            %dma_wait3A_454 = arith.constant 0 : i32
            %dma_wait3A_455 = arith.constant 0 : i32
            %dma_wait3A_456 = tpu.memref_slice %arg2[%dma_wait3A_454, %dma_wait3A_455] : memref<100000x128xf32, #tpu.memory_space<hbm>> -> memref<100000x128xf32, #tpu.memory_space<hbm>>
            tpu.wait_indirect_dma semaphore(%run_scoped3A_429 : memref<!tpu.dma_semaphore, #tpu.memory_space<semaphore_mem>>) src(%dma_wait3A_456 : memref<100000x128xf32, #tpu.memory_space<hbm>>) dst(%dma_wait3A_446 : memref<256x128xf32, #tpu.memory_space<vmem>>)
            tpu.yield
          }) : () -> ()
          "tpu.trace_stop"() : () -> ()
          %ne3A_340 = arith.cmpi ne, %add3A_221, %add3A_257 : i32
          %ne3A_341 = arith.cmpi ne, %add3A_222, %add3A_258 : i32
          %or3A_342 = arith.constant false
          %or3A_343 = arith.ori %or3A_342, %ne3A_340 : i1
          %or3A_344 = arith.ori %or3A_343, %ne3A_341 : i1
          %or3A_345 = arith.ori %or3A_344, %eq3A_219 : i1
          %convert_element_type3A_346 = arith.extui %or3A_345 : i1 to i32
          %cond3A_347 = arith.constant 0 : i32
          %cond3A_348 = arith.cmpi ne, %convert_element_type3A_346, %cond3A_347 : i32
          scf.if %cond3A_348 {
          } else {
          }
          %and3A_349 = arith.constant false
          %and3A_350 = arith.andi %or3A_345, %and3A_349 : i1
          %mul3A_351 = arith.constant 200 : i32
          %mul3A_352 = arith.muli %add3A_221, %mul3A_351 : i32
          %add3A_353 = arith.addi %mul3A_352, %add3A_222 : i32
          %mul3A_354 = arith.constant 200 : i32
          %mul3A_355 = arith.muli %add3A_257, %mul3A_354 : i32
          %add3A_356 = arith.addi %mul3A_355, %add3A_258 : i32
          %ne3A_357 = arith.cmpi ne, %add3A_353, %add3A_356 : i32
          %or3A_358 = arith.constant false
          %or3A_359 = arith.ori %or3A_358, %ne3A_357 : i1
          %or3A_360 = arith.constant false
          %or3A_361 = arith.ori %or3A_359, %or3A_360 : i1
          %or3A_362 = arith.ori %or3A_361, %eq3A_219 : i1
          %convert_element_type3A_363 = arith.extui %or3A_362 : i1 to i32
          %cond3A_364 = arith.constant 0 : i32
          %cond3A_365 = arith.cmpi ne, %convert_element_type3A_363, %cond3A_364 : i32
          scf.if %cond3A_365 {
            "tpu.trace_start"() <{level = 10 : i32, message = "ep_copy_out"}> : () -> ()
            %rem3A_429 = arith.constant 2 : i32
            %rem3A_430 = arith.remui %while3A_209, %rem3A_429 : i32
            %mul3A_431 = arith.constant 200 : i32
            %mul3A_432 = arith.muli %add3A_221, %mul3A_431 : i32
            %add3A_433 = arith.addi %mul3A_432, %add3A_222 : i32
            %mul3A_434 = arith.constant 256 : i32
            %mul3A_435 = arith.muli %mul3A_434, %add3A_433 : i32
            %dma_start3A_436 = arith.constant 0 : i32
            %dma_start3A_437 = arith.constant 0 : i32
            %dma_start3A_438 = tpu.memref_slice %run_scoped3A_18[%rem3A_430, %dma_start3A_436, %dma_start3A_437] : memref<2x256x128xf32, #tpu.memory_space<vmem>> -> memref<1x256x128xf32, #tpu.memory_space<vmem>>
            %dma_start3A_439 = tpu.memref_squeeze %dma_start3A_438 : memref<1x256x128xf32, #tpu.memory_space<vmem>> -> memref<256x128xf32, #tpu.memory_space<vmem>>
            %dma_start3A_440 = arith.constant 0 : i32
            %dma_start3A_441 = tpu.memref_slice %arg4[%mul3A_435, %dma_start3A_440] : memref<204800x128xf32, #tpu.memory_space<hbm>> -> memref<256x128xf32, #tpu.memory_space<hbm>>
            %dma_start3A_442 = tpu.memref_slice %run_scoped3A_19[%rem3A_430] : memref<2x!tpu.dma_semaphore, #tpu.memory_space<semaphore_mem>> -> memref<1x!tpu.dma_semaphore, #tpu.memory_space<semaphore_mem>>
            %dma_start3A_443 = tpu.memref_squeeze %dma_start3A_442 : memref<1x!tpu.dma_semaphore, #tpu.memory_space<semaphore_mem>> -> memref<!tpu.dma_semaphore, #tpu.memory_space<semaphore_mem>>
            %dma_start3A_444 = arith.constant 0 : i32
            %dma_start3A_445 = tpu.memref_slice %arg4[%mul3A_435, %dma_start3A_444] : memref<204800x128xf32, #tpu.memory_space<hbm>> -> memref<256x128xf32, #tpu.memory_space<hbm>>
            %dma_start3A_446 = arith.constant 0 : i32
            %dma_start3A_447 = arith.constant 0 : i32
            %dma_start3A_448 = tpu.memref_slice %run_scoped3A_18[%rem3A_430, %dma_start3A_446, %dma_start3A_447] : memref<2x256x128xf32, #tpu.memory_space<vmem>> -> memref<1x256x128xf32, #tpu.memory_space<vmem>>
            %dma_start3A_449 = tpu.memref_squeeze %dma_start3A_448 : memref<1x256x128xf32, #tpu.memory_space<vmem>> -> memref<256x128xf32, #tpu.memory_space<vmem>>
            tpu.enqueue_dma source(%dma_start3A_449 : memref<256x128xf32, #tpu.memory_space<vmem>>) target(%dma_start3A_445 : memref<256x128xf32, #tpu.memory_space<hbm>>) target_semaphore(%dma_start3A_443 : memref<!tpu.dma_semaphore, #tpu.memory_space<semaphore_mem>>)
            "tpu.trace_stop"() : () -> ()
          } else {
          }
          %and3A_366 = arith.constant true
          %and3A_367 = arith.andi %or3A_362, %and3A_366 : i1
          %add3A_368 = arith.constant 1 : i32
          %add3A_369 = arith.addi %while3A_209, %add3A_368 : i32
          %select_n3A_370 = arith.select %and3A_367, %add3A_369, %while3A_209 : i32
          %ne3A_371 = arith.cmpi ne, %add3A_221, %add3A_240 : i32
          %ne3A_372 = arith.cmpi ne, %add3A_222, %add3A_241 : i32
          %or3A_373 = arith.constant false
          %or3A_374 = arith.ori %or3A_373, %ne3A_371 : i1
          %or3A_375 = arith.ori %or3A_374, %ne3A_372 : i1
          %not3A_376 = arith.constant true
          %not3A_377 = arith.xori %eq3A_216, %not3A_376 : i1
          %and3A_378 = arith.andi %or3A_375, %not3A_377 : i1
          %convert_element_type3A_379 = arith.extui %and3A_378 : i1 to i32
          %cond3A_380 = arith.constant 0 : i32
          %cond3A_381 = arith.cmpi ne, %convert_element_type3A_379, %cond3A_380 : i32
          scf.if %cond3A_381 {
          } else {
          }
          %and3A_382 = arith.constant false
          %and3A_383 = arith.andi %and3A_378, %and3A_382 : i1
          %mul3A_384 = arith.constant 200 : i32
          %mul3A_385 = arith.muli %add3A_221, %mul3A_384 : i32
          %add3A_386 = arith.addi %mul3A_385, %add3A_222 : i32
          %mul3A_387 = arith.constant 200 : i32
          %mul3A_388 = arith.muli %add3A_240, %mul3A_387 : i32
          %add3A_389 = arith.addi %mul3A_388, %add3A_241 : i32
          %ne3A_390 = arith.cmpi ne, %add3A_386, %add3A_389 : i32
          %or3A_391 = arith.constant false
          %or3A_392 = arith.ori %or3A_391, %ne3A_390 : i1
          %or3A_393 = arith.constant false
          %or3A_394 = arith.ori %or3A_392, %or3A_393 : i1
          %not3A_395 = arith.constant true
          %not3A_396 = arith.xori %eq3A_216, %not3A_395 : i1
          %and3A_397 = arith.andi %or3A_394, %not3A_396 : i1
          %convert_element_type3A_398 = arith.extui %and3A_397 : i1 to i32
          %cond3A_399 = arith.constant 0 : i32
          %cond3A_400 = arith.cmpi ne, %convert_element_type3A_398, %cond3A_399 : i32
          scf.if %cond3A_400 {
            "tpu.trace_start"() <{level = 10 : i32, message = "ep_wait_out"}> : () -> ()
            %rem3A_429 = arith.constant 2 : i32
            %rem3A_430 = arith.remui %while3A_210, %rem3A_429 : i32
            %mul3A_431 = arith.constant 200 : i32
            %mul3A_432 = arith.muli %add3A_240, %mul3A_431 : i32
            %add3A_433 = arith.addi %mul3A_432, %add3A_241 : i32
            %mul3A_434 = arith.constant 256 : i32
            %mul3A_435 = arith.muli %mul3A_434, %add3A_433 : i32
            %dma_wait3A = arith.constant 0 : i32
            %dma_wait3A_436 = arith.constant 0 : i32
            %dma_wait3A_437 = tpu.memref_slice %run_scoped3A_18[%rem3A_430, %dma_wait3A, %dma_wait3A_436] : memref<2x256x128xf32, #tpu.memory_space<vmem>> -> memref<1x256x128xf32, #tpu.memory_space<vmem>>
            %dma_wait3A_438 = tpu.memref_squeeze %dma_wait3A_437 : memref<1x256x128xf32, #tpu.memory_space<vmem>> -> memref<256x128xf32, #tpu.memory_space<vmem>>
            %dma_wait3A_439 = arith.constant 0 : i32
            %dma_wait3A_440 = tpu.memref_slice %arg4[%mul3A_435, %dma_wait3A_439] : memref<204800x128xf32, #tpu.memory_space<hbm>> -> memref<256x128xf32, #tpu.memory_space<hbm>>
            %dma_wait3A_441 = tpu.memref_slice %run_scoped3A_19[%rem3A_430] : memref<2x!tpu.dma_semaphore, #tpu.memory_space<semaphore_mem>> -> memref<1x!tpu.dma_semaphore, #tpu.memory_space<semaphore_mem>>
            %dma_wait3A_442 = tpu.memref_squeeze %dma_wait3A_441 : memref<1x!tpu.dma_semaphore, #tpu.memory_space<semaphore_mem>> -> memref<!tpu.dma_semaphore, #tpu.memory_space<semaphore_mem>>
            %dma_wait3A_443 = arith.constant 0 : i32
            %dma_wait3A_444 = tpu.memref_slice %arg4[%mul3A_435, %dma_wait3A_443] : memref<204800x128xf32, #tpu.memory_space<hbm>> -> memref<256x128xf32, #tpu.memory_space<hbm>>
            %dma_wait3A_445 = arith.constant 0 : i32
            %dma_wait3A_446 = arith.constant 0 : i32
            %dma_wait3A_447 = tpu.memref_slice %run_scoped3A_18[%rem3A_430, %dma_wait3A_445, %dma_wait3A_446] : memref<2x256x128xf32, #tpu.memory_space<vmem>> -> memref<1x256x128xf32, #tpu.memory_space<vmem>>
            %dma_wait3A_448 = tpu.memref_squeeze %dma_wait3A_447 : memref<1x256x128xf32, #tpu.memory_space<vmem>> -> memref<256x128xf32, #tpu.memory_space<vmem>>
            tpu.wait_dma2 semaphore(%dma_wait3A_442 : memref<!tpu.dma_semaphore, #tpu.memory_space<semaphore_mem>>) src(%dma_wait3A_448 : memref<256x128xf32, #tpu.memory_space<vmem>>) dst(%dma_wait3A_444 : memref<256x128xf32, #tpu.memory_space<hbm>>)
            "tpu.trace_stop"() : () -> ()
          } else {
          }
          %and3A_401 = arith.constant true
          %and3A_402 = arith.andi %and3A_397, %and3A_401 : i1
          %add3A_403 = arith.constant 1 : i32
          %add3A_404 = arith.addi %while3A_210, %add3A_403 : i32
          %select_n3A_405 = arith.select %and3A_402, %add3A_404, %while3A_210 : i32
          %ne3A_406 = arith.cmpi ne, %add3A_221, %add3A_257 : i32
          %ne3A_407 = arith.cmpi ne, %add3A_222, %add3A_258 : i32
          %or3A_408 = arith.constant false
          %or3A_409 = arith.ori %or3A_408, %ne3A_406 : i1
          %or3A_410 = arith.ori %or3A_409, %ne3A_407 : i1
          %or3A_411 = arith.ori %or3A_410, %eq3A_219 : i1
          %add3A_412 = arith.constant 1 : i32
          %add3A_413 = arith.addi %while3A_208, %add3A_412 : i32
          %select_n3A_414 = arith.select %or3A_411, %add3A_413, %while3A_208 : i32
          %add3A_415 = arith.constant 1 : i32
          %add3A_416 = arith.addi %while3A_212, %add3A_415 : i32
          %select_n3A_417 = arith.constant true
          %select_n3A_418 = arith.select %select_n3A_417, %add3A_416, %while3A_212 : i32
          %eq3A_419 = arith.cmpi eq, %select_n3A_418, %select_n3A : i32
          %select_n3A_420 = arith.constant 0 : i32
          %select_n3A_421 = arith.select %eq3A_419, %select_n3A_420, %select_n3A_418 : i32
          %add3A_422 = arith.constant 1 : i32
          %add3A_423 = arith.addi %while3A_211, %add3A_422 : i32
          %select_n3A_424 = arith.select %eq3A_419, %add3A_423, %while3A_211 : i32
          %eq3A_425 = arith.constant 4 : i32
          %eq3A_426 = arith.cmpi eq, %select_n3A_424, %eq3A_425 : i32
          %select_n3A_427 = arith.constant 0 : i32
          %select_n3A_428 = arith.select %eq3A_426, %select_n3A_427, %select_n3A_424 : i32
          scf.yield %select_n3A_291, %select_n3A_414, %select_n3A_370, %select_n3A_405, %select_n3A_428, %select_n3A_421 : i32, i32, i32, i32, i32, i32
        }
        %sub3A_119 = arith.constant 1 : i32
        %sub3A_120 = arith.subi %while3A_118#5, %sub3A_119 : i32
        %select_n3A_121 = arith.constant true
        %select_n3A_122 = arith.select %select_n3A_121, %sub3A_120, %while3A_118#5 : i32
        %eq3A_123 = arith.constant -1 : i32
        %eq3A_124 = arith.cmpi eq, %select_n3A_122, %eq3A_123 : i32
        %sub3A_125 = arith.constant 1 : i32
        %sub3A_126 = arith.subi %select_n3A, %sub3A_125 : i32
        %select_n3A_127 = arith.select %eq3A_124, %sub3A_126, %select_n3A_122 : i32
        %sub3A_128 = arith.constant 1 : i32
        %sub3A_129 = arith.subi %while3A_118#4, %sub3A_128 : i32
        %select_n3A_130 = arith.select %eq3A_124, %sub3A_129, %while3A_118#4 : i32
        %eq3A_131 = arith.constant -1 : i32
        %eq3A_132 = arith.cmpi eq, %select_n3A_130, %eq3A_131 : i32
        %select_n3A_133 = arith.constant 3 : i32
        %select_n3A_134 = arith.select %eq3A_132, %select_n3A_133, %select_n3A_130 : i32
        %sub3A_135 = arith.constant 1 : i32
        %sub3A_136 = arith.subi %mul3A_16, %sub3A_135 : i32
        %mul3A_137 = arith.constant 4 : i32
        %mul3A_138 = arith.muli %mul3A_137, %select_n3A : i32
        %eq3A_139 = arith.constant 0 : i32
        %eq3A_140 = arith.cmpi eq, %sub3A_136, %eq3A_139 : i32
        %sub3A_141 = arith.constant 1 : i32
        %sub3A_142 = arith.subi %mul3A_138, %sub3A_141 : i32
        %eq3A_143 = arith.cmpi eq, %sub3A_136, %sub3A_142 : i32
        %add3A_144 = arith.constant 0 : i32
        %add3A_145 = arith.addi %select_n3A_134, %add3A_144 : i32
        %add3A_146 = arith.addi %select_n3A_127, %select_n3A_14 : i32
        %sub3A_147 = arith.constant 1 : i32
        %sub3A_148 = arith.subi %select_n3A_127, %sub3A_147 : i32
        %select_n3A_149 = arith.constant true
        %select_n3A_150 = arith.select %select_n3A_149, %sub3A_148, %select_n3A_127 : i32
        %eq3A_151 = arith.constant -1 : i32
        %eq3A_152 = arith.cmpi eq, %select_n3A_150, %eq3A_151 : i32
        %sub3A_153 = arith.constant 1 : i32
        %sub3A_154 = arith.subi %select_n3A, %sub3A_153 : i32
        %select_n3A_155 = arith.select %eq3A_152, %sub3A_154, %select_n3A_150 : i32
        %sub3A_156 = arith.constant 1 : i32
        %sub3A_157 = arith.subi %select_n3A_134, %sub3A_156 : i32
        %select_n3A_158 = arith.select %eq3A_152, %sub3A_157, %select_n3A_134 : i32
        %eq3A_159 = arith.constant -1 : i32
        %eq3A_160 = arith.cmpi eq, %select_n3A_158, %eq3A_159 : i32
        %select_n3A_161 = arith.constant 3 : i32
        %select_n3A_162 = arith.select %eq3A_160, %select_n3A_161, %select_n3A_158 : i32
        %add3A_163 = arith.constant 0 : i32
        %add3A_164 = arith.addi %select_n3A_162, %add3A_163 : i32
        %add3A_165 = arith.addi %select_n3A_155, %select_n3A_14 : i32
        %add3A_166 = arith.constant 1 : i32
        %add3A_167 = arith.addi %select_n3A_127, %add3A_166 : i32
        %select_n3A_168 = arith.constant true
        %select_n3A_169 = arith.select %select_n3A_168, %add3A_167, %select_n3A_127 : i32
        %eq3A_170 = arith.cmpi eq, %select_n3A_169, %select_n3A : i32
        %select_n3A_171 = arith.constant 0 : i32
        %select_n3A_172 = arith.select %eq3A_170, %select_n3A_171, %select_n3A_169 : i32
        %add3A_173 = arith.constant 1 : i32
        %add3A_174 = arith.addi %select_n3A_134, %add3A_173 : i32
        %select_n3A_175 = arith.select %eq3A_170, %add3A_174, %select_n3A_134 : i32
        %eq3A_176 = arith.constant 4 : i32
        %eq3A_177 = arith.cmpi eq, %select_n3A_175, %eq3A_176 : i32
        %select_n3A_178 = arith.constant 0 : i32
        %select_n3A_179 = arith.select %eq3A_177, %select_n3A_178, %select_n3A_175 : i32
        %add3A_180 = arith.constant 0 : i32
        %add3A_181 = arith.addi %select_n3A_179, %add3A_180 : i32
        %add3A_182 = arith.addi %select_n3A_172, %select_n3A_14 : i32
        %add3A_183 = arith.constant 1 : i32
        %add3A_184 = arith.addi %select_n3A_172, %add3A_183 : i32
        %select_n3A_185 = arith.constant true
        %select_n3A_186 = arith.select %select_n3A_185, %add3A_184, %select_n3A_172 : i32
        %eq3A_187 = arith.cmpi eq, %select_n3A_186, %select_n3A : i32
        %select_n3A_188 = arith.constant 0 : i32
        %select_n3A_189 = arith.select %eq3A_187, %select_n3A_188, %select_n3A_186 : i32
        %add3A_190 = arith.constant 1 : i32
        %add3A_191 = arith.addi %select_n3A_179, %add3A_190 : i32
        %select_n3A_192 = arith.select %eq3A_187, %add3A_191, %select_n3A_179 : i32
        %eq3A_193 = arith.constant 4 : i32
        %eq3A_194 = arith.cmpi eq, %select_n3A_192, %eq3A_193 : i32
        %select_n3A_195 = arith.constant 0 : i32
        %select_n3A_196 = arith.select %eq3A_194, %select_n3A_195, %select_n3A_192 : i32
        %add3A_197 = arith.constant 0 : i32
        %add3A_198 = arith.addi %select_n3A_196, %add3A_197 : i32
        %add3A_199 = arith.addi %select_n3A_189, %select_n3A_14 : i32
        %convert_element_type3A_200 = arith.extui %eq3A_143 : i1 to i32
        %cond3A_201 = arith.constant 0 : i32
        %cond3A_202 = arith.cmpi ne, %convert_element_type3A_200, %cond3A_201 : i32
        scf.if %cond3A_202 {
        } else {
        }
        %convert_element_type3A_203 = arith.extui %eq3A_143 : i1 to i32
        %cond3A_204 = arith.constant 0 : i32
        %cond3A_205 = arith.cmpi ne, %convert_element_type3A_203, %cond3A_204 : i32
        scf.if %cond3A_205 {
          "tpu.trace_start"() <{level = 10 : i32, message = "ep_finalize"}> : () -> ()
          %rem3A_206 = arith.constant 2 : i32
          %rem3A_207 = arith.remui %while3A_118#3, %rem3A_206 : i32
          %mul3A_208 = arith.constant 200 : i32
          %mul3A_209 = arith.muli %add3A_145, %mul3A_208 : i32
          %add3A_210 = arith.addi %mul3A_209, %add3A_146 : i32
          %mul3A_211 = arith.constant 256 : i32
          %mul3A_212 = arith.muli %mul3A_211, %add3A_210 : i32
          %dma_wait3A = arith.constant 0 : i32
          %dma_wait3A_213 = arith.constant 0 : i32
          %dma_wait3A_214 = tpu.memref_slice %run_scoped3A_18[%rem3A_207, %dma_wait3A, %dma_wait3A_213] : memref<2x256x128xf32, #tpu.memory_space<vmem>> -> memref<1x256x128xf32, #tpu.memory_space<vmem>>
          %dma_wait3A_215 = tpu.memref_squeeze %dma_wait3A_214 : memref<1x256x128xf32, #tpu.memory_space<vmem>> -> memref<256x128xf32, #tpu.memory_space<vmem>>
          %dma_wait3A_216 = arith.constant 0 : i32
          %dma_wait3A_217 = tpu.memref_slice %arg4[%mul3A_212, %dma_wait3A_216] : memref<204800x128xf32, #tpu.memory_space<hbm>> -> memref<256x128xf32, #tpu.memory_space<hbm>>
          %dma_wait3A_218 = tpu.memref_slice %run_scoped3A_19[%rem3A_207] : memref<2x!tpu.dma_semaphore, #tpu.memory_space<semaphore_mem>> -> memref<1x!tpu.dma_semaphore, #tpu.memory_space<semaphore_mem>>
          %dma_wait3A_219 = tpu.memref_squeeze %dma_wait3A_218 : memref<1x!tpu.dma_semaphore, #tpu.memory_space<semaphore_mem>> -> memref<!tpu.dma_semaphore, #tpu.memory_space<semaphore_mem>>
          %dma_wait3A_220 = arith.constant 0 : i32
          %dma_wait3A_221 = tpu.memref_slice %arg4[%mul3A_212, %dma_wait3A_220] : memref<204800x128xf32, #tpu.memory_space<hbm>> -> memref<256x128xf32, #tpu.memory_space<hbm>>
          %dma_wait3A_222 = arith.constant 0 : i32
          %dma_wait3A_223 = arith.constant 0 : i32
          %dma_wait3A_224 = tpu.memref_slice %run_scoped3A_18[%rem3A_207, %dma_wait3A_222, %dma_wait3A_223] : memref<2x256x128xf32, #tpu.memory_space<vmem>> -> memref<1x256x128xf32, #tpu.memory_space<vmem>>
          %dma_wait3A_225 = tpu.memref_squeeze %dma_wait3A_224 : memref<1x256x128xf32, #tpu.memory_space<vmem>> -> memref<256x128xf32, #tpu.memory_space<vmem>>
          tpu.wait_dma2 semaphore(%dma_wait3A_219 : memref<!tpu.dma_semaphore, #tpu.memory_space<semaphore_mem>>) src(%dma_wait3A_225 : memref<256x128xf32, #tpu.memory_space<vmem>>) dst(%dma_wait3A_221 : memref<256x128xf32, #tpu.memory_space<hbm>>)
          "tpu.trace_stop"() : () -> ()
        } else {
        }
      } else {
      }
      tpu.yield
    }) : () -> ()
    return
  }
}

module attributes {stable_mosaic.version = 14 : i64} {
  func.func @_fold_body(%arg0: i32, %arg1: memref<10000x64xf32, #tpu.memory_space<vmem>>, %arg2: memref<256x64xf32, #tpu.memory_space<vmem>>, %arg3: memref<64x256xf32, #tpu.memory_space<vmem>>, %arg4: memref<1x256xf32, #tpu.memory_space<vmem>>, %arg5: memref<1x64xf32, #tpu.memory_space<vmem>>, %arg6: memref<10000x128xf32, #tpu.memory_space<vmem>>) attributes {dimension_semantics = [#tpu.dimension_semantics<arbitrary>], iteration_bounds = array<i64: 10>, scalar_prefetch = 0 : i64, scratch_operands = 0 : i64, tpu.core_type = #tpu.core_type<tc>, window_params = [{transform_indices = @transform_0, window_bounds = array<i64: 10000, 64>}, {pipeline_mode = #tpu.pipeline_mode<synchronous>, transform_indices = @transform_1, window_bounds = array<i64: 256, 64>}, {pipeline_mode = #tpu.pipeline_mode<synchronous>, transform_indices = @transform_2, window_bounds = array<i64: 64, 256>}, {pipeline_mode = #tpu.pipeline_mode<synchronous>, transform_indices = @transform_3, window_bounds = array<i64: 1, 256>}, {pipeline_mode = #tpu.pipeline_mode<synchronous>, transform_indices = @transform_4, window_bounds = array<i64: 1, 64>}, {transform_indices = @transform_5, window_bounds = array<i64: 10000, 128>}]} {
    %get3A = arith.constant 0 : index
    %get3A_0 = arith.constant 0 : index
    %get3A_1 = vector.load %arg2[%get3A, %get3A_0] : memref<256x64xf32, #tpu.memory_space<vmem>>, vector<256x64xf32>
    %get3A_2 = arith.constant 0 : index
    %get3A_3 = arith.constant 0 : index
    %get3A_4 = vector.load %arg3[%get3A_2, %get3A_3] : memref<64x256xf32, #tpu.memory_space<vmem>>, vector<64x256xf32>
    %dot_general3A = arith.constant dense<0.000000e+00> : vector<64x64xf32>
    %dot_general3A_5 = tpu.matmul %get3A_4, %get3A_1, %dot_general3A {dimension_numbers = #tpu.dot_dimension_numbers<[1], [0], [0], [1], [0, 0, 1, 1], [], []>, transpose_lhs_hint = false} : vector<64x256xf32>, vector<256x64xf32>, vector<64x64xf32> -> vector<64x64xf32>
    %get3A_6 = arith.constant 0 : index
    %get3A_7 = arith.constant 0 : index
    %get3A_8 = vector.load %arg1[%get3A_6, %get3A_7] : memref<10000x64xf32, #tpu.memory_space<vmem>>, vector<10000x64xf32>
    %dot_general3A_9 = arith.constant dense<0.000000e+00> : vector<10000x64xf32>
    %dot_general3A_10 = tpu.matmul %get3A_8, %dot_general3A_5, %dot_general3A_9 {dimension_numbers = #tpu.dot_dimension_numbers<[1], [1], [0], [0], [0, 0, 1, 0], [], []>, transpose_lhs_hint = false} : vector<10000x64xf32>, vector<64x64xf32>, vector<10000x64xf32> -> vector<10000x64xf32>
    %get3A_11 = arith.constant 0 : index
    %get3A_12 = arith.constant 0 : index
    %get3A_13 = vector.load %arg4[%get3A_11, %get3A_12] : memref<1x256xf32, #tpu.memory_space<vmem>>, vector<1x256xf32>
    %dot_general3A_14 = arith.constant dense<0.000000e+00> : vector<1x64xf32>
    %dot_general3A_15 = tpu.matmul %get3A_13, %get3A_4, %dot_general3A_14 {dimension_numbers = #tpu.dot_dimension_numbers<[1], [1], [0], [0], [0, 0, 1, 0], [], []>, transpose_lhs_hint = false} : vector<1x256xf32>, vector<64x256xf32>, vector<1x64xf32> -> vector<1x64xf32>
    %add3A = vector.broadcast %dot_general3A_15 : vector<1x64xf32> to vector<10000x64xf32>
    %add3A_16 = arith.addf %dot_general3A_10, %add3A : vector<10000x64xf32>
    %get3A_17 = arith.constant 0 : index
    %get3A_18 = arith.constant 0 : index
    %get3A_19 = vector.load %arg5[%get3A_17, %get3A_18] : memref<1x64xf32, #tpu.memory_space<vmem>>, vector<1x64xf32>
    %add3A_20 = vector.broadcast %get3A_19 : vector<1x64xf32> to vector<10000x64xf32>
    %add3A_21 = arith.addf %add3A_16, %add3A_20 : vector<10000x64xf32>
    %swap3A = arith.constant 0 : index
    %swap3A_22 = arith.constant 0 : index
    %swap3A_23 = vector.load %arg6[%swap3A, %swap3A_22] : memref<10000x128xf32, #tpu.memory_space<vmem>>, vector<10000x64xf32>
    tpu.vector_store %arg6[%swap3A, %swap3A_22], %add3A_21 {strides = array<i32>} : memref<10000x128xf32, #tpu.memory_space<vmem>>, vector<10000x64xf32>,
    %broadcast_in_dim3A = arith.constant 0.000000e+00 : f32
    %broadcast_in_dim3A_24 = vector.broadcast %broadcast_in_dim3A : f32 to vector<10000x64xf32>
    %swap3A_25 = arith.constant 0 : index
    %swap3A_26 = arith.constant 64 : index
    %swap3A_27 = vector.load %arg6[%swap3A_25, %swap3A_26] : memref<10000x128xf32, #tpu.memory_space<vmem>>, vector<10000x64xf32>
    tpu.vector_store %arg6[%swap3A_25, %swap3A_26], %broadcast_in_dim3A_24 {strides = array<i32>} : memref<10000x128xf32, #tpu.memory_space<vmem>>, vector<10000x64xf32>,
    return
  }
  func.func @transform_0(%arg0: i32) -> (i32, i32) {
    %c0_i32 = arith.constant 0 : i32
    %c0_i32_0 = arith.constant 0 : i32
    return %arg0, %c0_i32 : i32, i32
  }
  func.func @transform_1(%arg0: i32) -> (i32, i32) {
    %c0_i32 = arith.constant 0 : i32
    %c0_i32_0 = arith.constant 0 : i32
    %c0_i32_1 = arith.constant 0 : i32
    return %c0_i32, %c0_i32_0 : i32, i32
  }
  func.func @transform_2(%arg0: i32) -> (i32, i32) {
    %c0_i32 = arith.constant 0 : i32
    %c0_i32_0 = arith.constant 0 : i32
    %c0_i32_1 = arith.constant 0 : i32
    return %c0_i32, %c0_i32_0 : i32, i32
  }
  func.func @transform_3(%arg0: i32) -> (i32, i32) {
    %c0_i32 = arith.constant 0 : i32
    %c0_i32_0 = arith.constant 0 : i32
    %c0_i32_1 = arith.constant 0 : i32
    return %c0_i32, %c0_i32_0 : i32, i32
  }
  func.func @transform_4(%arg0: i32) -> (i32, i32) {
    %c0_i32 = arith.constant 0 : i32
    %c0_i32_0 = arith.constant 0 : i32
    %c0_i32_1 = arith.constant 0 : i32
    return %c0_i32, %c0_i32_0 : i32, i32
  }
  func.func @transform_5(%arg0: i32) -> (i32, i32) {
    %c0_i32 = arith.constant 0 : i32
    %c0_i32_0 = arith.constant 0 : i32
    return %arg0, %c0_i32 : i32, i32
  }
}

module attributes {stable_mosaic.version = 14 : i64} {
  func.func @_transpose_first_body(%arg0: i32, %arg1: memref<4096x128xf32, #tpu.memory_space<vmem>>, %arg2: memref<64x4096xf32, #tpu.memory_space<vmem>>) attributes {dimension_semantics = [#tpu.dimension_semantics<arbitrary>], iteration_bounds = array<i64: 50>, scalar_prefetch = 0 : i64, scratch_operands = 0 : i64, tpu.core_type = #tpu.core_type<tc>, window_params = [{transform_indices = @transform_0, window_bounds = array<i64: 4096, 128>}, {transform_indices = @transform_1, window_bounds = array<i64: 64, 4096>}]} {
    %get3A = arith.constant 0 : index
    %get3A_0 = arith.constant 0 : index
    %get3A_1 = vector.load %arg1[%get3A, %get3A_0] : memref<4096x128xf32, #tpu.memory_space<vmem>>, vector<4096x64xf32>
    %transpose3A = tpu.transpose %get3A_1, [1, 0] : vector<4096x64xf32> -> vector<64x4096xf32>
    %swap3A = arith.constant 0 : index
    %swap3A_2 = arith.constant 0 : index
    %swap3A_3 = vector.load %arg2[%swap3A, %swap3A_2] : memref<64x4096xf32, #tpu.memory_space<vmem>>, vector<64x4096xf32>
    tpu.vector_store %arg2[%swap3A, %swap3A_2], %transpose3A {strides = array<i32>} : memref<64x4096xf32, #tpu.memory_space<vmem>>, vector<64x4096xf32>,
    return
  }
  func.func @transform_0(%arg0: i32) -> (i32, i32) {
    %c0_i32 = arith.constant 0 : i32
    %c0_i32_0 = arith.constant 0 : i32
    return %arg0, %c0_i32 : i32, i32
  }
  func.func @transform_1(%arg0: i32) -> (i32, i32) {
    %c0_i32 = arith.constant 0 : i32
    %c0_i32_0 = arith.constant 0 : i32
    return %arg0, %c0_i32 : i32, i32
  }
}

module attributes {stable_mosaic.version = 14 : i64} {
  func.func @_transpose_rest_body(%arg0: i32, %arg1: memref<12800x4096xf32, #tpu.memory_space<any>>, %arg2: memref<4096x128xf32, #tpu.memory_space<vmem>>, %arg3: memref<64x4096xf32, #tpu.memory_space<vmem>>) attributes {dimension_semantics = [#tpu.dimension_semantics<arbitrary>], iteration_bounds = array<i64: 50>, scalar_prefetch = 0 : i64, scratch_operands = 0 : i64, tpu.core_type = #tpu.core_type<tc>, window_params = [{}, {transform_indices = @transform_1, window_bounds = array<i64: 4096, 128>}, {transform_indices = @transform_2, window_bounds = array<i64: 64, 4096>}]} {
    %get3A = arith.constant 0 : index
    %get3A_0 = arith.constant 0 : index
    %get3A_1 = vector.load %arg2[%get3A, %get3A_0] : memref<4096x128xf32, #tpu.memory_space<vmem>>, vector<4096x64xf32>
    %transpose3A = tpu.transpose %get3A_1, [1, 0] : vector<4096x64xf32> -> vector<64x4096xf32>
    %swap3A = arith.constant 0 : index
    %swap3A_2 = arith.constant 0 : index
    %swap3A_3 = vector.load %arg3[%swap3A, %swap3A_2] : memref<64x4096xf32, #tpu.memory_space<vmem>>, vector<64x4096xf32>
    tpu.vector_store %arg3[%swap3A, %swap3A_2], %transpose3A {strides = array<i32>} : memref<64x4096xf32, #tpu.memory_space<vmem>>, vector<64x4096xf32>,
    return
  }
  func.func @transform_1(%arg0: i32) -> (i32, i32) {
    %c0_i32 = arith.constant 0 : i32
    %c0_i32_0 = arith.constant 0 : i32
    return %arg0, %c0_i32 : i32, i32
  }
  func.func @transform_2(%arg0: i32) -> (i32, i32) {
    %add3A = arith.constant 50 : i32
    %add3A_0 = arith.addi %arg0, %add3A : i32
    %c0_i32 = arith.constant 0 : i32
    %c0_i32_1 = arith.constant 0 : i32
    return %add3A_0, %c0_i32 : i32, i32
  }
}

module attributes {stable_mosaic.version = 14 : i64} {
  func.func @_transpose_rest_body(%arg0: i32, %arg1: memref<12800x4096xf32, #tpu.memory_space<any>>, %arg2: memref<4096x128xf32, #tpu.memory_space<vmem>>, %arg3: memref<64x4096xf32, #tpu.memory_space<vmem>>) attributes {dimension_semantics = [#tpu.dimension_semantics<arbitrary>], iteration_bounds = array<i64: 50>, scalar_prefetch = 0 : i64, scratch_operands = 0 : i64, tpu.core_type = #tpu.core_type<tc>, window_params = [{}, {transform_indices = @transform_1, window_bounds = array<i64: 4096, 128>}, {transform_indices = @transform_2, window_bounds = array<i64: 64, 4096>}]} {
    %get3A = arith.constant 0 : index
    %get3A_0 = arith.constant 0 : index
    %get3A_1 = vector.load %arg2[%get3A, %get3A_0] : memref<4096x128xf32, #tpu.memory_space<vmem>>, vector<4096x64xf32>
    %transpose3A = tpu.transpose %get3A_1, [1, 0] : vector<4096x64xf32> -> vector<64x4096xf32>
    %swap3A = arith.constant 0 : index
    %swap3A_2 = arith.constant 0 : index
    %swap3A_3 = vector.load %arg3[%swap3A, %swap3A_2] : memref<64x4096xf32, #tpu.memory_space<vmem>>, vector<64x4096xf32>
    tpu.vector_store %arg3[%swap3A, %swap3A_2], %transpose3A {strides = array<i32>} : memref<64x4096xf32, #tpu.memory_space<vmem>>, vector<64x4096xf32>,
    return
  }
  func.func @transform_1(%arg0: i32) -> (i32, i32) {
    %c0_i32 = arith.constant 0 : i32
    %c0_i32_0 = arith.constant 0 : i32
    return %arg0, %c0_i32 : i32, i32
  }
  func.func @transform_2(%arg0: i32) -> (i32, i32) {
    %add3A = arith.constant 100 : i32
    %add3A_0 = arith.addi %arg0, %add3A : i32
    %c0_i32 = arith.constant 0 : i32
    %c0_i32_1 = arith.constant 0 : i32
    return %add3A_0, %c0_i32 : i32, i32
  }
}

module attributes {stable_mosaic.version = 14 : i64} {
  func.func @_transpose_rest_body(%arg0: i32, %arg1: memref<12800x4096xf32, #tpu.memory_space<any>>, %arg2: memref<4096x128xf32, #tpu.memory_space<vmem>>, %arg3: memref<64x4096xf32, #tpu.memory_space<vmem>>) attributes {dimension_semantics = [#tpu.dimension_semantics<arbitrary>], iteration_bounds = array<i64: 50>, scalar_prefetch = 0 : i64, scratch_operands = 0 : i64, tpu.core_type = #tpu.core_type<tc>, window_params = [{}, {transform_indices = @transform_1, window_bounds = array<i64: 4096, 128>}, {transform_indices = @transform_2, window_bounds = array<i64: 64, 4096>}]} {
    %get3A = arith.constant 0 : index
    %get3A_0 = arith.constant 0 : index
    %get3A_1 = vector.load %arg2[%get3A, %get3A_0] : memref<4096x128xf32, #tpu.memory_space<vmem>>, vector<4096x64xf32>
    %transpose3A = tpu.transpose %get3A_1, [1, 0] : vector<4096x64xf32> -> vector<64x4096xf32>
    %swap3A = arith.constant 0 : index
    %swap3A_2 = arith.constant 0 : index
    %swap3A_3 = vector.load %arg3[%swap3A, %swap3A_2] : memref<64x4096xf32, #tpu.memory_space<vmem>>, vector<64x4096xf32>
    tpu.vector_store %arg3[%swap3A, %swap3A_2], %transpose3A {strides = array<i32>} : memref<64x4096xf32, #tpu.memory_space<vmem>>, vector<64x4096xf32>,
    return
  }
  func.func @transform_1(%arg0: i32) -> (i32, i32) {
    %c0_i32 = arith.constant 0 : i32
    %c0_i32_0 = arith.constant 0 : i32
    return %arg0, %c0_i32 : i32, i32
  }
  func.func @transform_2(%arg0: i32) -> (i32, i32) {
    %add3A = arith.constant 150 : i32
    %add3A_0 = arith.addi %arg0, %add3A : i32
    %c0_i32 = arith.constant 0 : i32
    %c0_i32_1 = arith.constant 0 : i32
    return %add3A_0, %c0_i32 : i32, i32
  }
}

</mosaic_0001>

<sc_bundles>
// kernel: kernel.11.cloned.1.call-start
scs
__scs_entry_jumppad:
0x0: {  	(pc) =	sbr.rel $0x88, $3  }
0x1: {  	(tag) =	ssettag $0x0;
	lr =	simm.s32 $0x1  }
0x2: {  	[smem:$0x3F9B] =	sst lr;
	_ =	strace $0xD0000000  }
0x3: {  	_ = 	snop  }
0x4: {  	_ = 	snop  }
0x5: {  	_ = 	snop  }
0x6: {  	_ = 	snop  }
0x7: {  	_ = 	snop  }
__scs_overlays_trampoline_lowered:
0x8: {  	[smem:$0x3FAA] =	sst s0  }
0x9: {  	[smem:$0x3FAB] =	sst s1  }
0xa: {  	[smem:$0x3FAC] =	sst s2  }
0xb: {  	[smem:$0x3FAD] =	sst s3  }
0xc: {  	[smem:$0x3FAE] =	sst s4  }
0xd: {  	[smem:$0x3FAF] =	sst s5  }
0xe: {  	[smem:$0x3FB0] =	sst s6  }
0xf: {  	[smem:$0x3FB1] =	sst s7  }
0x10: {  	[smem:$0x3FB2] =	sst s8  }
0x11: {  	[smem:$0x3FB3] =	sst s9;
	s0 =	simm.s32 @!p0 $0x0  }
0x12: {  	s1 =	sld [smem:$0x3F99];
	s0 =	simm.s32 @p0 $0x1  }
0x13: {  	[smem:$0x3FB4] =	sst s0;
	s0 =	simm.s32 @!p1 $0x0  }
0x14: {  	s2 =	sld [smem:$0x3F98];
	s0 =	simm.s32 @p1 $0x1  }
0x15: {  	[smem:$0x3FB5] =	sst s0;
	s0 =	simm.s32 @!p2 $0x0  }
0x16: {  	s3 =	sld [smem:$0x3FDB];
	s0 =	simm.s32 @p2 $0x1  }
0x17: {  	s4 =	simm.s32 $0x1BF5;
	[smem:$0x3FB7] =	sst s0  }
0x18: {  	s0 =	sld [smem:$0x3F9A];
	_ =	swait.ge [sflag:s4], $0x0  }
0x19: {  	s7 =	sld [smem:$0x3F9B]  }
0x1a: {  	s8 =	sadd.s32 $0xFFFFE003, lr  }
0x1b: {  	s9 =	sadd.s32 $0xFFFFFEF7, lr;
	s5 =	simm.s32 $0xFFFFFFFF;
	p2 =	slt.u32 s8, $0xFFFFF086  }
0x1c: {  	p1 =	slt.u32 s9, $0xF7A;
	s5 =	simm.s32 @!p2 $0x0  }
0x1d: {  	s5 =	simm.s32 @p1 $0x1;
	p0 =	seq.s32 s7, s2  }
0x1e: {  	s7 =	smul.u32 @!p0 $0xF7A, s2;
	p2 =	seq.s32 @!p0 s5, $0x0  }
0x1f: {  	s9 =	smul.u32 $0xF7A, s1;
	s8 =	simm.s32 @!p0 $0x1BF5;
	p2 =	por !p2, p0  }
0x20: {  	[sflag:s8] =	ssyncset.s32 @!p0 $0xFFFFF086;
	s6 =	sadd.s32 @!p0 s3, s7;
	s7 =	simm.s32 @!p0 $0x108  }
0x21: {  	s3 =	sadd.s32 s3, s9;
	s6 =	sadd.s32 @!p0 $0x88, s6;
	s7 =	simm.s32 @p2 $0x1082  }
0x22: {  	[simem:s7], [sflag:s8] =	dma.local @!p0 [hbm:s6], $0xF7A  }
0x23: {  	s9 =	sor.u32 $0xD0000000, s2;
	s6 =	simm.s32 $0x108;
	_ =	swait.ge @!p0 [sflag:s8], $0x0  }
0x24: {  	s3 =	sadd.s32 $0x88, s3;
	s6 =	simm.s32 @!p1 $0x1082;
	[sflag:s4] =	ssyncset.s32 $0xFFFFF086  }
0x25: {  	[simem:s6], [sflag:s4] =	dma.local [hbm:s3], $0xF7A  }
0x26: {  	[smem:$0x3F9B] =	sst s1;
	(tag) =	ssettag s2;
	_ =	strace s9  }
0x27: {  	s1 =	sld [smem:$0x3FAB]  }
0x28: {  	s2 =	sld [smem:$0x3FAC]  }
0x29: {  	s4 =	sld [smem:$0x3FAE]  }
0x2a: {  	p0 =	seq.s32 s5, $0x0;
	s5 =	sld [smem:$0x3FAF]  }
0x2b: {  	s6 =	sld [smem:$0x3FB0]  }
0x2c: {  	s7 =	sld [smem:$0x3FB1]  }
0x2d: {  	s3 =	simm.s32 $0x108;
	s8 =	sld [smem:$0x3FB2]  }
0x2e: {  	s3 =	simm.s32 @!p0 $0x1082;
	s9 =	sld [smem:$0x3FB3]  }
0x2f: {  	lr =	sadd.s32 s0, s3;
	s0 =	sld [smem:$0x3FAA]  }
0x30: {  	s3 =	sld [smem:$0x3FAD]  }
0x31: {  	[smem:$0x3FB6] =	sst s10  }
0x32: {  	s10 =	sld [smem:$0x3FB4];
	_ =	sdelay $0x3  }
0x33: {  	p0 =	seq.s32 s10, $0x1;
	s10 =	sld [smem:$0x3FB6];
	_ =	sdelay $0x3  }
0x34: {  	[smem:$0x3FB6] =	sst s10  }
0x35: {  	s10 =	sld [smem:$0x3FB5];
	_ =	sdelay $0x3  }
0x36: {  	p1 =	seq.s32 s10, $0x1;
	s10 =	sld [smem:$0x3FB6];
	_ =	sdelay $0x3  }
0x37: {  	[smem:$0x3FB6] =	sst s10  }
0x38: {  	s10 =	sld [smem:$0x3FB7]  }
0x39: {  	_ = 	snop;
	(pc) =	sbr.ind lr, $3  }
0x3a: {  	_ = 	snop  }
0x3b: {  	_ = 	snop  }
0x3c: {  	p2 =	seq.s32 s10, $0x1;
	s10 =	sld [smem:$0x3FB6]  }
0x3d: {  	_ =	shalt  }
0x3e: {  	_ =	shalt  }
0x3f: {  	_ =	shalt  }
0x40: {  	_ =	shalt  }
0x41: {  	_ =	shalt  }
0x42: {  	_ =	shalt  }
0x43: {  	_ =	shalt  }
0x44: {  	_ =	shalt  }
0x45: {  	_ =	shalt  }
0x46: {  	_ =	shalt  }
0x47: {  	_ =	shalt  }
0x48: {  	_ =	shalt  }
0x49: {  	_ =	shalt  }
0x4a: {  	_ =	shalt  }
0x4b: {  	_ =	shalt  }
0x4c: {  	_ =	shalt  }
0x4d: {  	_ =	shalt  }
0x4e: {  	_ =	shalt  }
0x4f: {  	_ =	shalt  }
0x50: {  	_ =	shalt  }
0x51: {  	_ =	shalt  }
0x52: {  	_ =	shalt  }
0x53: {  	_ =	shalt  }
0x54: {  	_ =	shalt  }
0x55: {  	_ =	shalt  }
0x56: {  	_ =	shalt  }
0x57: {  	_ =	shalt  }
0x58: {  	_ =	shalt  }
0x59: {  	_ =	shalt  }
0x5a: {  	_ =	shalt  }
0x5b: {  	_ =	shalt  }
0x5c: {  	_ =	shalt  }
0x5d: {  	_ =	shalt  }
0x5e: {  	_ =	shalt  }
0x5f: {  	_ =	shalt  }
0x60: {  	_ =	shalt  }
0x61: {  	_ =	shalt  }
0x62: {  	_ =	shalt  }
0x63: {  	_ =	shalt  }
0x64: {  	_ =	shalt  }
0x65: {  	_ =	shalt  }
0x66: {  	_ =	shalt  }
0x67: {  	_ =	shalt  }
0x68: {  	_ =	shalt  }
0x69: {  	_ =	shalt  }
0x6a: {  	_ =	shalt  }
0x6b: {  	_ =	shalt  }
0x6c: {  	_ =	shalt  }
0x6d: {  	_ =	shalt  }
0x6e: {  	_ =	shalt  }
0x6f: {  	_ =	shalt  }
0x70: {  	_ =	shalt  }
0x71: {  	_ =	shalt  }
0x72: {  	_ =	shalt  }
0x73: {  	_ =	shalt  }
0x74: {  	_ =	shalt  }
0x75: {  	_ =	shalt  }
0x76: {  	_ =	shalt  }
0x77: {  	_ =	shalt  }
0x78: {  	_ =	shalt  }
0x79: {  	_ =	shalt  }
0x7a: {  	_ =	shalt  }
0x7b: {  	_ =	shalt  }
0x7c: {  	_ =	shalt  }
0x7d: {  	_ =	shalt  }
0x7e: {  	_ =	shalt  }
0x7f: {  	_ =	shalt  }
0x80: {  	_ =	shalt  }
0x81: {  	_ =	shalt  }
0x82: {  	_ =	shalt  }
0x83: {  	_ =	shalt  }
0x84: {  	_ =	shalt  }
0x85: {  	_ =	shalt  }
0x86: {  	_ =	shalt  }
0x87: {  	_ =	shalt  }
.Lfunc_end0:
.L_simem_size_0:
called_computation_lowered:
.L_overlay_start_0:
0x88: {  	s2 =	sld [smem:$0x3FD9]  }
0x89: {  	s3 =	sld [smem:$0x3FFE];
	_ =	sdelay $0x1  }
0x8a: {  	s1 =	srdreg.scid  }
0x8b: {  	s0 =	sand.u32 $0x1, s1  }
0x8c: {  	s16 =	sshll.u32 s0, $0xA;
	s2 =	sadd.s32 s3, s2  }
0x8d: {  	s2 =	sadd.s32 s2, s16  }
0x8e: {  	[smem:$0x3FC2] =	sst s2  }
0x8f: {  	_ = 	snop  }
0x90: {  	(tm) =	ssettm $0x1  }
0x91: {  	s17 =	sld [smem:$0x3FFB];
	_ =	sdelay $0x3  }
0x92: {  	_ =	strace s17  }
0x93: {  	s2 =	sld [smem:$0x3FFC];
	_ =	sdelay $0x3  }
0x94: {  	_ =	strace s2  }
0x95: {  	s2 =	sld [smem:$0x3FFD];
	_ =	sdelay $0x3  }
0x96: {  	_ =	strace s2  }
0x97: {  	_ =	strace $0x8FFFFFFF  }
0x98: {  	s18 =	sld [smem:$0x3FDB];
	_ =	sdelay $0x1  }
0x99: {  	s19 =	simm.s32 $_scs_section_size  }
0x9a: {  	s4 =	simm.s32 $_size__tile_overlayer_lowered;
	s5 =	simm.s32 $_tile_overlayer_lowered  }
0x9b: {  	s22 =	simm.s32 $0x1BFF;
	s21 =	sshll.u32 s5, $0x1;
	s2 =	sadd.s32 s19, s18  }
0x9c: {  	s6 =	simm.s32 $0x0;
	s20 =	sshll.u32 s4, $0x1;
	s4 =	sadd.s32 s21, s2  }
0x9d: {  	[timem:s6], [sflag:s22] =	dma.local [hbm:s4], s20  }
0x9e: {  	_ =	swait.ge [sflag:s22], s20  }
0x9f: {  	s3 =	ssub.s32 $0x0, s20;
	[sflag:s22] =	ssyncset.done $0x0  }
0xa0: {  	[sflag:s22] =	ssyncadd.s32 s3;
	_ =	sdelay $0x1  }
0xa1: {  	s23 =	simm.s32 $0x1B8B  }
0xa2: {  	_ =	swait.ge [sflag:s23], $0x1  }
0xa3: {  	[sflag:s23] =	ssyncset.done $0x0  }
0xa4: {  	s25 =	simm.s32 $0x1B8E;
	s24 =	sld [smem:$0x3FFE];
	[sflag:s23] =	ssyncadd.s32 $0xFFFFFFFF  }
0xa5: {  	s26 =	simm.s32 $execute0_lowered;
	[smem:$0x3FD2] =	sst s25  }
0xa6: {  	s4 =	sshll.u32 s26, $0x1;
	_ =	strace $0x80000046;
	[dreg:$0x1] =	wrdreg $0xFFFFFFFF  }
0xa7: {  	s28 =	simm.s32 $_size_execute0_lowered;
	s2 =	sadd.s32 s2, s4;
	[dreg:$0x0] =	wrdreg $0x0  }
0xa8: {  	s4 =	sshll.u32 s28, $0x1;
	[dreg:$0x2] =	wrdreg s2  }
0xa9: {  	[dreg:$0x3] =	wrdreg s4  }
0xaa: {  	[dreg:$0x4] =	wrdreg $0xC0  }
0xab: {  	_ =	task [dreg:s6], $0x5FFFF  }
0xac: {  	[dreg:$0x1] =	wrdreg $0xFFFFFFFF  }
0xad: {  	[dreg:$0x0] =	wrdreg $0x60  }
0xae: {  	[dreg:$0x2] =	wrdreg s24  }
0xaf: {  	[dreg:$0x3] =	wrdreg $0x9  }
0xb0: {  	_ =	task.clear_ibuf [dreg:s6], $0x4FFFF;
	_ =	strace $0x90000046  }
0xb1: {  	s29 =	simm.s32 $0x9;
	_ =	strace $0x8000004F  }
0xb2: {  	_ =	swait.ge [sflag:s29], $0x1  }
0xb3: {  	[sflag:s29] =	ssyncadd.s32 $0xFFFFFFFF  }
0xb4: {  	_ =	strace $0x9000004F  }
0xb5: {  	_ =	sfence  }
0xb6: {  	s30 =	sld [smem:$0x0];
	_ =	sdelay $0x2  }
0xb7: {  	s31 =	sshll.u32 s1, $0xD;
	s1 =	sshrl.u32 s1, $0x2  }
0xb8: {  	s3 =	sand.u32 $0x4000, s31;
	s1 =	sadd.s32 s1, s30  }
0xb9: {  	s0 =	sor.u32 s3, s0;
	s1 =	sshll.u32 s1, $0x11  }
0xba: {  	s0 =	sor.u32 s1, s0  }
0xbb: {  	s0 =	sadd.s32 $0x8F2B, s0  }
0xbc: {  	[sflag:s0] =	ssyncadd.remote.s32 $0x1  }
0xbd: {  	_ =	sfence.sel $0xFFFF  }
0xbe: {  	[dreg:$0x0] =	wrdreg $0xFFFFFFFF;
	(pc) =	sbr.abs _section_cstart, $3  }
0xbf: {  	[dreg:$0x1] =	wrdreg $0xFFFFFFFF  }
0xc0: {  	_ =	task.clear_ibuf [dreg:s6], $0x2FFFF;
	_ =	strace $0x9FFFFFFF  }
0xc1: {  	(tm) =	ssettm $0x7FFFFFFF  }
tec
execute0_lowered:
.L_overlay_start_1:
0x0: {  	(tag) =	ssettag $0x1  }
0x1: {  	s0 =	srdreg.scid  }
0x2: {  	s6 =	rddreg [dreg:$0x0];
	s30 =	stileid.u32  }
0x3: {  	s1 =	simm.s32 $0x0;
	s12 =	simm.s32 $0x80;
	s8 =	sand.u32 $0x1, s0  }
0x4: {  	s13 =	simm.s32 $0x200;
	s14 =	simm.s32 $0x100;
	s3 =	sshll.u32 s8, $0x4  }
0x5: {  	s15 =	simm.s32 $0x5;
	s16 =	simm.s32 $0x0;
	s5 =	sor.u32 s30, s3  }
0x6: {  	[smem:$0x7FF] =	sst s1;
	s4 =	sadd.s32 $0x16E00, s6;
	s7 =	smul.u32 $0x6, s5  }
0x7: {  	_ =	strace $0x80000047;
	s31 =	ssub.s32 $0x2, s8;
	s9 =	smul.u32 $0x7, s5  }
0x8: {  	s3 =	sadd.s32 $0x1D200, s6;
	p0 =	slt.u32 s5, $0x8;
	s5 =	sadd.s32 $0x8, s7  }
0x9: {  	s6 =	sadd.s32 $0x1A3C00, s6;
	s7 =	simm.s32 $0x7;
	s5 =	smov.u32 @p0 s9  }
0xa: {  	s11 =	sshrl.u32 s31, $0x1;
	s7 =	simm.s32 @!p0 $0x6;
	s10 =	sshll.u32 s5, $0x7  }
0xb: {  	s11 =	ssub.s32 s31, s11;
	s8 =	sshll.u32 s7, $0x2;
	s10 =	sand.u32 $0x1FFFFF80, s10  }
0xc: {  	s11 =	smax.u32 s11, $0x1;
	s9 =	sadd.s32 s4, s10;
	s10 =	sadd.s32 $0xFFFFFFFF, s8  }
.LBB2_1:
0xd: {  	_ =	strace $0x80000048  }
0xe: {  	s0 =	simm.s32 $0x0;
	s24 =	simm.s32 $0x0;
	s25 =	simm.s32 $0x0  }
0xf: {  	s17 =	simm.s32 $0x0;
	s18 =	simm.s32 $0x0;
	s19 =	simm.s32 $0x0  }
0x10: {  	[tilespmem:s0], [sflag:$0x1] =	stream.strided.gather [hbm4b:s9+s12], $0x100, s13, s12, $0x200038;
	[tilespmem:$0x10200] =	vst v63  }
0x11: {  	s20 =	simm.s32 $0x1;
	s21 =	simm.s32 $0x0;
	_ =	strace $0x90000048  }
.LBB2_2:
0x12: {  	s22 =	sadd.s32 $0x1, s24  }
0x13: {  	s23 =	simm.s32 $0x1;
	p0 =	seq.s32 s22, s7  }
0x14: {  	s23 =	simm.s32 @!p0 $0x0  }
0x15: {  	s23 =	sadd.s32 s23, s25  }
0x16: {  	p1 =	seq.s32 s23, $0x4  }
0x17: {  	s22 =	simm.s32 @p0 $0x0;
	s23 =	simm.s32 @p1 $0x0  }
0x18: {  	p3 =	sne.s32 s24, s22;
	p2 =	sne.s32 s25, s23  }
0x19: {  	p4 =	slt.u32 s21, s10;
	p0 =	por p3, p2  }
0x1a: {  	p1 =	por !p4, !p0  }
0x1b: {  	p1 =	por !p1, !p1  }
0x1c: {  	s28 =	smov.u32 s24;
	s30 =	simm.s32 $0x1;
	s29 =	sshrl.u32 @p1 s23, $0x2  }
0x1d: {  	s26 =	sadd.s32 s5, s22;
	p2 =	seq.s32 s24, $0x0;
	s29 =	smul.u32 @p1 $0x32000, s29  }
0x1e: {  	s28 =	smov.u32 @p2 s7;
	s31 =	sshll.u32 @p1 s26, $0xA;
	s0 =	sshll.u32 @p1 s23, $0x7  }
0x1f: {  	s30 =	simm.s32 @!p2 $0x0;
	s0 =	sand.u32 @p1 $0x180, s0;
	s29 =	sadd.s32 @p1 s31, s29  }
0x20: {  	_ =	strace @p1 $0x80000049;
	s1 =	simm.s32 @p1 $0x80;
	s0 =	sor.u32 @p1 s0, s29  }
0x21: {  	s2 =	simm.s32 @p1 $0x200;
	s29 =	sand.u32 @p1 $0x1, s20;
	s0 =	sshrl.u32 @p1 s0, $0x3  }
0x22: {  	s31 =	sshll.u32 @p1 s29, $0x8;
	s29 =	sadd.s32 @p1 $0x1, s29;
	s0 =	sadd.s32 @p1 s4, s0  }
0x23: {  	[tilespmem:s31], [sflag:s29] =	stream.strided.gather @p1 [hbm4b:s0+s1], $0x100, s2, s1, $0x200038;
	[tilespmem:$0x10200] =	vst v63  }
0x24: {  	p2 =	seq.s32 s21, $0x0;
	s29 =	sadd.s32 $0xFFFFFFFF, s28;
	s28 =	ssub.s32 s25, s30  }
0x25: {  	p3 =	seq.s32 s28, $0xFFFFFFFF;
	p4 =	sne.s32 @!p2 s24, s29  }
0x26: {  	s28 =	simm.s32 @p3 $0x3;
	p2 =	por p2, p4  }
0x27: {  	p3 =	seq.s32 @!p2 s25, s28  }
0x28: {  	p2 =	por p2, !p3  }
0x29: {  	_ =	strace @p1 $0x90000049;
	s0 =	sand.u32 @p2 $0x1, s19  }
0x2a: {  	_ =	strace @p2 $0x8000004A;
	s0 =	sadd.s32 @p2 $0x1, s0  }
0x2b: {  	s31 =	sshll.u32 s19, $0x8;
	_ =	swait.ge @p2 [sflag:s0], $0x100  }
0x2c: {  	s2 =	sand.u32 $0x100, s31;
	s31 =	sadd.s32 s5, s24;
	[sflag:s0] =	ssyncset.done @p2 $0x0  }
0x2d: {  	s29 =	sadd.s32 s5, s29;
	[sflag:s0] =	ssyncadd.s32 @p2 $0xFFFFFF00;
	s0 =	sand.u32 $0x1, s18  }
0x2e: {  	s25 =	smul.u32 $0xC8, s25;
	_ =	strace @p2 $0x9000004A;
	s30 =	sshll.u32 s0, $0xF  }
0x2f: {  	_ =	strace $0x8000004B;
	s1 =	sor.u32 $0x200, s30;
	s30 =	smul.u32 $0xC8, s23  }
0x30: {  	[tilespmem:s1], [sflag:$0x5] =	stream.indirect.gather [hbm4b:s3+s14], $0x80, s2, s14, $0x2000b8;
	[tilespmem:$0x10200] =	vst v63  }
0x31: {  	p2 =	seq.s32 s10, s21;
	s2 =	sadd.s32 s25, s31;
	_ =	swait.ge [sflag:s15], $0x8000  }
0x32: {  	s26 =	sadd.s32 s26, s30;
	s30 =	smul.u32 $0xC8, s28;
	[sflag:s15] =	ssyncset.done $0x0  }
0x33: {  	p0 =	por p2, p0;
	p5 =	sne.s32 s2, s26;
	[sflag:s15] =	ssyncadd.s32 $0xFFFF8000  }
0x34: {  	p3 =	por p2, p5;
	s31 =	sadd.s32 s30, s29;
	p5 =	sne.s32 s21, $0x0  }
0x35: {  	_ =	strace $0x9000004B;
	s25 =	sshll.u32 @p3 s2, $0xC;
	p6 =	sne.s32 s2, s31  }
0x36: {  	s0 =	sadd.s32 @p3 $0x3, s0;
	s24 =	simm.s32 @p3 $0x0;
	s2 =	sand.u32 @p3 $0x1FFFF000, s25  }
0x37: {  	p4 =	por !p5, !p6;
	_ =	strace @p3 $0x8000004C;
	s2 =	sadd.s32 @p3 s6, s2  }
0x38: {  	[hbm4b:s2+s24] =	stream.linear.scatter @p3 [tilespmem:s1], [sflag:s0], $0x8000, $0x200038;
	[tilespmem:$0x10200] =	vst v63  }
0x39: {  	s21 =	sadd.s32 $0x1, s21;
	p4 =	por !p4, !p4;
	s1 =	simm.s32 $0x1  }
0x3a: {  	s0 =	sand.u32 @p4 $0x1, s17;
	_ =	strace @p3 $0x9000004C;
	s1 =	simm.s32 @!p1 $0x0  }
0x3b: {  	s0 =	sadd.s32 @p4 $0x3, s0;
	s20 =	sadd.s32 s1, s20;
	s1 =	simm.s32 $0x1  }
0x3c: {  	_ =	strace @p4 $0x8000004D;
	s1 =	simm.s32 @!p0 $0x0;
	p0 =	sne.s32 s8, s21  }
.Ltmp0:
0x3d: {  	_ =	swait.ge @p4 [sflag:s0], $0x8000;
	(pc) =	sbr.rel @p0 .LBB2_2-.Ltmp0, $4  }
0x3e: {  	s25 =	smov.u32 s23;
	s2 =	simm.s32 $0x1;
	[sflag:s0] =	ssyncset.done @p4 $0x0  }
0x3f: {  	s2 =	simm.s32 @!p3 $0x0;
	[sflag:s0] =	ssyncadd.s32 @p4 $0xFFFF8000;
	s0 =	simm.s32 $0x1  }
0x40: {  	s24 =	smov.u32 s22;
	s18 =	sadd.s32 s2, s18;
	s0 =	simm.s32 @!p4 $0x0  }
0x41: {  	s19 =	sadd.s32 s1, s19;
	_ =	strace @p4 $0x9000004D;
	s17 =	sadd.s32 s0, s17  }
0x42: {  	s16 =	sadd.s32 $0x1, s16  }
0x43: {  	s0 =	sand.u32 $0x1, s17;
	p0 =	sne.s32 s16, s11  }
.Ltmp1:
0x44: {  	_ =	strace $0x8000004E;
	s0 =	sadd.s32 $0x3, s0;
	(pc) =	sbr.rel @p0 .LBB2_1-.Ltmp1, $4  }
0x45: {  	_ =	swait.ge [sflag:s0], $0x8000  }
0x46: {  	[sflag:s0] =	ssyncset.done $0x0  }
0x47: {  	[sflag:s0] =	ssyncadd.s32 $0xFFFF8000  }
0x48: {  	_ =	strace $0x9000004E  }
0x49: {  	_ =	sfence.sel $0x180000  }
0x4a: {  	[bflag:$0x0] =	sbarrier.arrive $0xFFFF  }
0x4b: {  	_ =	strace $0x90000047  }
0x4c: {  	s0 =	stileid.u32;
	[bflag:$0x2] =	sbarrier.arrive $0xFFFF  }
0x4d: {  	p0 =	sne.s32 s0, $0x0;
	s0 =	rddreg [dreg:$0x1]  }
0x4e: {  	s0 =	sadd.s32 @!p0 $0x100000, s0  }
0x4f: {  	[sflag:s0] =	ssyncadd.tile.s32 @!p0 $0x1;
	_ =	shalt  }
.Lfunc_end2:
_tile_overlayer_lowered:
.L_overlay_start_2:
0x50: {  	(tag) =	ssettag $0x2  }
0x51: {  	s0 =	rddreg [dreg:$0x0];
	s2 =	stileid.u32  }
0x52: {  	s1 =	rddreg [dreg:$0x1];
	p0 =	sne.s32 s2, $0x0  }
0x53: {  	s3 =	rddreg [dreg:$0x2];
	[bflag:$0x3] =	sbarrier.arrive $0xFFFF;
	s2 =	simm.s32 @!p0 $0x1C01  }
0x54: {  	[timem:s3], [sflag:s2] =	dma.local @!p0 [hbm:s0], s1  }
0x55: {  	s0 =	simm.s32 @!p0 $0x1  }
0x56: {  	_ =	swait.ge @!p0 [sflag:s0], s1  }
0x57: {  	s1 =	ssub.s32 @!p0 $0x0, s1;
	[sflag:s0] =	ssyncset.done @!p0 $0x0  }
0x58: {  	[sflag:s0] =	ssyncadd.s32 @!p0 s1  }
0x59: {  	[bflag:$0x3] =	sbarrier.arrive $0xFFFF  }
0x5a: {  	_ =	shalt  }

// kernel: kernel.14.cloned.1.call-start
scs
__scs_entry_jumppad:
0x0: {  	(pc) =	sbr.rel $0x88, $3  }
0x1: {  	(tag) =	ssettag $0x0;
	lr =	simm.s32 $0x1  }
0x2: {  	[smem:$0x3F9B] =	sst lr;
	_ =	strace $0xD0000000  }
0x3: {  	_ = 	snop  }
0x4: {  	_ = 	snop  }
0x5: {  	_ = 	snop  }
0x6: {  	_ = 	snop  }
0x7: {  	_ = 	snop  }
__scs_overlays_trampoline_lowered:
0x8: {  	[smem:$0x3FAA] =	sst s0  }
0x9: {  	[smem:$0x3FAB] =	sst s1  }
0xa: {  	[smem:$0x3FAC] =	sst s2  }
0xb: {  	[smem:$0x3FAD] =	sst s3  }
0xc: {  	[smem:$0x3FAE] =	sst s4  }
0xd: {  	[smem:$0x3FAF] =	sst s5  }
0xe: {  	[smem:$0x3FB0] =	sst s6  }
0xf: {  	[smem:$0x3FB1] =	sst s7  }
0x10: {  	[smem:$0x3FB2] =	sst s8  }
0x11: {  	[smem:$0x3FB3] =	sst s9;
	s0 =	simm.s32 @!p0 $0x0  }
0x12: {  	s1 =	sld [smem:$0x3F99];
	s0 =	simm.s32 @p0 $0x1  }
0x13: {  	[smem:$0x3FB4] =	sst s0;
	s0 =	simm.s32 @!p1 $0x0  }
0x14: {  	s2 =	sld [smem:$0x3F98];
	s0 =	simm.s32 @p1 $0x1  }
0x15: {  	[smem:$0x3FB5] =	sst s0;
	s0 =	simm.s32 @!p2 $0x0  }
0x16: {  	s3 =	sld [smem:$0x3FDB];
	s0 =	simm.s32 @p2 $0x1  }
0x17: {  	s4 =	simm.s32 $0x1BF5;
	[smem:$0x3FB7] =	sst s0  }
0x18: {  	s0 =	sld [smem:$0x3F9A];
	_ =	swait.ge [sflag:s4], $0x0  }
0x19: {  	s7 =	sld [smem:$0x3F9B]  }
0x1a: {  	s8 =	sadd.s32 $0xFFFFE003, lr  }
0x1b: {  	s9 =	sadd.s32 $0xFFFFFEF7, lr;
	s5 =	simm.s32 $0xFFFFFFFF;
	p2 =	slt.u32 s8, $0xFFFFF086  }
0x1c: {  	p1 =	slt.u32 s9, $0xF7A;
	s5 =	simm.s32 @!p2 $0x0  }
0x1d: {  	s5 =	simm.s32 @p1 $0x1;
	p0 =	seq.s32 s7, s2  }
0x1e: {  	s7 =	smul.u32 @!p0 $0xF7A, s2;
	p2 =	seq.s32 @!p0 s5, $0x0  }
0x1f: {  	s9 =	smul.u32 $0xF7A, s1;
	s8 =	simm.s32 @!p0 $0x1BF5;
	p2 =	por !p2, p0  }
0x20: {  	[sflag:s8] =	ssyncset.s32 @!p0 $0xFFFFF086;
	s6 =	sadd.s32 @!p0 s3, s7;
	s7 =	simm.s32 @!p0 $0x108  }
0x21: {  	s3 =	sadd.s32 s3, s9;
	s6 =	sadd.s32 @!p0 $0x88, s6;
	s7 =	simm.s32 @p2 $0x1082  }
0x22: {  	[simem:s7], [sflag:s8] =	dma.local @!p0 [hbm:s6], $0xF7A  }
0x23: {  	s9 =	sor.u32 $0xD0000000, s2;
	s6 =	simm.s32 $0x108;
	_ =	swait.ge @!p0 [sflag:s8], $0x0  }
0x24: {  	s3 =	sadd.s32 $0x88, s3;
	s6 =	simm.s32 @!p1 $0x1082;
	[sflag:s4] =	ssyncset.s32 $0xFFFFF086  }
0x25: {  	[simem:s6], [sflag:s4] =	dma.local [hbm:s3], $0xF7A  }
0x26: {  	[smem:$0x3F9B] =	sst s1;
	(tag) =	ssettag s2;
	_ =	strace s9  }
0x27: {  	s1 =	sld [smem:$0x3FAB]  }
0x28: {  	s2 =	sld [smem:$0x3FAC]  }
0x29: {  	s4 =	sld [smem:$0x3FAE]  }
0x2a: {  	p0 =	seq.s32 s5, $0x0;
	s5 =	sld [smem:$0x3FAF]  }
0x2b: {  	s6 =	sld [smem:$0x3FB0]  }
0x2c: {  	s7 =	sld [smem:$0x3FB1]  }
0x2d: {  	s3 =	simm.s32 $0x108;
	s8 =	sld [smem:$0x3FB2]  }
0x2e: {  	s3 =	simm.s32 @!p0 $0x1082;
	s9 =	sld [smem:$0x3FB3]  }
0x2f: {  	lr =	sadd.s32 s0, s3;
	s0 =	sld [smem:$0x3FAA]  }
0x30: {  	s3 =	sld [smem:$0x3FAD]  }
0x31: {  	[smem:$0x3FB6] =	sst s10  }
0x32: {  	s10 =	sld [smem:$0x3FB4];
	_ =	sdelay $0x3  }
0x33: {  	p0 =	seq.s32 s10, $0x1;
	s10 =	sld [smem:$0x3FB6];
	_ =	sdelay $0x3  }
0x34: {  	[smem:$0x3FB6] =	sst s10  }
0x35: {  	s10 =	sld [smem:$0x3FB5];
	_ =	sdelay $0x3  }
0x36: {  	p1 =	seq.s32 s10, $0x1;
	s10 =	sld [smem:$0x3FB6];
	_ =	sdelay $0x3  }
0x37: {  	[smem:$0x3FB6] =	sst s10  }
0x38: {  	s10 =	sld [smem:$0x3FB7]  }
0x39: {  	_ = 	snop;
	(pc) =	sbr.ind lr, $3  }
0x3a: {  	_ = 	snop  }
0x3b: {  	_ = 	snop  }
0x3c: {  	p2 =	seq.s32 s10, $0x1;
	s10 =	sld [smem:$0x3FB6]  }
0x3d: {  	_ =	shalt  }
0x3e: {  	_ =	shalt  }
0x3f: {  	_ =	shalt  }
0x40: {  	_ =	shalt  }
0x41: {  	_ =	shalt  }
0x42: {  	_ =	shalt  }
0x43: {  	_ =	shalt  }
0x44: {  	_ =	shalt  }
0x45: {  	_ =	shalt  }
0x46: {  	_ =	shalt  }
0x47: {  	_ =	shalt  }
0x48: {  	_ =	shalt  }
0x49: {  	_ =	shalt  }
0x4a: {  	_ =	shalt  }
0x4b: {  	_ =	shalt  }
0x4c: {  	_ =	shalt  }
0x4d: {  	_ =	shalt  }
0x4e: {  	_ =	shalt  }
0x4f: {  	_ =	shalt  }
0x50: {  	_ =	shalt  }
0x51: {  	_ =	shalt  }
0x52: {  	_ =	shalt  }
0x53: {  	_ =	shalt  }
0x54: {  	_ =	shalt  }
0x55: {  	_ =	shalt  }
0x56: {  	_ =	shalt  }
0x57: {  	_ =	shalt  }
0x58: {  	_ =	shalt  }
0x59: {  	_ =	shalt  }
0x5a: {  	_ =	shalt  }
0x5b: {  	_ =	shalt  }
0x5c: {  	_ =	shalt  }
0x5d: {  	_ =	shalt  }
0x5e: {  	_ =	shalt  }
0x5f: {  	_ =	shalt  }
0x60: {  	_ =	shalt  }
0x61: {  	_ =	shalt  }
0x62: {  	_ =	shalt  }
0x63: {  	_ =	shalt  }
0x64: {  	_ =	shalt  }
0x65: {  	_ =	shalt  }
0x66: {  	_ =	shalt  }
0x67: {  	_ =	shalt  }
0x68: {  	_ =	shalt  }
0x69: {  	_ =	shalt  }
0x6a: {  	_ =	shalt  }
0x6b: {  	_ =	shalt  }
0x6c: {  	_ =	shalt  }
0x6d: {  	_ =	shalt  }
0x6e: {  	_ =	shalt  }
0x6f: {  	_ =	shalt  }
0x70: {  	_ =	shalt  }
0x71: {  	_ =	shalt  }
0x72: {  	_ =	shalt  }
0x73: {  	_ =	shalt  }
0x74: {  	_ =	shalt  }
0x75: {  	_ =	shalt  }
0x76: {  	_ =	shalt  }
0x77: {  	_ =	shalt  }
0x78: {  	_ =	shalt  }
0x79: {  	_ =	shalt  }
0x7a: {  	_ =	shalt  }
0x7b: {  	_ =	shalt  }
0x7c: {  	_ =	shalt  }
0x7d: {  	_ =	shalt  }
0x7e: {  	_ =	shalt  }
0x7f: {  	_ =	shalt  }
0x80: {  	_ =	shalt  }
0x81: {  	_ =	shalt  }
0x82: {  	_ =	shalt  }
0x83: {  	_ =	shalt  }
0x84: {  	_ =	shalt  }
0x85: {  	_ =	shalt  }
0x86: {  	_ =	shalt  }
0x87: {  	_ =	shalt  }
.Lfunc_end0:
.L_simem_size_0:
called_computation.1_lowered:
.L_overlay_start_0:
0x88: {  	s2 =	sld [smem:$0x3FD9]  }
0x89: {  	s3 =	sld [smem:$0x3FFE];
	_ =	sdelay $0x1  }
0x8a: {  	s1 =	srdreg.scid  }
0x8b: {  	s0 =	sand.u32 $0x1, s1  }
0x8c: {  	s17 =	sshll.u32 s0, $0xA;
	s2 =	sadd.s32 s3, s2  }
0x8d: {  	s2 =	sadd.s32 s2, s17  }
0x8e: {  	[smem:$0x3FC2] =	sst s2  }
0x8f: {  	_ = 	snop  }
0x90: {  	(tm) =	ssettm $0x1  }
0x91: {  	s18 =	sld [smem:$0x3FFB];
	_ =	sdelay $0x3  }
0x92: {  	_ =	strace s18  }
0x93: {  	s2 =	sld [smem:$0x3FFC];
	_ =	sdelay $0x3  }
0x94: {  	_ =	strace s2  }
0x95: {  	s2 =	sld [smem:$0x3FFD];
	_ =	sdelay $0x3  }
0x96: {  	_ =	strace s2  }
0x97: {  	_ =	strace $0x8FFFFFFF  }
0x98: {  	s19 =	sld [smem:$0x3FDB];
	_ =	sdelay $0x1  }
0x99: {  	s20 =	simm.s32 $_scs_section_size  }
0x9a: {  	s4 =	simm.s32 $_size__tile_overlayer_lowered;
	s5 =	simm.s32 $_tile_overlayer_lowered  }
0x9b: {  	s6 =	simm.s32 $0x1BFF;
	s21 =	sshll.u32 s5, $0x1;
	s3 =	sadd.s32 s20, s19  }
0x9c: {  	s22 =	simm.s32 $0x0;
	s4 =	sshll.u32 s4, $0x1;
	s5 =	sadd.s32 s21, s3  }
0x9d: {  	[timem:s22], [sflag:s6] =	dma.local [hbm:s5], s4  }
0x9e: {  	_ =	swait.ge [sflag:s6], s4  }
0x9f: {  	s4 =	ssub.s32 $0x0, s4;
	[sflag:s6] =	ssyncset.done $0x0  }
0xa0: {  	[sflag:s6] =	ssyncadd.s32 s4;
	_ =	sdelay $0x1  }
0xa1: {  	s23 =	simm.s32 $0x1B8B  }
0xa2: {  	_ =	swait.ge [sflag:s23], $0x1  }
0xa3: {  	[sflag:s23] =	ssyncset.done $0x0  }
0xa4: {  	[sflag:s23] =	ssyncadd.s32 $0xFFFFFFFF  }
0xa5: {  	s4 =	sld [smem:$0x0]  }
0xa6: {  	s5 =	sand.u32 $0xFFFFFFFE, s1  }
0xa7: {  	p0 =	sne.s32 s1, s5  }
0xa8: {  	s5 =	sshll.u32 @p0 s5, $0xE  }
0xa9: {  	s5 =	sadd.s32 @p0 $0x11B8D, s5;
	s6 =	sshll.u32 @p0 s4, $0x11  }
0xaa: {  	s5 =	sor.u32 @p0 s6, s5  }
0xab: {  	[sflag:s5] =	ssyncadd.remote.s32 @p0 $0x1;
	_ =	sdelay $0x1  }
0xac: {  	s5 =	simm.s32 @p0 $0x1B8D  }
0xad: {  	_ =	swait.eq @p0 [sflag:s5], $0x1  }
0xae: {  	[sflag:s5] =	ssyncadd.s32 @p0 $0xFFFFFFFF  }
0xaf: {  	s6 =	sshll.u32 @!p0 s1, $0xE  }
0xb0: {  	s6 =	sor.u32 @!p0 $0x4000, s6;
	s5 =	simm.s32 @!p0 $0x1B8D  }
0xb1: {  	s4 =	sshll.u32 @!p0 s4, $0x11;
	s6 =	sadd.s32 @!p0 $0x11B8D, s6;
	_ =	swait.eq @!p0 [sflag:s5], $0x1  }
0xb2: {  	s4 =	sor.u32 @!p0 s4, s6;
	[sflag:s5] =	ssyncadd.s32 @!p0 $0xFFFFFFFF  }
0xb3: {  	s25 =	simm.s32 $0x1B8E;
	s24 =	sld [smem:$0x3FFE];
	[sflag:s4] =	ssyncadd.remote.s32 @!p0 $0x1  }
0xb4: {  	s26 =	simm.s32 $execute0_lowered;
	[smem:$0x3FD2] =	sst s25  }
0xb5: {  	s5 =	sshll.u32 s26, $0x1;
	_ =	strace $0x80000050;
	[dreg:$0x1] =	wrdreg $0xFFFFFFFF  }
0xb6: {  	s28 =	simm.s32 $_size_execute0_lowered;
	s3 =	sadd.s32 s3, s5;
	[dreg:$0x0] =	wrdreg $0x0  }
0xb7: {  	s5 =	sshll.u32 s28, $0x1;
	[dreg:$0x2] =	wrdreg s3  }
0xb8: {  	[dreg:$0x3] =	wrdreg s5  }
0xb9: {  	[dreg:$0x4] =	wrdreg $0xC0  }
0xba: {  	_ =	task [dreg:s22], $0x5FFFF  }
0xbb: {  	[dreg:$0x1] =	wrdreg $0xFFFFFFFF  }
0xbc: {  	[dreg:$0x0] =	wrdreg $0x60  }
0xbd: {  	[dreg:$0x2] =	wrdreg s24  }
0xbe: {  	[dreg:$0x3] =	wrdreg $0xA  }
0xbf: {  	_ =	task.clear_ibuf [dreg:s22], $0x4FFFF;
	_ =	strace $0x90000050  }
0xc0: {  	s29 =	simm.s32 $0xA;
	_ =	strace $0x80000059  }
0xc1: {  	_ =	swait.ge [sflag:s29], $0x1  }
0xc2: {  	[sflag:s29] =	ssyncadd.s32 $0xFFFFFFFF  }
0xc3: {  	_ =	strace $0x90000059  }
0xc4: {  	_ =	sfence  }
0xc5: {  	s30 =	sld [smem:$0x0];
	_ =	sdelay $0x2  }
0xc6: {  	s31 =	sshll.u32 s1, $0xD;
	s1 =	sshrl.u32 s1, $0x2  }
0xc7: {  	s4 =	sand.u32 $0x4000, s31;
	s1 =	sadd.s32 s1, s30  }
0xc8: {  	s0 =	sor.u32 s4, s0;
	s1 =	sshll.u32 s1, $0x11  }
0xc9: {  	s0 =	sor.u32 s1, s0  }
0xca: {  	s0 =	sadd.s32 $0x8F2B, s0  }
0xcb: {  	[sflag:s0] =	ssyncadd.remote.s32 $0x1  }
0xcc: {  	_ =	sfence.sel $0xFFFF  }
0xcd: {  	[dreg:$0x0] =	wrdreg $0xFFFFFFFF;
	(pc) =	sbr.abs _section_cstart, $3  }
0xce: {  	[dreg:$0x1] =	wrdreg $0xFFFFFFFF  }
0xcf: {  	_ =	task.clear_ibuf [dreg:s22], $0x2FFFF;
	_ =	strace $0x9FFFFFFF  }
0xd0: {  	(tm) =	ssettm $0x7FFFFFFF  }
0xd1: {  	_ =	shalt  }
tec
execute0_lowered:
.L_overlay_start_1:
0x0: {  	(tag) =	ssettag $0x1  }
0x1: {  	s0 =	srdreg.scid  }
0x2: {  	s6 =	rddreg [dreg:$0x0];
	s30 =	stileid.u32  }
0x3: {  	s1 =	simm.s32 $0x0;
	s12 =	simm.s32 $0x80;
	s8 =	sand.u32 $0x1, s0  }
0x4: {  	s13 =	simm.s32 $0x200;
	s14 =	simm.s32 $0x100;
	s3 =	sshll.u32 s8, $0x4  }
0x5: {  	s15 =	simm.s32 $0x5;
	s16 =	simm.s32 $0x0;
	s5 =	sor.u32 s30, s3  }
0x6: {  	[smem:$0x7FF] =	sst s1;
	s4 =	sadd.s32 $0x1E00, s6;
	s7 =	smul.u32 $0x6, s5  }
0x7: {  	_ =	strace $0x80000051;
	s31 =	ssub.s32 $0x2, s8;
	s9 =	smul.u32 $0x7, s5  }
0x8: {  	s3 =	sadd.s32 $0x1D200, s6;
	p0 =	slt.u32 s5, $0x8;
	s5 =	sadd.s32 $0x8, s7  }
0x9: {  	s6 =	sadd.s32 $0x4C3C00, s6;
	s7 =	simm.s32 $0x7;
	s5 =	smov.u32 @p0 s9  }
0xa: {  	s11 =	sshrl.u32 s31, $0x1;
	s7 =	simm.s32 @!p0 $0x6;
	s10 =	sshll.u32 s5, $0x7  }
0xb: {  	s11 =	ssub.s32 s31, s11;
	s8 =	sshll.u32 s7, $0x2;
	s10 =	sand.u32 $0x1FFFFF80, s10  }
0xc: {  	s11 =	smax.u32 s11, $0x1;
	s9 =	sadd.s32 s4, s10;
	s10 =	sadd.s32 $0xFFFFFFFF, s8  }
.LBB2_1:
0xd: {  	_ =	strace $0x80000052  }
0xe: {  	s0 =	simm.s32 $0x0;
	s24 =	simm.s32 $0x0;
	s25 =	simm.s32 $0x0  }
0xf: {  	s17 =	simm.s32 $0x0;
	s18 =	simm.s32 $0x0;
	s19 =	simm.s32 $0x0  }
0x10: {  	[tilespmem:s0], [sflag:$0x1] =	stream.strided.gather [hbm4b:s9+s12], $0x100, s13, s12, $0x200038;
	[tilespmem:$0x10200] =	vst v63  }
0x11: {  	s20 =	simm.s32 $0x1;
	s21 =	simm.s32 $0x0;
	_ =	strace $0x90000052  }
.LBB2_2:
0x12: {  	s22 =	sadd.s32 $0x1, s24  }
0x13: {  	s23 =	simm.s32 $0x1;
	p0 =	seq.s32 s22, s7  }
0x14: {  	s23 =	simm.s32 @!p0 $0x0  }
0x15: {  	s23 =	sadd.s32 s23, s25  }
0x16: {  	p1 =	seq.s32 s23, $0x4  }
0x17: {  	s22 =	simm.s32 @p0 $0x0;
	s23 =	simm.s32 @p1 $0x0  }
0x18: {  	p3 =	sne.s32 s24, s22;
	p2 =	sne.s32 s25, s23  }
0x19: {  	p4 =	slt.u32 s21, s10;
	p0 =	por p3, p2  }
0x1a: {  	p1 =	por !p4, !p0  }
0x1b: {  	p1 =	por !p1, !p1  }
0x1c: {  	s28 =	smov.u32 s24;
	s30 =	simm.s32 $0x1;
	s29 =	sshrl.u32 @p1 s23, $0x2  }
0x1d: {  	s26 =	sadd.s32 s5, s22;
	p2 =	seq.s32 s24, $0x0;
	s29 =	smul.u32 @p1 $0x32000, s29  }
0x1e: {  	s28 =	smov.u32 @p2 s7;
	s31 =	sshll.u32 @p1 s26, $0xA;
	s0 =	sshll.u32 @p1 s23, $0x7  }
0x1f: {  	s30 =	simm.s32 @!p2 $0x0;
	s0 =	sand.u32 @p1 $0x180, s0;
	s29 =	sadd.s32 @p1 s31, s29  }
0x20: {  	_ =	strace @p1 $0x80000053;
	s1 =	simm.s32 @p1 $0x80;
	s0 =	sor.u32 @p1 s0, s29  }
0x21: {  	s2 =	simm.s32 @p1 $0x200;
	s29 =	sand.u32 @p1 $0x1, s20;
	s0 =	sshrl.u32 @p1 s0, $0x3  }
0x22: {  	s31 =	sshll.u32 @p1 s29, $0x8;
	s29 =	sadd.s32 @p1 $0x1, s29;
	s0 =	sadd.s32 @p1 s4, s0  }
0x23: {  	[tilespmem:s31], [sflag:s29] =	stream.strided.gather @p1 [hbm4b:s0+s1], $0x100, s2, s1, $0x200038;
	[tilespmem:$0x10200] =	vst v63  }
0x24: {  	p2 =	seq.s32 s21, $0x0;
	s29 =	sadd.s32 $0xFFFFFFFF, s28;
	s28 =	ssub.s32 s25, s30  }
0x25: {  	p3 =	seq.s32 s28, $0xFFFFFFFF;
	p4 =	sne.s32 @!p2 s24, s29  }
0x26: {  	s28 =	simm.s32 @p3 $0x3;
	p2 =	por p2, p4  }
0x27: {  	p3 =	seq.s32 @!p2 s25, s28  }
0x28: {  	p2 =	por p2, !p3  }
0x29: {  	_ =	strace @p1 $0x90000053;
	s0 =	sand.u32 @p2 $0x1, s19  }
0x2a: {  	_ =	strace @p2 $0x80000054;
	s0 =	sadd.s32 @p2 $0x1, s0  }
0x2b: {  	s31 =	sshll.u32 s19, $0x8;
	_ =	swait.ge @p2 [sflag:s0], $0x100  }
0x2c: {  	s2 =	sand.u32 $0x100, s31;
	s31 =	sadd.s32 s5, s24;
	[sflag:s0] =	ssyncset.done @p2 $0x0  }
0x2d: {  	s29 =	sadd.s32 s5, s29;
	[sflag:s0] =	ssyncadd.s32 @p2 $0xFFFFFF00;
	s0 =	sand.u32 $0x1, s18  }
0x2e: {  	s25 =	smul.u32 $0xC8, s25;
	_ =	strace @p2 $0x90000054;
	s30 =	sshll.u32 s0, $0xF  }
0x2f: {  	_ =	strace $0x80000055;
	s1 =	sor.u32 $0x200, s30;
	s30 =	smul.u32 $0xC8, s23  }
0x30: {  	[tilespmem:s1], [sflag:$0x5] =	stream.indirect.gather [hbm4b:s3+s14], $0x80, s2, s14, $0x2000b8;
	[tilespmem:$0x10200] =	vst v63  }
0x31: {  	p2 =	seq.s32 s10, s21;
	s2 =	sadd.s32 s25, s31;
	_ =	swait.ge [sflag:s15], $0x8000  }
0x32: {  	s26 =	sadd.s32 s26, s30;
	s30 =	smul.u32 $0xC8, s28;
	[sflag:s15] =	ssyncset.done $0x0  }
0x33: {  	p0 =	por p2, p0;
	p5 =	sne.s32 s2, s26;
	[sflag:s15] =	ssyncadd.s32 $0xFFFF8000  }
0x34: {  	p3 =	por p2, p5;
	s31 =	sadd.s32 s30, s29;
	p5 =	sne.s32 s21, $0x0  }
0x35: {  	_ =	strace $0x90000055;
	s25 =	sshll.u32 @p3 s2, $0xC;
	p6 =	sne.s32 s2, s31  }
0x36: {  	s0 =	sadd.s32 @p3 $0x3, s0;
	s24 =	simm.s32 @p3 $0x0;
	s2 =	sand.u32 @p3 $0x1FFFF000, s25  }
0x37: {  	p4 =	por !p5, !p6;
	_ =	strace @p3 $0x80000056;
	s2 =	sadd.s32 @p3 s6, s2  }
0x38: {  	[hbm4b:s2+s24] =	stream.linear.scatter @p3 [tilespmem:s1], [sflag:s0], $0x8000, $0x200038;
	[tilespmem:$0x10200] =	vst v63  }
0x39: {  	s21 =	sadd.s32 $0x1, s21;
	p4 =	por !p4, !p4;
	s1 =	simm.s32 $0x1  }
0x3a: {  	s0 =	sand.u32 @p4 $0x1, s17;
	_ =	strace @p3 $0x90000056;
	s1 =	simm.s32 @!p1 $0x0  }
0x3b: {  	s0 =	sadd.s32 @p4 $0x3, s0;
	s20 =	sadd.s32 s1, s20;
	s1 =	simm.s32 $0x1  }
0x3c: {  	_ =	strace @p4 $0x80000057;
	s1 =	simm.s32 @!p0 $0x0;
	p0 =	sne.s32 s8, s21  }
.Ltmp0:
0x3d: {  	_ =	swait.ge @p4 [sflag:s0], $0x8000;
	(pc) =	sbr.rel @p0 .LBB2_2-.Ltmp0, $4  }
0x3e: {  	s25 =	smov.u32 s23;
	s2 =	simm.s32 $0x1;
	[sflag:s0] =	ssyncset.done @p4 $0x0  }
0x3f: {  	s2 =	simm.s32 @!p3 $0x0;
	[sflag:s0] =	ssyncadd.s32 @p4 $0xFFFF8000;
	s0 =	simm.s32 $0x1  }
0x40: {  	s24 =	smov.u32 s22;
	s18 =	sadd.s32 s2, s18;
	s0 =	simm.s32 @!p4 $0x0  }
0x41: {  	s19 =	sadd.s32 s1, s19;
	_ =	strace @p4 $0x90000057;
	s17 =	sadd.s32 s0, s17  }
0x42: {  	s16 =	sadd.s32 $0x1, s16  }
0x43: {  	s0 =	sand.u32 $0x1, s17;
	p0 =	sne.s32 s16, s11  }
.Ltmp1:
0x44: {  	_ =	strace $0x80000058;
	s0 =	sadd.s32 $0x3, s0;
	(pc) =	sbr.rel @p0 .LBB2_1-.Ltmp1, $4  }
0x45: {  	_ =	swait.ge [sflag:s0], $0x8000  }
0x46: {  	[sflag:s0] =	ssyncset.done $0x0  }
0x47: {  	[sflag:s0] =	ssyncadd.s32 $0xFFFF8000  }
0x48: {  	_ =	strace $0x90000058  }
0x49: {  	_ =	sfence.sel $0x180000  }
0x4a: {  	[bflag:$0x0] =	sbarrier.arrive $0xFFFF  }
0x4b: {  	_ =	strace $0x90000051  }
0x4c: {  	s0 =	stileid.u32;
	[bflag:$0x2] =	sbarrier.arrive $0xFFFF  }
0x4d: {  	p0 =	sne.s32 s0, $0x0;
	s0 =	rddreg [dreg:$0x1]  }
0x4e: {  	s0 =	sadd.s32 @!p0 $0x100000, s0  }
0x4f: {  	[sflag:s0] =	ssyncadd.tile.s32 @!p0 $0x1;
	_ =	shalt  }
.Lfunc_end2:
_tile_overlayer_lowered:
.L_overlay_start_2:
0x50: {  	(tag) =	ssettag $0x2  }
0x51: {  	s0 =	rddreg [dreg:$0x0];
	s2 =	stileid.u32  }
0x52: {  	s1 =	rddreg [dreg:$0x1];
	p0 =	sne.s32 s2, $0x0  }
0x53: {  	s3 =	rddreg [dreg:$0x2];
	[bflag:$0x3] =	sbarrier.arrive $0xFFFF;
	s2 =	simm.s32 @!p0 $0x1C01  }
0x54: {  	[timem:s3], [sflag:s2] =	dma.local @!p0 [hbm:s0], s1  }
0x55: {  	s0 =	simm.s32 @!p0 $0x1  }
0x56: {  	_ =	swait.ge @!p0 [sflag:s0], s1  }
0x57: {  	s1 =	ssub.s32 @!p0 $0x0, s1;
	[sflag:s0] =	ssyncset.done @!p0 $0x0  }
0x58: {  	[sflag:s0] =	ssyncadd.s32 @!p0 s1  }
0x59: {  	[bflag:$0x3] =	sbarrier.arrive $0xFFFF  }
0x5a: {  	_ =	shalt  }

// kernel: kernel.17.cloned.1.call-start
scs
__scs_entry_jumppad:
0x0: {  	(pc) =	sbr.rel $0x88, $3  }
0x1: {  	(tag) =	ssettag $0x0;
	lr =	simm.s32 $0x1  }
0x2: {  	[smem:$0x3F9B] =	sst lr;
	_ =	strace $0xD0000000  }
0x3: {  	_ = 	snop  }
0x4: {  	_ = 	snop  }
0x5: {  	_ = 	snop  }
0x6: {  	_ = 	snop  }
0x7: {  	_ = 	snop  }
__scs_overlays_trampoline_lowered:
0x8: {  	[smem:$0x3FAA] =	sst s0  }
0x9: {  	[smem:$0x3FAB] =	sst s1  }
0xa: {  	[smem:$0x3FAC] =	sst s2  }
0xb: {  	[smem:$0x3FAD] =	sst s3  }
0xc: {  	[smem:$0x3FAE] =	sst s4  }
0xd: {  	[smem:$0x3FAF] =	sst s5  }
0xe: {  	[smem:$0x3FB0] =	sst s6  }
0xf: {  	[smem:$0x3FB1] =	sst s7  }
0x10: {  	[smem:$0x3FB2] =	sst s8  }
0x11: {  	[smem:$0x3FB3] =	sst s9;
	s0 =	simm.s32 @!p0 $0x0  }
0x12: {  	s1 =	sld [smem:$0x3F99];
	s0 =	simm.s32 @p0 $0x1  }
0x13: {  	[smem:$0x3FB4] =	sst s0;
	s0 =	simm.s32 @!p1 $0x0  }
0x14: {  	s2 =	sld [smem:$0x3F98];
	s0 =	simm.s32 @p1 $0x1  }
0x15: {  	[smem:$0x3FB5] =	sst s0;
	s0 =	simm.s32 @!p2 $0x0  }
0x16: {  	s3 =	sld [smem:$0x3FDB];
	s0 =	simm.s32 @p2 $0x1  }
0x17: {  	s4 =	simm.s32 $0x1BF5;
	[smem:$0x3FB7] =	sst s0  }
0x18: {  	s0 =	sld [smem:$0x3F9A];
	_ =	swait.ge [sflag:s4], $0x0  }
0x19: {  	s7 =	sld [smem:$0x3F9B]  }
0x1a: {  	s8 =	sadd.s32 $0xFFFFE003, lr  }
0x1b: {  	s9 =	sadd.s32 $0xFFFFFEF7, lr;
	s5 =	simm.s32 $0xFFFFFFFF;
	p2 =	slt.u32 s8, $0xFFFFF086  }
0x1c: {  	p1 =	slt.u32 s9, $0xF7A;
	s5 =	simm.s32 @!p2 $0x0  }
0x1d: {  	s5 =	simm.s32 @p1 $0x1;
	p0 =	seq.s32 s7, s2  }
0x1e: {  	s7 =	smul.u32 @!p0 $0xF7A, s2;
	p2 =	seq.s32 @!p0 s5, $0x0  }
0x1f: {  	s9 =	smul.u32 $0xF7A, s1;
	s8 =	simm.s32 @!p0 $0x1BF5;
	p2 =	por !p2, p0  }
0x20: {  	[sflag:s8] =	ssyncset.s32 @!p0 $0xFFFFF086;
	s6 =	sadd.s32 @!p0 s3, s7;
	s7 =	simm.s32 @!p0 $0x108  }
0x21: {  	s3 =	sadd.s32 s3, s9;
	s6 =	sadd.s32 @!p0 $0x88, s6;
	s7 =	simm.s32 @p2 $0x1082  }
0x22: {  	[simem:s7], [sflag:s8] =	dma.local @!p0 [hbm:s6], $0xF7A  }
0x23: {  	s9 =	sor.u32 $0xD0000000, s2;
	s6 =	simm.s32 $0x108;
	_ =	swait.ge @!p0 [sflag:s8], $0x0  }
0x24: {  	s3 =	sadd.s32 $0x88, s3;
	s6 =	simm.s32 @!p1 $0x1082;
	[sflag:s4] =	ssyncset.s32 $0xFFFFF086  }
0x25: {  	[simem:s6], [sflag:s4] =	dma.local [hbm:s3], $0xF7A  }
0x26: {  	[smem:$0x3F9B] =	sst s1;
	(tag) =	ssettag s2;
	_ =	strace s9  }
0x27: {  	s1 =	sld [smem:$0x3FAB]  }
0x28: {  	s2 =	sld [smem:$0x3FAC]  }
0x29: {  	s4 =	sld [smem:$0x3FAE]  }
0x2a: {  	p0 =	seq.s32 s5, $0x0;
	s5 =	sld [smem:$0x3FAF]  }
0x2b: {  	s6 =	sld [smem:$0x3FB0]  }
0x2c: {  	s7 =	sld [smem:$0x3FB1]  }
0x2d: {  	s3 =	simm.s32 $0x108;
	s8 =	sld [smem:$0x3FB2]  }
0x2e: {  	s3 =	simm.s32 @!p0 $0x1082;
	s9 =	sld [smem:$0x3FB3]  }
0x2f: {  	lr =	sadd.s32 s0, s3;
	s0 =	sld [smem:$0x3FAA]  }
0x30: {  	s3 =	sld [smem:$0x3FAD]  }
0x31: {  	[smem:$0x3FB6] =	sst s10  }
0x32: {  	s10 =	sld [smem:$0x3FB4];
	_ =	sdelay $0x3  }
0x33: {  	p0 =	seq.s32 s10, $0x1;
	s10 =	sld [smem:$0x3FB6];
	_ =	sdelay $0x3  }
0x34: {  	[smem:$0x3FB6] =	sst s10  }
0x35: {  	s10 =	sld [smem:$0x3FB5];
	_ =	sdelay $0x3  }
0x36: {  	p1 =	seq.s32 s10, $0x1;
	s10 =	sld [smem:$0x3FB6];
	_ =	sdelay $0x3  }
0x37: {  	[smem:$0x3FB6] =	sst s10  }
0x38: {  	s10 =	sld [smem:$0x3FB7]  }
0x39: {  	_ = 	snop;
	(pc) =	sbr.ind lr, $3  }
0x3a: {  	_ = 	snop  }
0x3b: {  	_ = 	snop  }
0x3c: {  	p2 =	seq.s32 s10, $0x1;
	s10 =	sld [smem:$0x3FB6]  }
0x3d: {  	_ =	shalt  }
0x3e: {  	_ =	shalt  }
0x3f: {  	_ =	shalt  }
0x40: {  	_ =	shalt  }
0x41: {  	_ =	shalt  }
0x42: {  	_ =	shalt  }
0x43: {  	_ =	shalt  }
0x44: {  	_ =	shalt  }
0x45: {  	_ =	shalt  }
0x46: {  	_ =	shalt  }
0x47: {  	_ =	shalt  }
0x48: {  	_ =	shalt  }
0x49: {  	_ =	shalt  }
0x4a: {  	_ =	shalt  }
0x4b: {  	_ =	shalt  }
0x4c: {  	_ =	shalt  }
0x4d: {  	_ =	shalt  }
0x4e: {  	_ =	shalt  }
0x4f: {  	_ =	shalt  }
0x50: {  	_ =	shalt  }
0x51: {  	_ =	shalt  }
0x52: {  	_ =	shalt  }
0x53: {  	_ =	shalt  }
0x54: {  	_ =	shalt  }
0x55: {  	_ =	shalt  }
0x56: {  	_ =	shalt  }
0x57: {  	_ =	shalt  }
0x58: {  	_ =	shalt  }
0x59: {  	_ =	shalt  }
0x5a: {  	_ =	shalt  }
0x5b: {  	_ =	shalt  }
0x5c: {  	_ =	shalt  }
0x5d: {  	_ =	shalt  }
0x5e: {  	_ =	shalt  }
0x5f: {  	_ =	shalt  }
0x60: {  	_ =	shalt  }
0x61: {  	_ =	shalt  }
0x62: {  	_ =	shalt  }
0x63: {  	_ =	shalt  }
0x64: {  	_ =	shalt  }
0x65: {  	_ =	shalt  }
0x66: {  	_ =	shalt  }
0x67: {  	_ =	shalt  }
0x68: {  	_ =	shalt  }
0x69: {  	_ =	shalt  }
0x6a: {  	_ =	shalt  }
0x6b: {  	_ =	shalt  }
0x6c: {  	_ =	shalt  }
0x6d: {  	_ =	shalt  }
0x6e: {  	_ =	shalt  }
0x6f: {  	_ =	shalt  }
0x70: {  	_ =	shalt  }
0x71: {  	_ =	shalt  }
0x72: {  	_ =	shalt  }
0x73: {  	_ =	shalt  }
0x74: {  	_ =	shalt  }
0x75: {  	_ =	shalt  }
0x76: {  	_ =	shalt  }
0x77: {  	_ =	shalt  }
0x78: {  	_ =	shalt  }
0x79: {  	_ =	shalt  }
0x7a: {  	_ =	shalt  }
0x7b: {  	_ =	shalt  }
0x7c: {  	_ =	shalt  }
0x7d: {  	_ =	shalt  }
0x7e: {  	_ =	shalt  }
0x7f: {  	_ =	shalt  }
0x80: {  	_ =	shalt  }
0x81: {  	_ =	shalt  }
0x82: {  	_ =	shalt  }
0x83: {  	_ =	shalt  }
0x84: {  	_ =	shalt  }
0x85: {  	_ =	shalt  }
0x86: {  	_ =	shalt  }
0x87: {  	_ =	shalt  }
.Lfunc_end0:
.L_simem_size_0:
called_computation.2_lowered:
.L_overlay_start_0:
0x88: {  	s2 =	sld [smem:$0x3FD9]  }
0x89: {  	s3 =	sld [smem:$0x3FFE];
	_ =	sdelay $0x1  }
0x8a: {  	s1 =	srdreg.scid  }
0x8b: {  	s0 =	sand.u32 $0x1, s1  }
0x8c: {  	s17 =	sshll.u32 s0, $0xA;
	s2 =	sadd.s32 s3, s2  }
0x8d: {  	s2 =	sadd.s32 s2, s17  }
0x8e: {  	[smem:$0x3FC2] =	sst s2  }
0x8f: {  	_ = 	snop  }
0x90: {  	(tm) =	ssettm $0x1  }
0x91: {  	s18 =	sld [smem:$0x3FFB];
	_ =	sdelay $0x3  }
0x92: {  	_ =	strace s18  }
0x93: {  	s2 =	sld [smem:$0x3FFC];
	_ =	sdelay $0x3  }
0x94: {  	_ =	strace s2  }
0x95: {  	s2 =	sld [smem:$0x3FFD];
	_ =	sdelay $0x3  }
0x96: {  	_ =	strace s2  }
0x97: {  	_ =	strace $0x8FFFFFFF  }
0x98: {  	s19 =	sld [smem:$0x3FDB];
	_ =	sdelay $0x1  }
0x99: {  	s20 =	simm.s32 $_scs_section_size  }
0x9a: {  	s4 =	simm.s32 $_size__tile_overlayer_lowered;
	s5 =	simm.s32 $_tile_overlayer_lowered  }
0x9b: {  	s6 =	simm.s32 $0x1BFF;
	s21 =	sshll.u32 s5, $0x1;
	s3 =	sadd.s32 s20, s19  }
0x9c: {  	s22 =	simm.s32 $0x0;
	s4 =	sshll.u32 s4, $0x1;
	s5 =	sadd.s32 s21, s3  }
0x9d: {  	[timem:s22], [sflag:s6] =	dma.local [hbm:s5], s4  }
0x9e: {  	_ =	swait.ge [sflag:s6], s4  }
0x9f: {  	s4 =	ssub.s32 $0x0, s4;
	[sflag:s6] =	ssyncset.done $0x0  }
0xa0: {  	[sflag:s6] =	ssyncadd.s32 s4;
	_ =	sdelay $0x1  }
0xa1: {  	s23 =	simm.s32 $0x1B8B  }
0xa2: {  	_ =	swait.ge [sflag:s23], $0x1  }
0xa3: {  	[sflag:s23] =	ssyncset.done $0x0  }
0xa4: {  	[sflag:s23] =	ssyncadd.s32 $0xFFFFFFFF  }
0xa5: {  	s4 =	sld [smem:$0x0]  }
0xa6: {  	s5 =	sand.u32 $0xFFFFFFFE, s1  }
0xa7: {  	p0 =	sne.s32 s1, s5  }
0xa8: {  	s5 =	sshll.u32 @p0 s5, $0xE  }
0xa9: {  	s5 =	sadd.s32 @p0 $0x11B8D, s5;
	s6 =	sshll.u32 @p0 s4, $0x11  }
0xaa: {  	s5 =	sor.u32 @p0 s6, s5  }
0xab: {  	[sflag:s5] =	ssyncadd.remote.s32 @p0 $0x1;
	_ =	sdelay $0x1  }
0xac: {  	s5 =	simm.s32 @p0 $0x1B8D  }
0xad: {  	_ =	swait.eq @p0 [sflag:s5], $0x1  }
0xae: {  	[sflag:s5] =	ssyncadd.s32 @p0 $0xFFFFFFFF  }
0xaf: {  	s6 =	sshll.u32 @!p0 s1, $0xE  }
0xb0: {  	s6 =	sor.u32 @!p0 $0x4000, s6;
	s5 =	simm.s32 @!p0 $0x1B8D  }
0xb1: {  	s4 =	sshll.u32 @!p0 s4, $0x11;
	s6 =	sadd.s32 @!p0 $0x11B8D, s6;
	_ =	swait.eq @!p0 [sflag:s5], $0x1  }
0xb2: {  	s4 =	sor.u32 @!p0 s4, s6;
	[sflag:s5] =	ssyncadd.s32 @!p0 $0xFFFFFFFF  }
0xb3: {  	s25 =	simm.s32 $0x1B8E;
	s24 =	sld [smem:$0x3FFE];
	[sflag:s4] =	ssyncadd.remote.s32 @!p0 $0x1  }
0xb4: {  	s26 =	simm.s32 $execute0_lowered;
	[smem:$0x3FD2] =	sst s25  }
0xb5: {  	s5 =	sshll.u32 s26, $0x1;
	_ =	strace $0x8000005A;
	[dreg:$0x1] =	wrdreg $0xFFFFFFFF  }
0xb6: {  	s28 =	simm.s32 $_size_execute0_lowered;
	s3 =	sadd.s32 s3, s5;
	[dreg:$0x0] =	wrdreg $0x0  }
0xb7: {  	s5 =	sshll.u32 s28, $0x1;
	[dreg:$0x2] =	wrdreg s3  }
0xb8: {  	[dreg:$0x3] =	wrdreg s5  }
0xb9: {  	[dreg:$0x4] =	wrdreg $0xC0  }
0xba: {  	_ =	task [dreg:s22], $0x5FFFF  }
0xbb: {  	[dreg:$0x1] =	wrdreg $0xFFFFFFFF  }
0xbc: {  	[dreg:$0x0] =	wrdreg $0x60  }
0xbd: {  	[dreg:$0x2] =	wrdreg s24  }
0xbe: {  	[dreg:$0x3] =	wrdreg $0xB  }
0xbf: {  	_ =	task.clear_ibuf [dreg:s22], $0x4FFFF;
	_ =	strace $0x9000005A  }
0xc0: {  	s29 =	simm.s32 $0xB;
	_ =	strace $0x80000063  }
0xc1: {  	_ =	swait.ge [sflag:s29], $0x1  }
0xc2: {  	[sflag:s29] =	ssyncadd.s32 $0xFFFFFFFF  }
0xc3: {  	_ =	strace $0x90000063  }
0xc4: {  	_ =	sfence  }
0xc5: {  	s30 =	sld [smem:$0x0];
	_ =	sdelay $0x2  }
0xc6: {  	s31 =	sshll.u32 s1, $0xD;
	s1 =	sshrl.u32 s1, $0x2  }
0xc7: {  	s4 =	sand.u32 $0x4000, s31;
	s1 =	sadd.s32 s1, s30  }
0xc8: {  	s0 =	sor.u32 s4, s0;
	s1 =	sshll.u32 s1, $0x11  }
0xc9: {  	s0 =	sor.u32 s1, s0  }
0xca: {  	s0 =	sadd.s32 $0x8F2B, s0  }
0xcb: {  	[sflag:s0] =	ssyncadd.remote.s32 $0x1  }
0xcc: {  	_ =	sfence.sel $0xFFFF  }
0xcd: {  	[dreg:$0x0] =	wrdreg $0xFFFFFFFF;
	(pc) =	sbr.abs _section_cstart, $3  }
0xce: {  	[dreg:$0x1] =	wrdreg $0xFFFFFFFF  }
0xcf: {  	_ =	task.clear_ibuf [dreg:s22], $0x2FFFF;
	_ =	strace $0x9FFFFFFF  }
0xd0: {  	(tm) =	ssettm $0x7FFFFFFF  }
0xd1: {  	_ =	shalt  }
tec
execute0_lowered:
.L_overlay_start_1:
0x0: {  	(tag) =	ssettag $0x1  }
0x1: {  	s0 =	srdreg.scid  }
0x2: {  	s6 =	rddreg [dreg:$0x0];
	s30 =	stileid.u32  }
0x3: {  	s1 =	simm.s32 $0x0;
	s12 =	simm.s32 $0x80;
	s8 =	sand.u32 $0x1, s0  }
0x4: {  	s13 =	simm.s32 $0x200;
	s14 =	simm.s32 $0x100;
	s3 =	sshll.u32 s8, $0x4  }
0x5: {  	s15 =	simm.s32 $0x5;
	s16 =	simm.s32 $0x0;
	s5 =	sor.u32 s30, s3  }
0x6: {  	[smem:$0x7FF] =	sst s1;
	s4 =	sadd.s32 $0x8200, s6;
	s7 =	smul.u32 $0x6, s5  }
0x7: {  	_ =	strace $0x8000005B;
	s31 =	ssub.s32 $0x2, s8;
	s9 =	smul.u32 $0x7, s5  }
0x8: {  	s3 =	sadd.s32 $0x1D200, s6;
	p0 =	slt.u32 s5, $0x8;
	s5 =	sadd.s32 $0x8, s7  }
0x9: {  	s6 =	sadd.s32 $0x7E3C00, s6;
	s7 =	simm.s32 $0x7;
	s5 =	smov.u32 @p0 s9  }
0xa: {  	s11 =	sshrl.u32 s31, $0x1;
	s7 =	simm.s32 @!p0 $0x6;
	s10 =	sshll.u32 s5, $0x7  }
0xb: {  	s11 =	ssub.s32 s31, s11;
	s8 =	sshll.u32 s7, $0x2;
	s10 =	sand.u32 $0x1FFFFF80, s10  }
0xc: {  	s11 =	smax.u32 s11, $0x1;
	s9 =	sadd.s32 s4, s10;
	s10 =	sadd.s32 $0xFFFFFFFF, s8  }
.LBB2_1:
0xd: {  	_ =	strace $0x8000005C  }
0xe: {  	s0 =	simm.s32 $0x0;
	s24 =	simm.s32 $0x0;
	s25 =	simm.s32 $0x0  }
0xf: {  	s17 =	simm.s32 $0x0;
	s18 =	simm.s32 $0x0;
	s19 =	simm.s32 $0x0  }
0x10: {  	[tilespmem:s0], [sflag:$0x1] =	stream.strided.gather [hbm4b:s9+s12], $0x100, s13, s12, $0x200038;
	[tilespmem:$0x10200] =	vst v63  }
0x11: {  	s20 =	simm.s32 $0x1;
	s21 =	simm.s32 $0x0;
	_ =	strace $0x9000005C  }
.LBB2_2:
0x12: {  	s22 =	sadd.s32 $0x1, s24  }
0x13: {  	s23 =	simm.s32 $0x1;
	p0 =	seq.s32 s22, s7  }
0x14: {  	s23 =	simm.s32 @!p0 $0x0  }
0x15: {  	s23 =	sadd.s32 s23, s25  }
0x16: {  	p1 =	seq.s32 s23, $0x4  }
0x17: {  	s22 =	simm.s32 @p0 $0x0;
	s23 =	simm.s32 @p1 $0x0  }
0x18: {  	p3 =	sne.s32 s24, s22;
	p2 =	sne.s32 s25, s23  }
0x19: {  	p4 =	slt.u32 s21, s10;
	p0 =	por p3, p2  }
0x1a: {  	p1 =	por !p4, !p0  }
0x1b: {  	p1 =	por !p1, !p1  }
0x1c: {  	s28 =	smov.u32 s24;
	s30 =	simm.s32 $0x1;
	s29 =	sshrl.u32 @p1 s23, $0x2  }
0x1d: {  	s26 =	sadd.s32 s5, s22;
	p2 =	seq.s32 s24, $0x0;
	s29 =	smul.u32 @p1 $0x32000, s29  }
0x1e: {  	s28 =	smov.u32 @p2 s7;
	s31 =	sshll.u32 @p1 s26, $0xA;
	s0 =	sshll.u32 @p1 s23, $0x7  }
0x1f: {  	s30 =	simm.s32 @!p2 $0x0;
	s0 =	sand.u32 @p1 $0x180, s0;
	s29 =	sadd.s32 @p1 s31, s29  }
0x20: {  	_ =	strace @p1 $0x8000005D;
	s1 =	simm.s32 @p1 $0x80;
	s0 =	sor.u32 @p1 s0, s29  }
0x21: {  	s2 =	simm.s32 @p1 $0x200;
	s29 =	sand.u32 @p1 $0x1, s20;
	s0 =	sshrl.u32 @p1 s0, $0x3  }
0x22: {  	s31 =	sshll.u32 @p1 s29, $0x8;
	s29 =	sadd.s32 @p1 $0x1, s29;
	s0 =	sadd.s32 @p1 s4, s0  }
0x23: {  	[tilespmem:s31], [sflag:s29] =	stream.strided.gather @p1 [hbm4b:s0+s1], $0x100, s2, s1, $0x200038;
	[tilespmem:$0x10200] =	vst v63  }
0x24: {  	p2 =	seq.s32 s21, $0x0;
	s29 =	sadd.s32 $0xFFFFFFFF, s28;
	s28 =	ssub.s32 s25, s30  }
0x25: {  	p3 =	seq.s32 s28, $0xFFFFFFFF;
	p4 =	sne.s32 @!p2 s24, s29  }
0x26: {  	s28 =	simm.s32 @p3 $0x3;
	p2 =	por p2, p4  }
0x27: {  	p3 =	seq.s32 @!p2 s25, s28  }
0x28: {  	p2 =	por p2, !p3  }
0x29: {  	_ =	strace @p1 $0x9000005D;
	s0 =	sand.u32 @p2 $0x1, s19  }
0x2a: {  	_ =	strace @p2 $0x8000005E;
	s0 =	sadd.s32 @p2 $0x1, s0  }
0x2b: {  	s31 =	sshll.u32 s19, $0x8;
	_ =	swait.ge @p2 [sflag:s0], $0x100  }
0x2c: {  	s2 =	sand.u32 $0x100, s31;
	s31 =	sadd.s32 s5, s24;
	[sflag:s0] =	ssyncset.done @p2 $0x0  }
0x2d: {  	s29 =	sadd.s32 s5, s29;
	[sflag:s0] =	ssyncadd.s32 @p2 $0xFFFFFF00;
	s0 =	sand.u32 $0x1, s18  }
0x2e: {  	s25 =	smul.u32 $0xC8, s25;
	_ =	strace @p2 $0x9000005E;
	s30 =	sshll.u32 s0, $0xF  }
0x2f: {  	_ =	strace $0x8000005F;
	s1 =	sor.u32 $0x200, s30;
	s30 =	smul.u32 $0xC8, s23  }
0x30: {  	[tilespmem:s1], [sflag:$0x5] =	stream.indirect.gather [hbm4b:s3+s14], $0x80, s2, s14, $0x2000b8;
	[tilespmem:$0x10200] =	vst v63  }
0x31: {  	p2 =	seq.s32 s10, s21;
	s2 =	sadd.s32 s25, s31;
	_ =	swait.ge [sflag:s15], $0x8000  }
0x32: {  	s26 =	sadd.s32 s26, s30;
	s30 =	smul.u32 $0xC8, s28;
	[sflag:s15] =	ssyncset.done $0x0  }
0x33: {  	p0 =	por p2, p0;
	p5 =	sne.s32 s2, s26;
	[sflag:s15] =	ssyncadd.s32 $0xFFFF8000  }
0x34: {  	p3 =	por p2, p5;
	s31 =	sadd.s32 s30, s29;
	p5 =	sne.s32 s21, $0x0  }
0x35: {  	_ =	strace $0x9000005F;
	s25 =	sshll.u32 @p3 s2, $0xC;
	p6 =	sne.s32 s2, s31  }
0x36: {  	s0 =	sadd.s32 @p3 $0x3, s0;
	s24 =	simm.s32 @p3 $0x0;
	s2 =	sand.u32 @p3 $0x1FFFF000, s25  }
0x37: {  	p4 =	por !p5, !p6;
	_ =	strace @p3 $0x80000060;
	s2 =	sadd.s32 @p3 s6, s2  }
0x38: {  	[hbm4b:s2+s24] =	stream.linear.scatter @p3 [tilespmem:s1], [sflag:s0], $0x8000, $0x200038;
	[tilespmem:$0x10200] =	vst v63  }
0x39: {  	s21 =	sadd.s32 $0x1, s21;
	p4 =	por !p4, !p4;
	s1 =	simm.s32 $0x1  }
0x3a: {  	s0 =	sand.u32 @p4 $0x1, s17;
	_ =	strace @p3 $0x90000060;
	s1 =	simm.s32 @!p1 $0x0  }
0x3b: {  	s0 =	sadd.s32 @p4 $0x3, s0;
	s20 =	sadd.s32 s1, s20;
	s1 =	simm.s32 $0x1  }
0x3c: {  	_ =	strace @p4 $0x80000061;
	s1 =	simm.s32 @!p0 $0x0;
	p0 =	sne.s32 s8, s21  }
.Ltmp0:
0x3d: {  	_ =	swait.ge @p4 [sflag:s0], $0x8000;
	(pc) =	sbr.rel @p0 .LBB2_2-.Ltmp0, $4  }
0x3e: {  	s25 =	smov.u32 s23;
	s2 =	simm.s32 $0x1;
	[sflag:s0] =	ssyncset.done @p4 $0x0  }
0x3f: {  	s2 =	simm.s32 @!p3 $0x0;
	[sflag:s0] =	ssyncadd.s32 @p4 $0xFFFF8000;
	s0 =	simm.s32 $0x1  }
0x40: {  	s24 =	smov.u32 s22;
	s18 =	sadd.s32 s2, s18;
	s0 =	simm.s32 @!p4 $0x0  }
0x41: {  	s19 =	sadd.s32 s1, s19;
	_ =	strace @p4 $0x90000061;
	s17 =	sadd.s32 s0, s17  }
0x42: {  	s16 =	sadd.s32 $0x1, s16  }
0x43: {  	s0 =	sand.u32 $0x1, s17;
	p0 =	sne.s32 s16, s11  }
.Ltmp1:
0x44: {  	_ =	strace $0x80000062;
	s0 =	sadd.s32 $0x3, s0;
	(pc) =	sbr.rel @p0 .LBB2_1-.Ltmp1, $4  }
0x45: {  	_ =	swait.ge [sflag:s0], $0x8000  }
0x46: {  	[sflag:s0] =	ssyncset.done $0x0  }
0x47: {  	[sflag:s0] =	ssyncadd.s32 $0xFFFF8000  }
0x48: {  	_ =	strace $0x90000062  }
0x49: {  	_ =	sfence.sel $0x180000  }
0x4a: {  	[bflag:$0x0] =	sbarrier.arrive $0xFFFF  }
0x4b: {  	_ =	strace $0x9000005B  }
0x4c: {  	s0 =	stileid.u32;
	[bflag:$0x2] =	sbarrier.arrive $0xFFFF  }
0x4d: {  	p0 =	sne.s32 s0, $0x0;
	s0 =	rddreg [dreg:$0x1]  }
0x4e: {  	s0 =	sadd.s32 @!p0 $0x100000, s0  }
0x4f: {  	[sflag:s0] =	ssyncadd.tile.s32 @!p0 $0x1;
	_ =	shalt  }
.Lfunc_end2:
_tile_overlayer_lowered:
.L_overlay_start_2:
0x50: {  	(tag) =	ssettag $0x2  }
0x51: {  	s0 =	rddreg [dreg:$0x0];
	s2 =	stileid.u32  }
0x52: {  	s1 =	rddreg [dreg:$0x1];
	p0 =	sne.s32 s2, $0x0  }
0x53: {  	s3 =	rddreg [dreg:$0x2];
	[bflag:$0x3] =	sbarrier.arrive $0xFFFF;
	s2 =	simm.s32 @!p0 $0x1C01  }
0x54: {  	[timem:s3], [sflag:s2] =	dma.local @!p0 [hbm:s0], s1  }
0x55: {  	s0 =	simm.s32 @!p0 $0x1  }
0x56: {  	_ =	swait.ge @!p0 [sflag:s0], s1  }
0x57: {  	s1 =	ssub.s32 @!p0 $0x0, s1;
	[sflag:s0] =	ssyncset.done @!p0 $0x0  }
0x58: {  	[sflag:s0] =	ssyncadd.s32 @!p0 s1  }
0x59: {  	[bflag:$0x3] =	sbarrier.arrive $0xFFFF  }
0x5a: {  	_ =	shalt  }

// kernel: kernel.20.cloned.1.call-start
scs
__scs_entry_jumppad:
0x0: {  	(pc) =	sbr.rel $0x88, $3  }
0x1: {  	(tag) =	ssettag $0x0;
	lr =	simm.s32 $0x1  }
0x2: {  	[smem:$0x3F9B] =	sst lr;
	_ =	strace $0xD0000000  }
0x3: {  	_ = 	snop  }
0x4: {  	_ = 	snop  }
0x5: {  	_ = 	snop  }
0x6: {  	_ = 	snop  }
0x7: {  	_ = 	snop  }
__scs_overlays_trampoline_lowered:
0x8: {  	[smem:$0x3FAA] =	sst s0  }
0x9: {  	[smem:$0x3FAB] =	sst s1  }
0xa: {  	[smem:$0x3FAC] =	sst s2  }
0xb: {  	[smem:$0x3FAD] =	sst s3  }
0xc: {  	[smem:$0x3FAE] =	sst s4  }
0xd: {  	[smem:$0x3FAF] =	sst s5  }
0xe: {  	[smem:$0x3FB0] =	sst s6  }
0xf: {  	[smem:$0x3FB1] =	sst s7  }
0x10: {  	[smem:$0x3FB2] =	sst s8  }
0x11: {  	[smem:$0x3FB3] =	sst s9;
	s0 =	simm.s32 @!p0 $0x0  }
0x12: {  	s1 =	sld [smem:$0x3F99];
	s0 =	simm.s32 @p0 $0x1  }
0x13: {  	[smem:$0x3FB4] =	sst s0;
	s0 =	simm.s32 @!p1 $0x0  }
0x14: {  	s2 =	sld [smem:$0x3F98];
	s0 =	simm.s32 @p1 $0x1  }
0x15: {  	[smem:$0x3FB5] =	sst s0;
	s0 =	simm.s32 @!p2 $0x0  }
0x16: {  	s3 =	sld [smem:$0x3FDB];
	s0 =	simm.s32 @p2 $0x1  }
0x17: {  	s4 =	simm.s32 $0x1BF5;
	[smem:$0x3FB7] =	sst s0  }
0x18: {  	s0 =	sld [smem:$0x3F9A];
	_ =	swait.ge [sflag:s4], $0x0  }
0x19: {  	s7 =	sld [smem:$0x3F9B]  }
0x1a: {  	s8 =	sadd.s32 $0xFFFFE003, lr  }
0x1b: {  	s9 =	sadd.s32 $0xFFFFFEF7, lr;
	s5 =	simm.s32 $0xFFFFFFFF;
	p2 =	slt.u32 s8, $0xFFFFF086  }
0x1c: {  	p1 =	slt.u32 s9, $0xF7A;
	s5 =	simm.s32 @!p2 $0x0  }
0x1d: {  	s5 =	simm.s32 @p1 $0x1;
	p0 =	seq.s32 s7, s2  }
0x1e: {  	s7 =	smul.u32 @!p0 $0xF7A, s2;
	p2 =	seq.s32 @!p0 s5, $0x0  }
0x1f: {  	s9 =	smul.u32 $0xF7A, s1;
	s8 =	simm.s32 @!p0 $0x1BF5;
	p2 =	por !p2, p0  }
0x20: {  	[sflag:s8] =	ssyncset.s32 @!p0 $0xFFFFF086;
	s6 =	sadd.s32 @!p0 s3, s7;
	s7 =	simm.s32 @!p0 $0x108  }
0x21: {  	s3 =	sadd.s32 s3, s9;
	s6 =	sadd.s32 @!p0 $0x88, s6;
	s7 =	simm.s32 @p2 $0x1082  }
0x22: {  	[simem:s7], [sflag:s8] =	dma.local @!p0 [hbm:s6], $0xF7A  }
0x23: {  	s9 =	sor.u32 $0xD0000000, s2;
	s6 =	simm.s32 $0x108;
	_ =	swait.ge @!p0 [sflag:s8], $0x0  }
0x24: {  	s3 =	sadd.s32 $0x88, s3;
	s6 =	simm.s32 @!p1 $0x1082;
	[sflag:s4] =	ssyncset.s32 $0xFFFFF086  }
0x25: {  	[simem:s6], [sflag:s4] =	dma.local [hbm:s3], $0xF7A  }
0x26: {  	[smem:$0x3F9B] =	sst s1;
	(tag) =	ssettag s2;
	_ =	strace s9  }
0x27: {  	s1 =	sld [smem:$0x3FAB]  }
0x28: {  	s2 =	sld [smem:$0x3FAC]  }
0x29: {  	s4 =	sld [smem:$0x3FAE]  }
0x2a: {  	p0 =	seq.s32 s5, $0x0;
	s5 =	sld [smem:$0x3FAF]  }
0x2b: {  	s6 =	sld [smem:$0x3FB0]  }
0x2c: {  	s7 =	sld [smem:$0x3FB1]  }
0x2d: {  	s3 =	simm.s32 $0x108;
	s8 =	sld [smem:$0x3FB2]  }
0x2e: {  	s3 =	simm.s32 @!p0 $0x1082;
	s9 =	sld [smem:$0x3FB3]  }
0x2f: {  	lr =	sadd.s32 s0, s3;
	s0 =	sld [smem:$0x3FAA]  }
0x30: {  	s3 =	sld [smem:$0x3FAD]  }
0x31: {  	[smem:$0x3FB6] =	sst s10  }
0x32: {  	s10 =	sld [smem:$0x3FB4];
	_ =	sdelay $0x3  }
0x33: {  	p0 =	seq.s32 s10, $0x1;
	s10 =	sld [smem:$0x3FB6];
	_ =	sdelay $0x3  }
0x34: {  	[smem:$0x3FB6] =	sst s10  }
0x35: {  	s10 =	sld [smem:$0x3FB5];
	_ =	sdelay $0x3  }
0x36: {  	p1 =	seq.s32 s10, $0x1;
	s10 =	sld [smem:$0x3FB6];
	_ =	sdelay $0x3  }
0x37: {  	[smem:$0x3FB6] =	sst s10  }
0x38: {  	s10 =	sld [smem:$0x3FB7]  }
0x39: {  	_ = 	snop;
	(pc) =	sbr.ind lr, $3  }
0x3a: {  	_ = 	snop  }
0x3b: {  	_ = 	snop  }
0x3c: {  	p2 =	seq.s32 s10, $0x1;
	s10 =	sld [smem:$0x3FB6]  }
0x3d: {  	_ =	shalt  }
0x3e: {  	_ =	shalt  }
0x3f: {  	_ =	shalt  }
0x40: {  	_ =	shalt  }
0x41: {  	_ =	shalt  }
0x42: {  	_ =	shalt  }
0x43: {  	_ =	shalt  }
0x44: {  	_ =	shalt  }
0x45: {  	_ =	shalt  }
0x46: {  	_ =	shalt  }
0x47: {  	_ =	shalt  }
0x48: {  	_ =	shalt  }
0x49: {  	_ =	shalt  }
0x4a: {  	_ =	shalt  }
0x4b: {  	_ =	shalt  }
0x4c: {  	_ =	shalt  }
0x4d: {  	_ =	shalt  }
0x4e: {  	_ =	shalt  }
0x4f: {  	_ =	shalt  }
0x50: {  	_ =	shalt  }
0x51: {  	_ =	shalt  }
0x52: {  	_ =	shalt  }
0x53: {  	_ =	shalt  }
0x54: {  	_ =	shalt  }
0x55: {  	_ =	shalt  }
0x56: {  	_ =	shalt  }
0x57: {  	_ =	shalt  }
0x58: {  	_ =	shalt  }
0x59: {  	_ =	shalt  }
0x5a: {  	_ =	shalt  }
0x5b: {  	_ =	shalt  }
0x5c: {  	_ =	shalt  }
0x5d: {  	_ =	shalt  }
0x5e: {  	_ =	shalt  }
0x5f: {  	_ =	shalt  }
0x60: {  	_ =	shalt  }
0x61: {  	_ =	shalt  }
0x62: {  	_ =	shalt  }
0x63: {  	_ =	shalt  }
0x64: {  	_ =	shalt  }
0x65: {  	_ =	shalt  }
0x66: {  	_ =	shalt  }
0x67: {  	_ =	shalt  }
0x68: {  	_ =	shalt  }
0x69: {  	_ =	shalt  }
0x6a: {  	_ =	shalt  }
0x6b: {  	_ =	shalt  }
0x6c: {  	_ =	shalt  }
0x6d: {  	_ =	shalt  }
0x6e: {  	_ =	shalt  }
0x6f: {  	_ =	shalt  }
0x70: {  	_ =	shalt  }
0x71: {  	_ =	shalt  }
0x72: {  	_ =	shalt  }
0x73: {  	_ =	shalt  }
0x74: {  	_ =	shalt  }
0x75: {  	_ =	shalt  }
0x76: {  	_ =	shalt  }
0x77: {  	_ =	shalt  }
0x78: {  	_ =	shalt  }
0x79: {  	_ =	shalt  }
0x7a: {  	_ =	shalt  }
0x7b: {  	_ =	shalt  }
0x7c: {  	_ =	shalt  }
0x7d: {  	_ =	shalt  }
0x7e: {  	_ =	shalt  }
0x7f: {  	_ =	shalt  }
0x80: {  	_ =	shalt  }
0x81: {  	_ =	shalt  }
0x82: {  	_ =	shalt  }
0x83: {  	_ =	shalt  }
0x84: {  	_ =	shalt  }
0x85: {  	_ =	shalt  }
0x86: {  	_ =	shalt  }
0x87: {  	_ =	shalt  }
.Lfunc_end0:
.L_simem_size_0:
called_computation.3_lowered:
.L_overlay_start_0:
0x88: {  	s2 =	sld [smem:$0x3FD9]  }
0x89: {  	s3 =	sld [smem:$0x3FFE];
	_ =	sdelay $0x1  }
0x8a: {  	s1 =	srdreg.scid  }
0x8b: {  	s0 =	sand.u32 $0x1, s1  }
0x8c: {  	s17 =	sshll.u32 s0, $0xA;
	s2 =	sadd.s32 s3, s2  }
0x8d: {  	s2 =	sadd.s32 s2, s17  }
0x8e: {  	[smem:$0x3FC2] =	sst s2  }
0x8f: {  	_ = 	snop  }
0x90: {  	(tm) =	ssettm $0x1  }
0x91: {  	s18 =	sld [smem:$0x3FFB];
	_ =	sdelay $0x3  }
0x92: {  	_ =	strace s18  }
0x93: {  	s2 =	sld [smem:$0x3FFC];
	_ =	sdelay $0x3  }
0x94: {  	_ =	strace s2  }
0x95: {  	s2 =	sld [smem:$0x3FFD];
	_ =	sdelay $0x3  }
0x96: {  	_ =	strace s2  }
0x97: {  	_ =	strace $0x8FFFFFFF  }
0x98: {  	s19 =	sld [smem:$0x3FDB];
	_ =	sdelay $0x1  }
0x99: {  	s20 =	simm.s32 $_scs_section_size  }
0x9a: {  	s4 =	simm.s32 $_size__tile_overlayer_lowered;
	s5 =	simm.s32 $_tile_overlayer_lowered  }
0x9b: {  	s6 =	simm.s32 $0x1BFF;
	s21 =	sshll.u32 s5, $0x1;
	s3 =	sadd.s32 s20, s19  }
0x9c: {  	s22 =	simm.s32 $0x0;
	s4 =	sshll.u32 s4, $0x1;
	s5 =	sadd.s32 s21, s3  }
0x9d: {  	[timem:s22], [sflag:s6] =	dma.local [hbm:s5], s4  }
0x9e: {  	_ =	swait.ge [sflag:s6], s4  }
0x9f: {  	s4 =	ssub.s32 $0x0, s4;
	[sflag:s6] =	ssyncset.done $0x0  }
0xa0: {  	[sflag:s6] =	ssyncadd.s32 s4;
	_ =	sdelay $0x1  }
0xa1: {  	s23 =	simm.s32 $0x1B8B  }
0xa2: {  	_ =	swait.ge [sflag:s23], $0x1  }
0xa3: {  	[sflag:s23] =	ssyncset.done $0x0  }
0xa4: {  	[sflag:s23] =	ssyncadd.s32 $0xFFFFFFFF  }
0xa5: {  	s4 =	sld [smem:$0x0]  }
0xa6: {  	s5 =	sand.u32 $0xFFFFFFFE, s1  }
0xa7: {  	p0 =	sne.s32 s1, s5  }
0xa8: {  	s5 =	sshll.u32 @p0 s5, $0xE  }
0xa9: {  	s5 =	sadd.s32 @p0 $0x11B8D, s5;
	s6 =	sshll.u32 @p0 s4, $0x11  }
0xaa: {  	s5 =	sor.u32 @p0 s6, s5  }
0xab: {  	[sflag:s5] =	ssyncadd.remote.s32 @p0 $0x1;
	_ =	sdelay $0x1  }
0xac: {  	s5 =	simm.s32 @p0 $0x1B8D  }
0xad: {  	_ =	swait.eq @p0 [sflag:s5], $0x1  }
0xae: {  	[sflag:s5] =	ssyncadd.s32 @p0 $0xFFFFFFFF  }
0xaf: {  	s6 =	sshll.u32 @!p0 s1, $0xE  }
0xb0: {  	s6 =	sor.u32 @!p0 $0x4000, s6;
	s5 =	simm.s32 @!p0 $0x1B8D  }
0xb1: {  	s4 =	sshll.u32 @!p0 s4, $0x11;
	s6 =	sadd.s32 @!p0 $0x11B8D, s6;
	_ =	swait.eq @!p0 [sflag:s5], $0x1  }
0xb2: {  	s4 =	sor.u32 @!p0 s4, s6;
	[sflag:s5] =	ssyncadd.s32 @!p0 $0xFFFFFFFF  }
0xb3: {  	s25 =	simm.s32 $0x1B8E;
	s24 =	sld [smem:$0x3FFE];
	[sflag:s4] =	ssyncadd.remote.s32 @!p0 $0x1  }
0xb4: {  	s26 =	simm.s32 $execute0_lowered;
	[smem:$0x3FD2] =	sst s25  }
0xb5: {  	s5 =	sshll.u32 s26, $0x1;
	_ =	strace $0x80000064;
	[dreg:$0x1] =	wrdreg $0xFFFFFFFF  }
0xb6: {  	s28 =	simm.s32 $_size_execute0_lowered;
	s3 =	sadd.s32 s3, s5;
	[dreg:$0x0] =	wrdreg $0x0  }
0xb7: {  	s5 =	sshll.u32 s28, $0x1;
	[dreg:$0x2] =	wrdreg s3  }
0xb8: {  	[dreg:$0x3] =	wrdreg s5  }
0xb9: {  	[dreg:$0x4] =	wrdreg $0xC0  }
0xba: {  	_ =	task [dreg:s22], $0x5FFFF  }
0xbb: {  	[dreg:$0x1] =	wrdreg $0xFFFFFFFF  }
0xbc: {  	[dreg:$0x0] =	wrdreg $0x60  }
0xbd: {  	[dreg:$0x2] =	wrdreg s24  }
0xbe: {  	[dreg:$0x3] =	wrdreg $0xC  }
0xbf: {  	_ =	task.clear_ibuf [dreg:s22], $0x4FFFF;
	_ =	strace $0x90000064  }
0xc0: {  	s29 =	simm.s32 $0xC;
	_ =	strace $0x8000006D  }
0xc1: {  	_ =	swait.ge [sflag:s29], $0x1  }
0xc2: {  	[sflag:s29] =	ssyncadd.s32 $0xFFFFFFFF  }
0xc3: {  	_ =	strace $0x9000006D  }
0xc4: {  	_ =	sfence  }
0xc5: {  	s30 =	sld [smem:$0x0];
	_ =	sdelay $0x2  }
0xc6: {  	s31 =	sshll.u32 s1, $0xD;
	s1 =	sshrl.u32 s1, $0x2  }
0xc7: {  	s4 =	sand.u32 $0x4000, s31;
	s1 =	sadd.s32 s1, s30  }
0xc8: {  	s0 =	sor.u32 s4, s0;
	s1 =	sshll.u32 s1, $0x11  }
0xc9: {  	s0 =	sor.u32 s1, s0  }
0xca: {  	s0 =	sadd.s32 $0x8F2B, s0  }
0xcb: {  	[sflag:s0] =	ssyncadd.remote.s32 $0x1  }
0xcc: {  	_ =	sfence.sel $0xFFFF  }
0xcd: {  	[dreg:$0x0] =	wrdreg $0xFFFFFFFF;
	(pc) =	sbr.abs _section_cstart, $3  }
0xce: {  	[dreg:$0x1] =	wrdreg $0xFFFFFFFF  }
0xcf: {  	_ =	task.clear_ibuf [dreg:s22], $0x2FFFF;
	_ =	strace $0x9FFFFFFF  }
0xd0: {  	(tm) =	ssettm $0x7FFFFFFF  }
0xd1: {  	_ =	shalt  }
tec
execute0_lowered:
.L_overlay_start_1:
0x0: {  	(tag) =	ssettag $0x1  }
0x1: {  	s0 =	srdreg.scid  }
0x2: {  	s6 =	rddreg [dreg:$0x0];
	s30 =	stileid.u32  }
0x3: {  	s1 =	simm.s32 $0x0;
	s12 =	simm.s32 $0x80;
	s8 =	sand.u32 $0x1, s0  }
0x4: {  	s13 =	simm.s32 $0x200;
	s14 =	simm.s32 $0x100;
	s3 =	sshll.u32 s8, $0x4  }
0x5: {  	s15 =	simm.s32 $0x5;
	s16 =	simm.s32 $0x0;
	s5 =	sor.u32 s30, s3  }
0x6: {  	[smem:$0x7FF] =	sst s1;
	s4 =	sadd.s32 $0xE600, s6;
	s7 =	smul.u32 $0x6, s5  }
0x7: {  	_ =	strace $0x80000065;
	s31 =	ssub.s32 $0x2, s8;
	s9 =	smul.u32 $0x7, s5  }
0x8: {  	s3 =	sadd.s32 $0x1D200, s6;
	p0 =	slt.u32 s5, $0x8;
	s5 =	sadd.s32 $0x8, s7  }
0x9: {  	s6 =	sadd.s32 $0xB03C00, s6;
	s7 =	simm.s32 $0x7;
	s5 =	smov.u32 @p0 s9  }
0xa: {  	s11 =	sshrl.u32 s31, $0x1;
	s7 =	simm.s32 @!p0 $0x6;
	s10 =	sshll.u32 s5, $0x7  }
0xb: {  	s11 =	ssub.s32 s31, s11;
	s8 =	sshll.u32 s7, $0x2;
	s10 =	sand.u32 $0x1FFFFF80, s10  }
0xc: {  	s11 =	smax.u32 s11, $0x1;
	s9 =	sadd.s32 s4, s10;
	s10 =	sadd.s32 $0xFFFFFFFF, s8  }
.LBB2_1:
0xd: {  	_ =	strace $0x80000066  }
0xe: {  	s0 =	simm.s32 $0x0;
	s24 =	simm.s32 $0x0;
	s25 =	simm.s32 $0x0  }
0xf: {  	s17 =	simm.s32 $0x0;
	s18 =	simm.s32 $0x0;
	s19 =	simm.s32 $0x0  }
0x10: {  	[tilespmem:s0], [sflag:$0x1] =	stream.strided.gather [hbm4b:s9+s12], $0x100, s13, s12, $0x200038;
	[tilespmem:$0x10200] =	vst v63  }
0x11: {  	s20 =	simm.s32 $0x1;
	s21 =	simm.s32 $0x0;
	_ =	strace $0x90000066  }
.LBB2_2:
0x12: {  	s22 =	sadd.s32 $0x1, s24  }
0x13: {  	s23 =	simm.s32 $0x1;
	p0 =	seq.s32 s22, s7  }
0x14: {  	s23 =	simm.s32 @!p0 $0x0  }
0x15: {  	s23 =	sadd.s32 s23, s25  }
0x16: {  	p1 =	seq.s32 s23, $0x4  }
0x17: {  	s22 =	simm.s32 @p0 $0x0;
	s23 =	simm.s32 @p1 $0x0  }
0x18: {  	p3 =	sne.s32 s24, s22;
	p2 =	sne.s32 s25, s23  }
0x19: {  	p4 =	slt.u32 s21, s10;
	p0 =	por p3, p2  }
0x1a: {  	p1 =	por !p4, !p0  }
0x1b: {  	p1 =	por !p1, !p1  }
0x1c: {  	s28 =	smov.u32 s24;
	s30 =	simm.s32 $0x1;
	s29 =	sshrl.u32 @p1 s23, $0x2  }
0x1d: {  	s26 =	sadd.s32 s5, s22;
	p2 =	seq.s32 s24, $0x0;
	s29 =	smul.u32 @p1 $0x32000, s29  }
0x1e: {  	s28 =	smov.u32 @p2 s7;
	s31 =	sshll.u32 @p1 s26, $0xA;
	s0 =	sshll.u32 @p1 s23, $0x7  }
0x1f: {  	s30 =	simm.s32 @!p2 $0x0;
	s0 =	sand.u32 @p1 $0x180, s0;
	s29 =	sadd.s32 @p1 s31, s29  }
0x20: {  	_ =	strace @p1 $0x80000067;
	s1 =	simm.s32 @p1 $0x80;
	s0 =	sor.u32 @p1 s0, s29  }
0x21: {  	s2 =	simm.s32 @p1 $0x200;
	s29 =	sand.u32 @p1 $0x1, s20;
	s0 =	sshrl.u32 @p1 s0, $0x3  }
0x22: {  	s31 =	sshll.u32 @p1 s29, $0x8;
	s29 =	sadd.s32 @p1 $0x1, s29;
	s0 =	sadd.s32 @p1 s4, s0  }
0x23: {  	[tilespmem:s31], [sflag:s29] =	stream.strided.gather @p1 [hbm4b:s0+s1], $0x100, s2, s1, $0x200038;
	[tilespmem:$0x10200] =	vst v63  }
0x24: {  	p2 =	seq.s32 s21, $0x0;
	s29 =	sadd.s32 $0xFFFFFFFF, s28;
	s28 =	ssub.s32 s25, s30  }
0x25: {  	p3 =	seq.s32 s28, $0xFFFFFFFF;
	p4 =	sne.s32 @!p2 s24, s29  }
0x26: {  	s28 =	simm.s32 @p3 $0x3;
	p2 =	por p2, p4  }
0x27: {  	p3 =	seq.s32 @!p2 s25, s28  }
0x28: {  	p2 =	por p2, !p3  }
0x29: {  	_ =	strace @p1 $0x90000067;
	s0 =	sand.u32 @p2 $0x1, s19  }
0x2a: {  	_ =	strace @p2 $0x80000068;
	s0 =	sadd.s32 @p2 $0x1, s0  }
0x2b: {  	s31 =	sshll.u32 s19, $0x8;
	_ =	swait.ge @p2 [sflag:s0], $0x100  }
0x2c: {  	s2 =	sand.u32 $0x100, s31;
	s31 =	sadd.s32 s5, s24;
	[sflag:s0] =	ssyncset.done @p2 $0x0  }
0x2d: {  	s29 =	sadd.s32 s5, s29;
	[sflag:s0] =	ssyncadd.s32 @p2 $0xFFFFFF00;
	s0 =	sand.u32 $0x1, s18  }
0x2e: {  	s25 =	smul.u32 $0xC8, s25;
	_ =	strace @p2 $0x90000068;
	s30 =	sshll.u32 s0, $0xF  }
0x2f: {  	_ =	strace $0x80000069;
	s1 =	sor.u32 $0x200, s30;
	s30 =	smul.u32 $0xC8, s23  }
0x30: {  	[tilespmem:s1], [sflag:$0x5] =	stream.indirect.gather [hbm4b:s3+s14], $0x80, s2, s14, $0x2000b8;
	[tilespmem:$0x10200] =	vst v63  }
0x31: {  	p2 =	seq.s32 s10, s21;
	s2 =	sadd.s32 s25, s31;
	_ =	swait.ge [sflag:s15], $0x8000  }
0x32: {  	s26 =	sadd.s32 s26, s30;
	s30 =	smul.u32 $0xC8, s28;
	[sflag:s15] =	ssyncset.done $0x0  }
0x33: {  	p0 =	por p2, p0;
	p5 =	sne.s32 s2, s26;
	[sflag:s15] =	ssyncadd.s32 $0xFFFF8000  }
0x34: {  	p3 =	por p2, p5;
	s31 =	sadd.s32 s30, s29;
	p5 =	sne.s32 s21, $0x0  }
0x35: {  	_ =	strace $0x90000069;
	s25 =	sshll.u32 @p3 s2, $0xC;
	p6 =	sne.s32 s2, s31  }
0x36: {  	s0 =	sadd.s32 @p3 $0x3, s0;
	s24 =	simm.s32 @p3 $0x0;
	s2 =	sand.u32 @p3 $0x1FFFF000, s25  }
0x37: {  	p4 =	por !p5, !p6;
	_ =	strace @p3 $0x8000006A;
	s2 =	sadd.s32 @p3 s6, s2  }
0x38: {  	[hbm4b:s2+s24] =	stream.linear.scatter @p3 [tilespmem:s1], [sflag:s0], $0x8000, $0x200038;
	[tilespmem:$0x10200] =	vst v63  }
0x39: {  	s21 =	sadd.s32 $0x1, s21;
	p4 =	por !p4, !p4;
	s1 =	simm.s32 $0x1  }
0x3a: {  	s0 =	sand.u32 @p4 $0x1, s17;
	_ =	strace @p3 $0x9000006A;
	s1 =	simm.s32 @!p1 $0x0  }
0x3b: {  	s0 =	sadd.s32 @p4 $0x3, s0;
	s20 =	sadd.s32 s1, s20;
	s1 =	simm.s32 $0x1  }
0x3c: {  	_ =	strace @p4 $0x8000006B;
	s1 =	simm.s32 @!p0 $0x0;
	p0 =	sne.s32 s8, s21  }
.Ltmp0:
0x3d: {  	_ =	swait.ge @p4 [sflag:s0], $0x8000;
	(pc) =	sbr.rel @p0 .LBB2_2-.Ltmp0, $4  }
0x3e: {  	s25 =	smov.u32 s23;
	s2 =	simm.s32 $0x1;
	[sflag:s0] =	ssyncset.done @p4 $0x0  }
0x3f: {  	s2 =	simm.s32 @!p3 $0x0;
	[sflag:s0] =	ssyncadd.s32 @p4 $0xFFFF8000;
	s0 =	simm.s32 $0x1  }
0x40: {  	s24 =	smov.u32 s22;
	s18 =	sadd.s32 s2, s18;
	s0 =	simm.s32 @!p4 $0x0  }
0x41: {  	s19 =	sadd.s32 s1, s19;
	_ =	strace @p4 $0x9000006B;
	s17 =	sadd.s32 s0, s17  }
0x42: {  	s16 =	sadd.s32 $0x1, s16  }
0x43: {  	s0 =	sand.u32 $0x1, s17;
	p0 =	sne.s32 s16, s11  }
.Ltmp1:
0x44: {  	_ =	strace $0x8000006C;
	s0 =	sadd.s32 $0x3, s0;
	(pc) =	sbr.rel @p0 .LBB2_1-.Ltmp1, $4  }
0x45: {  	_ =	swait.ge [sflag:s0], $0x8000  }
0x46: {  	[sflag:s0] =	ssyncset.done $0x0  }
0x47: {  	[sflag:s0] =	ssyncadd.s32 $0xFFFF8000  }
0x48: {  	_ =	strace $0x9000006C  }
0x49: {  	_ =	sfence.sel $0x180000  }
0x4a: {  	[bflag:$0x0] =	sbarrier.arrive $0xFFFF  }
0x4b: {  	_ =	strace $0x90000065  }
0x4c: {  	s0 =	stileid.u32;
	[bflag:$0x2] =	sbarrier.arrive $0xFFFF  }
0x4d: {  	p0 =	sne.s32 s0, $0x0;
	s0 =	rddreg [dreg:$0x1]  }
0x4e: {  	s0 =	sadd.s32 @!p0 $0x100000, s0  }
0x4f: {  	[sflag:s0] =	ssyncadd.tile.s32 @!p0 $0x1;
	_ =	shalt  }
.Lfunc_end2:
_tile_overlayer_lowered:
.L_overlay_start_2:
0x50: {  	(tag) =	ssettag $0x2  }
0x51: {  	s0 =	rddreg [dreg:$0x0];
	s2 =	stileid.u32  }
0x52: {  	s1 =	rddreg [dreg:$0x1];
	p0 =	sne.s32 s2, $0x0  }
0x53: {  	s3 =	rddreg [dreg:$0x2];
	[bflag:$0x3] =	sbarrier.arrive $0xFFFF;
	s2 =	simm.s32 @!p0 $0x1C01  }
0x54: {  	[timem:s3], [sflag:s2] =	dma.local @!p0 [hbm:s0], s1  }
0x55: {  	s0 =	simm.s32 @!p0 $0x1  }
0x56: {  	_ =	swait.ge @!p0 [sflag:s0], s1  }
0x57: {  	s1 =	ssub.s32 @!p0 $0x0, s1;
	[sflag:s0] =	ssyncset.done @!p0 $0x0  }
0x58: {  	[sflag:s0] =	ssyncadd.s32 @!p0 s1  }
0x59: {  	[bflag:$0x3] =	sbarrier.arrive $0xFFFF  }
0x5a: {  	_ =	shalt  }

</sc_bundles>
